<compile_context>
chip_gen: v7x
topology: tpu7x:2x2x1
jax: 0.10.2.dev20260603
libtpu: 0.0.44.dev20260713+nightly
codegen_flags: <defaults>
</compile_context>

<pallas_src>
import functools

import jax
import jax.numpy as jnp
from jax import lax
from jax.experimental import pallas as pl
from jax.experimental.pallas import tpu as pltpu
from jax.experimental.pallas import tpu_sc as plsc

N_G = 10000
N_M = 2000
D = 768
H = 4
F = 256

NP_G = 10240
EP_G = 163840
NP_M1 = 2048
EP_M1 = 32768
NP_M = 3 * NP_M1
EP_M = 3 * EP_M1
BR = 512



def _encode_body(stride, width, x_ref, w1_ref, b1_ref, fcw_ref, resw_ref,
                 alr_ref, h_ref, res_ref, elr_ref):
    i = pl.program_id(0)
    hi = jax.lax.Precision.HIGHEST
    xs = jnp.matmul(x_ref[...], w1_ref[...], precision=hi) + b1_ref[...]
    xs = jnp.where(xs > 0.0, xs, jnp.exp(jnp.minimum(xs, 0.0)) - 1.0)
    rows = jax.lax.broadcasted_iota(jnp.int32, (BR, 1), 0) + i * BR
    xs = jnp.where((rows % stride) < width, xs, 0.0)
    hh = jnp.matmul(xs, fcw_ref[...], precision=hi)
    h_ref[...] = hh
    res_ref[...] = jnp.matmul(xs, resw_ref[...], precision=hi)
    elr_ref[...] = jnp.matmul(hh, alr_ref[...], precision=hi)


def _encode(feat, w1t, b1, fcwt, reswt, alr, n, stride, width):
    grid = n // BR
    return pl.pallas_call(
        functools.partial(_encode_body, stride, width),
        grid=(grid,),
        in_specs=[
            pl.BlockSpec((BR, D), lambda i: (i, 0)),
            pl.BlockSpec((D, D), lambda i: (0, 0)),
            pl.BlockSpec((1, D), lambda i: (0, 0)),
            pl.BlockSpec((D, H * F), lambda i: (0, 0)),
            pl.BlockSpec((D, H * F), lambda i: (0, 0)),
            pl.BlockSpec((H * F, 128), lambda i: (0, 0)),
        ],
        out_specs=[
            pl.BlockSpec((BR, H * F), lambda i: (i, 0)),
            pl.BlockSpec((BR, H * F), lambda i: (i, 0)),
            pl.BlockSpec((BR, 128), lambda i: (i, 0)),
        ],
        out_shape=[
            jax.ShapeDtypeStruct((n, H * F), jnp.float32),
            jax.ShapeDtypeStruct((n, H * F), jnp.float32),
            jax.ShapeDtypeStruct((n, 128), jnp.float32),
        ],
    )(feat, w1t, b1, fcwt, reswt, alr)



def _make_edge_ee(e):
    eb = e // 128
    nb1 = eb // 32
    mesh = plsc.VectorSubcoreMesh(core_axis_name="c", subcore_axis_name="s")

    @functools.partial(
        pl.kernel, mesh=mesh,
        out_type=jax.ShapeDtypeStruct((e, 16), jnp.float32),
        scratch_types=[
            pltpu.VMEM((nb1, 128), jnp.int32),
            pltpu.VMEM((nb1, 128), jnp.int32),
            pltpu.VMEM((128, 128), jnp.float32),
            pltpu.VMEM((128, 128), jnp.float32),
            pltpu.VMEM((128, 16), jnp.float32),
            pltpu.SemaphoreType.DMA,
        ],
    )
    def edge_ee(elr_hbm, src_hbm, dst_hbm, ee_hbm,
                srcall, dstall, abuf, bbuf, eebuf, sem):
        c = lax.axis_index("c")
        s = lax.axis_index("s")
        wid = s * 2 + c
        maskf = jnp.where(lax.iota(jnp.int32, 16) < H, 1.0, 0.0)
        pltpu.sync_copy(src_hbm.at[pl.ds(wid * nb1, nb1)], srcall)
        pltpu.sync_copy(dst_hbm.at[pl.ds(wid * nb1, nb1)], dstall)

        def step(j, _):
            row = wid * nb1 + j
            pltpu.async_copy(elr_hbm.at[srcall.at[j]], abuf, sem).wait()
            pltpu.async_copy(elr_hbm.at[dstall.at[j]], bbuf, sem).wait()

            def vrow(i, _):
                sv = abuf[i, pl.ds(0, 16)] + bbuf[i, pl.ds(16, 16)]
                sv = jnp.where(sv > 0.0, sv, sv * 0.2)
                eebuf[i, :] = jnp.exp(sv) * maskf
                return 0

            lax.fori_loop(0, 128, vrow, 0)
            pltpu.sync_copy(eebuf, ee_hbm.at[pl.ds(row * 128, 128)])
            return 0

        lax.fori_loop(0, nb1, step, 0)

    return edge_ee



def _make_edge_msg(ntot, sec_n, sec_e, nsec, win_rows):
    nwin = sec_n // win_rows
    all_in = nwin == 1
    nbt = (sec_e // 128) // 16
    ebs = sec_e // 128
    stripe = win_rows // 16
    zn = ntot - 1
    mesh = plsc.VectorSubcoreMesh(core_axis_name="c", subcore_axis_name="s")

    @functools.partial(
        pl.kernel, mesh=mesh,
        out_type=[
            jax.ShapeDtypeStruct((8 * ntot, 128), jnp.float32),
            jax.ShapeDtypeStruct((2 * ntot, 128), jnp.float32),
        ],
        scratch_types=[
            pltpu.VMEM((nsec * nbt, 128), jnp.int32),
            pltpu.VMEM((nsec * nbt, 128), jnp.int32),
            pltpu.VMEM((nbt, 128), jnp.int32),
            pltpu.VMEM((nbt, 128), jnp.int32),
            pltpu.VMEM((128, 128), jnp.float32),
            pltpu.VMEM((128, 128), jnp.float32),
            pltpu.VMEM((128, 16), jnp.float32),
            pltpu.VMEM((128, 128), jnp.float32),
            pltpu.VMEM((128, 128), jnp.float32),
            pltpu.VMEM((128,), jnp.int32),
            pltpu.VMEM_SHARED((win_rows, 128), jnp.float32),
            pltpu.SemaphoreType.DMA,
        ],
    )
    def edge_msg(h_hbm, ee_hbm, src_hbm, dst_hbm, flag_hbm, nwin_hbm,
                 rst_hbm, den_hbm,
                 srcall, dstall, gidxall, dstwall, gbuf, mbuf, eebuf, dbuf,
                 zbuf, nwinbuf, accm, sem):
        c = lax.axis_index("c")
        s = lax.axis_index("s")
        zv = jnp.zeros((16,), jnp.float32)

        def zrow(i, _):
            for g in range(8):
                zbuf[i, pl.ds(16 * g, 16)] = zv
                dbuf[i, pl.ds(16 * g, 16)] = zv
            return 0
        lax.fori_loop(0, 128, zrow, 0)

        for m in range(nsec):
            pltpu.sync_copy(src_hbm.at[pl.ds(m * ebs + s * nbt, nbt)],
                            srcall.at[pl.ds(m * nbt, nbt)])
            pltpu.sync_copy(dst_hbm.at[pl.ds(m * ebs + s * nbt, nbt)],
                            dstall.at[pl.ds(m * nbt, nbt)])

        def zero_stripe():
            for off in range(0, stripe, 128):
                sz = min(128, stripe - off)
                pltpu.sync_copy(zbuf.at[pl.ds(0, sz)],
                                accm.at[pl.ds(s * stripe + off, sz)])

        def window(t, _):
            sec = t // nwin
            w = t - sec * nwin
            wbase = w * win_rows
            noff = sec * sec_n
            eb0 = sec * ebs
            srow = sec * nbt

            def dwrow(j, _):
                jr = srow + j
                for g in range(8):
                    dv = dstall[jr, pl.ds(16 * g, 16)]
                    if all_in:
                        dstwall[j, pl.ds(16 * g, 16)] = dv
                    else:
                        inw = (dv >= wbase) & (dv < wbase + win_rows)
                        dstwall[j, pl.ds(16 * g, 16)] = jnp.where(
                            inw, dv - wbase, 0)
                return 0
            lax.fori_loop(0, nbt, dwrow, 0)

            for k in range(4):
                kg = 2 * k + c
                hh = k

                def girow(j, _):
                    jr = srow + j
                    for g in range(8):
                        sv = srcall[jr, pl.ds(16 * g, 16)]
                        if not all_in:
                            dv = dstall[jr, pl.ds(16 * g, 16)]
                            inw = (dv >= wbase) & (dv < wbase + win_rows)
                            sv = jnp.where(inw, sv, zn)
                        gidxall[j, pl.ds(16 * g, 16)] = sv + kg * ntot
                    return 0
                lax.fori_loop(0, nbt, girow, 0)

                zero_stripe()
                plsc.subcore_barrier()

                def batch(j, _):
                    row = eb0 + s * nbt + j
                    pltpu.sync_copy(ee_hbm.at[pl.ds(row * 128, 128)],
                                    eebuf)
                    pltpu.async_copy(h_hbm.at[gidxall.at[j]], gbuf,
                                     sem).wait()

                    def edge(b, _):
                        ev = eebuf[b, :][hh]
                        for g in range(8):
                            mbuf[b, pl.ds(16 * g, 16)] = (
                                ev * gbuf[b, pl.ds(16 * g, 16)])
                        return 0
                    lax.fori_loop(0, 128, edge, 0)

                    pltpu.sync_copy(mbuf, accm.at[dstwall.at[j]],
                                    add=True)
                    return 0

                lax.fori_loop(0, nbt, batch, 0)
                plsc.subcore_barrier()

                for off in range(0, stripe, 128):
                    sz = min(128, stripe - off)
                    r0 = s * stripe + off
                    pltpu.sync_copy(
                        accm.at[pl.ds(r0, sz)],
                        rst_hbm.at[pl.ds(kg * ntot + noff + wbase + r0,
                                         sz)])
                plsc.subcore_barrier()

            zero_stripe()
            plsc.subcore_barrier()

            def dbatch(j2, _):
                j = c * (nbt // 2) + j2
                jr = srow + j
                row = eb0 + s * nbt + j
                pltpu.sync_copy(ee_hbm.at[pl.ds(row * 128, 128)], eebuf)
                if not all_in:
                    def firow(_i, _):
                        for g in range(8):
                            dv = dstall[jr, pl.ds(16 * g, 16)]
                            inw = (dv >= wbase) & (dv < wbase + win_rows)
                            spread = lax.iota(jnp.int32, 16) + 16 * g
                            gidxall[j, pl.ds(16 * g, 16)] = jnp.where(
                                inw, spread, 128 + spread)
                        return 0
                    lax.fori_loop(0, 1, firow, 0)
                    pltpu.async_copy(flag_hbm.at[gidxall.at[j]], gbuf,
                                     sem).wait()

                    def drow(b, _):
                        dbuf[b, pl.ds(0, 16)] = (
                            eebuf[b, :] * gbuf[b, pl.ds(0, 16)])
                        return 0
                    lax.fori_loop(0, 128, drow, 0)
                else:
                    def drow(b, _):
                        dbuf[b, pl.ds(0, 16)] = eebuf[b, :]
                        return 0
                    lax.fori_loop(0, 128, drow, 0)
                pltpu.sync_copy(dbuf, accm.at[dstwall.at[j]], add=True)
                return 0

            lax.fori_loop(0, nbt // 2, dbatch, 0)
            plsc.subcore_barrier()
            for off in range(0, stripe, 128):
                sz = min(128, stripe - off)
                r0 = s * stripe + off
                pltpu.sync_copy(
                    accm.at[pl.ds(r0, sz)],
                    den_hbm.at[pl.ds(c * ntot + noff + wbase + r0, sz)])
            plsc.subcore_barrier()
            return 0

        pltpu.sync_copy(nwin_hbm, nwinbuf)
        trips = nwinbuf[pl.ds(0, 16)][0]
        lax.fori_loop(0, trips, window, 0)

    return edge_msg



def _make_fuse(n, groups, gstride, gwidth):
    grid = n // BR

    def body(rst_ref, den_ref, res_ref, bias_ref, m4_ref, out_ref):
        i = pl.program_id(0)
        denb = jnp.maximum(den_ref[...] @ m4_ref[...], 1e-9)
        v = rst_ref[...] / denb + res_ref[...] + bias_ref[...]
        act = jnp.where(v > 0.0, v, jnp.exp(jnp.minimum(v, 0.0)) - 1.0)
        hm = (act[:, 0:256] + act[:, 256:512] + act[:, 512:768]
              + act[:, 768:1024]) * 0.25
        rows = jax.lax.broadcasted_iota(jnp.int32, (BR, 1), 0) + i * BR
        row0 = jnp.where(
            jax.lax.broadcasted_iota(jnp.int32, (8, 1), 0) == 0, 1.0, 0.0)
        parts = []
        for g in range(groups):
            inb = (rows >= g * gstride) & (rows < g * gstride + gwidth)
            bs = jnp.sum(jnp.where(inb, hm, 0.0), axis=0, keepdims=True)
            parts.append(bs * row0)
        upd = jnp.concatenate(parts, axis=0) if groups > 1 else parts[0]

        @pl.when(i == 0)
        def _():
            out_ref[...] = jnp.zeros_like(out_ref)
        out_ref[...] += upd

    def fuse(rst, den, res, bias, m4):
        return pl.pallas_call(
            body,
            grid=(grid,),
            in_specs=[
                pl.BlockSpec((BR, H * F), lambda i: (i, 0)),
                pl.BlockSpec((BR, H), lambda i: (i, 0)),
                pl.BlockSpec((BR, H * F), lambda i: (i, 0)),
                pl.BlockSpec((1, H * F), lambda i: (0, 0)),
                pl.BlockSpec((H, H * F), lambda i: (0, 0)),
            ],
            out_specs=pl.BlockSpec((groups * 8, F), lambda i: (0, 0)),
            out_shape=jax.ShapeDtypeStruct((groups * 8, F), jnp.float32),
        )(rst, den, res, bias, m4)

    return fuse


_fuse_main = _make_fuse(NP_G, 1, NP_G, N_G)
_fuse_mod = _make_fuse(NP_M, 3, NP_M1, N_M)
_edge_ee_main = _make_edge_ee(EP_G)
_edge_ee_mod = _make_edge_ee(EP_M)
_edge_msg_main = _make_edge_msg(NP_G, NP_G, EP_G, 1, NP_G)
_edge_msg_mod = _make_edge_msg(NP_M, NP_M1, EP_M1, 3, NP_M1)



def _tail_body(
    x_mean_ref, tfe_ref, ife_ref, afe_ref,
    cma_t_w_ref, cma_t_b_ref, cma_p_w_ref, cma_p_b_ref, cma_mod_w_ref,
    cma_ln_g_ref, cma_ln_b_ref,
    sg_wih_ref, sg_whh_ref, sg_bih_ref, sg_bhh_ref, ds_w_ref, ds_b_ref,
    rg_wih_ref, rg_whh_ref, rg_bih_ref, rg_bhh_ref,
    sgate_w_ref, sgate_b_ref, sgx_w_ref, sgx_b_ref, sgs_w_ref, sgs_b_ref,
    sgr_w_ref, sgr_b_ref, bh_w_ref, bh_b_ref,
    sar_out_ref, sent_out_ref, js_ref,
):
    x_mean = x_mean_ref[...]
    tfe = tfe_ref[...]
    ife = ife_ref[...]
    afe = afe_ref[...]
    ctw = cma_t_w_ref[...]
    ctb = cma_t_b_ref[...]

    tr0 = x_mean @ ctw + ctb
    trs = [f @ ctw + ctb for f in (tfe, ife, afe)]
    wmod = jax.nn.softmax(cma_mod_w_ref[...])
    lng = cma_ln_g_ref[...]
    lnb = cma_ln_b_ref[...]

    def ln(v):
        mu = v.mean(axis=-1, keepdims=True)
        var = v.var(axis=-1, keepdims=True)
        return (v - mu) / jnp.sqrt(var + 1e-5) * lng + lnb

    comb = jnp.zeros_like(tr0)
    for j in range(3):
        comb = comb + wmod[0, j] * ln(jnp.abs(tr0 - trs[j]))
    mask = jax.nn.sigmoid(comb)
    combined = jnp.concatenate([t * mask for t in trs], axis=-1)
    x_cross = combined @ cma_p_w_ref[...] + cma_p_b_ref[...]

    tp = jax.nn.softmax(tfe, axis=-1)
    ip = jax.nn.softmax(ife, axis=-1)
    ap = jax.nn.softmax(afe, axis=-1)
    m = (tp + ip + ap) / 3.0
    logm = jnp.log(m)
    js = (jnp.sum(m * (logm - jnp.log(tp)))
          + jnp.sum(m * (logm - jnp.log(ip)))
          + jnp.sum(m * (logm - jnp.log(ap)))) / 3.0

    def gru(x, h, wih, whh, bih, bhh):
        gi = x @ wih + bih
        gh = h @ whh + bhh
        ir, iz, inew = jnp.split(gi, 3, axis=-1)
        hr, hz, hn = jnp.split(gh, 3, axis=-1)
        r = jax.nn.sigmoid(ir + hr)
        z = jax.nn.sigmoid(iz + hz)
        nn = jnp.tanh(inew + r * hn)
        return (1.0 - z) * nn + z * h

    h0 = jnp.zeros_like(x_mean)
    sent_h = gru(x_mean, h0, sg_wih_ref[...], sg_whh_ref[...],
                 sg_bih_ref[...], sg_bhh_ref[...])
    sent_gate = jax.nn.sigmoid(sent_h @ sgate_w_ref[...] + sgate_b_ref[...])
    sent_out = (sent_gate * sent_h) @ ds_w_ref[...] + ds_b_ref[...]

    sar_in = jnp.concatenate([x_mean, x_cross], axis=-1)
    gx = jax.nn.sigmoid(sar_in @ sgx_w_ref[...] + sgx_b_ref[...])
    sar_h = gru(gx * sar_in, h0, rg_wih_ref[...], rg_whh_ref[...],
                rg_bih_ref[...], rg_bhh_ref[...])
    gs = jax.nn.sigmoid(sent_h @ sgs_w_ref[...] + sgs_b_ref[...])
    gr = jax.nn.sigmoid(sar_h @ sgr_w_ref[...] + sgr_b_ref[...])
    final = jnp.concatenate([gr * sar_h, gs * sent_h], axis=1)
    sar_out = final @ bh_w_ref[...] + bh_b_ref[...]

    sar_out_ref[...] = sar_out
    sent_out_ref[...] = sent_out
    js_ref[...] = js.reshape(1, 1)


def _tail(x_mean, tfe, ife, afe, cma_t_w, cma_t_b, cma_p_w, cma_p_b,
          cma_mod_w, cma_ln_g, cma_ln_b, sg_wih, sg_whh, sg_bih, sg_bhh,
          ds_w, ds_b, rg_wih, rg_whh, rg_bih, rg_bhh, sgate_w, sgate_b,
          sgx_w, sgx_b, sgs_w, sgs_b, sgr_w, sgr_b, bh_w, bh_b):
    r2 = lambda v: v.reshape(1, -1)
    out = pl.pallas_call(
        _tail_body,
        out_shape=(
            jax.ShapeDtypeStruct((1, 2), jnp.float32),
            jax.ShapeDtypeStruct((1, 3), jnp.float32),
            jax.ShapeDtypeStruct((1, 1), jnp.float32),
        ),
    )(x_mean, tfe, ife, afe, cma_t_w.T, r2(cma_t_b), cma_p_w.T,
      r2(cma_p_b), r2(cma_mod_w), r2(cma_ln_g), r2(cma_ln_b), sg_wih.T,
      sg_whh.T, r2(sg_bih), r2(sg_bhh), ds_w.T, r2(ds_b), rg_wih.T,
      rg_whh.T, r2(rg_bih), r2(rg_bhh), sgate_w.T, r2(sgate_b), sgx_w.T,
      r2(sgx_b), sgs_w.T, r2(sgs_b), sgr_w.T, r2(sgr_b), bh_w.T, r2(bh_b))
    sar_out, sent_out, js = out
    return sar_out, sent_out, js[0, 0]



def kernel(x, edge_index, text_x, text_edge_index, image_x, image_edge_index, audio_x, audio_edge_index, mm_w, mm_b, am_w, am_b, gat_fc_w, gat_attn_l, gat_attn_r, gat_res_w, gat_bias, cma_t_w, cma_t_b, cma_p_w, cma_p_b, cma_mod_w, cma_ln_g, cma_ln_b, sg_wih, sg_whh, sg_bih, sg_bhh, ds_w, ds_b, rg_wih, rg_whh, rg_bih, rg_bhh, sgate_w, sgate_b, sgx_w, sgx_b, sgs_w, sgs_b, sgr_w, sgr_b, bh_w, bh_b):
    fcwt = gat_fc_w.T
    reswt = gat_res_w.T
    bias2 = gat_bias.reshape(1, H * F)

    eye_l = jnp.eye(H, 128, dtype=jnp.float32)
    eye_r = jnp.eye(H, 128, k=16, dtype=jnp.float32)
    alr = (gat_attn_l.reshape(H, F, 1) * eye_l[:, None, :]
           + gat_attn_r.reshape(H, F, 1) * eye_r[:, None, :]
           ).reshape(H * F, 128)
    head_of_col = jnp.arange(H * F) // F
    m2 = jnp.where(jnp.arange(16)[:, None] == head_of_col[None, :],
                   1.0, 0.0).astype(jnp.float32)

    xp = jnp.pad(x, ((0, NP_G - N_G), (0, 0)))
    src1 = jnp.pad(edge_index[0], (0, EP_G - 160000)).reshape(-1, 128)
    dst1 = jnp.pad(edge_index[1], (0, EP_G - 160000),
                   constant_values=NP_G - 1).reshape(-1, 128)
    h1, res1, elr1 = _encode(xp, mm_w.T, mm_b.reshape(1, D), fcwt, reswt,
                             alr, NP_G, NP_G, N_G)
    ee1 = _edge_ee_main(elr1, src1, dst1)
    s1, d1 = edge_index[0], edge_index[1]
    eh1 = ee1[:160000, :H]
    den1 = jax.ops.segment_sum(eh1, d1, num_segments=NP_G)
    rst1 = jax.ops.segment_sum(
        h1[s1].reshape(-1, H, F) * eh1[:, :, None], d1,
        num_segments=NP_G).reshape(NP_G, H * F)
    m4 = jnp.repeat(jnp.eye(H, dtype=jnp.float32), F, axis=1)
    sums_main = _fuse_main(rst1, den1, res1, bias2,
                           m4).reshape(1, 8, F)[:, 0, :]
    x_mean = sums_main / N_G

    zpad = jnp.zeros((NP_M1 - N_M, D), jnp.float32)
    feats = jnp.concatenate(
        [text_x, zpad, image_x, zpad, audio_x, zpad], axis=0)
    srcs, dstgs = [], []
    for mdx, ei in enumerate((text_edge_index, image_edge_index,
                              audio_edge_index)):
        base = mdx * NP_M1
        srcs.append(jnp.pad(ei[0] + base, (0, EP_M1 - 32000),
                            constant_values=base))
        dstgs.append(jnp.pad(ei[1] + base, (0, EP_M1 - 32000),
                             constant_values=base + NP_M1 - 1))
    src2 = jnp.concatenate(srcs).reshape(-1, 128)
    dstg2 = jnp.concatenate(dstgs).reshape(-1, 128)
    h2, res2, elr2 = _encode(feats, am_w.T, am_b.reshape(1, D), fcwt,
                             reswt, alr, NP_M, NP_M1, N_M)
    ee2 = _edge_ee_mod(elr2, src2, dstg2)
    s2 = src2.reshape(-1)
    d2 = dstg2.reshape(-1)
    eh2 = ee2[:, :H]
    den2 = jax.ops.segment_sum(eh2, d2, num_segments=NP_M)
    rst2 = jax.ops.segment_sum(
        h2[s2].reshape(-1, H, F) * eh2[:, :, None], d2,
        num_segments=NP_M).reshape(NP_M, H * F)
    sums_mod = _fuse_mod(rst2, den2, res2, bias2,
                         m4).reshape(3, 8, F)[:, 0, :]
    gm = sums_mod / N_M
    tfe, ife, afe = gm[0:1], gm[1:2], gm[2:3]

    return _tail(x_mean, tfe, ife, afe, cma_t_w, cma_t_b, cma_p_w, cma_p_b,
                 cma_mod_w, cma_ln_g, cma_ln_b, sg_wih, sg_whh, sg_bih,
                 sg_bhh, ds_w, ds_b, rg_wih, rg_whh, rg_bih, rg_bhh,
                 sgate_w, sgate_b, sgx_w, sgx_b, sgs_w, sgs_b, sgr_w,
                 sgr_b, bh_w, bh_b)

# --- scband reference (transcript-rebuilt; emitter-appended) ---
"""Pipeline reference for scband-mmodel-22797686408128 (READ-ONLY COPY).

The authoritative reference and input builder live on the scoring server;
editing this copy changes nothing except your own understanding.
"""

import jax, jax.numpy as jnp
import numpy as np

N_G = 10000
E_G = 160000
N_M = 2000
E_M = 32000
D = 768
H = 4
F = 256

def _gat(x, src, dst, n, fc_w, attn_l, attn_r, res_w, bias):
    h = (x @ fc_w.T).reshape(n, H, F)
    el = jnp.sum(h * attn_l[None], axis=-1)
    er = jnp.sum(h * attn_r[None], axis=-1)
    e = jax.nn.leaky_relu(el[src] + er[dst], negative_slope=0.2)
    emax = jax.ops.segment_max(e, dst, num_segments=n)
    emax = jnp.where(jnp.isfinite(emax), emax, 0.0)
    ee = jnp.exp(e - emax[dst])
    den = jax.ops.segment_sum(ee, dst, num_segments=n)
    a = ee / jnp.maximum(den[dst], 1e-9)
    rst = jax.ops.segment_sum(h[src] * a[:, :, None], dst, num_segments=n)
    rst = rst + (x @ res_w.T).reshape(n, H, F) + bias.reshape(1, H, F)
    return jax.nn.elu(rst)

def _att(q, k, v):
    s = jnp.matmul(q, jnp.swapaxes(k, -2, -1)) / (q.shape[-1] ** 0.5)
    w = jax.nn.softmax(s, axis=-1)
    return jnp.matmul(w, v)

def _ln(x, g, b):
    mu = x.mean(axis=-1, keepdims=True)
    v = x.var(axis=-1, keepdims=True)
    return (x - mu) / jnp.sqrt(v + 1e-5) * g + b

def _gru(x, h, wih, whh, bih, bhh):
    gi = x @ wih.T + bih
    gh = h @ whh.T + bhh
    ir, iz, inew = jnp.split(gi, 3, axis=-1)
    hr, hz, hn = jnp.split(gh, 3, axis=-1)
    r = jax.nn.sigmoid(ir + hr)
    z = jax.nn.sigmoid(iz + hz)
    nn = jnp.tanh(inew + r * hn)
    return (1.0 - z) * nn + z * h

def _jsd(t, i, a):
    tp = jax.nn.softmax(t, axis=-1)
    ip = jax.nn.softmax(i, axis=-1)
    ap = jax.nn.softmax(a, axis=-1)
    m = (tp + ip + ap) / 3.0
    def kl(logp):
        return jnp.sum(m * (jnp.log(m) - logp)) / t.shape[0]
    return (kl(jnp.log(tp)) + kl(jnp.log(ip)) + kl(jnp.log(ap))) / 3.0

def setup_inputs():
    ks = jax.random.split(jax.random.key(0), 64)
    def rn(i, shape, s=0.02):
        return jax.random.normal(ks[i], shape, dtype=jnp.float32) * s
    inp = {}
    inp["x"] = jax.random.normal(ks[0], (N_G, D), dtype=jnp.float32)
    inp["edge_index"] = jax.random.randint(ks[1], (2, E_G), 0, N_G, dtype=jnp.int32)
    inp["text_x"] = jax.random.normal(ks[2], (N_M, D), dtype=jnp.float32)
    inp["text_edge_index"] = jax.random.randint(ks[3], (2, E_M), 0, N_M, dtype=jnp.int32)
    inp["image_x"] = jax.random.normal(ks[4], (N_M, D), dtype=jnp.float32)
    inp["image_edge_index"] = jax.random.randint(ks[5], (2, E_M), 0, N_M, dtype=jnp.int32)
    inp["audio_x"] = jax.random.normal(ks[6], (N_M, D), dtype=jnp.float32)
    inp["audio_edge_index"] = jax.random.randint(ks[7], (2, E_M), 0, N_M, dtype=jnp.int32)
    inp["mm_w"] = rn(8, (D, D)); inp["mm_b"] = jnp.zeros((D,), jnp.float32)
    inp["am_w"] = rn(9, (D, D)); inp["am_b"] = jnp.zeros((D,), jnp.float32)
    inp["gat_fc_w"] = rn(10, (H * F, D))
    inp["gat_attn_l"] = rn(11, (H, F), 0.1)
    inp["gat_attn_r"] = rn(12, (H, F), 0.1)
    inp["gat_res_w"] = rn(13, (H * F, D))
    inp["gat_bias"] = jnp.zeros((H * F,), jnp.float32)
    inp["cma_t_w"] = rn(14, (F, F)); inp["cma_t_b"] = jnp.zeros((F,), jnp.float32)
    inp["cma_p_w"] = rn(15, (F, 3 * F)); inp["cma_p_b"] = jnp.zeros((F,), jnp.float32)
    inp["cma_mod_w"] = jnp.ones((3,), jnp.float32)
    inp["cma_ln_g"] = jnp.ones((F,), jnp.float32); inp["cma_ln_b"] = jnp.zeros((F,), jnp.float32)
    inp["sg_wih"] = rn(16, (3 * F, F)); inp["sg_whh"] = rn(17, (3 * F, F))
    inp["sg_bih"] = jnp.zeros((3 * F,), jnp.float32); inp["sg_bhh"] = jnp.zeros((3 * F,), jnp.float32)
    inp["ds_w"] = rn(18, (3, F)); inp["ds_b"] = jnp.zeros((3,), jnp.float32)
    inp["rg_wih"] = rn(19, (3 * F, 2 * F)); inp["rg_whh"] = rn(20, (3 * F, F))
    inp["rg_bih"] = jnp.zeros((3 * F,), jnp.float32); inp["rg_bhh"] = jnp.zeros((3 * F,), jnp.float32)
    inp["sgate_w"] = rn(21, (1, F)); inp["sgate_b"] = jnp.zeros((1,), jnp.float32)
    inp["sgx_w"] = rn(22, (1, 2 * F)); inp["sgx_b"] = jnp.zeros((1,), jnp.float32)
    inp["sgs_w"] = rn(23, (1, F)); inp["sgs_b"] = jnp.zeros((1,), jnp.float32)
    inp["sgr_w"] = rn(24, (1, F)); inp["sgr_b"] = jnp.zeros((1,), jnp.float32)
    inp["bh_w"] = rn(25, (2, 2 * F)); inp["bh_b"] = jnp.zeros((2,), jnp.float32)
    return inp

def reference(x, edge_index, text_x, text_edge_index, image_x, image_edge_index, audio_x, audio_edge_index, mm_w, mm_b, am_w, am_b, gat_fc_w, gat_attn_l, gat_attn_r, gat_res_w, gat_bias, cma_t_w, cma_t_b, cma_p_w, cma_p_b, cma_mod_w, cma_ln_g, cma_ln_b, sg_wih, sg_whh, sg_bih, sg_bhh, ds_w, ds_b, rg_wih, rg_whh, rg_bih, rg_bhh, sgate_w, sgate_b, sgx_w, sgx_b, sgs_w, sgs_b, sgr_w, sgr_b, bh_w, bh_b):
    x_shared = jax.nn.elu(x @ mm_w.T + mm_b)
    x_fused = _gat(x_shared, edge_index[0], edge_index[1], N_G, gat_fc_w, gat_attn_l, gat_attn_r, gat_res_w, gat_bias).mean(axis=1)
    def modality(feat, ei):
        p = jax.nn.elu(feat @ am_w.T + am_b)
        g = _gat(p, ei[0], ei[1], N_M, gat_fc_w, gat_attn_l, gat_attn_r, gat_res_w, gat_bias).mean(axis=1)
        return g.mean(axis=0, keepdims=True)
    tfe = modality(text_x, text_edge_index)
    ife = modality(image_x, image_edge_index)
    afe = modality(audio_x, audio_edge_index)
    x_mean = x_fused.mean(axis=0, keepdims=True)
    q0 = x_mean[:, None, :]
    tr = [f @ cma_t_w.T + cma_t_b for f in [q0, tfe, ife, afe]]
    q = tr[0]
    attended = _att(q, q, q)
    ams = [_att(q, k, k) for k in tr[1:]]
    wmod = jax.nn.softmax(cma_mod_w)
    comb = jnp.zeros_like(attended)
    for j in range(3):
        comb = comb + wmod[j].reshape(1, 1, 1) * _ln(jnp.abs(attended - ams[j]), cma_ln_g, cma_ln_b)
    mask = jax.nn.sigmoid(comb)
    combined = jnp.concatenate([m * mask for m in ams], axis=-1)
    x_cross = (combined @ cma_p_w.T + cma_p_b)[:, 0, :]
    js = _jsd(jax.lax.stop_gradient(tfe), jax.lax.stop_gradient(ife), jax.lax.stop_gradient(afe))
    h0 = jnp.zeros((1, F), dtype=jnp.float32)
    sent_h = _gru(x_mean, h0, sg_wih, sg_whh, sg_bih, sg_bhh)
    sent_gate = jax.nn.sigmoid(sent_h @ sgate_w.T + sgate_b)
    sent_out = (sent_gate * sent_h) @ ds_w.T + ds_b
    sar_in = jnp.concatenate([x_mean, x_cross], axis=-1)
    gx = jax.nn.sigmoid(sar_in @ sgx_w.T + sgx_b)
    sar_h = _gru(gx * sar_in, h0, rg_wih, rg_whh, rg_bih, rg_bhh)
    gs = jax.nn.sigmoid(sent_h @ sgs_w.T + sgs_b)
    gr = jax.nn.sigmoid(sar_h @ sgr_w.T + sgr_b)
    final = jnp.concatenate([gr * sar_h, gs * sent_h], axis=1)
    sar_out = final @ bh_w.T + bh_b
    return sar_out, sent_out, js

if __name__ == "__main__":
    import jax
    _d = setup_inputs()
    print(jax.jit(kernel)(*tuple(_d.values())))

</pallas_src>

<mosaic_0001>
#map = affine_map<(d0, d1) -> (0, 0)>
module attributes {stable_mosaic.version = 14 : i64} {
  func.func @edge_ee(%arg0: i32, %arg1: i32, %arg2: memref<6144x128xf32, #tpu.memory_space<hbm>>, %arg3: memref<768x128xi32, #tpu.memory_space<hbm>>, %arg4: memref<768x128xi32, #tpu.memory_space<hbm>>, %arg5: memref<98304x16xf32, #tpu.memory_space<hbm>>, %arg6: memref<24x128xi32, #tpu.memory_space<vmem>>, %arg7: memref<24x128xi32, #tpu.memory_space<vmem>>, %arg8: memref<128x128xf32, #tpu.memory_space<vmem>>, %arg9: memref<128x128xf32, #tpu.memory_space<vmem>>, %arg10: memref<128x16xf32, #tpu.memory_space<vmem>>, %arg11: memref<!tpu.dma_semaphore, #tpu.memory_space<semaphore_mem>>) attributes {dimension_semantics = [#tpu.dimension_semantics<core_parallel>, #tpu.dimension_semantics<subcore_parallel>], iteration_bounds = array<i64: 2, 16>, scalar_prefetch = 0 : i64, scratch_operands = 6 : i64, tpu.core_type = #tpu.core_type<sc_vector_subcore>, window_params = [{transform_indices = #map}, {transform_indices = #map}, {transform_indices = #map}, {transform_indices = #map}]} {
    %mul3A = arith.constant 2 : i32
    %mul3A_0 = arith.muli %arg1, %mul3A : i32
    %add3A = arith.addi %mul3A_0, %arg0 : i32
    %iota3A = tpu.iota {dimensions = array<i32: 0>} : vector<16xi32>
    %lt3A = arith.constant 4 : i32
    %lt3A_1 = vector.broadcast %lt3A : i32 to vector<16xi32>
    %lt3A_2 = arith.cmpi slt, %iota3A, %lt3A_1 : vector<16xi32>
    %jit3A = arith.constant 1.000000e+00 : f32
    %jit3A_3 = arith.constant 0.000000e+00 : f32
    %broadcast_in_dim3A = vector.broadcast %jit3A : f32 to vector<16xf32>
    %broadcast_in_dim3A_4 = vector.broadcast %jit3A_3 : f32 to vector<16xf32>
    %select_n3A = arith.select %lt3A_2, %broadcast_in_dim3A, %broadcast_in_dim3A_4 : vector<16xi1>, vector<16xf32>
    %mul3A_5 = arith.constant 24 : i32
    %mul3A_6 = arith.muli %add3A, %mul3A_5 : i32
    "tpu.region"() ({
      %run_scoped3A = tpu.sem_alloc : memref<!tpu.dma_semaphore, #tpu.memory_space<semaphore_mem>>
      %dma_start3A = arith.constant 0 : i32
      %dma_start3A_15 = tpu.memref_slice %arg3[%mul3A_6, %dma_start3A] : memref<768x128xi32, #tpu.memory_space<hbm>> -> memref<24x128xi32, #tpu.memory_space<hbm>>
      %dma_start3A_16 = arith.constant 0 : i32
      %dma_start3A_17 = tpu.memref_slice %arg3[%mul3A_6, %dma_start3A_16] : memref<768x128xi32, #tpu.memory_space<hbm>> -> memref<24x128xi32, #tpu.memory_space<hbm>>
      tpu.enqueue_dma source(%dma_start3A_17 : memref<24x128xi32, #tpu.memory_space<hbm>>) target(%arg6 : memref<24x128xi32, #tpu.memory_space<vmem>>) target_semaphore(%run_scoped3A : memref<!tpu.dma_semaphore, #tpu.memory_space<semaphore_mem>>)
      %dma_wait3A = arith.constant 0 : i32
      %dma_wait3A_18 = tpu.memref_slice %arg3[%mul3A_6, %dma_wait3A] : memref<768x128xi32, #tpu.memory_space<hbm>> -> memref<24x128xi32, #tpu.memory_space<hbm>>
      %dma_wait3A_19 = arith.constant 0 : i32
      %dma_wait3A_20 = tpu.memref_slice %arg3[%mul3A_6, %dma_wait3A_19] : memref<768x128xi32, #tpu.memory_space<hbm>> -> memref<24x128xi32, #tpu.memory_space<hbm>>
      tpu.wait_dma2 semaphore(%run_scoped3A : memref<!tpu.dma_semaphore, #tpu.memory_space<semaphore_mem>>) src(%dma_wait3A_20 : memref<24x128xi32, #tpu.memory_space<hbm>>) dst(%arg6 : memref<24x128xi32, #tpu.memory_space<vmem>>)
      tpu.yield
    }) : () -> ()
    %mul3A_7 = arith.constant 24 : i32
    %mul3A_8 = arith.muli %add3A, %mul3A_7 : i32
    "tpu.region"() ({
      %run_scoped3A = tpu.sem_alloc : memref<!tpu.dma_semaphore, #tpu.memory_space<semaphore_mem>>
      %dma_start3A = arith.constant 0 : i32
      %dma_start3A_15 = tpu.memref_slice %arg4[%mul3A_8, %dma_start3A] : memref<768x128xi32, #tpu.memory_space<hbm>> -> memref<24x128xi32, #tpu.memory_space<hbm>>
      %dma_start3A_16 = arith.constant 0 : i32
      %dma_start3A_17 = tpu.memref_slice %arg4[%mul3A_8, %dma_start3A_16] : memref<768x128xi32, #tpu.memory_space<hbm>> -> memref<24x128xi32, #tpu.memory_space<hbm>>
      tpu.enqueue_dma source(%dma_start3A_17 : memref<24x128xi32, #tpu.memory_space<hbm>>) target(%arg7 : memref<24x128xi32, #tpu.memory_space<vmem>>) target_semaphore(%run_scoped3A : memref<!tpu.dma_semaphore, #tpu.memory_space<semaphore_mem>>)
      %dma_wait3A = arith.constant 0 : i32
      %dma_wait3A_18 = tpu.memref_slice %arg4[%mul3A_8, %dma_wait3A] : memref<768x128xi32, #tpu.memory_space<hbm>> -> memref<24x128xi32, #tpu.memory_space<hbm>>
      %dma_wait3A_19 = arith.constant 0 : i32
      %dma_wait3A_20 = tpu.memref_slice %arg4[%mul3A_8, %dma_wait3A_19] : memref<768x128xi32, #tpu.memory_space<hbm>> -> memref<24x128xi32, #tpu.memory_space<hbm>>
      tpu.wait_dma2 semaphore(%run_scoped3A : memref<!tpu.dma_semaphore, #tpu.memory_space<semaphore_mem>>) src(%dma_wait3A_20 : memref<24x128xi32, #tpu.memory_space<hbm>>) dst(%arg7 : memref<24x128xi32, #tpu.memory_space<vmem>>)
      tpu.yield
    }) : () -> ()
    %scan3A = arith.constant 0 : i32
    %scan3A_9 = arith.constant 0 : i32
    %scan3A_10 = arith.constant 24 : i32
    %scan3A_11 = arith.addi %scan3A_9, %scan3A_10 : i32
    %scan3A_12 = arith.constant 1 : i32
    %scan3A_13 = scf.for %scan3A_15 = %scan3A_9 to %scan3A_11 step %scan3A_12 iter_args(%scan3A_16 = %scan3A) -> (i32)  : i32 {
      %mul3A_17 = arith.constant 24 : i32
      %mul3A_18 = arith.muli %add3A, %mul3A_17 : i32
      %add3A_19 = arith.addi %mul3A_18, %scan3A_15 : i32
      %dma_start3A = arith.constant 0 : i32
      %dma_start3A_20 = tpu.memref_slice %arg6[%scan3A_15, %dma_start3A] : memref<24x128xi32, #tpu.memory_space<vmem>> -> memref<1x128xi32, #tpu.memory_space<vmem>>
      %dma_start3A_21 = tpu.memref_squeeze %dma_start3A_20 : memref<1x128xi32, #tpu.memory_space<vmem>> -> memref<128xi32, #tpu.memory_space<vmem>>
      %dma_start3A_22 = arith.constant 0 : i32
      %dma_start3A_23 = arith.constant 0 : i32
      %dma_start3A_24 = tpu.memref_slice %arg2[%dma_start3A_22, %dma_start3A_23] : memref<6144x128xf32, #tpu.memory_space<hbm>> -> memref<6144x128xf32, #tpu.memory_space<hbm>>
      tpu.enqueue_indirect_dma source(%dma_start3A_24 : memref<6144x128xf32, #tpu.memory_space<hbm>>) target(%arg8 : memref<128x128xf32, #tpu.memory_space<vmem>>) offsets(%dma_start3A_21 : memref<128xi32, #tpu.memory_space<vmem>>) semaphore(%arg11 : memref<!tpu.dma_semaphore, #tpu.memory_space<semaphore_mem>>)
      %dma_wait3A = arith.constant 0 : i32
      %dma_wait3A_25 = tpu.memref_slice %arg6[%scan3A_15, %dma_wait3A] : memref<24x128xi32, #tpu.memory_space<vmem>> -> memref<1x128xi32, #tpu.memory_space<vmem>>
      %dma_wait3A_26 = tpu.memref_squeeze %dma_wait3A_25 : memref<1x128xi32, #tpu.memory_space<vmem>> -> memref<128xi32, #tpu.memory_space<vmem>>
      %dma_wait3A_27 = arith.constant 0 : i32
      %dma_wait3A_28 = arith.constant 0 : i32
      %dma_wait3A_29 = tpu.memref_slice %arg2[%dma_wait3A_27, %dma_wait3A_28] : memref<6144x128xf32, #tpu.memory_space<hbm>> -> memref<6144x128xf32, #tpu.memory_space<hbm>>
      tpu.wait_indirect_dma semaphore(%arg11 : memref<!tpu.dma_semaphore, #tpu.memory_space<semaphore_mem>>) src(%dma_wait3A_29 : memref<6144x128xf32, #tpu.memory_space<hbm>>) dst(%arg8 : memref<128x128xf32, #tpu.memory_space<vmem>>)
      %dma_start3A_30 = arith.constant 0 : i32
      %dma_start3A_31 = tpu.memref_slice %arg7[%scan3A_15, %dma_start3A_30] : memref<24x128xi32, #tpu.memory_space<vmem>> -> memref<1x128xi32, #tpu.memory_space<vmem>>
      %dma_start3A_32 = tpu.memref_squeeze %dma_start3A_31 : memref<1x128xi32, #tpu.memory_space<vmem>> -> memref<128xi32, #tpu.memory_space<vmem>>
      %dma_start3A_33 = arith.constant 0 : i32
      %dma_start3A_34 = arith.constant 0 : i32
      %dma_start3A_35 = tpu.memref_slice %arg2[%dma_start3A_33, %dma_start3A_34] : memref<6144x128xf32, #tpu.memory_space<hbm>> -> memref<6144x128xf32, #tpu.memory_space<hbm>>
      tpu.enqueue_indirect_dma source(%dma_start3A_35 : memref<6144x128xf32, #tpu.memory_space<hbm>>) target(%arg9 : memref<128x128xf32, #tpu.memory_space<vmem>>) offsets(%dma_start3A_32 : memref<128xi32, #tpu.memory_space<vmem>>) semaphore(%arg11 : memref<!tpu.dma_semaphore, #tpu.memory_space<semaphore_mem>>)
      %dma_wait3A_36 = arith.constant 0 : i32
      %dma_wait3A_37 = tpu.memref_slice %arg7[%scan3A_15, %dma_wait3A_36] : memref<24x128xi32, #tpu.memory_space<vmem>> -> memref<1x128xi32, #tpu.memory_space<vmem>>
      %dma_wait3A_38 = tpu.memref_squeeze %dma_wait3A_37 : memref<1x128xi32, #tpu.memory_space<vmem>> -> memref<128xi32, #tpu.memory_space<vmem>>
      %dma_wait3A_39 = arith.constant 0 : i32
      %dma_wait3A_40 = arith.constant 0 : i32
      %dma_wait3A_41 = tpu.memref_slice %arg2[%dma_wait3A_39, %dma_wait3A_40] : memref<6144x128xf32, #tpu.memory_space<hbm>> -> memref<6144x128xf32, #tpu.memory_space<hbm>>
      tpu.wait_indirect_dma semaphore(%arg11 : memref<!tpu.dma_semaphore, #tpu.memory_space<semaphore_mem>>) src(%dma_wait3A_41 : memref<6144x128xf32, #tpu.memory_space<hbm>>) dst(%arg9 : memref<128x128xf32, #tpu.memory_space<vmem>>)
      %scan3A_42 = arith.constant 0 : i32
      %scan3A_43 = arith.constant 0 : i32
      %scan3A_44 = arith.constant 128 : i32
      %scan3A_45 = arith.addi %scan3A_43, %scan3A_44 : i32
      %scan3A_46 = arith.constant 1 : i32
      %scan3A_47 = scf.for %scan3A_52 = %scan3A_43 to %scan3A_45 step %scan3A_46 iter_args(%scan3A_53 = %scan3A_42) -> (i32)  : i32 {
        %get3A = arith.index_cast %scan3A_52 : i32 to index
        %get3A_54 = arith.constant 0 : index
        %get3A_55 = tpu.vector_load %arg8[%get3A, %get3A_54] {strides = array<i32>} : memref<128x128xf32, #tpu.memory_space<vmem>>, vector<1x16xf32>,
        %get3A_56 = vector.shape_cast %get3A_55 : vector<1x16xf32> to vector<16xf32>
        %get3A_57 = arith.index_cast %scan3A_52 : i32 to index
        %get3A_58 = arith.constant 16 : index
        %get3A_59 = tpu.vector_load %arg9[%get3A_57, %get3A_58] {strides = array<i32>} : memref<128x128xf32, #tpu.memory_space<vmem>>, vector<1x16xf32>,
        %get3A_60 = vector.shape_cast %get3A_59 : vector<1x16xf32> to vector<16xf32>
        %add3A_61 = arith.addf %get3A_56, %get3A_60 : vector<16xf32>
        %gt3A = arith.constant 0.000000e+00 : f32
        %gt3A_62 = vector.broadcast %gt3A : f32 to vector<16xf32>
        %gt3A_63 = arith.cmpf ogt, %add3A_61, %gt3A_62 : vector<16xf32>
        %mul3A_64 = arith.constant 2.000000e-01 : f32
        %mul3A_65 = vector.broadcast %mul3A_64 : f32 to vector<16xf32>
        %mul3A_66 = arith.mulf %add3A_61, %mul3A_65 : vector<16xf32>
        %select_n3A_67 = arith.select %gt3A_63, %add3A_61, %mul3A_66 : vector<16xi1>, vector<16xf32>
        %exp3A = math.exp %select_n3A_67 : vector<16xf32>
        %mul3A_68 = arith.mulf %exp3A, %select_n3A : vector<16xf32>
        %swap3A = arith.index_cast %scan3A_52 : i32 to index
        %swap3A_69 = arith.constant 0 : index
        %swap3A_70 = tpu.vector_load %arg10[%swap3A, %swap3A_69] {strides = array<i32>} : memref<128x16xf32, #tpu.memory_space<vmem>>, vector<1x16xf32>,
        %swap3A_71 = vector.shape_cast %swap3A_70 : vector<1x16xf32> to vector<16xf32>
        %swap3A_72 = vector.shape_cast %mul3A_68 : vector<16xf32> to vector<1x16xf32>
        tpu.vector_store %arg10[%swap3A, %swap3A_69], %swap3A_72 {strides = array<i32>} : memref<128x16xf32, #tpu.memory_space<vmem>>, vector<1x16xf32>,
        %scan3A_73 = arith.constant 0 : i32
        scf.yield %scan3A_73 : i32
      }
      %scan3A_48 = arith.constant 128 : i32
      %mul3A_49 = arith.constant 128 : i32
      %mul3A_50 = arith.muli %add3A_19, %mul3A_49 : i32
      "tpu.region"() ({
        %run_scoped3A = tpu.sem_alloc : memref<!tpu.dma_semaphore, #tpu.memory_space<semaphore_mem>>
        %dma_start3A_52 = arith.constant 0 : i32
        %dma_start3A_53 = tpu.memref_slice %arg5[%mul3A_50, %dma_start3A_52] : memref<98304x16xf32, #tpu.memory_space<hbm>> -> memref<128x16xf32, #tpu.memory_space<hbm>>
        %dma_start3A_54 = arith.constant 0 : i32
        %dma_start3A_55 = tpu.memref_slice %arg5[%mul3A_50, %dma_start3A_54] : memref<98304x16xf32, #tpu.memory_space<hbm>> -> memref<128x16xf32, #tpu.memory_space<hbm>>
        tpu.enqueue_dma source(%arg10 : memref<128x16xf32, #tpu.memory_space<vmem>>) target(%dma_start3A_55 : memref<128x16xf32, #tpu.memory_space<hbm>>) target_semaphore(%run_scoped3A : memref<!tpu.dma_semaphore, #tpu.memory_space<semaphore_mem>>)
        %dma_wait3A_56 = arith.constant 0 : i32
        %dma_wait3A_57 = tpu.memref_slice %arg5[%mul3A_50, %dma_wait3A_56] : memref<98304x16xf32, #tpu.memory_space<hbm>> -> memref<128x16xf32, #tpu.memory_space<hbm>>
        %dma_wait3A_58 = arith.constant 0 : i32
        %dma_wait3A_59 = tpu.memref_slice %arg5[%mul3A_50, %dma_wait3A_58] : memref<98304x16xf32, #tpu.memory_space<hbm>> -> memref<128x16xf32, #tpu.memory_space<hbm>>
        tpu.wait_dma2 semaphore(%run_scoped3A : memref<!tpu.dma_semaphore, #tpu.memory_space<semaphore_mem>>) src(%arg10 : memref<128x16xf32, #tpu.memory_space<vmem>>) dst(%dma_wait3A_59 : memref<128x16xf32, #tpu.memory_space<hbm>>)
        tpu.yield
      }) : () -> ()
      %scan3A_51 = arith.constant 0 : i32
      scf.yield %scan3A_51 : i32
    }
    %scan3A_14 = arith.constant 24 : i32
    return
  }
}

#map = affine_map<(d0, d1) -> (0, 0)>
module attributes {stable_mosaic.version = 14 : i64} {
  func.func @edge_ee(%arg0: i32, %arg1: i32, %arg2: memref<10240x128xf32, #tpu.memory_space<hbm>>, %arg3: memref<1280x128xi32, #tpu.memory_space<hbm>>, %arg4: memref<1280x128xi32, #tpu.memory_space<hbm>>, %arg5: memref<163840x16xf32, #tpu.memory_space<hbm>>, %arg6: memref<40x128xi32, #tpu.memory_space<vmem>>, %arg7: memref<40x128xi32, #tpu.memory_space<vmem>>, %arg8: memref<128x128xf32, #tpu.memory_space<vmem>>, %arg9: memref<128x128xf32, #tpu.memory_space<vmem>>, %arg10: memref<128x16xf32, #tpu.memory_space<vmem>>, %arg11: memref<!tpu.dma_semaphore, #tpu.memory_space<semaphore_mem>>) attributes {dimension_semantics = [#tpu.dimension_semantics<core_parallel>, #tpu.dimension_semantics<subcore_parallel>], iteration_bounds = array<i64: 2, 16>, scalar_prefetch = 0 : i64, scratch_operands = 6 : i64, tpu.core_type = #tpu.core_type<sc_vector_subcore>, window_params = [{transform_indices = #map}, {transform_indices = #map}, {transform_indices = #map}, {transform_indices = #map}]} {
    %mul3A = arith.constant 2 : i32
    %mul3A_0 = arith.muli %arg1, %mul3A : i32
    %add3A = arith.addi %mul3A_0, %arg0 : i32
    %iota3A = tpu.iota {dimensions = array<i32: 0>} : vector<16xi32>
    %lt3A = arith.constant 4 : i32
    %lt3A_1 = vector.broadcast %lt3A : i32 to vector<16xi32>
    %lt3A_2 = arith.cmpi slt, %iota3A, %lt3A_1 : vector<16xi32>
    %jit3A = arith.constant 1.000000e+00 : f32
    %jit3A_3 = arith.constant 0.000000e+00 : f32
    %broadcast_in_dim3A = vector.broadcast %jit3A : f32 to vector<16xf32>
    %broadcast_in_dim3A_4 = vector.broadcast %jit3A_3 : f32 to vector<16xf32>
    %select_n3A = arith.select %lt3A_2, %broadcast_in_dim3A, %broadcast_in_dim3A_4 : vector<16xi1>, vector<16xf32>
    %mul3A_5 = arith.constant 40 : i32
    %mul3A_6 = arith.muli %add3A, %mul3A_5 : i32
    "tpu.region"() ({
      %run_scoped3A = tpu.sem_alloc : memref<!tpu.dma_semaphore, #tpu.memory_space<semaphore_mem>>
      %dma_start3A = arith.constant 0 : i32
      %dma_start3A_15 = tpu.memref_slice %arg3[%mul3A_6, %dma_start3A] : memref<1280x128xi32, #tpu.memory_space<hbm>> -> memref<40x128xi32, #tpu.memory_space<hbm>>
      %dma_start3A_16 = arith.constant 0 : i32
      %dma_start3A_17 = tpu.memref_slice %arg3[%mul3A_6, %dma_start3A_16] : memref<1280x128xi32, #tpu.memory_space<hbm>> -> memref<40x128xi32, #tpu.memory_space<hbm>>
      tpu.enqueue_dma source(%dma_start3A_17 : memref<40x128xi32, #tpu.memory_space<hbm>>) target(%arg6 : memref<40x128xi32, #tpu.memory_space<vmem>>) target_semaphore(%run_scoped3A : memref<!tpu.dma_semaphore, #tpu.memory_space<semaphore_mem>>)
      %dma_wait3A = arith.constant 0 : i32
      %dma_wait3A_18 = tpu.memref_slice %arg3[%mul3A_6, %dma_wait3A] : memref<1280x128xi32, #tpu.memory_space<hbm>> -> memref<40x128xi32, #tpu.memory_space<hbm>>
      %dma_wait3A_19 = arith.constant 0 : i32
      %dma_wait3A_20 = tpu.memref_slice %arg3[%mul3A_6, %dma_wait3A_19] : memref<1280x128xi32, #tpu.memory_space<hbm>> -> memref<40x128xi32, #tpu.memory_space<hbm>>
      tpu.wait_dma2 semaphore(%run_scoped3A : memref<!tpu.dma_semaphore, #tpu.memory_space<semaphore_mem>>) src(%dma_wait3A_20 : memref<40x128xi32, #tpu.memory_space<hbm>>) dst(%arg6 : memref<40x128xi32, #tpu.memory_space<vmem>>)
      tpu.yield
    }) : () -> ()
    %mul3A_7 = arith.constant 40 : i32
    %mul3A_8 = arith.muli %add3A, %mul3A_7 : i32
    "tpu.region"() ({
      %run_scoped3A = tpu.sem_alloc : memref<!tpu.dma_semaphore, #tpu.memory_space<semaphore_mem>>
      %dma_start3A = arith.constant 0 : i32
      %dma_start3A_15 = tpu.memref_slice %arg4[%mul3A_8, %dma_start3A] : memref<1280x128xi32, #tpu.memory_space<hbm>> -> memref<40x128xi32, #tpu.memory_space<hbm>>
      %dma_start3A_16 = arith.constant 0 : i32
      %dma_start3A_17 = tpu.memref_slice %arg4[%mul3A_8, %dma_start3A_16] : memref<1280x128xi32, #tpu.memory_space<hbm>> -> memref<40x128xi32, #tpu.memory_space<hbm>>
      tpu.enqueue_dma source(%dma_start3A_17 : memref<40x128xi32, #tpu.memory_space<hbm>>) target(%arg7 : memref<40x128xi32, #tpu.memory_space<vmem>>) target_semaphore(%run_scoped3A : memref<!tpu.dma_semaphore, #tpu.memory_space<semaphore_mem>>)
      %dma_wait3A = arith.constant 0 : i32
      %dma_wait3A_18 = tpu.memref_slice %arg4[%mul3A_8, %dma_wait3A] : memref<1280x128xi32, #tpu.memory_space<hbm>> -> memref<40x128xi32, #tpu.memory_space<hbm>>
      %dma_wait3A_19 = arith.constant 0 : i32
      %dma_wait3A_20 = tpu.memref_slice %arg4[%mul3A_8, %dma_wait3A_19] : memref<1280x128xi32, #tpu.memory_space<hbm>> -> memref<40x128xi32, #tpu.memory_space<hbm>>
      tpu.wait_dma2 semaphore(%run_scoped3A : memref<!tpu.dma_semaphore, #tpu.memory_space<semaphore_mem>>) src(%dma_wait3A_20 : memref<40x128xi32, #tpu.memory_space<hbm>>) dst(%arg7 : memref<40x128xi32, #tpu.memory_space<vmem>>)
      tpu.yield
    }) : () -> ()
    %scan3A = arith.constant 0 : i32
    %scan3A_9 = arith.constant 0 : i32
    %scan3A_10 = arith.constant 40 : i32
    %scan3A_11 = arith.addi %scan3A_9, %scan3A_10 : i32
    %scan3A_12 = arith.constant 1 : i32
    %scan3A_13 = scf.for %scan3A_15 = %scan3A_9 to %scan3A_11 step %scan3A_12 iter_args(%scan3A_16 = %scan3A) -> (i32)  : i32 {
      %mul3A_17 = arith.constant 40 : i32
      %mul3A_18 = arith.muli %add3A, %mul3A_17 : i32
      %add3A_19 = arith.addi %mul3A_18, %scan3A_15 : i32
      %dma_start3A = arith.constant 0 : i32
      %dma_start3A_20 = tpu.memref_slice %arg6[%scan3A_15, %dma_start3A] : memref<40x128xi32, #tpu.memory_space<vmem>> -> memref<1x128xi32, #tpu.memory_space<vmem>>
      %dma_start3A_21 = tpu.memref_squeeze %dma_start3A_20 : memref<1x128xi32, #tpu.memory_space<vmem>> -> memref<128xi32, #tpu.memory_space<vmem>>
      %dma_start3A_22 = arith.constant 0 : i32
      %dma_start3A_23 = arith.constant 0 : i32
      %dma_start3A_24 = tpu.memref_slice %arg2[%dma_start3A_22, %dma_start3A_23] : memref<10240x128xf32, #tpu.memory_space<hbm>> -> memref<10240x128xf32, #tpu.memory_space<hbm>>
      tpu.enqueue_indirect_dma source(%dma_start3A_24 : memref<10240x128xf32, #tpu.memory_space<hbm>>) target(%arg8 : memref<128x128xf32, #tpu.memory_space<vmem>>) offsets(%dma_start3A_21 : memref<128xi32, #tpu.memory_space<vmem>>) semaphore(%arg11 : memref<!tpu.dma_semaphore, #tpu.memory_space<semaphore_mem>>)
      %dma_wait3A = arith.constant 0 : i32
      %dma_wait3A_25 = tpu.memref_slice %arg6[%scan3A_15, %dma_wait3A] : memref<40x128xi32, #tpu.memory_space<vmem>> -> memref<1x128xi32, #tpu.memory_space<vmem>>
      %dma_wait3A_26 = tpu.memref_squeeze %dma_wait3A_25 : memref<1x128xi32, #tpu.memory_space<vmem>> -> memref<128xi32, #tpu.memory_space<vmem>>
      %dma_wait3A_27 = arith.constant 0 : i32
      %dma_wait3A_28 = arith.constant 0 : i32
      %dma_wait3A_29 = tpu.memref_slice %arg2[%dma_wait3A_27, %dma_wait3A_28] : memref<10240x128xf32, #tpu.memory_space<hbm>> -> memref<10240x128xf32, #tpu.memory_space<hbm>>
      tpu.wait_indirect_dma semaphore(%arg11 : memref<!tpu.dma_semaphore, #tpu.memory_space<semaphore_mem>>) src(%dma_wait3A_29 : memref<10240x128xf32, #tpu.memory_space<hbm>>) dst(%arg8 : memref<128x128xf32, #tpu.memory_space<vmem>>)
      %dma_start3A_30 = arith.constant 0 : i32
      %dma_start3A_31 = tpu.memref_slice %arg7[%scan3A_15, %dma_start3A_30] : memref<40x128xi32, #tpu.memory_space<vmem>> -> memref<1x128xi32, #tpu.memory_space<vmem>>
      %dma_start3A_32 = tpu.memref_squeeze %dma_start3A_31 : memref<1x128xi32, #tpu.memory_space<vmem>> -> memref<128xi32, #tpu.memory_space<vmem>>
      %dma_start3A_33 = arith.constant 0 : i32
      %dma_start3A_34 = arith.constant 0 : i32
      %dma_start3A_35 = tpu.memref_slice %arg2[%dma_start3A_33, %dma_start3A_34] : memref<10240x128xf32, #tpu.memory_space<hbm>> -> memref<10240x128xf32, #tpu.memory_space<hbm>>
      tpu.enqueue_indirect_dma source(%dma_start3A_35 : memref<10240x128xf32, #tpu.memory_space<hbm>>) target(%arg9 : memref<128x128xf32, #tpu.memory_space<vmem>>) offsets(%dma_start3A_32 : memref<128xi32, #tpu.memory_space<vmem>>) semaphore(%arg11 : memref<!tpu.dma_semaphore, #tpu.memory_space<semaphore_mem>>)
      %dma_wait3A_36 = arith.constant 0 : i32
      %dma_wait3A_37 = tpu.memref_slice %arg7[%scan3A_15, %dma_wait3A_36] : memref<40x128xi32, #tpu.memory_space<vmem>> -> memref<1x128xi32, #tpu.memory_space<vmem>>
      %dma_wait3A_38 = tpu.memref_squeeze %dma_wait3A_37 : memref<1x128xi32, #tpu.memory_space<vmem>> -> memref<128xi32, #tpu.memory_space<vmem>>
      %dma_wait3A_39 = arith.constant 0 : i32
      %dma_wait3A_40 = arith.constant 0 : i32
      %dma_wait3A_41 = tpu.memref_slice %arg2[%dma_wait3A_39, %dma_wait3A_40] : memref<10240x128xf32, #tpu.memory_space<hbm>> -> memref<10240x128xf32, #tpu.memory_space<hbm>>
      tpu.wait_indirect_dma semaphore(%arg11 : memref<!tpu.dma_semaphore, #tpu.memory_space<semaphore_mem>>) src(%dma_wait3A_41 : memref<10240x128xf32, #tpu.memory_space<hbm>>) dst(%arg9 : memref<128x128xf32, #tpu.memory_space<vmem>>)
      %scan3A_42 = arith.constant 0 : i32
      %scan3A_43 = arith.constant 0 : i32
      %scan3A_44 = arith.constant 128 : i32
      %scan3A_45 = arith.addi %scan3A_43, %scan3A_44 : i32
      %scan3A_46 = arith.constant 1 : i32
      %scan3A_47 = scf.for %scan3A_52 = %scan3A_43 to %scan3A_45 step %scan3A_46 iter_args(%scan3A_53 = %scan3A_42) -> (i32)  : i32 {
        %get3A = arith.index_cast %scan3A_52 : i32 to index
        %get3A_54 = arith.constant 0 : index
        %get3A_55 = tpu.vector_load %arg8[%get3A, %get3A_54] {strides = array<i32>} : memref<128x128xf32, #tpu.memory_space<vmem>>, vector<1x16xf32>,
        %get3A_56 = vector.shape_cast %get3A_55 : vector<1x16xf32> to vector<16xf32>
        %get3A_57 = arith.index_cast %scan3A_52 : i32 to index
        %get3A_58 = arith.constant 16 : index
        %get3A_59 = tpu.vector_load %arg9[%get3A_57, %get3A_58] {strides = array<i32>} : memref<128x128xf32, #tpu.memory_space<vmem>>, vector<1x16xf32>,
        %get3A_60 = vector.shape_cast %get3A_59 : vector<1x16xf32> to vector<16xf32>
        %add3A_61 = arith.addf %get3A_56, %get3A_60 : vector<16xf32>
        %gt3A = arith.constant 0.000000e+00 : f32
        %gt3A_62 = vector.broadcast %gt3A : f32 to vector<16xf32>
        %gt3A_63 = arith.cmpf ogt, %add3A_61, %gt3A_62 : vector<16xf32>
        %mul3A_64 = arith.constant 2.000000e-01 : f32
        %mul3A_65 = vector.broadcast %mul3A_64 : f32 to vector<16xf32>
        %mul3A_66 = arith.mulf %add3A_61, %mul3A_65 : vector<16xf32>
        %select_n3A_67 = arith.select %gt3A_63, %add3A_61, %mul3A_66 : vector<16xi1>, vector<16xf32>
        %exp3A = math.exp %select_n3A_67 : vector<16xf32>
        %mul3A_68 = arith.mulf %exp3A, %select_n3A : vector<16xf32>
        %swap3A = arith.index_cast %scan3A_52 : i32 to index
        %swap3A_69 = arith.constant 0 : index
        %swap3A_70 = tpu.vector_load %arg10[%swap3A, %swap3A_69] {strides = array<i32>} : memref<128x16xf32, #tpu.memory_space<vmem>>, vector<1x16xf32>,
        %swap3A_71 = vector.shape_cast %swap3A_70 : vector<1x16xf32> to vector<16xf32>
        %swap3A_72 = vector.shape_cast %mul3A_68 : vector<16xf32> to vector<1x16xf32>
        tpu.vector_store %arg10[%swap3A, %swap3A_69], %swap3A_72 {strides = array<i32>} : memref<128x16xf32, #tpu.memory_space<vmem>>, vector<1x16xf32>,
        %scan3A_73 = arith.constant 0 : i32
        scf.yield %scan3A_73 : i32
      }
      %scan3A_48 = arith.constant 128 : i32
      %mul3A_49 = arith.constant 128 : i32
      %mul3A_50 = arith.muli %add3A_19, %mul3A_49 : i32
      "tpu.region"() ({
        %run_scoped3A = tpu.sem_alloc : memref<!tpu.dma_semaphore, #tpu.memory_space<semaphore_mem>>
        %dma_start3A_52 = arith.constant 0 : i32
        %dma_start3A_53 = tpu.memref_slice %arg5[%mul3A_50, %dma_start3A_52] : memref<163840x16xf32, #tpu.memory_space<hbm>> -> memref<128x16xf32, #tpu.memory_space<hbm>>
        %dma_start3A_54 = arith.constant 0 : i32
        %dma_start3A_55 = tpu.memref_slice %arg5[%mul3A_50, %dma_start3A_54] : memref<163840x16xf32, #tpu.memory_space<hbm>> -> memref<128x16xf32, #tpu.memory_space<hbm>>
        tpu.enqueue_dma source(%arg10 : memref<128x16xf32, #tpu.memory_space<vmem>>) target(%dma_start3A_55 : memref<128x16xf32, #tpu.memory_space<hbm>>) target_semaphore(%run_scoped3A : memref<!tpu.dma_semaphore, #tpu.memory_space<semaphore_mem>>)
        %dma_wait3A_56 = arith.constant 0 : i32
        %dma_wait3A_57 = tpu.memref_slice %arg5[%mul3A_50, %dma_wait3A_56] : memref<163840x16xf32, #tpu.memory_space<hbm>> -> memref<128x16xf32, #tpu.memory_space<hbm>>
        %dma_wait3A_58 = arith.constant 0 : i32
        %dma_wait3A_59 = tpu.memref_slice %arg5[%mul3A_50, %dma_wait3A_58] : memref<163840x16xf32, #tpu.memory_space<hbm>> -> memref<128x16xf32, #tpu.memory_space<hbm>>
        tpu.wait_dma2 semaphore(%run_scoped3A : memref<!tpu.dma_semaphore, #tpu.memory_space<semaphore_mem>>) src(%arg10 : memref<128x16xf32, #tpu.memory_space<vmem>>) dst(%dma_wait3A_59 : memref<128x16xf32, #tpu.memory_space<hbm>>)
        tpu.yield
      }) : () -> ()
      %scan3A_51 = arith.constant 0 : i32
      scf.yield %scan3A_51 : i32
    }
    %scan3A_14 = arith.constant 40 : i32
    return
  }
}

module attributes {stable_mosaic.version = 14 : i64} {
  func.func @_encode_body(%arg0: i32, %arg1: memref<512x768xf32, #tpu.memory_space<vmem>>, %arg2: memref<768x768xf32, #tpu.memory_space<vmem>>, %arg3: memref<1x768xf32, #tpu.memory_space<vmem>>, %arg4: memref<768x1024xf32, #tpu.memory_space<vmem>>, %arg5: memref<768x1024xf32, #tpu.memory_space<vmem>>, %arg6: memref<1024x128xf32, #tpu.memory_space<vmem>>, %arg7: memref<512x1024xf32, #tpu.memory_space<vmem>>, %arg8: memref<512x1024xf32, #tpu.memory_space<vmem>>, %arg9: memref<512x128xf32, #tpu.memory_space<vmem>>) attributes {dimension_semantics = [#tpu.dimension_semantics<arbitrary>], iteration_bounds = array<i64: 20>, scalar_prefetch = 0 : i64, scratch_operands = 0 : i64, tpu.core_type = #tpu.core_type<tc>, window_params = [{transform_indices = @transform_0, window_bounds = array<i64: 512, 768>}, {pipeline_mode = #tpu.pipeline_mode<synchronous>, transform_indices = @transform_1, window_bounds = array<i64: 768, 768>}, {pipeline_mode = #tpu.pipeline_mode<synchronous>, transform_indices = @transform_2, window_bounds = array<i64: 1, 768>}, {pipeline_mode = #tpu.pipeline_mode<synchronous>, transform_indices = @transform_3, window_bounds = array<i64: 768, 1024>}, {pipeline_mode = #tpu.pipeline_mode<synchronous>, transform_indices = @transform_4, window_bounds = array<i64: 768, 1024>}, {pipeline_mode = #tpu.pipeline_mode<synchronous>, transform_indices = @transform_5, window_bounds = array<i64: 1024, 128>}, {transform_indices = @transform_6, window_bounds = array<i64: 512, 1024>}, {transform_indices = @transform_7, window_bounds = array<i64: 512, 1024>}, {transform_indices = @transform_8, window_bounds = array<i64: 512, 128>}]} {
    %get3A = arith.constant 0 : index
    %get3A_0 = arith.constant 0 : index
    %get3A_1 = vector.load %arg1[%get3A, %get3A_0] : memref<512x768xf32, #tpu.memory_space<vmem>>, vector<512x768xf32>
    %get3A_2 = arith.constant 0 : index
    %get3A_3 = arith.constant 0 : index
    %get3A_4 = vector.load %arg2[%get3A_2, %get3A_3] : memref<768x768xf32, #tpu.memory_space<vmem>>, vector<768x768xf32>
    %dot_general3A = arith.constant dense<0.000000e+00> : vector<512x768xf32>
    %dot_general3A_5 = tpu.matmul %get3A_1, %get3A_4, %dot_general3A {dimension_numbers = #tpu.dot_dimension_numbers<[1], [0], [0], [1], [0, 0, 1, 1], [], []>, precision = #tpu.contract_precision<fp32>, transpose_lhs_hint = false} : vector<512x768xf32>, vector<768x768xf32>, vector<512x768xf32> -> vector<512x768xf32>
    %get3A_6 = arith.constant 0 : index
    %get3A_7 = arith.constant 0 : index
    %get3A_8 = vector.load %arg3[%get3A_6, %get3A_7] : memref<1x768xf32, #tpu.memory_space<vmem>>, vector<1x768xf32>
    %add3A = vector.broadcast %get3A_8 : vector<1x768xf32> to vector<512x768xf32>
    %add3A_9 = arith.addf %dot_general3A_5, %add3A : vector<512x768xf32>
    %gt3A = arith.constant 0.000000e+00 : f32
    %gt3A_10 = vector.broadcast %gt3A : f32 to vector<512x768xf32>
    %gt3A_11 = arith.cmpf ogt, %add3A_9, %gt3A_10 : vector<512x768xf32>
    %min3A = arith.constant 0.000000e+00 : f32
    %min3A_12 = vector.broadcast %min3A : f32 to vector<512x768xf32>
    %min3A_13 = arith.minimumf %add3A_9, %min3A_12 : vector<512x768xf32>
    %exp3A = math.exp %min3A_13 : vector<512x768xf32>
    %sub3A = arith.constant 1.000000e+00 : f32
    %sub3A_14 = vector.broadcast %sub3A : f32 to vector<512x768xf32>
    %sub3A_15 = arith.subf %exp3A, %sub3A_14 : vector<512x768xf32>
    %select_n3A = arith.select %gt3A_11, %add3A_9, %sub3A_15 : vector<512x768xi1>, vector<512x768xf32>
    %iota3A = tpu.iota {dimensions = array<i32: 0>} : vector<512x1xi32>
    %mul3A = arith.constant 512 : i32
    %mul3A_16 = arith.muli %arg0, %mul3A : i32
    %add3A_17 = vector.broadcast %mul3A_16 : i32 to vector<512x1xi32>
    %add3A_18 = arith.addi %iota3A, %add3A_17 : vector<512x1xi32>
    %jit3A = arith.constant 10240 : i32
    %eq3A = arith.constant 0 : i32
    %eq3A_19 = arith.cmpi eq, %jit3A, %eq3A : i32
    %jit3A_20 = arith.constant 1 : i32
    %select_n3A_21 = arith.select %eq3A_19, %jit3A_20, %jit3A : i32
    %rem3A = vector.broadcast %select_n3A_21 : i32 to vector<512x1xi32>
    %rem3A_22 = arith.remsi %add3A_18, %rem3A : vector<512x1xi32>
    %ne3A = arith.constant 0 : i32
    %ne3A_23 = vector.broadcast %ne3A : i32 to vector<512x1xi32>
    %ne3A_24 = arith.cmpi ne, %rem3A_22, %ne3A_23 : vector<512x1xi32>
    %lt3A = arith.constant 0 : i32
    %lt3A_25 = vector.broadcast %lt3A : i32 to vector<512x1xi32>
    %lt3A_26 = arith.cmpi slt, %rem3A_22, %lt3A_25 : vector<512x1xi32>
    %lt3A_27 = arith.constant 0 : i32
    %lt3A_28 = arith.cmpi slt, %select_n3A_21, %lt3A_27 : i32
    %ne3A_29 = vector.broadcast %lt3A_28 : i1 to vector<512x1xi1>
    %ne3A_30 = vector.broadcast %ne3A_29 : vector<512x1xi1> to vector<512x1xi1>
    %ne3A_31 = arith.xori %lt3A_26, %ne3A_30 : vector<512x1xi1>
    %and3A = arith.andi %ne3A_31, %ne3A_24 : vector<512x1xi1>
    %add3A_32 = vector.broadcast %select_n3A_21 : i32 to vector<512x1xi32>
    %add3A_33 = arith.addi %rem3A_22, %add3A_32 : vector<512x1xi32>
    %select_n3A_34 = arith.select %and3A, %add3A_33, %rem3A_22 : vector<512x1xi1>, vector<512x1xi32>
    %lt3A_35 = arith.constant 10000 : i32
    %lt3A_36 = vector.broadcast %lt3A_35 : i32 to vector<512x1xi32>
    %lt3A_37 = arith.cmpi slt, %select_n3A_34, %lt3A_36 : vector<512x1xi32>
    %jit3A_38 = arith.constant 0.000000e+00 : f32
    %broadcast_in_dim3A = vector.shape_cast %lt3A_37 : vector<512x1xi1> to vector<512x1xi1>
    %broadcast_in_dim3A_39 = vector.broadcast %broadcast_in_dim3A : vector<512x1xi1> to vector<512x768xi1>
    %broadcast_in_dim3A_40 = vector.broadcast %jit3A_38 : f32 to vector<512x768xf32>
    %select_n3A_41 = arith.select %broadcast_in_dim3A_39, %select_n3A, %broadcast_in_dim3A_40 : vector<512x768xi1>, vector<512x768xf32>
    %get3A_42 = arith.constant 0 : index
    %get3A_43 = arith.constant 0 : index
    %get3A_44 = vector.load %arg4[%get3A_42, %get3A_43] : memref<768x1024xf32, #tpu.memory_space<vmem>>, vector<768x1024xf32>
    %dot_general3A_45 = arith.constant dense<0.000000e+00> : vector<512x1024xf32>
    %dot_general3A_46 = tpu.matmul %select_n3A_41, %get3A_44, %dot_general3A_45 {dimension_numbers = #tpu.dot_dimension_numbers<[1], [0], [0], [1], [0, 0, 1, 1], [], []>, precision = #tpu.contract_precision<fp32>, transpose_lhs_hint = false} : vector<512x768xf32>, vector<768x1024xf32>, vector<512x1024xf32> -> vector<512x1024xf32>
    %swap3A = arith.constant 0 : index
    %swap3A_47 = arith.constant 0 : index
    %swap3A_48 = vector.load %arg7[%swap3A, %swap3A_47] : memref<512x1024xf32, #tpu.memory_space<vmem>>, vector<512x1024xf32>
    tpu.vector_store %arg7[%swap3A, %swap3A_47], %dot_general3A_46 {strides = array<i32>} : memref<512x1024xf32, #tpu.memory_space<vmem>>, vector<512x1024xf32>,
    %get3A_49 = arith.constant 0 : index
    %get3A_50 = arith.constant 0 : index
    %get3A_51 = vector.load %arg5[%get3A_49, %get3A_50] : memref<768x1024xf32, #tpu.memory_space<vmem>>, vector<768x1024xf32>
    %dot_general3A_52 = arith.constant dense<0.000000e+00> : vector<512x1024xf32>
    %dot_general3A_53 = tpu.matmul %select_n3A_41, %get3A_51, %dot_general3A_52 {dimension_numbers = #tpu.dot_dimension_numbers<[1], [0], [0], [1], [0, 0, 1, 1], [], []>, precision = #tpu.contract_precision<fp32>, transpose_lhs_hint = false} : vector<512x768xf32>, vector<768x1024xf32>, vector<512x1024xf32> -> vector<512x1024xf32>
    %swap3A_54 = arith.constant 0 : index
    %swap3A_55 = arith.constant 0 : index
    %swap3A_56 = vector.load %arg8[%swap3A_54, %swap3A_55] : memref<512x1024xf32, #tpu.memory_space<vmem>>, vector<512x1024xf32>
    tpu.vector_store %arg8[%swap3A_54, %swap3A_55], %dot_general3A_53 {strides = array<i32>} : memref<512x1024xf32, #tpu.memory_space<vmem>>, vector<512x1024xf32>,
    %get3A_57 = arith.constant 0 : index
    %get3A_58 = arith.constant 0 : index
    %get3A_59 = vector.load %arg6[%get3A_57, %get3A_58] : memref<1024x128xf32, #tpu.memory_space<vmem>>, vector<1024x128xf32>
    %dot_general3A_60 = arith.constant dense<0.000000e+00> : vector<512x128xf32>
    %dot_general3A_61 = tpu.matmul %dot_general3A_46, %get3A_59, %dot_general3A_60 {dimension_numbers = #tpu.dot_dimension_numbers<[1], [0], [0], [1], [0, 0, 1, 1], [], []>, precision = #tpu.contract_precision<fp32>, transpose_lhs_hint = false} : vector<512x1024xf32>, vector<1024x128xf32>, vector<512x128xf32> -> vector<512x128xf32>
    %swap3A_62 = arith.constant 0 : index
    %swap3A_63 = arith.constant 0 : index
    %swap3A_64 = vector.load %arg9[%swap3A_62, %swap3A_63] : memref<512x128xf32, #tpu.memory_space<vmem>>, vector<512x128xf32>
    tpu.vector_store %arg9[%swap3A_62, %swap3A_63], %dot_general3A_61 {strides = array<i32>} : memref<512x128xf32, #tpu.memory_space<vmem>>, vector<512x128xf32>,
    return
  }
  func.func @transform_0(%arg0: i32) -> (i32, i32) {
    %c0_i32 = arith.constant 0 : i32
    %c0_i32_0 = arith.constant 0 : i32
    return %arg0, %c0_i32 : i32, i32
  }
  func.func @transform_1(%arg0: i32) -> (i32, i32) {
    %c0_i32 = arith.constant 0 : i32
    %c0_i32_0 = arith.constant 0 : i32
    %c0_i32_1 = arith.constant 0 : i32
    return %c0_i32, %c0_i32_0 : i32, i32
  }
  func.func @transform_2(%arg0: i32) -> (i32, i32) {
    %c0_i32 = arith.constant 0 : i32
    %c0_i32_0 = arith.constant 0 : i32
    %c0_i32_1 = arith.constant 0 : i32
    return %c0_i32, %c0_i32_0 : i32, i32
  }
  func.func @transform_3(%arg0: i32) -> (i32, i32) {
    %c0_i32 = arith.constant 0 : i32
    %c0_i32_0 = arith.constant 0 : i32
    %c0_i32_1 = arith.constant 0 : i32
    return %c0_i32, %c0_i32_0 : i32, i32
  }
  func.func @transform_4(%arg0: i32) -> (i32, i32) {
    %c0_i32 = arith.constant 0 : i32
    %c0_i32_0 = arith.constant 0 : i32
    %c0_i32_1 = arith.constant 0 : i32
    return %c0_i32, %c0_i32_0 : i32, i32
  }
  func.func @transform_5(%arg0: i32) -> (i32, i32) {
    %c0_i32 = arith.constant 0 : i32
    %c0_i32_0 = arith.constant 0 : i32
    %c0_i32_1 = arith.constant 0 : i32
    return %c0_i32, %c0_i32_0 : i32, i32
  }
  func.func @transform_6(%arg0: i32) -> (i32, i32) {
    %c0_i32 = arith.constant 0 : i32
    %c0_i32_0 = arith.constant 0 : i32
    return %arg0, %c0_i32 : i32, i32
  }
  func.func @transform_7(%arg0: i32) -> (i32, i32) {
    %c0_i32 = arith.constant 0 : i32
    %c0_i32_0 = arith.constant 0 : i32
    return %arg0, %c0_i32 : i32, i32
  }
  func.func @transform_8(%arg0: i32) -> (i32, i32) {
    %c0_i32 = arith.constant 0 : i32
    %c0_i32_0 = arith.constant 0 : i32
    return %arg0, %c0_i32 : i32, i32
  }
}

module attributes {stable_mosaic.version = 14 : i64} {
  func.func @_encode_body(%arg0: i32, %arg1: memref<512x768xf32, #tpu.memory_space<vmem>>, %arg2: memref<768x768xf32, #tpu.memory_space<vmem>>, %arg3: memref<1x768xf32, #tpu.memory_space<vmem>>, %arg4: memref<768x1024xf32, #tpu.memory_space<vmem>>, %arg5: memref<768x1024xf32, #tpu.memory_space<vmem>>, %arg6: memref<1024x128xf32, #tpu.memory_space<vmem>>, %arg7: memref<512x1024xf32, #tpu.memory_space<vmem>>, %arg8: memref<512x1024xf32, #tpu.memory_space<vmem>>, %arg9: memref<512x128xf32, #tpu.memory_space<vmem>>) attributes {dimension_semantics = [#tpu.dimension_semantics<arbitrary>], iteration_bounds = array<i64: 12>, scalar_prefetch = 0 : i64, scratch_operands = 0 : i64, tpu.core_type = #tpu.core_type<tc>, window_params = [{transform_indices = @transform_0, window_bounds = array<i64: 512, 768>}, {pipeline_mode = #tpu.pipeline_mode<synchronous>, transform_indices = @transform_1, window_bounds = array<i64: 768, 768>}, {pipeline_mode = #tpu.pipeline_mode<synchronous>, transform_indices = @transform_2, window_bounds = array<i64: 1, 768>}, {pipeline_mode = #tpu.pipeline_mode<synchronous>, transform_indices = @transform_3, window_bounds = array<i64: 768, 1024>}, {pipeline_mode = #tpu.pipeline_mode<synchronous>, transform_indices = @transform_4, window_bounds = array<i64: 768, 1024>}, {pipeline_mode = #tpu.pipeline_mode<synchronous>, transform_indices = @transform_5, window_bounds = array<i64: 1024, 128>}, {transform_indices = @transform_6, window_bounds = array<i64: 512, 1024>}, {transform_indices = @transform_7, window_bounds = array<i64: 512, 1024>}, {transform_indices = @transform_8, window_bounds = array<i64: 512, 128>}]} {
    %get3A = arith.constant 0 : index
    %get3A_0 = arith.constant 0 : index
    %get3A_1 = vector.load %arg1[%get3A, %get3A_0] : memref<512x768xf32, #tpu.memory_space<vmem>>, vector<512x768xf32>
    %get3A_2 = arith.constant 0 : index
    %get3A_3 = arith.constant 0 : index
    %get3A_4 = vector.load %arg2[%get3A_2, %get3A_3] : memref<768x768xf32, #tpu.memory_space<vmem>>, vector<768x768xf32>
    %dot_general3A = arith.constant dense<0.000000e+00> : vector<512x768xf32>
    %dot_general3A_5 = tpu.matmul %get3A_1, %get3A_4, %dot_general3A {dimension_numbers = #tpu.dot_dimension_numbers<[1], [0], [0], [1], [0, 0, 1, 1], [], []>, precision = #tpu.contract_precision<fp32>, transpose_lhs_hint = false} : vector<512x768xf32>, vector<768x768xf32>, vector<512x768xf32> -> vector<512x768xf32>
    %get3A_6 = arith.constant 0 : index
    %get3A_7 = arith.constant 0 : index
    %get3A_8 = vector.load %arg3[%get3A_6, %get3A_7] : memref<1x768xf32, #tpu.memory_space<vmem>>, vector<1x768xf32>
    %add3A = vector.broadcast %get3A_8 : vector<1x768xf32> to vector<512x768xf32>
    %add3A_9 = arith.addf %dot_general3A_5, %add3A : vector<512x768xf32>
    %gt3A = arith.constant 0.000000e+00 : f32
    %gt3A_10 = vector.broadcast %gt3A : f32 to vector<512x768xf32>
    %gt3A_11 = arith.cmpf ogt, %add3A_9, %gt3A_10 : vector<512x768xf32>
    %min3A = arith.constant 0.000000e+00 : f32
    %min3A_12 = vector.broadcast %min3A : f32 to vector<512x768xf32>
    %min3A_13 = arith.minimumf %add3A_9, %min3A_12 : vector<512x768xf32>
    %exp3A = math.exp %min3A_13 : vector<512x768xf32>
    %sub3A = arith.constant 1.000000e+00 : f32
    %sub3A_14 = vector.broadcast %sub3A : f32 to vector<512x768xf32>
    %sub3A_15 = arith.subf %exp3A, %sub3A_14 : vector<512x768xf32>
    %select_n3A = arith.select %gt3A_11, %add3A_9, %sub3A_15 : vector<512x768xi1>, vector<512x768xf32>
    %iota3A = tpu.iota {dimensions = array<i32: 0>} : vector<512x1xi32>
    %mul3A = arith.constant 512 : i32
    %mul3A_16 = arith.muli %arg0, %mul3A : i32
    %add3A_17 = vector.broadcast %mul3A_16 : i32 to vector<512x1xi32>
    %add3A_18 = arith.addi %iota3A, %add3A_17 : vector<512x1xi32>
    %jit3A = arith.constant 2048 : i32
    %eq3A = arith.constant 0 : i32
    %eq3A_19 = arith.cmpi eq, %jit3A, %eq3A : i32
    %jit3A_20 = arith.constant 1 : i32
    %select_n3A_21 = arith.select %eq3A_19, %jit3A_20, %jit3A : i32
    %rem3A = vector.broadcast %select_n3A_21 : i32 to vector<512x1xi32>
    %rem3A_22 = arith.remsi %add3A_18, %rem3A : vector<512x1xi32>
    %ne3A = arith.constant 0 : i32
    %ne3A_23 = vector.broadcast %ne3A : i32 to vector<512x1xi32>
    %ne3A_24 = arith.cmpi ne, %rem3A_22, %ne3A_23 : vector<512x1xi32>
    %lt3A = arith.constant 0 : i32
    %lt3A_25 = vector.broadcast %lt3A : i32 to vector<512x1xi32>
    %lt3A_26 = arith.cmpi slt, %rem3A_22, %lt3A_25 : vector<512x1xi32>
    %lt3A_27 = arith.constant 0 : i32
    %lt3A_28 = arith.cmpi slt, %select_n3A_21, %lt3A_27 : i32
    %ne3A_29 = vector.broadcast %lt3A_28 : i1 to vector<512x1xi1>
    %ne3A_30 = vector.broadcast %ne3A_29 : vector<512x1xi1> to vector<512x1xi1>
    %ne3A_31 = arith.xori %lt3A_26, %ne3A_30 : vector<512x1xi1>
    %and3A = arith.andi %ne3A_31, %ne3A_24 : vector<512x1xi1>
    %add3A_32 = vector.broadcast %select_n3A_21 : i32 to vector<512x1xi32>
    %add3A_33 = arith.addi %rem3A_22, %add3A_32 : vector<512x1xi32>
    %select_n3A_34 = arith.select %and3A, %add3A_33, %rem3A_22 : vector<512x1xi1>, vector<512x1xi32>
    %lt3A_35 = arith.constant 2000 : i32
    %lt3A_36 = vector.broadcast %lt3A_35 : i32 to vector<512x1xi32>
    %lt3A_37 = arith.cmpi slt, %select_n3A_34, %lt3A_36 : vector<512x1xi32>
    %jit3A_38 = arith.constant 0.000000e+00 : f32
    %broadcast_in_dim3A = vector.shape_cast %lt3A_37 : vector<512x1xi1> to vector<512x1xi1>
    %broadcast_in_dim3A_39 = vector.broadcast %broadcast_in_dim3A : vector<512x1xi1> to vector<512x768xi1>
    %broadcast_in_dim3A_40 = vector.broadcast %jit3A_38 : f32 to vector<512x768xf32>
    %select_n3A_41 = arith.select %broadcast_in_dim3A_39, %select_n3A, %broadcast_in_dim3A_40 : vector<512x768xi1>, vector<512x768xf32>
    %get3A_42 = arith.constant 0 : index
    %get3A_43 = arith.constant 0 : index
    %get3A_44 = vector.load %arg4[%get3A_42, %get3A_43] : memref<768x1024xf32, #tpu.memory_space<vmem>>, vector<768x1024xf32>
    %dot_general3A_45 = arith.constant dense<0.000000e+00> : vector<512x1024xf32>
    %dot_general3A_46 = tpu.matmul %select_n3A_41, %get3A_44, %dot_general3A_45 {dimension_numbers = #tpu.dot_dimension_numbers<[1], [0], [0], [1], [0, 0, 1, 1], [], []>, precision = #tpu.contract_precision<fp32>, transpose_lhs_hint = false} : vector<512x768xf32>, vector<768x1024xf32>, vector<512x1024xf32> -> vector<512x1024xf32>
    %swap3A = arith.constant 0 : index
    %swap3A_47 = arith.constant 0 : index
    %swap3A_48 = vector.load %arg7[%swap3A, %swap3A_47] : memref<512x1024xf32, #tpu.memory_space<vmem>>, vector<512x1024xf32>
    tpu.vector_store %arg7[%swap3A, %swap3A_47], %dot_general3A_46 {strides = array<i32>} : memref<512x1024xf32, #tpu.memory_space<vmem>>, vector<512x1024xf32>,
    %get3A_49 = arith.constant 0 : index
    %get3A_50 = arith.constant 0 : index
    %get3A_51 = vector.load %arg5[%get3A_49, %get3A_50] : memref<768x1024xf32, #tpu.memory_space<vmem>>, vector<768x1024xf32>
    %dot_general3A_52 = arith.constant dense<0.000000e+00> : vector<512x1024xf32>
    %dot_general3A_53 = tpu.matmul %select_n3A_41, %get3A_51, %dot_general3A_52 {dimension_numbers = #tpu.dot_dimension_numbers<[1], [0], [0], [1], [0, 0, 1, 1], [], []>, precision = #tpu.contract_precision<fp32>, transpose_lhs_hint = false} : vector<512x768xf32>, vector<768x1024xf32>, vector<512x1024xf32> -> vector<512x1024xf32>
    %swap3A_54 = arith.constant 0 : index
    %swap3A_55 = arith.constant 0 : index
    %swap3A_56 = vector.load %arg8[%swap3A_54, %swap3A_55] : memref<512x1024xf32, #tpu.memory_space<vmem>>, vector<512x1024xf32>
    tpu.vector_store %arg8[%swap3A_54, %swap3A_55], %dot_general3A_53 {strides = array<i32>} : memref<512x1024xf32, #tpu.memory_space<vmem>>, vector<512x1024xf32>,
    %get3A_57 = arith.constant 0 : index
    %get3A_58 = arith.constant 0 : index
    %get3A_59 = vector.load %arg6[%get3A_57, %get3A_58] : memref<1024x128xf32, #tpu.memory_space<vmem>>, vector<1024x128xf32>
    %dot_general3A_60 = arith.constant dense<0.000000e+00> : vector<512x128xf32>
    %dot_general3A_61 = tpu.matmul %dot_general3A_46, %get3A_59, %dot_general3A_60 {dimension_numbers = #tpu.dot_dimension_numbers<[1], [0], [0], [1], [0, 0, 1, 1], [], []>, precision = #tpu.contract_precision<fp32>, transpose_lhs_hint = false} : vector<512x1024xf32>, vector<1024x128xf32>, vector<512x128xf32> -> vector<512x128xf32>
    %swap3A_62 = arith.constant 0 : index
    %swap3A_63 = arith.constant 0 : index
    %swap3A_64 = vector.load %arg9[%swap3A_62, %swap3A_63] : memref<512x128xf32, #tpu.memory_space<vmem>>, vector<512x128xf32>
    tpu.vector_store %arg9[%swap3A_62, %swap3A_63], %dot_general3A_61 {strides = array<i32>} : memref<512x128xf32, #tpu.memory_space<vmem>>, vector<512x128xf32>,
    return
  }
  func.func @transform_0(%arg0: i32) -> (i32, i32) {
    %c0_i32 = arith.constant 0 : i32
    %c0_i32_0 = arith.constant 0 : i32
    return %arg0, %c0_i32 : i32, i32
  }
  func.func @transform_1(%arg0: i32) -> (i32, i32) {
    %c0_i32 = arith.constant 0 : i32
    %c0_i32_0 = arith.constant 0 : i32
    %c0_i32_1 = arith.constant 0 : i32
    return %c0_i32, %c0_i32_0 : i32, i32
  }
  func.func @transform_2(%arg0: i32) -> (i32, i32) {
    %c0_i32 = arith.constant 0 : i32
    %c0_i32_0 = arith.constant 0 : i32
    %c0_i32_1 = arith.constant 0 : i32
    return %c0_i32, %c0_i32_0 : i32, i32
  }
  func.func @transform_3(%arg0: i32) -> (i32, i32) {
    %c0_i32 = arith.constant 0 : i32
    %c0_i32_0 = arith.constant 0 : i32
    %c0_i32_1 = arith.constant 0 : i32
    return %c0_i32, %c0_i32_0 : i32, i32
  }
  func.func @transform_4(%arg0: i32) -> (i32, i32) {
    %c0_i32 = arith.constant 0 : i32
    %c0_i32_0 = arith.constant 0 : i32
    %c0_i32_1 = arith.constant 0 : i32
    return %c0_i32, %c0_i32_0 : i32, i32
  }
  func.func @transform_5(%arg0: i32) -> (i32, i32) {
    %c0_i32 = arith.constant 0 : i32
    %c0_i32_0 = arith.constant 0 : i32
    %c0_i32_1 = arith.constant 0 : i32
    return %c0_i32, %c0_i32_0 : i32, i32
  }
  func.func @transform_6(%arg0: i32) -> (i32, i32) {
    %c0_i32 = arith.constant 0 : i32
    %c0_i32_0 = arith.constant 0 : i32
    return %arg0, %c0_i32 : i32, i32
  }
  func.func @transform_7(%arg0: i32) -> (i32, i32) {
    %c0_i32 = arith.constant 0 : i32
    %c0_i32_0 = arith.constant 0 : i32
    return %arg0, %c0_i32 : i32, i32
  }
  func.func @transform_8(%arg0: i32) -> (i32, i32) {
    %c0_i32 = arith.constant 0 : i32
    %c0_i32_0 = arith.constant 0 : i32
    return %arg0, %c0_i32 : i32, i32
  }
}

module attributes {stable_mosaic.version = 14 : i64} {
  func.func @body(%arg0: i32, %arg1: memref<512x1024xf32, #tpu.memory_space<vmem>>, %arg2: memref<512x4xf32, #tpu.memory_space<vmem>>, %arg3: memref<512x1024xf32, #tpu.memory_space<vmem>>, %arg4: memref<1x1024xf32, #tpu.memory_space<vmem>>, %arg5: memref<4x1024xf32, #tpu.memory_space<vmem>>, %arg6: memref<24x256xf32, #tpu.memory_space<vmem>>) attributes {dimension_semantics = [#tpu.dimension_semantics<arbitrary>], iteration_bounds = array<i64: 12>, scalar_prefetch = 0 : i64, scratch_operands = 0 : i64, tpu.core_type = #tpu.core_type<tc>, window_params = [{transform_indices = @transform_0, window_bounds = array<i64: 512, 1024>}, {transform_indices = @transform_1, window_bounds = array<i64: 512, 4>}, {transform_indices = @transform_2, window_bounds = array<i64: 512, 1024>}, {pipeline_mode = #tpu.pipeline_mode<synchronous>, transform_indices = @transform_3, window_bounds = array<i64: 1, 1024>}, {pipeline_mode = #tpu.pipeline_mode<synchronous>, transform_indices = @transform_4, window_bounds = array<i64: 4, 1024>}, {pipeline_mode = #tpu.pipeline_mode<synchronous>, transform_indices = @transform_5, window_bounds = array<i64: 24, 256>}]} {
    %get3A = arith.constant 0 : index
    %get3A_0 = arith.constant 0 : index
    %get3A_1 = vector.load %arg2[%get3A, %get3A_0] : memref<512x4xf32, #tpu.memory_space<vmem>>, vector<512x4xf32>
    %get3A_2 = arith.constant 0 : index
    %get3A_3 = arith.constant 0 : index
    %get3A_4 = vector.load %arg5[%get3A_2, %get3A_3] : memref<4x1024xf32, #tpu.memory_space<vmem>>, vector<4x1024xf32>
    %dot_general3A = arith.constant dense<0.000000e+00> : vector<512x1024xf32>
    %dot_general3A_5 = tpu.matmul %get3A_1, %get3A_4, %dot_general3A {dimension_numbers = #tpu.dot_dimension_numbers<[1], [0], [0], [1], [0, 0, 1, 1], [], []>, transpose_lhs_hint = false} : vector<512x4xf32>, vector<4x1024xf32>, vector<512x1024xf32> -> vector<512x1024xf32>
    %max3A = arith.constant 9.99999971E-10 : f32
    %max3A_6 = vector.broadcast %max3A : f32 to vector<512x1024xf32>
    %max3A_7 = arith.maximumf %dot_general3A_5, %max3A_6 : vector<512x1024xf32>
    %get3A_8 = arith.constant 0 : index
    %get3A_9 = arith.constant 0 : index
    %get3A_10 = vector.load %arg1[%get3A_8, %get3A_9] : memref<512x1024xf32, #tpu.memory_space<vmem>>, vector<512x1024xf32>
    %div3A = arith.divf %get3A_10, %max3A_7 : vector<512x1024xf32>
    %get3A_11 = arith.constant 0 : index
    %get3A_12 = arith.constant 0 : index
    %get3A_13 = vector.load %arg3[%get3A_11, %get3A_12] : memref<512x1024xf32, #tpu.memory_space<vmem>>, vector<512x1024xf32>
    %add3A = arith.addf %div3A, %get3A_13 : vector<512x1024xf32>
    %get3A_14 = arith.constant 0 : index
    %get3A_15 = arith.constant 0 : index
    %get3A_16 = vector.load %arg4[%get3A_14, %get3A_15] : memref<1x1024xf32, #tpu.memory_space<vmem>>, vector<1x1024xf32>
    %add3A_17 = vector.broadcast %get3A_16 : vector<1x1024xf32> to vector<512x1024xf32>
    %add3A_18 = arith.addf %add3A, %add3A_17 : vector<512x1024xf32>
    %gt3A = arith.constant 0.000000e+00 : f32
    %gt3A_19 = vector.broadcast %gt3A : f32 to vector<512x1024xf32>
    %gt3A_20 = arith.cmpf ogt, %add3A_18, %gt3A_19 : vector<512x1024xf32>
    %min3A = arith.constant 0.000000e+00 : f32
    %min3A_21 = vector.broadcast %min3A : f32 to vector<512x1024xf32>
    %min3A_22 = arith.minimumf %add3A_18, %min3A_21 : vector<512x1024xf32>
    %exp3A = math.exp %min3A_22 : vector<512x1024xf32>
    %sub3A = arith.constant 1.000000e+00 : f32
    %sub3A_23 = vector.broadcast %sub3A : f32 to vector<512x1024xf32>
    %sub3A_24 = arith.subf %exp3A, %sub3A_23 : vector<512x1024xf32>
    %select_n3A = arith.select %gt3A_20, %add3A_18, %sub3A_24 : vector<512x1024xi1>, vector<512x1024xf32>
    %slice3A = vector.extract_strided_slice %select_n3A {offsets = [0, 0], sizes = [512, 256], strides = [1, 1]} : vector<512x1024xf32> to vector<512x256xf32>
    %slice3A_25 = vector.extract_strided_slice %select_n3A {offsets = [0, 256], sizes = [512, 256], strides = [1, 1]} : vector<512x1024xf32> to vector<512x256xf32>
    %add3A_26 = arith.addf %slice3A, %slice3A_25 : vector<512x256xf32>
    %slice3A_27 = vector.extract_strided_slice %select_n3A {offsets = [0, 512], sizes = [512, 256], strides = [1, 1]} : vector<512x1024xf32> to vector<512x256xf32>
    %add3A_28 = arith.addf %add3A_26, %slice3A_27 : vector<512x256xf32>
    %slice3A_29 = vector.extract_strided_slice %select_n3A {offsets = [0, 768], sizes = [512, 256], strides = [1, 1]} : vector<512x1024xf32> to vector<512x256xf32>
    %add3A_30 = arith.addf %add3A_28, %slice3A_29 : vector<512x256xf32>
    %mul3A = arith.constant 2.500000e-01 : f32
    %mul3A_31 = vector.broadcast %mul3A : f32 to vector<512x256xf32>
    %mul3A_32 = arith.mulf %add3A_30, %mul3A_31 : vector<512x256xf32>
    %iota3A = tpu.iota {dimensions = array<i32: 0>} : vector<512x1xi32>
    %mul3A_33 = arith.constant 512 : i32
    %mul3A_34 = arith.muli %arg0, %mul3A_33 : i32
    %add3A_35 = vector.broadcast %mul3A_34 : i32 to vector<512x1xi32>
    %add3A_36 = arith.addi %iota3A, %add3A_35 : vector<512x1xi32>
    %iota3A_37 = tpu.iota {dimensions = array<i32: 0>} : vector<8x1xi32>
    %eq3A = arith.constant 0 : i32
    %eq3A_38 = vector.broadcast %eq3A : i32 to vector<8x1xi32>
    %eq3A_39 = arith.cmpi eq, %iota3A_37, %eq3A_38 : vector<8x1xi32>
    %jit3A = arith.constant 1.000000e+00 : f32
    %jit3A_40 = arith.constant 0.000000e+00 : f32
    %broadcast_in_dim3A = vector.broadcast %jit3A : f32 to vector<8x1xf32>
    %broadcast_in_dim3A_41 = vector.broadcast %jit3A_40 : f32 to vector<8x1xf32>
    %select_n3A_42 = arith.select %eq3A_39, %broadcast_in_dim3A, %broadcast_in_dim3A_41 : vector<8x1xi1>, vector<8x1xf32>
    %ge3A = arith.constant 0 : i32
    %ge3A_43 = vector.broadcast %ge3A : i32 to vector<512x1xi32>
    %ge3A_44 = arith.cmpi sge, %add3A_36, %ge3A_43 : vector<512x1xi32>
    %lt3A = arith.constant 2000 : i32
    %lt3A_45 = vector.broadcast %lt3A : i32 to vector<512x1xi32>
    %lt3A_46 = arith.cmpi slt, %add3A_36, %lt3A_45 : vector<512x1xi32>
    %and3A = arith.andi %ge3A_44, %lt3A_46 : vector<512x1xi1>
    %jit3A_47 = arith.constant 0.000000e+00 : f32
    %broadcast_in_dim3A_48 = vector.shape_cast %and3A : vector<512x1xi1> to vector<512x1xi1>
    %broadcast_in_dim3A_49 = vector.broadcast %broadcast_in_dim3A_48 : vector<512x1xi1> to vector<512x256xi1>
    %broadcast_in_dim3A_50 = vector.broadcast %jit3A_47 : f32 to vector<512x256xf32>
    %select_n3A_51 = arith.select %broadcast_in_dim3A_49, %mul3A_32, %broadcast_in_dim3A_50 : vector<512x256xi1>, vector<512x256xf32>
    %reduce_sum3A = arith.constant dense<0.000000e+00> : vector<256xf32>
    %reduce_sum3A_52 = vector.multi_reduction <add>, %select_n3A_51, %reduce_sum3A [0] : vector<512x256xf32> to vector<256xf32>
    %broadcast_in_dim3A_53 = vector.shape_cast %reduce_sum3A_52 : vector<256xf32> to vector<1x256xf32>
    %mul3A_54 = vector.broadcast %broadcast_in_dim3A_53 : vector<1x256xf32> to vector<8x256xf32>
    %mul3A_55 = vector.broadcast %select_n3A_42 : vector<8x1xf32> to vector<8x256xf32>
    %mul3A_56 = arith.mulf %mul3A_54, %mul3A_55 : vector<8x256xf32>
    %ge3A_57 = arith.constant 2048 : i32
    %ge3A_58 = vector.broadcast %ge3A_57 : i32 to vector<512x1xi32>
    %ge3A_59 = arith.cmpi sge, %add3A_36, %ge3A_58 : vector<512x1xi32>
    %lt3A_60 = arith.constant 4048 : i32
    %lt3A_61 = vector.broadcast %lt3A_60 : i32 to vector<512x1xi32>
    %lt3A_62 = arith.cmpi slt, %add3A_36, %lt3A_61 : vector<512x1xi32>
    %and3A_63 = arith.andi %ge3A_59, %lt3A_62 : vector<512x1xi1>
    %jit3A_64 = arith.constant 0.000000e+00 : f32
    %broadcast_in_dim3A_65 = vector.shape_cast %and3A_63 : vector<512x1xi1> to vector<512x1xi1>
    %broadcast_in_dim3A_66 = vector.broadcast %broadcast_in_dim3A_65 : vector<512x1xi1> to vector<512x256xi1>
    %broadcast_in_dim3A_67 = vector.broadcast %jit3A_64 : f32 to vector<512x256xf32>
    %select_n3A_68 = arith.select %broadcast_in_dim3A_66, %mul3A_32, %broadcast_in_dim3A_67 : vector<512x256xi1>, vector<512x256xf32>
    %reduce_sum3A_69 = arith.constant dense<0.000000e+00> : vector<256xf32>
    %reduce_sum3A_70 = vector.multi_reduction <add>, %select_n3A_68, %reduce_sum3A_69 [0] : vector<512x256xf32> to vector<256xf32>
    %broadcast_in_dim3A_71 = vector.shape_cast %reduce_sum3A_70 : vector<256xf32> to vector<1x256xf32>
    %mul3A_72 = vector.broadcast %broadcast_in_dim3A_71 : vector<1x256xf32> to vector<8x256xf32>
    %mul3A_73 = vector.broadcast %select_n3A_42 : vector<8x1xf32> to vector<8x256xf32>
    %mul3A_74 = arith.mulf %mul3A_72, %mul3A_73 : vector<8x256xf32>
    %ge3A_75 = arith.constant 4096 : i32
    %ge3A_76 = vector.broadcast %ge3A_75 : i32 to vector<512x1xi32>
    %ge3A_77 = arith.cmpi sge, %add3A_36, %ge3A_76 : vector<512x1xi32>
    %lt3A_78 = arith.constant 6096 : i32
    %lt3A_79 = vector.broadcast %lt3A_78 : i32 to vector<512x1xi32>
    %lt3A_80 = arith.cmpi slt, %add3A_36, %lt3A_79 : vector<512x1xi32>
    %and3A_81 = arith.andi %ge3A_77, %lt3A_80 : vector<512x1xi1>
    %jit3A_82 = arith.constant 0.000000e+00 : f32
    %broadcast_in_dim3A_83 = vector.shape_cast %and3A_81 : vector<512x1xi1> to vector<512x1xi1>
    %broadcast_in_dim3A_84 = vector.broadcast %broadcast_in_dim3A_83 : vector<512x1xi1> to vector<512x256xi1>
    %broadcast_in_dim3A_85 = vector.broadcast %jit3A_82 : f32 to vector<512x256xf32>
    %select_n3A_86 = arith.select %broadcast_in_dim3A_84, %mul3A_32, %broadcast_in_dim3A_85 : vector<512x256xi1>, vector<512x256xf32>
    %reduce_sum3A_87 = arith.constant dense<0.000000e+00> : vector<256xf32>
    %reduce_sum3A_88 = vector.multi_reduction <add>, %select_n3A_86, %reduce_sum3A_87 [0] : vector<512x256xf32> to vector<256xf32>
    %broadcast_in_dim3A_89 = vector.shape_cast %reduce_sum3A_88 : vector<256xf32> to vector<1x256xf32>
    %mul3A_90 = vector.broadcast %broadcast_in_dim3A_89 : vector<1x256xf32> to vector<8x256xf32>
    %mul3A_91 = vector.broadcast %select_n3A_42 : vector<8x1xf32> to vector<8x256xf32>
    %mul3A_92 = arith.mulf %mul3A_90, %mul3A_91 : vector<8x256xf32>
    %concatenate3A = tpu.concatenate %mul3A_56, %mul3A_74, %mul3A_92 in 0 : vector<8x256xf32>, vector<8x256xf32>, vector<8x256xf32> -> vector<24x256xf32>
    %eq3A_93 = arith.constant 0 : i32
    %eq3A_94 = arith.cmpi eq, %arg0, %eq3A_93 : i32
    %convert_element_type3A = arith.extui %eq3A_94 : i1 to i32
    %cond3A = arith.constant 0 : i32
    %cond3A_95 = arith.cmpi ne, %convert_element_type3A, %cond3A : i32
    scf.if %cond3A_95 {
      %broadcast_in_dim3A_102 = arith.constant 0.000000e+00 : f32
      %broadcast_in_dim3A_103 = vector.broadcast %broadcast_in_dim3A_102 : f32 to vector<24x256xf32>
      %swap3A_104 = arith.constant 0 : index
      %swap3A_105 = arith.constant 0 : index
      %swap3A_106 = vector.load %arg6[%swap3A_104, %swap3A_105] : memref<24x256xf32, #tpu.memory_space<vmem>>, vector<24x256xf32>
      tpu.vector_store %arg6[%swap3A_104, %swap3A_105], %broadcast_in_dim3A_103 {strides = array<i32>} : memref<24x256xf32, #tpu.memory_space<vmem>>, vector<24x256xf32>,
    } else {
    }
    %get3A_96 = arith.constant 0 : index
    %get3A_97 = arith.constant 0 : index
    %get3A_98 = vector.load %arg6[%get3A_96, %get3A_97] : memref<24x256xf32, #tpu.memory_space<vmem>>, vector<24x256xf32>
    %add3A_99 = arith.addf %get3A_98, %concatenate3A : vector<24x256xf32>
    %swap3A = arith.constant 0 : index
    %swap3A_100 = arith.constant 0 : index
    %swap3A_101 = vector.load %arg6[%swap3A, %swap3A_100] : memref<24x256xf32, #tpu.memory_space<vmem>>, vector<24x256xf32>
    tpu.vector_store %arg6[%swap3A, %swap3A_100], %add3A_99 {strides = array<i32>} : memref<24x256xf32, #tpu.memory_space<vmem>>, vector<24x256xf32>,
    return
  }
  func.func @transform_0(%arg0: i32) -> (i32, i32) {
    %c0_i32 = arith.constant 0 : i32
    %c0_i32_0 = arith.constant 0 : i32
    return %arg0, %c0_i32 : i32, i32
  }
  func.func @transform_1(%arg0: i32) -> (i32, i32) {
    %c0_i32 = arith.constant 0 : i32
    %c0_i32_0 = arith.constant 0 : i32
    return %arg0, %c0_i32 : i32, i32
  }
  func.func @transform_2(%arg0: i32) -> (i32, i32) {
    %c0_i32 = arith.constant 0 : i32
    %c0_i32_0 = arith.constant 0 : i32
    return %arg0, %c0_i32 : i32, i32
  }
  func.func @transform_3(%arg0: i32) -> (i32, i32) {
    %c0_i32 = arith.constant 0 : i32
    %c0_i32_0 = arith.constant 0 : i32
    %c0_i32_1 = arith.constant 0 : i32
    return %c0_i32, %c0_i32_0 : i32, i32
  }
  func.func @transform_4(%arg0: i32) -> (i32, i32) {
    %c0_i32 = arith.constant 0 : i32
    %c0_i32_0 = arith.constant 0 : i32
    %c0_i32_1 = arith.constant 0 : i32
    return %c0_i32, %c0_i32_0 : i32, i32
  }
  func.func @transform_5(%arg0: i32) -> (i32, i32) {
    %c0_i32 = arith.constant 0 : i32
    %c0_i32_0 = arith.constant 0 : i32
    %c0_i32_1 = arith.constant 0 : i32
    return %c0_i32, %c0_i32_0 : i32, i32
  }
}

module attributes {stable_mosaic.version = 14 : i64} {
  func.func @body(%arg0: i32, %arg1: memref<512x1024xf32, #tpu.memory_space<vmem>>, %arg2: memref<512x4xf32, #tpu.memory_space<vmem>>, %arg3: memref<512x1024xf32, #tpu.memory_space<vmem>>, %arg4: memref<1x1024xf32, #tpu.memory_space<vmem>>, %arg5: memref<4x1024xf32, #tpu.memory_space<vmem>>, %arg6: memref<8x256xf32, #tpu.memory_space<vmem>>) attributes {dimension_semantics = [#tpu.dimension_semantics<arbitrary>], iteration_bounds = array<i64: 20>, scalar_prefetch = 0 : i64, scratch_operands = 0 : i64, tpu.core_type = #tpu.core_type<tc>, window_params = [{transform_indices = @transform_0, window_bounds = array<i64: 512, 1024>}, {transform_indices = @transform_1, window_bounds = array<i64: 512, 4>}, {transform_indices = @transform_2, window_bounds = array<i64: 512, 1024>}, {pipeline_mode = #tpu.pipeline_mode<synchronous>, transform_indices = @transform_3, window_bounds = array<i64: 1, 1024>}, {pipeline_mode = #tpu.pipeline_mode<synchronous>, transform_indices = @transform_4, window_bounds = array<i64: 4, 1024>}, {pipeline_mode = #tpu.pipeline_mode<synchronous>, transform_indices = @transform_5, window_bounds = array<i64: 8, 256>}]} {
    %get3A = arith.constant 0 : index
    %get3A_0 = arith.constant 0 : index
    %get3A_1 = vector.load %arg2[%get3A, %get3A_0] : memref<512x4xf32, #tpu.memory_space<vmem>>, vector<512x4xf32>
    %get3A_2 = arith.constant 0 : index
    %get3A_3 = arith.constant 0 : index
    %get3A_4 = vector.load %arg5[%get3A_2, %get3A_3] : memref<4x1024xf32, #tpu.memory_space<vmem>>, vector<4x1024xf32>
    %dot_general3A = arith.constant dense<0.000000e+00> : vector<512x1024xf32>
    %dot_general3A_5 = tpu.matmul %get3A_1, %get3A_4, %dot_general3A {dimension_numbers = #tpu.dot_dimension_numbers<[1], [0], [0], [1], [0, 0, 1, 1], [], []>, transpose_lhs_hint = false} : vector<512x4xf32>, vector<4x1024xf32>, vector<512x1024xf32> -> vector<512x1024xf32>
    %max3A = arith.constant 9.99999971E-10 : f32
    %max3A_6 = vector.broadcast %max3A : f32 to vector<512x1024xf32>
    %max3A_7 = arith.maximumf %dot_general3A_5, %max3A_6 : vector<512x1024xf32>
    %get3A_8 = arith.constant 0 : index
    %get3A_9 = arith.constant 0 : index
    %get3A_10 = vector.load %arg1[%get3A_8, %get3A_9] : memref<512x1024xf32, #tpu.memory_space<vmem>>, vector<512x1024xf32>
    %div3A = arith.divf %get3A_10, %max3A_7 : vector<512x1024xf32>
    %get3A_11 = arith.constant 0 : index
    %get3A_12 = arith.constant 0 : index
    %get3A_13 = vector.load %arg3[%get3A_11, %get3A_12] : memref<512x1024xf32, #tpu.memory_space<vmem>>, vector<512x1024xf32>
    %add3A = arith.addf %div3A, %get3A_13 : vector<512x1024xf32>
    %get3A_14 = arith.constant 0 : index
    %get3A_15 = arith.constant 0 : index
    %get3A_16 = vector.load %arg4[%get3A_14, %get3A_15] : memref<1x1024xf32, #tpu.memory_space<vmem>>, vector<1x1024xf32>
    %add3A_17 = vector.broadcast %get3A_16 : vector<1x1024xf32> to vector<512x1024xf32>
    %add3A_18 = arith.addf %add3A, %add3A_17 : vector<512x1024xf32>
    %gt3A = arith.constant 0.000000e+00 : f32
    %gt3A_19 = vector.broadcast %gt3A : f32 to vector<512x1024xf32>
    %gt3A_20 = arith.cmpf ogt, %add3A_18, %gt3A_19 : vector<512x1024xf32>
    %min3A = arith.constant 0.000000e+00 : f32
    %min3A_21 = vector.broadcast %min3A : f32 to vector<512x1024xf32>
    %min3A_22 = arith.minimumf %add3A_18, %min3A_21 : vector<512x1024xf32>
    %exp3A = math.exp %min3A_22 : vector<512x1024xf32>
    %sub3A = arith.constant 1.000000e+00 : f32
    %sub3A_23 = vector.broadcast %sub3A : f32 to vector<512x1024xf32>
    %sub3A_24 = arith.subf %exp3A, %sub3A_23 : vector<512x1024xf32>
    %select_n3A = arith.select %gt3A_20, %add3A_18, %sub3A_24 : vector<512x1024xi1>, vector<512x1024xf32>
    %slice3A = vector.extract_strided_slice %select_n3A {offsets = [0, 0], sizes = [512, 256], strides = [1, 1]} : vector<512x1024xf32> to vector<512x256xf32>
    %slice3A_25 = vector.extract_strided_slice %select_n3A {offsets = [0, 256], sizes = [512, 256], strides = [1, 1]} : vector<512x1024xf32> to vector<512x256xf32>
    %add3A_26 = arith.addf %slice3A, %slice3A_25 : vector<512x256xf32>
    %slice3A_27 = vector.extract_strided_slice %select_n3A {offsets = [0, 512], sizes = [512, 256], strides = [1, 1]} : vector<512x1024xf32> to vector<512x256xf32>
    %add3A_28 = arith.addf %add3A_26, %slice3A_27 : vector<512x256xf32>
    %slice3A_29 = vector.extract_strided_slice %select_n3A {offsets = [0, 768], sizes = [512, 256], strides = [1, 1]} : vector<512x1024xf32> to vector<512x256xf32>
    %add3A_30 = arith.addf %add3A_28, %slice3A_29 : vector<512x256xf32>
    %mul3A = arith.constant 2.500000e-01 : f32
    %mul3A_31 = vector.broadcast %mul3A : f32 to vector<512x256xf32>
    %mul3A_32 = arith.mulf %add3A_30, %mul3A_31 : vector<512x256xf32>
    %iota3A = tpu.iota {dimensions = array<i32: 0>} : vector<512x1xi32>
    %mul3A_33 = arith.constant 512 : i32
    %mul3A_34 = arith.muli %arg0, %mul3A_33 : i32
    %add3A_35 = vector.broadcast %mul3A_34 : i32 to vector<512x1xi32>
    %add3A_36 = arith.addi %iota3A, %add3A_35 : vector<512x1xi32>
    %iota3A_37 = tpu.iota {dimensions = array<i32: 0>} : vector<8x1xi32>
    %eq3A = arith.constant 0 : i32
    %eq3A_38 = vector.broadcast %eq3A : i32 to vector<8x1xi32>
    %eq3A_39 = arith.cmpi eq, %iota3A_37, %eq3A_38 : vector<8x1xi32>
    %jit3A = arith.constant 1.000000e+00 : f32
    %jit3A_40 = arith.constant 0.000000e+00 : f32
    %broadcast_in_dim3A = vector.broadcast %jit3A : f32 to vector<8x1xf32>
    %broadcast_in_dim3A_41 = vector.broadcast %jit3A_40 : f32 to vector<8x1xf32>
    %select_n3A_42 = arith.select %eq3A_39, %broadcast_in_dim3A, %broadcast_in_dim3A_41 : vector<8x1xi1>, vector<8x1xf32>
    %ge3A = arith.constant 0 : i32
    %ge3A_43 = vector.broadcast %ge3A : i32 to vector<512x1xi32>
    %ge3A_44 = arith.cmpi sge, %add3A_36, %ge3A_43 : vector<512x1xi32>
    %lt3A = arith.constant 10000 : i32
    %lt3A_45 = vector.broadcast %lt3A : i32 to vector<512x1xi32>
    %lt3A_46 = arith.cmpi slt, %add3A_36, %lt3A_45 : vector<512x1xi32>
    %and3A = arith.andi %ge3A_44, %lt3A_46 : vector<512x1xi1>
    %jit3A_47 = arith.constant 0.000000e+00 : f32
    %broadcast_in_dim3A_48 = vector.shape_cast %and3A : vector<512x1xi1> to vector<512x1xi1>
    %broadcast_in_dim3A_49 = vector.broadcast %broadcast_in_dim3A_48 : vector<512x1xi1> to vector<512x256xi1>
    %broadcast_in_dim3A_50 = vector.broadcast %jit3A_47 : f32 to vector<512x256xf32>
    %select_n3A_51 = arith.select %broadcast_in_dim3A_49, %mul3A_32, %broadcast_in_dim3A_50 : vector<512x256xi1>, vector<512x256xf32>
    %reduce_sum3A = arith.constant dense<0.000000e+00> : vector<256xf32>
    %reduce_sum3A_52 = vector.multi_reduction <add>, %select_n3A_51, %reduce_sum3A [0] : vector<512x256xf32> to vector<256xf32>
    %broadcast_in_dim3A_53 = vector.shape_cast %reduce_sum3A_52 : vector<256xf32> to vector<1x256xf32>
    %mul3A_54 = vector.broadcast %broadcast_in_dim3A_53 : vector<1x256xf32> to vector<8x256xf32>
    %mul3A_55 = vector.broadcast %select_n3A_42 : vector<8x1xf32> to vector<8x256xf32>
    %mul3A_56 = arith.mulf %mul3A_54, %mul3A_55 : vector<8x256xf32>
    %eq3A_57 = arith.constant 0 : i32
    %eq3A_58 = arith.cmpi eq, %arg0, %eq3A_57 : i32
    %convert_element_type3A = arith.extui %eq3A_58 : i1 to i32
    %cond3A = arith.constant 0 : i32
    %cond3A_59 = arith.cmpi ne, %convert_element_type3A, %cond3A : i32
    scf.if %cond3A_59 {
      %broadcast_in_dim3A_66 = arith.constant 0.000000e+00 : f32
      %broadcast_in_dim3A_67 = vector.broadcast %broadcast_in_dim3A_66 : f32 to vector<8x256xf32>
      %swap3A_68 = arith.constant 0 : index
      %swap3A_69 = arith.constant 0 : index
      %swap3A_70 = vector.load %arg6[%swap3A_68, %swap3A_69] : memref<8x256xf32, #tpu.memory_space<vmem>>, vector<8x256xf32>
      tpu.vector_store %arg6[%swap3A_68, %swap3A_69], %broadcast_in_dim3A_67 {strides = array<i32>} : memref<8x256xf32, #tpu.memory_space<vmem>>, vector<8x256xf32>,
    } else {
    }
    %get3A_60 = arith.constant 0 : index
    %get3A_61 = arith.constant 0 : index
    %get3A_62 = vector.load %arg6[%get3A_60, %get3A_61] : memref<8x256xf32, #tpu.memory_space<vmem>>, vector<8x256xf32>
    %add3A_63 = arith.addf %get3A_62, %mul3A_56 : vector<8x256xf32>
    %swap3A = arith.constant 0 : index
    %swap3A_64 = arith.constant 0 : index
    %swap3A_65 = vector.load %arg6[%swap3A, %swap3A_64] : memref<8x256xf32, #tpu.memory_space<vmem>>, vector<8x256xf32>
    tpu.vector_store %arg6[%swap3A, %swap3A_64], %add3A_63 {strides = array<i32>} : memref<8x256xf32, #tpu.memory_space<vmem>>, vector<8x256xf32>,
    return
  }
  func.func @transform_0(%arg0: i32) -> (i32, i32) {
    %c0_i32 = arith.constant 0 : i32
    %c0_i32_0 = arith.constant 0 : i32
    return %arg0, %c0_i32 : i32, i32
  }
  func.func @transform_1(%arg0: i32) -> (i32, i32) {
    %c0_i32 = arith.constant 0 : i32
    %c0_i32_0 = arith.constant 0 : i32
    return %arg0, %c0_i32 : i32, i32
  }
  func.func @transform_2(%arg0: i32) -> (i32, i32) {
    %c0_i32 = arith.constant 0 : i32
    %c0_i32_0 = arith.constant 0 : i32
    return %arg0, %c0_i32 : i32, i32
  }
  func.func @transform_3(%arg0: i32) -> (i32, i32) {
    %c0_i32 = arith.constant 0 : i32
    %c0_i32_0 = arith.constant 0 : i32
    %c0_i32_1 = arith.constant 0 : i32
    return %c0_i32, %c0_i32_0 : i32, i32
  }
  func.func @transform_4(%arg0: i32) -> (i32, i32) {
    %c0_i32 = arith.constant 0 : i32
    %c0_i32_0 = arith.constant 0 : i32
    %c0_i32_1 = arith.constant 0 : i32
    return %c0_i32, %c0_i32_0 : i32, i32
  }
  func.func @transform_5(%arg0: i32) -> (i32, i32) {
    %c0_i32 = arith.constant 0 : i32
    %c0_i32_0 = arith.constant 0 : i32
    %c0_i32_1 = arith.constant 0 : i32
    return %c0_i32, %c0_i32_0 : i32, i32
  }
}

module attributes {stable_mosaic.version = 14 : i64} {
  func.func @_tail_body(%arg0: memref<1x256xf32, #tpu.memory_space<vmem>>, %arg1: memref<1x256xf32, #tpu.memory_space<vmem>>, %arg2: memref<1x256xf32, #tpu.memory_space<vmem>>, %arg3: memref<1x256xf32, #tpu.memory_space<vmem>>, %arg4: memref<256x256xf32, #tpu.memory_space<vmem>>, %arg5: memref<1x256xf32, #tpu.memory_space<vmem>>, %arg6: memref<768x256xf32, #tpu.memory_space<vmem>>, %arg7: memref<1x256xf32, #tpu.memory_space<vmem>>, %arg8: memref<1x3xf32, #tpu.memory_space<vmem>>, %arg9: memref<1x256xf32, #tpu.memory_space<vmem>>, %arg10: memref<1x256xf32, #tpu.memory_space<vmem>>, %arg11: memref<256x768xf32, #tpu.memory_space<vmem>>, %arg12: memref<256x768xf32, #tpu.memory_space<vmem>>, %arg13: memref<1x768xf32, #tpu.memory_space<vmem>>, %arg14: memref<1x768xf32, #tpu.memory_space<vmem>>, %arg15: memref<256x3xf32, #tpu.memory_space<vmem>>, %arg16: memref<1x3xf32, #tpu.memory_space<vmem>>, %arg17: memref<512x768xf32, #tpu.memory_space<vmem>>, %arg18: memref<256x768xf32, #tpu.memory_space<vmem>>, %arg19: memref<1x768xf32, #tpu.memory_space<vmem>>, %arg20: memref<1x768xf32, #tpu.memory_space<vmem>>, %arg21: memref<256x1xf32, #tpu.memory_space<vmem>>, %arg22: memref<1x1xf32, #tpu.memory_space<vmem>>, %arg23: memref<512x1xf32, #tpu.memory_space<vmem>>, %arg24: memref<1x1xf32, #tpu.memory_space<vmem>>, %arg25: memref<256x1xf32, #tpu.memory_space<vmem>>, %arg26: memref<1x1xf32, #tpu.memory_space<vmem>>, %arg27: memref<256x1xf32, #tpu.memory_space<vmem>>, %arg28: memref<1x1xf32, #tpu.memory_space<vmem>>, %arg29: memref<512x2xf32, #tpu.memory_space<vmem>>, %arg30: memref<1x2xf32, #tpu.memory_space<vmem>>, %arg31: memref<1x2xf32, #tpu.memory_space<vmem>>, %arg32: memref<1x3xf32, #tpu.memory_space<vmem>>, %arg33: memref<1x1xf32, #tpu.memory_space<vmem>>) attributes {dimension_semantics = [], scalar_prefetch = 0 : i64, scratch_operands = 0 : i64, tpu.core_type = #tpu.core_type<tc>} {
    %get3A = arith.constant 0 : index
    %get3A_0 = arith.constant 0 : index
    %get3A_1 = vector.load %arg0[%get3A, %get3A_0] : memref<1x256xf32, #tpu.memory_space<vmem>>, vector<1x256xf32>
    %get3A_2 = arith.constant 0 : index
    %get3A_3 = arith.constant 0 : index
    %get3A_4 = vector.load %arg1[%get3A_2, %get3A_3] : memref<1x256xf32, #tpu.memory_space<vmem>>, vector<1x256xf32>
    %get3A_5 = arith.constant 0 : index
    %get3A_6 = arith.constant 0 : index
    %get3A_7 = vector.load %arg2[%get3A_5, %get3A_6] : memref<1x256xf32, #tpu.memory_space<vmem>>, vector<1x256xf32>
    %get3A_8 = arith.constant 0 : index
    %get3A_9 = arith.constant 0 : index
    %get3A_10 = vector.load %arg3[%get3A_8, %get3A_9] : memref<1x256xf32, #tpu.memory_space<vmem>>, vector<1x256xf32>
    %get3A_11 = arith.constant 0 : index
    %get3A_12 = arith.constant 0 : index
    %get3A_13 = vector.load %arg4[%get3A_11, %get3A_12] : memref<256x256xf32, #tpu.memory_space<vmem>>, vector<256x256xf32>
    %get3A_14 = arith.constant 0 : index
    %get3A_15 = arith.constant 0 : index
    %get3A_16 = vector.load %arg5[%get3A_14, %get3A_15] : memref<1x256xf32, #tpu.memory_space<vmem>>, vector<1x256xf32>
    %dot_general3A = arith.constant dense<0.000000e+00> : vector<1x256xf32>
    %dot_general3A_17 = tpu.matmul %get3A_1, %get3A_13, %dot_general3A {dimension_numbers = #tpu.dot_dimension_numbers<[1], [0], [0], [1], [0, 0, 1, 1], [], []>, transpose_lhs_hint = false} : vector<1x256xf32>, vector<256x256xf32>, vector<1x256xf32> -> vector<1x256xf32>
    %add3A = arith.addf %dot_general3A_17, %get3A_16 : vector<1x256xf32>
    %dot_general3A_18 = arith.constant dense<0.000000e+00> : vector<1x256xf32>
    %dot_general3A_19 = tpu.matmul %get3A_4, %get3A_13, %dot_general3A_18 {dimension_numbers = #tpu.dot_dimension_numbers<[1], [0], [0], [1], [0, 0, 1, 1], [], []>, transpose_lhs_hint = false} : vector<1x256xf32>, vector<256x256xf32>, vector<1x256xf32> -> vector<1x256xf32>
    %add3A_20 = arith.addf %dot_general3A_19, %get3A_16 : vector<1x256xf32>
    %dot_general3A_21 = arith.constant dense<0.000000e+00> : vector<1x256xf32>
    %dot_general3A_22 = tpu.matmul %get3A_7, %get3A_13, %dot_general3A_21 {dimension_numbers = #tpu.dot_dimension_numbers<[1], [0], [0], [1], [0, 0, 1, 1], [], []>, transpose_lhs_hint = false} : vector<1x256xf32>, vector<256x256xf32>, vector<1x256xf32> -> vector<1x256xf32>
    %add3A_23 = arith.addf %dot_general3A_22, %get3A_16 : vector<1x256xf32>
    %dot_general3A_24 = arith.constant dense<0.000000e+00> : vector<1x256xf32>
    %dot_general3A_25 = tpu.matmul %get3A_10, %get3A_13, %dot_general3A_24 {dimension_numbers = #tpu.dot_dimension_numbers<[1], [0], [0], [1], [0, 0, 1, 1], [], []>, transpose_lhs_hint = false} : vector<1x256xf32>, vector<256x256xf32>, vector<1x256xf32> -> vector<1x256xf32>
    %add3A_26 = arith.addf %dot_general3A_25, %get3A_16 : vector<1x256xf32>
    %get3A_27 = arith.constant 0 : index
    %get3A_28 = arith.constant 0 : index
    %get3A_29 = vector.load %arg8[%get3A_27, %get3A_28] : memref<1x3xf32, #tpu.memory_space<vmem>>, vector<1x3xf32>
    %reduce_max3A = arith.constant dense<0xFF800000> : vector<1xf32>
    %reduce_max3A_30 = vector.multi_reduction <maximumf>, %get3A_29, %reduce_max3A [1] : vector<1x3xf32> to vector<1xf32>
    %max3A = arith.constant 0xFF800000 : f32
    %max3A_31 = vector.broadcast %max3A : f32 to vector<1xf32>
    %max3A_32 = arith.maximumf %max3A_31, %reduce_max3A_30 : vector<1xf32>
    %broadcast_in_dim3A = vector.shape_cast %max3A_32 : vector<1xf32> to vector<1x1xf32>
    %sub3A = vector.broadcast %broadcast_in_dim3A : vector<1x1xf32> to vector<1x3xf32>
    %sub3A_33 = arith.subf %get3A_29, %sub3A : vector<1x3xf32>
    %exp3A = math.exp %sub3A_33 : vector<1x3xf32>
    %reduce_sum3A = arith.constant dense<0.000000e+00> : vector<1xf32>
    %reduce_sum3A_34 = vector.multi_reduction <add>, %exp3A, %reduce_sum3A [1] : vector<1x3xf32> to vector<1xf32>
    %broadcast_in_dim3A_35 = vector.shape_cast %reduce_sum3A_34 : vector<1xf32> to vector<1x1xf32>
    %div3A = vector.broadcast %broadcast_in_dim3A_35 : vector<1x1xf32> to vector<1x3xf32>
    %div3A_36 = arith.divf %exp3A, %div3A : vector<1x3xf32>
    %get3A_37 = arith.constant 0 : index
    %get3A_38 = arith.constant 0 : index
    %get3A_39 = vector.load %arg9[%get3A_37, %get3A_38] : memref<1x256xf32, #tpu.memory_space<vmem>>, vector<1x256xf32>
    %get3A_40 = arith.constant 0 : index
    %get3A_41 = arith.constant 0 : index
    %get3A_42 = vector.load %arg10[%get3A_40, %get3A_41] : memref<1x256xf32, #tpu.memory_space<vmem>>, vector<1x256xf32>
    %broadcast_in_dim3A_43 = arith.constant 0.000000e+00 : f32
    %broadcast_in_dim3A_44 = vector.broadcast %broadcast_in_dim3A_43 : f32 to vector<1x256xf32>
    %slice3A = vector.extract_strided_slice %div3A_36 {offsets = [0, 0], sizes = [1, 1], strides = [1, 1]} : vector<1x3xf32> to vector<1x1xf32>
    %squeeze3A = vector.extract %slice3A[0, 0] : f32 from vector<1x1xf32>
    %sub3A_45 = arith.subf %add3A, %add3A_20 : vector<1x256xf32>
    %abs3A = math.absf %sub3A_45 : vector<1x256xf32>
    %reduce_sum3A_46 = arith.constant dense<0.000000e+00> : vector<1xf32>
    %reduce_sum3A_47 = vector.multi_reduction <add>, %abs3A, %reduce_sum3A_46 [1] : vector<1x256xf32> to vector<1xf32>
    %broadcast_in_dim3A_48 = vector.shape_cast %reduce_sum3A_47 : vector<1xf32> to vector<1x1xf32>
    %div3A_49 = arith.constant 2.560000e+02 : f32
    %div3A_50 = vector.broadcast %div3A_49 : f32 to vector<1x1xf32>
    %div3A_51 = arith.divf %broadcast_in_dim3A_48, %div3A_50 : vector<1x1xf32>
    %jit3A = arith.constant 0 : i32
    %reduce_sum3A_52 = arith.constant dense<0.000000e+00> : vector<1xf32>
    %reduce_sum3A_53 = vector.multi_reduction <add>, %abs3A, %reduce_sum3A_52 [1] : vector<1x256xf32> to vector<1xf32>
    %broadcast_in_dim3A_54 = vector.shape_cast %reduce_sum3A_53 : vector<1xf32> to vector<1x1xf32>
    %div3A_55 = arith.constant 2.560000e+02 : f32
    %div3A_56 = vector.broadcast %div3A_55 : f32 to vector<1x1xf32>
    %div3A_57 = arith.divf %broadcast_in_dim3A_54, %div3A_56 : vector<1x1xf32>
    %sub3A_58 = vector.broadcast %div3A_57 : vector<1x1xf32> to vector<1x256xf32>
    %sub3A_59 = arith.subf %abs3A, %sub3A_58 : vector<1x256xf32>
    %square3A = arith.mulf %sub3A_59, %sub3A_59 : vector<1x256xf32>
    %convert_element_type3A = arith.sitofp %jit3A : i32 to f32
    %sub3A_60 = arith.constant 2.560000e+02 : f32
    %sub3A_61 = arith.subf %sub3A_60, %convert_element_type3A : f32
    %reduce_sum3A_62 = arith.constant dense<0.000000e+00> : vector<1xf32>
    %reduce_sum3A_63 = vector.multi_reduction <add>, %square3A, %reduce_sum3A_62 [1] : vector<1x256xf32> to vector<1xf32>
    %broadcast_in_dim3A_64 = vector.shape_cast %reduce_sum3A_63 : vector<1xf32> to vector<1x1xf32>
    %div3A_65 = vector.broadcast %sub3A_61 : f32 to vector<1x1xf32>
    %div3A_66 = arith.divf %broadcast_in_dim3A_64, %div3A_65 : vector<1x1xf32>
    %gt3A = arith.constant 0.000000e+00 : f32
    %gt3A_67 = arith.cmpf ogt, %sub3A_61, %gt3A : f32
    %jit3A_68 = arith.constant 0x7FC00000 : f32
    %broadcast_in_dim3A_69 = vector.broadcast %jit3A_68 : f32 to vector<1x1xf32>
    %select_n3A = arith.select %gt3A_67, %div3A_66, %broadcast_in_dim3A_69 : vector<1x1xf32>
    %sub3A_70 = vector.broadcast %div3A_51 : vector<1x1xf32> to vector<1x256xf32>
    %sub3A_71 = arith.subf %abs3A, %sub3A_70 : vector<1x256xf32>
    %add3A_72 = arith.constant 9.99999974E-6 : f32
    %add3A_73 = vector.broadcast %add3A_72 : f32 to vector<1x1xf32>
    %add3A_74 = arith.addf %select_n3A, %add3A_73 : vector<1x1xf32>
    %sqrt3A = math.sqrt %add3A_74 : vector<1x1xf32>
    %div3A_75 = vector.broadcast %sqrt3A : vector<1x1xf32> to vector<1x256xf32>
    %div3A_76 = arith.divf %sub3A_71, %div3A_75 : vector<1x256xf32>
    %mul3A = arith.mulf %div3A_76, %get3A_39 : vector<1x256xf32>
    %add3A_77 = arith.addf %mul3A, %get3A_42 : vector<1x256xf32>
    %mul3A_78 = vector.broadcast %squeeze3A : f32 to vector<1x256xf32>
    %mul3A_79 = arith.mulf %mul3A_78, %add3A_77 : vector<1x256xf32>
    %add3A_80 = arith.addf %broadcast_in_dim3A_44, %mul3A_79 : vector<1x256xf32>
    %slice3A_81 = vector.extract_strided_slice %div3A_36 {offsets = [0, 1], sizes = [1, 1], strides = [1, 1]} : vector<1x3xf32> to vector<1x1xf32>
    %squeeze3A_82 = vector.extract %slice3A_81[0, 0] : f32 from vector<1x1xf32>
    %sub3A_83 = arith.subf %add3A, %add3A_23 : vector<1x256xf32>
    %abs3A_84 = math.absf %sub3A_83 : vector<1x256xf32>
    %reduce_sum3A_85 = arith.constant dense<0.000000e+00> : vector<1xf32>
    %reduce_sum3A_86 = vector.multi_reduction <add>, %abs3A_84, %reduce_sum3A_85 [1] : vector<1x256xf32> to vector<1xf32>
    %broadcast_in_dim3A_87 = vector.shape_cast %reduce_sum3A_86 : vector<1xf32> to vector<1x1xf32>
    %div3A_88 = arith.constant 2.560000e+02 : f32
    %div3A_89 = vector.broadcast %div3A_88 : f32 to vector<1x1xf32>
    %div3A_90 = arith.divf %broadcast_in_dim3A_87, %div3A_89 : vector<1x1xf32>
    %jit3A_91 = arith.constant 0 : i32
    %reduce_sum3A_92 = arith.constant dense<0.000000e+00> : vector<1xf32>
    %reduce_sum3A_93 = vector.multi_reduction <add>, %abs3A_84, %reduce_sum3A_92 [1] : vector<1x256xf32> to vector<1xf32>
    %broadcast_in_dim3A_94 = vector.shape_cast %reduce_sum3A_93 : vector<1xf32> to vector<1x1xf32>
    %div3A_95 = arith.constant 2.560000e+02 : f32
    %div3A_96 = vector.broadcast %div3A_95 : f32 to vector<1x1xf32>
    %div3A_97 = arith.divf %broadcast_in_dim3A_94, %div3A_96 : vector<1x1xf32>
    %sub3A_98 = vector.broadcast %div3A_97 : vector<1x1xf32> to vector<1x256xf32>
    %sub3A_99 = arith.subf %abs3A_84, %sub3A_98 : vector<1x256xf32>
    %square3A_100 = arith.mulf %sub3A_99, %sub3A_99 : vector<1x256xf32>
    %convert_element_type3A_101 = arith.sitofp %jit3A_91 : i32 to f32
    %sub3A_102 = arith.constant 2.560000e+02 : f32
    %sub3A_103 = arith.subf %sub3A_102, %convert_element_type3A_101 : f32
    %reduce_sum3A_104 = arith.constant dense<0.000000e+00> : vector<1xf32>
    %reduce_sum3A_105 = vector.multi_reduction <add>, %square3A_100, %reduce_sum3A_104 [1] : vector<1x256xf32> to vector<1xf32>
    %broadcast_in_dim3A_106 = vector.shape_cast %reduce_sum3A_105 : vector<1xf32> to vector<1x1xf32>
    %div3A_107 = vector.broadcast %sub3A_103 : f32 to vector<1x1xf32>
    %div3A_108 = arith.divf %broadcast_in_dim3A_106, %div3A_107 : vector<1x1xf32>
    %gt3A_109 = arith.constant 0.000000e+00 : f32
    %gt3A_110 = arith.cmpf ogt, %sub3A_103, %gt3A_109 : f32
    %jit3A_111 = arith.constant 0x7FC00000 : f32
    %broadcast_in_dim3A_112 = vector.broadcast %jit3A_111 : f32 to vector<1x1xf32>
    %select_n3A_113 = arith.select %gt3A_110, %div3A_108, %broadcast_in_dim3A_112 : vector<1x1xf32>
    %sub3A_114 = vector.broadcast %div3A_90 : vector<1x1xf32> to vector<1x256xf32>
    %sub3A_115 = arith.subf %abs3A_84, %sub3A_114 : vector<1x256xf32>
    %add3A_116 = arith.constant 9.99999974E-6 : f32
    %add3A_117 = vector.broadcast %add3A_116 : f32 to vector<1x1xf32>
    %add3A_118 = arith.addf %select_n3A_113, %add3A_117 : vector<1x1xf32>
    %sqrt3A_119 = math.sqrt %add3A_118 : vector<1x1xf32>
    %div3A_120 = vector.broadcast %sqrt3A_119 : vector<1x1xf32> to vector<1x256xf32>
    %div3A_121 = arith.divf %sub3A_115, %div3A_120 : vector<1x256xf32>
    %mul3A_122 = arith.mulf %div3A_121, %get3A_39 : vector<1x256xf32>
    %add3A_123 = arith.addf %mul3A_122, %get3A_42 : vector<1x256xf32>
    %mul3A_124 = vector.broadcast %squeeze3A_82 : f32 to vector<1x256xf32>
    %mul3A_125 = arith.mulf %mul3A_124, %add3A_123 : vector<1x256xf32>
    %add3A_126 = arith.addf %add3A_80, %mul3A_125 : vector<1x256xf32>
    %slice3A_127 = vector.extract_strided_slice %div3A_36 {offsets = [0, 2], sizes = [1, 1], strides = [1, 1]} : vector<1x3xf32> to vector<1x1xf32>
    %squeeze3A_128 = vector.extract %slice3A_127[0, 0] : f32 from vector<1x1xf32>
    %sub3A_129 = arith.subf %add3A, %add3A_26 : vector<1x256xf32>
    %abs3A_130 = math.absf %sub3A_129 : vector<1x256xf32>
    %reduce_sum3A_131 = arith.constant dense<0.000000e+00> : vector<1xf32>
    %reduce_sum3A_132 = vector.multi_reduction <add>, %abs3A_130, %reduce_sum3A_131 [1] : vector<1x256xf32> to vector<1xf32>
    %broadcast_in_dim3A_133 = vector.shape_cast %reduce_sum3A_132 : vector<1xf32> to vector<1x1xf32>
    %div3A_134 = arith.constant 2.560000e+02 : f32
    %div3A_135 = vector.broadcast %div3A_134 : f32 to vector<1x1xf32>
    %div3A_136 = arith.divf %broadcast_in_dim3A_133, %div3A_135 : vector<1x1xf32>
    %jit3A_137 = arith.constant 0 : i32
    %reduce_sum3A_138 = arith.constant dense<0.000000e+00> : vector<1xf32>
    %reduce_sum3A_139 = vector.multi_reduction <add>, %abs3A_130, %reduce_sum3A_138 [1] : vector<1x256xf32> to vector<1xf32>
    %broadcast_in_dim3A_140 = vector.shape_cast %reduce_sum3A_139 : vector<1xf32> to vector<1x1xf32>
    %div3A_141 = arith.constant 2.560000e+02 : f32
    %div3A_142 = vector.broadcast %div3A_141 : f32 to vector<1x1xf32>
    %div3A_143 = arith.divf %broadcast_in_dim3A_140, %div3A_142 : vector<1x1xf32>
    %sub3A_144 = vector.broadcast %div3A_143 : vector<1x1xf32> to vector<1x256xf32>
    %sub3A_145 = arith.subf %abs3A_130, %sub3A_144 : vector<1x256xf32>
    %square3A_146 = arith.mulf %sub3A_145, %sub3A_145 : vector<1x256xf32>
    %convert_element_type3A_147 = arith.sitofp %jit3A_137 : i32 to f32
    %sub3A_148 = arith.constant 2.560000e+02 : f32
    %sub3A_149 = arith.subf %sub3A_148, %convert_element_type3A_147 : f32
    %reduce_sum3A_150 = arith.constant dense<0.000000e+00> : vector<1xf32>
    %reduce_sum3A_151 = vector.multi_reduction <add>, %square3A_146, %reduce_sum3A_150 [1] : vector<1x256xf32> to vector<1xf32>
    %broadcast_in_dim3A_152 = vector.shape_cast %reduce_sum3A_151 : vector<1xf32> to vector<1x1xf32>
    %div3A_153 = vector.broadcast %sub3A_149 : f32 to vector<1x1xf32>
    %div3A_154 = arith.divf %broadcast_in_dim3A_152, %div3A_153 : vector<1x1xf32>
    %gt3A_155 = arith.constant 0.000000e+00 : f32
    %gt3A_156 = arith.cmpf ogt, %sub3A_149, %gt3A_155 : f32
    %jit3A_157 = arith.constant 0x7FC00000 : f32
    %broadcast_in_dim3A_158 = vector.broadcast %jit3A_157 : f32 to vector<1x1xf32>
    %select_n3A_159 = arith.select %gt3A_156, %div3A_154, %broadcast_in_dim3A_158 : vector<1x1xf32>
    %sub3A_160 = vector.broadcast %div3A_136 : vector<1x1xf32> to vector<1x256xf32>
    %sub3A_161 = arith.subf %abs3A_130, %sub3A_160 : vector<1x256xf32>
    %add3A_162 = arith.constant 9.99999974E-6 : f32
    %add3A_163 = vector.broadcast %add3A_162 : f32 to vector<1x1xf32>
    %add3A_164 = arith.addf %select_n3A_159, %add3A_163 : vector<1x1xf32>
    %sqrt3A_165 = math.sqrt %add3A_164 : vector<1x1xf32>
    %div3A_166 = vector.broadcast %sqrt3A_165 : vector<1x1xf32> to vector<1x256xf32>
    %div3A_167 = arith.divf %sub3A_161, %div3A_166 : vector<1x256xf32>
    %mul3A_168 = arith.mulf %div3A_167, %get3A_39 : vector<1x256xf32>
    %add3A_169 = arith.addf %mul3A_168, %get3A_42 : vector<1x256xf32>
    %mul3A_170 = vector.broadcast %squeeze3A_128 : f32 to vector<1x256xf32>
    %mul3A_171 = arith.mulf %mul3A_170, %add3A_169 : vector<1x256xf32>
    %add3A_172 = arith.addf %add3A_126, %mul3A_171 : vector<1x256xf32>
    %logistic3A = arith.negf %add3A_172 : vector<1x256xf32>
    %logistic3A_173 = math.exp %logistic3A : vector<1x256xf32>
    %logistic3A_174 = arith.constant 1.000000e+00 : f32
    %logistic3A_175 = vector.broadcast %logistic3A_174 : f32 to vector<1x256xf32>
    %logistic3A_176 = arith.addf %logistic3A_175, %logistic3A_173 : vector<1x256xf32>
    %logistic3A_177 = arith.divf %logistic3A_175, %logistic3A_176 : vector<1x256xf32>
    %mul3A_178 = arith.mulf %add3A_20, %logistic3A_177 : vector<1x256xf32>
    %mul3A_179 = arith.mulf %add3A_23, %logistic3A_177 : vector<1x256xf32>
    %mul3A_180 = arith.mulf %add3A_26, %logistic3A_177 : vector<1x256xf32>
    %concatenate3A = tpu.concatenate %mul3A_178, %mul3A_179, %mul3A_180 in 1 : vector<1x256xf32>, vector<1x256xf32>, vector<1x256xf32> -> vector<1x768xf32>
    %get3A_181 = arith.constant 0 : index
    %get3A_182 = arith.constant 0 : index
    %get3A_183 = vector.load %arg6[%get3A_181, %get3A_182] : memref<768x256xf32, #tpu.memory_space<vmem>>, vector<768x256xf32>
    %dot_general3A_184 = arith.constant dense<0.000000e+00> : vector<1x256xf32>
    %dot_general3A_185 = tpu.matmul %concatenate3A, %get3A_183, %dot_general3A_184 {dimension_numbers = #tpu.dot_dimension_numbers<[1], [0], [0], [1], [0, 0, 1, 1], [], []>, transpose_lhs_hint = false} : vector<1x768xf32>, vector<768x256xf32>, vector<1x256xf32> -> vector<1x256xf32>
    %get3A_186 = arith.constant 0 : index
    %get3A_187 = arith.constant 0 : index
    %get3A_188 = vector.load %arg7[%get3A_186, %get3A_187] : memref<1x256xf32, #tpu.memory_space<vmem>>, vector<1x256xf32>
    %add3A_189 = arith.addf %dot_general3A_185, %get3A_188 : vector<1x256xf32>
    %reduce_max3A_190 = arith.constant dense<0xFF800000> : vector<1xf32>
    %reduce_max3A_191 = vector.multi_reduction <maximumf>, %get3A_4, %reduce_max3A_190 [1] : vector<1x256xf32> to vector<1xf32>
    %max3A_192 = arith.constant 0xFF800000 : f32
    %max3A_193 = vector.broadcast %max3A_192 : f32 to vector<1xf32>
    %max3A_194 = arith.maximumf %max3A_193, %reduce_max3A_191 : vector<1xf32>
    %broadcast_in_dim3A_195 = vector.shape_cast %max3A_194 : vector<1xf32> to vector<1x1xf32>
    %sub3A_196 = vector.broadcast %broadcast_in_dim3A_195 : vector<1x1xf32> to vector<1x256xf32>
    %sub3A_197 = arith.subf %get3A_4, %sub3A_196 : vector<1x256xf32>
    %exp3A_198 = math.exp %sub3A_197 : vector<1x256xf32>
    %reduce_sum3A_199 = arith.constant dense<0.000000e+00> : vector<1xf32>
    %reduce_sum3A_200 = vector.multi_reduction <add>, %exp3A_198, %reduce_sum3A_199 [1] : vector<1x256xf32> to vector<1xf32>
    %broadcast_in_dim3A_201 = vector.shape_cast %reduce_sum3A_200 : vector<1xf32> to vector<1x1xf32>
    %div3A_202 = vector.broadcast %broadcast_in_dim3A_201 : vector<1x1xf32> to vector<1x256xf32>
    %div3A_203 = arith.divf %exp3A_198, %div3A_202 : vector<1x256xf32>
    %reduce_max3A_204 = arith.constant dense<0xFF800000> : vector<1xf32>
    %reduce_max3A_205 = vector.multi_reduction <maximumf>, %get3A_7, %reduce_max3A_204 [1] : vector<1x256xf32> to vector<1xf32>
    %max3A_206 = arith.constant 0xFF800000 : f32
    %max3A_207 = vector.broadcast %max3A_206 : f32 to vector<1xf32>
    %max3A_208 = arith.maximumf %max3A_207, %reduce_max3A_205 : vector<1xf32>
    %broadcast_in_dim3A_209 = vector.shape_cast %max3A_208 : vector<1xf32> to vector<1x1xf32>
    %sub3A_210 = vector.broadcast %broadcast_in_dim3A_209 : vector<1x1xf32> to vector<1x256xf32>
    %sub3A_211 = arith.subf %get3A_7, %sub3A_210 : vector<1x256xf32>
    %exp3A_212 = math.exp %sub3A_211 : vector<1x256xf32>
    %reduce_sum3A_213 = arith.constant dense<0.000000e+00> : vector<1xf32>
    %reduce_sum3A_214 = vector.multi_reduction <add>, %exp3A_212, %reduce_sum3A_213 [1] : vector<1x256xf32> to vector<1xf32>
    %broadcast_in_dim3A_215 = vector.shape_cast %reduce_sum3A_214 : vector<1xf32> to vector<1x1xf32>
    %div3A_216 = vector.broadcast %broadcast_in_dim3A_215 : vector<1x1xf32> to vector<1x256xf32>
    %div3A_217 = arith.divf %exp3A_212, %div3A_216 : vector<1x256xf32>
    %reduce_max3A_218 = arith.constant dense<0xFF800000> : vector<1xf32>
    %reduce_max3A_219 = vector.multi_reduction <maximumf>, %get3A_10, %reduce_max3A_218 [1] : vector<1x256xf32> to vector<1xf32>
    %max3A_220 = arith.constant 0xFF800000 : f32
    %max3A_221 = vector.broadcast %max3A_220 : f32 to vector<1xf32>
    %max3A_222 = arith.maximumf %max3A_221, %reduce_max3A_219 : vector<1xf32>
    %broadcast_in_dim3A_223 = vector.shape_cast %max3A_222 : vector<1xf32> to vector<1x1xf32>
    %sub3A_224 = vector.broadcast %broadcast_in_dim3A_223 : vector<1x1xf32> to vector<1x256xf32>
    %sub3A_225 = arith.subf %get3A_10, %sub3A_224 : vector<1x256xf32>
    %exp3A_226 = math.exp %sub3A_225 : vector<1x256xf32>
    %reduce_sum3A_227 = arith.constant dense<0.000000e+00> : vector<1xf32>
    %reduce_sum3A_228 = vector.multi_reduction <add>, %exp3A_226, %reduce_sum3A_227 [1] : vector<1x256xf32> to vector<1xf32>
    %broadcast_in_dim3A_229 = vector.shape_cast %reduce_sum3A_228 : vector<1xf32> to vector<1x1xf32>
    %div3A_230 = vector.broadcast %broadcast_in_dim3A_229 : vector<1x1xf32> to vector<1x256xf32>
    %div3A_231 = arith.divf %exp3A_226, %div3A_230 : vector<1x256xf32>
    %add3A_232 = arith.addf %div3A_203, %div3A_217 : vector<1x256xf32>
    %add3A_233 = arith.addf %add3A_232, %div3A_231 : vector<1x256xf32>
    %div3A_234 = arith.constant 3.000000e+00 : f32
    %div3A_235 = vector.broadcast %div3A_234 : f32 to vector<1x256xf32>
    %div3A_236 = arith.divf %add3A_233, %div3A_235 : vector<1x256xf32>
    %log3A = math.log %div3A_236 : vector<1x256xf32>
    %log3A_237 = math.log %div3A_203 : vector<1x256xf32>
    %sub3A_238 = arith.subf %log3A, %log3A_237 : vector<1x256xf32>
    %mul3A_239 = arith.mulf %div3A_236, %sub3A_238 : vector<1x256xf32>
    %reduce_sum3A_240 = vector.shape_cast %mul3A_239 : vector<1x256xf32> to vector<1x1x256xf32>
    %reduce_sum3A_241 = arith.constant dense<0.000000e+00> : vector<1xf32>
    %reduce_sum3A_242 = vector.multi_reduction <add>, %reduce_sum3A_240, %reduce_sum3A_241 [1, 2] : vector<1x1x256xf32> to vector<1xf32>
    %reduce_sum3A_243 = vector.shape_cast %reduce_sum3A_242 : vector<1xf32> to vector<1x1x1xf32>
    %reduce_sum3A_244 = vector.extract %reduce_sum3A_243[0, 0, 0] : f32 from vector<1x1x1xf32>
    %log3A_245 = math.log %div3A_217 : vector<1x256xf32>
    %sub3A_246 = arith.subf %log3A, %log3A_245 : vector<1x256xf32>
    %mul3A_247 = arith.mulf %div3A_236, %sub3A_246 : vector<1x256xf32>
    %reduce_sum3A_248 = vector.shape_cast %mul3A_247 : vector<1x256xf32> to vector<1x1x256xf32>
    %reduce_sum3A_249 = arith.constant dense<0.000000e+00> : vector<1xf32>
    %reduce_sum3A_250 = vector.multi_reduction <add>, %reduce_sum3A_248, %reduce_sum3A_249 [1, 2] : vector<1x1x256xf32> to vector<1xf32>
    %reduce_sum3A_251 = vector.shape_cast %reduce_sum3A_250 : vector<1xf32> to vector<1x1x1xf32>
    %reduce_sum3A_252 = vector.extract %reduce_sum3A_251[0, 0, 0] : f32 from vector<1x1x1xf32>
    %add3A_253 = arith.addf %reduce_sum3A_244, %reduce_sum3A_252 : f32
    %log3A_254 = math.log %div3A_231 : vector<1x256xf32>
    %sub3A_255 = arith.subf %log3A, %log3A_254 : vector<1x256xf32>
    %mul3A_256 = arith.mulf %div3A_236, %sub3A_255 : vector<1x256xf32>
    %reduce_sum3A_257 = vector.shape_cast %mul3A_256 : vector<1x256xf32> to vector<1x1x256xf32>
    %reduce_sum3A_258 = arith.constant dense<0.000000e+00> : vector<1xf32>
    %reduce_sum3A_259 = vector.multi_reduction <add>, %reduce_sum3A_257, %reduce_sum3A_258 [1, 2] : vector<1x1x256xf32> to vector<1xf32>
    %reduce_sum3A_260 = vector.shape_cast %reduce_sum3A_259 : vector<1xf32> to vector<1x1x1xf32>
    %reduce_sum3A_261 = vector.extract %reduce_sum3A_260[0, 0, 0] : f32 from vector<1x1x1xf32>
    %add3A_262 = arith.addf %add3A_253, %reduce_sum3A_261 : f32
    %div3A_263 = arith.constant 3.000000e+00 : f32
    %div3A_264 = arith.divf %add3A_262, %div3A_263 : f32
    %broadcast_in_dim3A_265 = arith.constant 0.000000e+00 : f32
    %broadcast_in_dim3A_266 = vector.broadcast %broadcast_in_dim3A_265 : f32 to vector<1x256xf32>
    %get3A_267 = arith.constant 0 : index
    %get3A_268 = arith.constant 0 : index
    %get3A_269 = vector.load %arg11[%get3A_267, %get3A_268] : memref<256x768xf32, #tpu.memory_space<vmem>>, vector<256x768xf32>
    %get3A_270 = arith.constant 0 : index
    %get3A_271 = arith.constant 0 : index
    %get3A_272 = vector.load %arg12[%get3A_270, %get3A_271] : memref<256x768xf32, #tpu.memory_space<vmem>>, vector<256x768xf32>
    %get3A_273 = arith.constant 0 : index
    %get3A_274 = arith.constant 0 : index
    %get3A_275 = vector.load %arg13[%get3A_273, %get3A_274] : memref<1x768xf32, #tpu.memory_space<vmem>>, vector<1x768xf32>
    %get3A_276 = arith.constant 0 : index
    %get3A_277 = arith.constant 0 : index
    %get3A_278 = vector.load %arg14[%get3A_276, %get3A_277] : memref<1x768xf32, #tpu.memory_space<vmem>>, vector<1x768xf32>
    %dot_general3A_279 = arith.constant dense<0.000000e+00> : vector<1x768xf32>
    %dot_general3A_280 = tpu.matmul %get3A_1, %get3A_269, %dot_general3A_279 {dimension_numbers = #tpu.dot_dimension_numbers<[1], [0], [0], [1], [0, 0, 1, 1], [], []>, transpose_lhs_hint = false} : vector<1x256xf32>, vector<256x768xf32>, vector<1x768xf32> -> vector<1x768xf32>
    %add3A_281 = arith.addf %dot_general3A_280, %get3A_275 : vector<1x768xf32>
    %dot_general3A_282 = arith.constant dense<0.000000e+00> : vector<1x768xf32>
    %dot_general3A_283 = tpu.matmul %broadcast_in_dim3A_266, %get3A_272, %dot_general3A_282 {dimension_numbers = #tpu.dot_dimension_numbers<[1], [0], [0], [1], [0, 0, 1, 1], [], []>, transpose_lhs_hint = false} : vector<1x256xf32>, vector<256x768xf32>, vector<1x768xf32> -> vector<1x768xf32>
    %add3A_284 = arith.addf %dot_general3A_283, %get3A_278 : vector<1x768xf32>
    %split3A = vector.extract_strided_slice %add3A_281 {offsets = [0, 0], sizes = [1, 256], strides = [1, 1]} : vector<1x768xf32> to vector<1x256xf32>
    %split3A_285 = vector.extract_strided_slice %add3A_281 {offsets = [0, 256], sizes = [1, 256], strides = [1, 1]} : vector<1x768xf32> to vector<1x256xf32>
    %split3A_286 = vector.extract_strided_slice %add3A_281 {offsets = [0, 512], sizes = [1, 256], strides = [1, 1]} : vector<1x768xf32> to vector<1x256xf32>
    %split3A_287 = vector.extract_strided_slice %add3A_284 {offsets = [0, 0], sizes = [1, 256], strides = [1, 1]} : vector<1x768xf32> to vector<1x256xf32>
    %split3A_288 = vector.extract_strided_slice %add3A_284 {offsets = [0, 256], sizes = [1, 256], strides = [1, 1]} : vector<1x768xf32> to vector<1x256xf32>
    %split3A_289 = vector.extract_strided_slice %add3A_284 {offsets = [0, 512], sizes = [1, 256], strides = [1, 1]} : vector<1x768xf32> to vector<1x256xf32>
    %add3A_290 = arith.addf %split3A, %split3A_287 : vector<1x256xf32>
    %logistic3A_291 = arith.negf %add3A_290 : vector<1x256xf32>
    %logistic3A_292 = math.exp %logistic3A_291 : vector<1x256xf32>
    %logistic3A_293 = arith.constant 1.000000e+00 : f32
    %logistic3A_294 = vector.broadcast %logistic3A_293 : f32 to vector<1x256xf32>
    %logistic3A_295 = arith.addf %logistic3A_294, %logistic3A_292 : vector<1x256xf32>
    %logistic3A_296 = arith.divf %logistic3A_294, %logistic3A_295 : vector<1x256xf32>
    %add3A_297 = arith.addf %split3A_285, %split3A_288 : vector<1x256xf32>
    %logistic3A_298 = arith.negf %add3A_297 : vector<1x256xf32>
    %logistic3A_299 = math.exp %logistic3A_298 : vector<1x256xf32>
    %logistic3A_300 = arith.constant 1.000000e+00 : f32
    %logistic3A_301 = vector.broadcast %logistic3A_300 : f32 to vector<1x256xf32>
    %logistic3A_302 = arith.addf %logistic3A_301, %logistic3A_299 : vector<1x256xf32>
    %logistic3A_303 = arith.divf %logistic3A_301, %logistic3A_302 : vector<1x256xf32>
    %mul3A_304 = arith.mulf %logistic3A_296, %split3A_289 : vector<1x256xf32>
    %add3A_305 = arith.addf %split3A_286, %mul3A_304 : vector<1x256xf32>
    %tanh3A = math.tanh %add3A_305 : vector<1x256xf32>
    %sub3A_306 = arith.constant 1.000000e+00 : f32
    %sub3A_307 = vector.broadcast %sub3A_306 : f32 to vector<1x256xf32>
    %sub3A_308 = arith.subf %sub3A_307, %logistic3A_303 : vector<1x256xf32>
    %mul3A_309 = arith.mulf %sub3A_308, %tanh3A : vector<1x256xf32>
    %mul3A_310 = arith.mulf %logistic3A_303, %broadcast_in_dim3A_266 : vector<1x256xf32>
    %add3A_311 = arith.addf %mul3A_309, %mul3A_310 : vector<1x256xf32>
    %get3A_312 = arith.constant 0 : index
    %get3A_313 = arith.constant 0 : index
    %get3A_314 = vector.load %arg21[%get3A_312, %get3A_313] : memref<256x1xf32, #tpu.memory_space<vmem>>, vector<256x1xf32>
    %dot_general3A_315 = arith.constant dense<0.000000e+00> : vector<1x1xf32>
    %dot_general3A_316 = tpu.matmul %add3A_311, %get3A_314, %dot_general3A_315 {dimension_numbers = #tpu.dot_dimension_numbers<[1], [0], [0], [1], [0, 0, 1, 1], [], []>, transpose_lhs_hint = false} : vector<1x256xf32>, vector<256x1xf32>, vector<1x1xf32> -> vector<1x1xf32>
    %get3A_317 = arith.constant 0 : index
    %get3A_318 = arith.constant 0 : index
    %get3A_319 = vector.load %arg22[%get3A_317, %get3A_318] : memref<1x1xf32, #tpu.memory_space<vmem>>, vector<1x1xf32>
    %add3A_320 = arith.addf %dot_general3A_316, %get3A_319 : vector<1x1xf32>
    %logistic3A_321 = arith.negf %add3A_320 : vector<1x1xf32>
    %logistic3A_322 = math.exp %logistic3A_321 : vector<1x1xf32>
    %logistic3A_323 = arith.constant 1.000000e+00 : f32
    %logistic3A_324 = vector.broadcast %logistic3A_323 : f32 to vector<1x1xf32>
    %logistic3A_325 = arith.addf %logistic3A_324, %logistic3A_322 : vector<1x1xf32>
    %logistic3A_326 = arith.divf %logistic3A_324, %logistic3A_325 : vector<1x1xf32>
    %mul3A_327 = vector.broadcast %logistic3A_326 : vector<1x1xf32> to vector<1x256xf32>
    %mul3A_328 = arith.mulf %mul3A_327, %add3A_311 : vector<1x256xf32>
    %get3A_329 = arith.constant 0 : index
    %get3A_330 = arith.constant 0 : index
    %get3A_331 = vector.load %arg15[%get3A_329, %get3A_330] : memref<256x3xf32, #tpu.memory_space<vmem>>, vector<256x3xf32>
    %dot_general3A_332 = arith.constant dense<0.000000e+00> : vector<1x3xf32>
    %dot_general3A_333 = tpu.matmul %mul3A_328, %get3A_331, %dot_general3A_332 {dimension_numbers = #tpu.dot_dimension_numbers<[1], [0], [0], [1], [0, 0, 1, 1], [], []>, transpose_lhs_hint = false} : vector<1x256xf32>, vector<256x3xf32>, vector<1x3xf32> -> vector<1x3xf32>
    %get3A_334 = arith.constant 0 : index
    %get3A_335 = arith.constant 0 : index
    %get3A_336 = vector.load %arg16[%get3A_334, %get3A_335] : memref<1x3xf32, #tpu.memory_space<vmem>>, vector<1x3xf32>
    %add3A_337 = arith.addf %dot_general3A_333, %get3A_336 : vector<1x3xf32>
    %concatenate3A_338 = tpu.concatenate %get3A_1, %add3A_189 in 1 : vector<1x256xf32>, vector<1x256xf32> -> vector<1x512xf32>
    %get3A_339 = arith.constant 0 : index
    %get3A_340 = arith.constant 0 : index
    %get3A_341 = vector.load %arg23[%get3A_339, %get3A_340] : memref<512x1xf32, #tpu.memory_space<vmem>>, vector<512x1xf32>
    %dot_general3A_342 = arith.constant dense<0.000000e+00> : vector<1x1xf32>
    %dot_general3A_343 = tpu.matmul %concatenate3A_338, %get3A_341, %dot_general3A_342 {dimension_numbers = #tpu.dot_dimension_numbers<[1], [0], [0], [1], [0, 0, 1, 1], [], []>, transpose_lhs_hint = false} : vector<1x512xf32>, vector<512x1xf32>, vector<1x1xf32> -> vector<1x1xf32>
    %get3A_344 = arith.constant 0 : index
    %get3A_345 = arith.constant 0 : index
    %get3A_346 = vector.load %arg24[%get3A_344, %get3A_345] : memref<1x1xf32, #tpu.memory_space<vmem>>, vector<1x1xf32>
    %add3A_347 = arith.addf %dot_general3A_343, %get3A_346 : vector<1x1xf32>
    %logistic3A_348 = arith.negf %add3A_347 : vector<1x1xf32>
    %logistic3A_349 = math.exp %logistic3A_348 : vector<1x1xf32>
    %logistic3A_350 = arith.constant 1.000000e+00 : f32
    %logistic3A_351 = vector.broadcast %logistic3A_350 : f32 to vector<1x1xf32>
    %logistic3A_352 = arith.addf %logistic3A_351, %logistic3A_349 : vector<1x1xf32>
    %logistic3A_353 = arith.divf %logistic3A_351, %logistic3A_352 : vector<1x1xf32>
    %mul3A_354 = vector.broadcast %logistic3A_353 : vector<1x1xf32> to vector<1x512xf32>
    %mul3A_355 = arith.mulf %mul3A_354, %concatenate3A_338 : vector<1x512xf32>
    %get3A_356 = arith.constant 0 : index
    %get3A_357 = arith.constant 0 : index
    %get3A_358 = vector.load %arg17[%get3A_356, %get3A_357] : memref<512x768xf32, #tpu.memory_space<vmem>>, vector<512x768xf32>
    %get3A_359 = arith.constant 0 : index
    %get3A_360 = arith.constant 0 : index
    %get3A_361 = vector.load %arg18[%get3A_359, %get3A_360] : memref<256x768xf32, #tpu.memory_space<vmem>>, vector<256x768xf32>
    %get3A_362 = arith.constant 0 : index
    %get3A_363 = arith.constant 0 : index
    %get3A_364 = vector.load %arg19[%get3A_362, %get3A_363] : memref<1x768xf32, #tpu.memory_space<vmem>>, vector<1x768xf32>
    %get3A_365 = arith.constant 0 : index
    %get3A_366 = arith.constant 0 : index
    %get3A_367 = vector.load %arg20[%get3A_365, %get3A_366] : memref<1x768xf32, #tpu.memory_space<vmem>>, vector<1x768xf32>
    %dot_general3A_368 = arith.constant dense<0.000000e+00> : vector<1x768xf32>
    %dot_general3A_369 = tpu.matmul %mul3A_355, %get3A_358, %dot_general3A_368 {dimension_numbers = #tpu.dot_dimension_numbers<[1], [0], [0], [1], [0, 0, 1, 1], [], []>, transpose_lhs_hint = false} : vector<1x512xf32>, vector<512x768xf32>, vector<1x768xf32> -> vector<1x768xf32>
    %add3A_370 = arith.addf %dot_general3A_369, %get3A_364 : vector<1x768xf32>
    %dot_general3A_371 = arith.constant dense<0.000000e+00> : vector<1x768xf32>
    %dot_general3A_372 = tpu.matmul %broadcast_in_dim3A_266, %get3A_361, %dot_general3A_371 {dimension_numbers = #tpu.dot_dimension_numbers<[1], [0], [0], [1], [0, 0, 1, 1], [], []>, transpose_lhs_hint = false} : vector<1x256xf32>, vector<256x768xf32>, vector<1x768xf32> -> vector<1x768xf32>
    %add3A_373 = arith.addf %dot_general3A_372, %get3A_367 : vector<1x768xf32>
    %split3A_374 = vector.extract_strided_slice %add3A_370 {offsets = [0, 0], sizes = [1, 256], strides = [1, 1]} : vector<1x768xf32> to vector<1x256xf32>
    %split3A_375 = vector.extract_strided_slice %add3A_370 {offsets = [0, 256], sizes = [1, 256], strides = [1, 1]} : vector<1x768xf32> to vector<1x256xf32>
    %split3A_376 = vector.extract_strided_slice %add3A_370 {offsets = [0, 512], sizes = [1, 256], strides = [1, 1]} : vector<1x768xf32> to vector<1x256xf32>
    %split3A_377 = vector.extract_strided_slice %add3A_373 {offsets = [0, 0], sizes = [1, 256], strides = [1, 1]} : vector<1x768xf32> to vector<1x256xf32>
    %split3A_378 = vector.extract_strided_slice %add3A_373 {offsets = [0, 256], sizes = [1, 256], strides = [1, 1]} : vector<1x768xf32> to vector<1x256xf32>
    %split3A_379 = vector.extract_strided_slice %add3A_373 {offsets = [0, 512], sizes = [1, 256], strides = [1, 1]} : vector<1x768xf32> to vector<1x256xf32>
    %add3A_380 = arith.addf %split3A_374, %split3A_377 : vector<1x256xf32>
    %logistic3A_381 = arith.negf %add3A_380 : vector<1x256xf32>
    %logistic3A_382 = math.exp %logistic3A_381 : vector<1x256xf32>
    %logistic3A_383 = arith.constant 1.000000e+00 : f32
    %logistic3A_384 = vector.broadcast %logistic3A_383 : f32 to vector<1x256xf32>
    %logistic3A_385 = arith.addf %logistic3A_384, %logistic3A_382 : vector<1x256xf32>
    %logistic3A_386 = arith.divf %logistic3A_384, %logistic3A_385 : vector<1x256xf32>
    %add3A_387 = arith.addf %split3A_375, %split3A_378 : vector<1x256xf32>
    %logistic3A_388 = arith.negf %add3A_387 : vector<1x256xf32>
    %logistic3A_389 = math.exp %logistic3A_388 : vector<1x256xf32>
    %logistic3A_390 = arith.constant 1.000000e+00 : f32
    %logistic3A_391 = vector.broadcast %logistic3A_390 : f32 to vector<1x256xf32>
    %logistic3A_392 = arith.addf %logistic3A_391, %logistic3A_389 : vector<1x256xf32>
    %logistic3A_393 = arith.divf %logistic3A_391, %logistic3A_392 : vector<1x256xf32>
    %mul3A_394 = arith.mulf %logistic3A_386, %split3A_379 : vector<1x256xf32>
    %add3A_395 = arith.addf %split3A_376, %mul3A_394 : vector<1x256xf32>
    %tanh3A_396 = math.tanh %add3A_395 : vector<1x256xf32>
    %sub3A_397 = arith.constant 1.000000e+00 : f32
    %sub3A_398 = vector.broadcast %sub3A_397 : f32 to vector<1x256xf32>
    %sub3A_399 = arith.subf %sub3A_398, %logistic3A_393 : vector<1x256xf32>
    %mul3A_400 = arith.mulf %sub3A_399, %tanh3A_396 : vector<1x256xf32>
    %mul3A_401 = arith.mulf %logistic3A_393, %broadcast_in_dim3A_266 : vector<1x256xf32>
    %add3A_402 = arith.addf %mul3A_400, %mul3A_401 : vector<1x256xf32>
    %get3A_403 = arith.constant 0 : index
    %get3A_404 = arith.constant 0 : index
    %get3A_405 = vector.load %arg25[%get3A_403, %get3A_404] : memref<256x1xf32, #tpu.memory_space<vmem>>, vector<256x1xf32>
    %dot_general3A_406 = arith.constant dense<0.000000e+00> : vector<1x1xf32>
    %dot_general3A_407 = tpu.matmul %add3A_311, %get3A_405, %dot_general3A_406 {dimension_numbers = #tpu.dot_dimension_numbers<[1], [0], [0], [1], [0, 0, 1, 1], [], []>, transpose_lhs_hint = false} : vector<1x256xf32>, vector<256x1xf32>, vector<1x1xf32> -> vector<1x1xf32>
    %get3A_408 = arith.constant 0 : index
    %get3A_409 = arith.constant 0 : index
    %get3A_410 = vector.load %arg26[%get3A_408, %get3A_409] : memref<1x1xf32, #tpu.memory_space<vmem>>, vector<1x1xf32>
    %add3A_411 = arith.addf %dot_general3A_407, %get3A_410 : vector<1x1xf32>
    %logistic3A_412 = arith.negf %add3A_411 : vector<1x1xf32>
    %logistic3A_413 = math.exp %logistic3A_412 : vector<1x1xf32>
    %logistic3A_414 = arith.constant 1.000000e+00 : f32
    %logistic3A_415 = vector.broadcast %logistic3A_414 : f32 to vector<1x1xf32>
    %logistic3A_416 = arith.addf %logistic3A_415, %logistic3A_413 : vector<1x1xf32>
    %logistic3A_417 = arith.divf %logistic3A_415, %logistic3A_416 : vector<1x1xf32>
    %get3A_418 = arith.constant 0 : index
    %get3A_419 = arith.constant 0 : index
    %get3A_420 = vector.load %arg27[%get3A_418, %get3A_419] : memref<256x1xf32, #tpu.memory_space<vmem>>, vector<256x1xf32>
    %dot_general3A_421 = arith.constant dense<0.000000e+00> : vector<1x1xf32>
    %dot_general3A_422 = tpu.matmul %add3A_402, %get3A_420, %dot_general3A_421 {dimension_numbers = #tpu.dot_dimension_numbers<[1], [0], [0], [1], [0, 0, 1, 1], [], []>, transpose_lhs_hint = false} : vector<1x256xf32>, vector<256x1xf32>, vector<1x1xf32> -> vector<1x1xf32>
    %get3A_423 = arith.constant 0 : index
    %get3A_424 = arith.constant 0 : index
    %get3A_425 = vector.load %arg28[%get3A_423, %get3A_424] : memref<1x1xf32, #tpu.memory_space<vmem>>, vector<1x1xf32>
    %add3A_426 = arith.addf %dot_general3A_422, %get3A_425 : vector<1x1xf32>
    %logistic3A_427 = arith.negf %add3A_426 : vector<1x1xf32>
    %logistic3A_428 = math.exp %logistic3A_427 : vector<1x1xf32>
    %logistic3A_429 = arith.constant 1.000000e+00 : f32
    %logistic3A_430 = vector.broadcast %logistic3A_429 : f32 to vector<1x1xf32>
    %logistic3A_431 = arith.addf %logistic3A_430, %logistic3A_428 : vector<1x1xf32>
    %logistic3A_432 = arith.divf %logistic3A_430, %logistic3A_431 : vector<1x1xf32>
    %mul3A_433 = vector.broadcast %logistic3A_432 : vector<1x1xf32> to vector<1x256xf32>
    %mul3A_434 = arith.mulf %mul3A_433, %add3A_402 : vector<1x256xf32>
    %mul3A_435 = vector.broadcast %logistic3A_417 : vector<1x1xf32> to vector<1x256xf32>
    %mul3A_436 = arith.mulf %mul3A_435, %add3A_311 : vector<1x256xf32>
    %concatenate3A_437 = tpu.concatenate %mul3A_434, %mul3A_436 in 1 : vector<1x256xf32>, vector<1x256xf32> -> vector<1x512xf32>
    %get3A_438 = arith.constant 0 : index
    %get3A_439 = arith.constant 0 : index
    %get3A_440 = vector.load %arg29[%get3A_438, %get3A_439] : memref<512x2xf32, #tpu.memory_space<vmem>>, vector<512x2xf32>
    %dot_general3A_441 = arith.constant dense<0.000000e+00> : vector<1x2xf32>
    %dot_general3A_442 = tpu.matmul %concatenate3A_437, %get3A_440, %dot_general3A_441 {dimension_numbers = #tpu.dot_dimension_numbers<[1], [0], [0], [1], [0, 0, 1, 1], [], []>, transpose_lhs_hint = false} : vector<1x512xf32>, vector<512x2xf32>, vector<1x2xf32> -> vector<1x2xf32>
    %get3A_443 = arith.constant 0 : index
    %get3A_444 = arith.constant 0 : index
    %get3A_445 = vector.load %arg30[%get3A_443, %get3A_444] : memref<1x2xf32, #tpu.memory_space<vmem>>, vector<1x2xf32>
    %add3A_446 = arith.addf %dot_general3A_442, %get3A_445 : vector<1x2xf32>
    %swap3A = arith.constant 0 : index
    %swap3A_447 = arith.constant 0 : index
    %swap3A_448 = vector.load %arg31[%swap3A, %swap3A_447] : memref<1x2xf32, #tpu.memory_space<vmem>>, vector<1x2xf32>
    tpu.vector_store %arg31[%swap3A, %swap3A_447], %add3A_446 {strides = array<i32>} : memref<1x2xf32, #tpu.memory_space<vmem>>, vector<1x2xf32>,
    %swap3A_449 = arith.constant 0 : index
    %swap3A_450 = arith.constant 0 : index
    %swap3A_451 = vector.load %arg32[%swap3A_449, %swap3A_450] : memref<1x3xf32, #tpu.memory_space<vmem>>, vector<1x3xf32>
    tpu.vector_store %arg32[%swap3A_449, %swap3A_450], %add3A_337 {strides = array<i32>} : memref<1x3xf32, #tpu.memory_space<vmem>>, vector<1x3xf32>,
    %reshape3A = vector.broadcast %div3A_264 : f32 to vector<1x1xf32>
    %swap3A_452 = arith.constant 0 : index
    %swap3A_453 = arith.constant 0 : index
    %swap3A_454 = vector.load %arg33[%swap3A_452, %swap3A_453] : memref<1x1xf32, #tpu.memory_space<vmem>>, vector<1x1xf32>
    tpu.vector_store %arg33[%swap3A_452, %swap3A_453], %reshape3A {strides = array<i32>} : memref<1x1xf32, #tpu.memory_space<vmem>>, vector<1x1xf32>,
    return
  }
}

</mosaic_0001>

<sc_bundles>
// kernel: gather_offload_async_start
scs
__scs_entry_jumppad:
0x0: {  	(pc) =	sbr.rel $0x88, $3  }
0x1: {  	(tag) =	ssettag $0x0;
	lr =	simm.s32 $0x1  }
0x2: {  	[smem:$0x3F75] =	sst lr;
	_ =	strace $0xD0000000  }
0x3: {  	_ = 	snop  }
0x4: {  	_ = 	snop  }
0x5: {  	_ = 	snop  }
0x6: {  	_ = 	snop  }
0x7: {  	_ = 	snop  }
__scs_overlays_trampoline_lowered:
0x8: {  	[smem:$0x3F84] =	sst s0  }
0x9: {  	[smem:$0x3F85] =	sst s1  }
0xa: {  	[smem:$0x3F86] =	sst s2  }
0xb: {  	[smem:$0x3F87] =	sst s3  }
0xc: {  	[smem:$0x3F88] =	sst s4  }
0xd: {  	[smem:$0x3F89] =	sst s5  }
0xe: {  	[smem:$0x3F8A] =	sst s6  }
0xf: {  	[smem:$0x3F8B] =	sst s7  }
0x10: {  	[smem:$0x3F8C] =	sst s8  }
0x11: {  	[smem:$0x3F8D] =	sst s9;
	s0 =	simm.s32 @!p0 $0x0  }
0x12: {  	s1 =	sld [smem:$0x3F73];
	s0 =	simm.s32 @p0 $0x1  }
0x13: {  	[smem:$0x3F8E] =	sst s0;
	s0 =	simm.s32 @!p1 $0x0  }
0x14: {  	s2 =	sld [smem:$0x3F72];
	s0 =	simm.s32 @p1 $0x1  }
0x15: {  	[smem:$0x3F8F] =	sst s0;
	s0 =	simm.s32 @!p2 $0x0  }
0x16: {  	s3 =	sld [smem:$0x3FDB];
	s0 =	simm.s32 @p2 $0x1  }
0x17: {  	s4 =	simm.s32 $0x1BF5;
	[smem:$0x3F91] =	sst s0  }
0x18: {  	s0 =	sld [smem:$0x3F74];
	_ =	swait.ge [sflag:s4], $0x0  }
0x19: {  	s7 =	sld [smem:$0x3F75]  }
0x1a: {  	s8 =	sadd.s32 $0xFFFFE003, lr  }
0x1b: {  	s9 =	sadd.s32 $0xFFFFFEF7, lr;
	s5 =	simm.s32 $0xFFFFFFFF;
	p2 =	slt.u32 s8, $0xFFFFF086  }
0x1c: {  	p1 =	slt.u32 s9, $0xF7A;
	s5 =	simm.s32 @!p2 $0x0  }
0x1d: {  	s5 =	simm.s32 @p1 $0x1;
	p0 =	seq.s32 s7, s2  }
0x1e: {  	s7 =	smul.u32 @!p0 $0xF7A, s2;
	p2 =	seq.s32 @!p0 s5, $0x0  }
0x1f: {  	s9 =	smul.u32 $0xF7A, s1;
	s8 =	simm.s32 @!p0 $0x1BF5;
	p2 =	por !p2, p0  }
0x20: {  	[sflag:s8] =	ssyncset.s32 @!p0 $0xFFFFF086;
	s6 =	sadd.s32 @!p0 s3, s7;
	s7 =	simm.s32 @!p0 $0x108  }
0x21: {  	s3 =	sadd.s32 s3, s9;
	s6 =	sadd.s32 @!p0 $0x88, s6;
	s7 =	simm.s32 @p2 $0x1082  }
0x22: {  	[simem:s7], [sflag:s8] =	dma.local @!p0 [hbm:s6], $0xF7A  }
0x23: {  	s9 =	sor.u32 $0xD0000000, s2;
	s6 =	simm.s32 $0x108;
	_ =	swait.ge @!p0 [sflag:s8], $0x0  }
0x24: {  	s3 =	sadd.s32 $0x88, s3;
	s6 =	simm.s32 @!p1 $0x1082;
	[sflag:s4] =	ssyncset.s32 $0xFFFFF086  }
0x25: {  	[simem:s6], [sflag:s4] =	dma.local [hbm:s3], $0xF7A  }
0x26: {  	[smem:$0x3F75] =	sst s1;
	(tag) =	ssettag s2;
	_ =	strace s9  }
0x27: {  	s1 =	sld [smem:$0x3F85]  }
0x28: {  	s2 =	sld [smem:$0x3F86]  }
0x29: {  	s4 =	sld [smem:$0x3F88]  }
0x2a: {  	p0 =	seq.s32 s5, $0x0;
	s5 =	sld [smem:$0x3F89]  }
0x2b: {  	s6 =	sld [smem:$0x3F8A]  }
0x2c: {  	s7 =	sld [smem:$0x3F8B]  }
0x2d: {  	s3 =	simm.s32 $0x108;
	s8 =	sld [smem:$0x3F8C]  }
0x2e: {  	s3 =	simm.s32 @!p0 $0x1082;
	s9 =	sld [smem:$0x3F8D]  }
0x2f: {  	lr =	sadd.s32 s0, s3;
	s0 =	sld [smem:$0x3F84]  }
0x30: {  	s3 =	sld [smem:$0x3F87]  }
0x31: {  	[smem:$0x3F90] =	sst s10  }
0x32: {  	s10 =	sld [smem:$0x3F8E];
	_ =	sdelay $0x3  }
0x33: {  	p0 =	seq.s32 s10, $0x1;
	s10 =	sld [smem:$0x3F90];
	_ =	sdelay $0x3  }
0x34: {  	[smem:$0x3F90] =	sst s10  }
0x35: {  	s10 =	sld [smem:$0x3F8F];
	_ =	sdelay $0x3  }
0x36: {  	p1 =	seq.s32 s10, $0x1;
	s10 =	sld [smem:$0x3F90];
	_ =	sdelay $0x3  }
0x37: {  	[smem:$0x3F90] =	sst s10  }
0x38: {  	s10 =	sld [smem:$0x3F91]  }
0x39: {  	_ = 	snop;
	(pc) =	sbr.ind lr, $3  }
0x3a: {  	_ = 	snop  }
0x3b: {  	_ = 	snop  }
0x3c: {  	p2 =	seq.s32 s10, $0x1;
	s10 =	sld [smem:$0x3F90]  }
0x3d: {  	_ =	shalt  }
0x3e: {  	_ =	shalt  }
0x3f: {  	_ =	shalt  }
0x40: {  	_ =	shalt  }
0x41: {  	_ =	shalt  }
0x42: {  	_ =	shalt  }
0x43: {  	_ =	shalt  }
0x44: {  	_ =	shalt  }
0x45: {  	_ =	shalt  }
0x46: {  	_ =	shalt  }
0x47: {  	_ =	shalt  }
0x48: {  	_ =	shalt  }
0x49: {  	_ =	shalt  }
0x4a: {  	_ =	shalt  }
0x4b: {  	_ =	shalt  }
0x4c: {  	_ =	shalt  }
0x4d: {  	_ =	shalt  }
0x4e: {  	_ =	shalt  }
0x4f: {  	_ =	shalt  }
0x50: {  	_ =	shalt  }
0x51: {  	_ =	shalt  }
0x52: {  	_ =	shalt  }
0x53: {  	_ =	shalt  }
0x54: {  	_ =	shalt  }
0x55: {  	_ =	shalt  }
0x56: {  	_ =	shalt  }
0x57: {  	_ =	shalt  }
0x58: {  	_ =	shalt  }
0x59: {  	_ =	shalt  }
0x5a: {  	_ =	shalt  }
0x5b: {  	_ =	shalt  }
0x5c: {  	_ =	shalt  }
0x5d: {  	_ =	shalt  }
0x5e: {  	_ =	shalt  }
0x5f: {  	_ =	shalt  }
0x60: {  	_ =	shalt  }
0x61: {  	_ =	shalt  }
0x62: {  	_ =	shalt  }
0x63: {  	_ =	shalt  }
0x64: {  	_ =	shalt  }
0x65: {  	_ =	shalt  }
0x66: {  	_ =	shalt  }
0x67: {  	_ =	shalt  }
0x68: {  	_ =	shalt  }
0x69: {  	_ =	shalt  }
0x6a: {  	_ =	shalt  }
0x6b: {  	_ =	shalt  }
0x6c: {  	_ =	shalt  }
0x6d: {  	_ =	shalt  }
0x6e: {  	_ =	shalt  }
0x6f: {  	_ =	shalt  }
0x70: {  	_ =	shalt  }
0x71: {  	_ =	shalt  }
0x72: {  	_ =	shalt  }
0x73: {  	_ =	shalt  }
0x74: {  	_ =	shalt  }
0x75: {  	_ =	shalt  }
0x76: {  	_ =	shalt  }
0x77: {  	_ =	shalt  }
0x78: {  	_ =	shalt  }
0x79: {  	_ =	shalt  }
0x7a: {  	_ =	shalt  }
0x7b: {  	_ =	shalt  }
0x7c: {  	_ =	shalt  }
0x7d: {  	_ =	shalt  }
0x7e: {  	_ =	shalt  }
0x7f: {  	_ =	shalt  }
0x80: {  	_ =	shalt  }
0x81: {  	_ =	shalt  }
0x82: {  	_ =	shalt  }
0x83: {  	_ =	shalt  }
0x84: {  	_ =	shalt  }
0x85: {  	_ =	shalt  }
0x86: {  	_ =	shalt  }
0x87: {  	_ =	shalt  }
.Lfunc_end0:
.L_simem_size_0:
called_computation.3_lowered:
.L_overlay_start_0:
0x88: {  	s2 =	sld [smem:$0x3FD9]  }
0x89: {  	s3 =	sld [smem:$0x3FFE];
	_ =	sdelay $0x1  }
0x8a: {  	s1 =	srdreg.scid  }
0x8b: {  	s0 =	sand.u32 $0x1, s1  }
0x8c: {  	s16 =	sshll.u32 s0, $0xA;
	s2 =	sadd.s32 s3, s2  }
0x8d: {  	s2 =	sadd.s32 s2, s16  }
0x8e: {  	[smem:$0x3F9C] =	sst s2  }
0x8f: {  	_ = 	snop  }
0x90: {  	(tm) =	ssettm $0x1  }
0x91: {  	s17 =	sld [smem:$0x3FFB];
	_ =	sdelay $0x3  }
0x92: {  	_ =	strace s17  }
0x93: {  	s2 =	sld [smem:$0x3FFC];
	_ =	sdelay $0x3  }
0x94: {  	_ =	strace s2  }
0x95: {  	s2 =	sld [smem:$0x3FFD];
	_ =	sdelay $0x3  }
0x96: {  	_ =	strace s2  }
0x97: {  	_ =	strace $0x8FFFFFFF  }
0x98: {  	s18 =	sld [smem:$0x3FDB];
	_ =	sdelay $0x1  }
0x99: {  	s19 =	simm.s32 $_scs_section_size  }
0x9a: {  	s4 =	simm.s32 $_size__tile_overlayer_lowered;
	s5 =	simm.s32 $_tile_overlayer_lowered  }
0x9b: {  	s22 =	simm.s32 $0x1BFF;
	s21 =	sshll.u32 s5, $0x1;
	s2 =	sadd.s32 s19, s18  }
0x9c: {  	s6 =	simm.s32 $0x0;
	s20 =	sshll.u32 s4, $0x1;
	s4 =	sadd.s32 s21, s2  }
0x9d: {  	[timem:s6], [sflag:s22] =	dma.local [hbm:s4], s20  }
0x9e: {  	_ =	swait.ge [sflag:s22], s20  }
0x9f: {  	s3 =	ssub.s32 $0x0, s20;
	[sflag:s22] =	ssyncset.done $0x0  }
0xa0: {  	[sflag:s22] =	ssyncadd.s32 s3;
	_ =	sdelay $0x1  }
0xa1: {  	s23 =	simm.s32 $0x1B8B  }
0xa2: {  	_ =	swait.ge [sflag:s23], $0x1  }
0xa3: {  	[sflag:s23] =	ssyncset.done $0x0  }
0xa4: {  	s25 =	simm.s32 $0x1B8E;
	s24 =	sld [smem:$0x3FFE];
	[sflag:s23] =	ssyncadd.s32 $0xFFFFFFFF  }
0xa5: {  	s26 =	simm.s32 $execute0_lowered;
	[smem:$0x3FD2] =	sst s25  }
0xa6: {  	s4 =	sshll.u32 s26, $0x1;
	_ =	strace $0x80000046;
	[dreg:$0x1] =	wrdreg $0xFFFFFFFF  }
0xa7: {  	s28 =	simm.s32 $_size_execute0_lowered;
	s2 =	sadd.s32 s2, s4;
	[dreg:$0x0] =	wrdreg $0x0  }
0xa8: {  	s4 =	sshll.u32 s28, $0x1;
	[dreg:$0x2] =	wrdreg s2  }
0xa9: {  	[dreg:$0x3] =	wrdreg s4  }
0xaa: {  	[dreg:$0x4] =	wrdreg $0xC0  }
0xab: {  	_ =	task [dreg:s6], $0x5FFFF  }
0xac: {  	[dreg:$0x1] =	wrdreg $0xFFFFFFFF  }
0xad: {  	[dreg:$0x0] =	wrdreg $0x60  }
0xae: {  	[dreg:$0x2] =	wrdreg s24  }
0xaf: {  	[dreg:$0x3] =	wrdreg $0x9  }
0xb0: {  	_ =	task.clear_ibuf [dreg:s6], $0x4FFFF;
	_ =	strace $0x90000046  }
0xb1: {  	s29 =	simm.s32 $0x9;
	_ =	strace $0x80000048  }
0xb2: {  	_ =	swait.ge [sflag:s29], $0x1  }
0xb3: {  	[sflag:s29] =	ssyncadd.s32 $0xFFFFFFFF  }
0xb4: {  	_ =	strace $0x90000048  }
0xb5: {  	_ =	sfence  }
0xb6: {  	s30 =	sld [smem:$0x0];
	_ =	sdelay $0x2  }
0xb7: {  	s31 =	sshll.u32 s1, $0xD;
	s1 =	sshrl.u32 s1, $0x2  }
0xb8: {  	s3 =	sand.u32 $0x4000, s31;
	s1 =	sadd.s32 s1, s30  }
0xb9: {  	s0 =	sor.u32 s3, s0;
	s1 =	sshll.u32 s1, $0x11  }
0xba: {  	s0 =	sor.u32 s1, s0  }
0xbb: {  	s0 =	sadd.s32 $0x8F2B, s0  }
0xbc: {  	[sflag:s0] =	ssyncadd.remote.s32 $0x1  }
0xbd: {  	_ =	sfence.sel $0xFFFF  }
0xbe: {  	[dreg:$0x0] =	wrdreg $0xFFFFFFFF;
	(pc) =	sbr.abs _section_cstart, $3  }
0xbf: {  	[dreg:$0x1] =	wrdreg $0xFFFFFFFF  }
0xc0: {  	_ =	task.clear_ibuf [dreg:s6], $0x2FFFF;
	_ =	strace $0x9FFFFFFF  }
0xc1: {  	(tm) =	ssettm $0x7FFFFFFF  }
tec
execute0_lowered:
.L_overlay_start_1:
0x0: {  	(tag) =	ssettag $0x1  }
0x1: {  	s8 =	rddreg [dreg:$0x0]  }
0x2: {  	s0 =	rddreg [dreg:$0x1];
	s1 =	srdreg.scid;
	_ =	strace $0x80000047  }
0x3: {  	s4 =	simm.s32 $0x1;
	s6 =	simm.s32 $0x2;
	s10 =	simm.s32 $0x3  }
0x4: {  	p3 =	por $0x0, $0x0;
	s11 =	simm.s32 $0x80;
	s3 =	sshll.u32 s1, $0x4  }
.Ltmp0:
0x5: {  	s1 =	stileid.u32;
	s5 =	sand.u32 $0x10, s3;
	(pc) =	sbr.rel .LBB2_1-.Ltmp0, $4  }
0x6: {  	s2 =	sadd.s32 $0x133C00, s8;
	[sflag:s4] =	ssyncpa.u1 $0x0;
	s5 =	sor.u32 s1, s5  }
0x7: {  	s7 =	sadd.s32 $0x3B3C00, s8;
	[sflag:s6] =	ssyncpa.u1 $0x0;
	s5 =	smul.u32 $0x1388, s5  }
0x8: {  	s3 =	sadd.s32 $0x125C00, s8;
	s8 =	sadd.s32 $0x12AC00, s8;
	[sflag:s10] =	ssyncpa.u1 $0x0  }
0x9: {  	v0 =	vlaneseq.u32;
	s10 =	simm.s32 $0x0;
	s9 =	sadd.s32 $0x1388, s5;
	s12 =	smov.u32 s5  }
.LBB2_6:
0xa: {  	s15 =	sadd.s32 s17, s15  }
0xb: {  	v2 =	vld.msk [tilespmem:s15+$0x0 ss:$0x1], $0x1;
	_ =	sdelay $0x2  }
0xc: {  	(v2sf) =	vpush v1, $0x1  }
0xd: {  	(v2sf) =	vpush v1, $0x0  }
0xe: {  	(v2sf) =	vpush v2, $0x0;
	_ =	sdelay $0xc  }
0xf: {  	p0 =	seq.s32 s18, $0x9C;
	s15 =	simm.s32 $0x1;
	s18 =	spop (v2sf)  }
0x10: {  	s15 =	simm.s32 @!p0 $0x2;
	s18 =	simm.s32 @p1 $0xFFFFFFFF;
	s19 =	spop (v2sf)  }
0x11: {  	v1 =	vmov s15;
	p0 =	sne.s32 s19, s18;
	s18 =	simm.s32 $0x1;
	s28 =	spop (v2sf)  }
0x12: {  	vm0 =	vgt.u32 v1, v0;
	s18 =	simm.s32 @!p0 $0x0;
	s29 =	sshll.u32 s28, $0xA;
	s15 =	sshll.u32 s28, $0x7  }
0x13: {  	s16 =	sadd.s32 s18, s16;
	s19 =	sand.u32 $0xFFFFE000, s29;
	s15 =	sand.u32 $0x380, s15  }
0x14: {  	s16 =	sshll.u32 s16, $0xC;
	s15 =	sor.u32 s15, s19  }
0x15: {  	s16 =	sshra.s32 s16, $0x2;
	s15 =	sshrl.u32 s15, $0x3  }
0x16: {  	s13 =	sadd.s32 s17, s13;
	s14 =	sadd.s32 s16, s14;
	s15 =	sadd.s32 s7, s15  }
0x17: {  	[hbm:s15] =	stream.strided.scatter [tilespmem:s14], [sflag:$0x3], $0x400, s11, s11, $0x38;
	[tilespmem:$0x140A0] =	vst v63  }
0x18: {  	v1 =	vld.msk [tilespmem:s13+$0x0 ss:$0x1], vm0;
	_ =	sdelay $0x4  }
0x19: {  	(v2sf) =	vpush v1, $0x1  }
0x1a: {  	(v2sf) =	vpush v1, $0x0;
	_ =	sdelay $0xb  }
0x1b: {  	s13 =	sld [smem:$0x7FC];
	_ =	sdelay $0x1  }
0x1c: {  	s30 =	spop (v2sf)  }
0x1d: {  	p3 =	seq.s32 s13, $0x1;
	s31 =	spop (v2sf)  }
.LBB2_7:
0x1e: {  	p0 =	slt.u32 s10, $0x2;
	s10 =	sadd.s32 $0x1, s10  }
0x1f: {  	p2 =	sne.s32 s10, $0x7F  }
.Ltmp1:
0x20: {  	_ = 	snop;
	(pc) =	sbr.rel @!p2 .LBB2_8-.Ltmp1, $4  }
0x21: {  	s13 =	simm.s32 @!p0 $0x3  }
0x22: {  	s14 =	sadd.s32 $0x28, s12;
	_ =	swait.ge @!p0 [sflag:s13], $0xA000  }
0x23: {  	s12 =	smov.u32 s5;
	p1 =	slt.s32 s14, s9;
	[sflag:s13] =	ssyncset.done @!p0 $0x0  }
0x24: {  	p3 =	por !p3, !p3;
	s12 =	smov.u32 @p1 s14;
	[sflag:s13] =	ssyncadd.s32 @!p0 $0xFFFF6000  }
.LBB2_1:
0x25: {  	p0 =	sgt.u32 s10, $0x7C  }
0x26: {  	s13 =	sxor.u32 @!p0 $0xFFFFFFFF, s10  }
0x27: {  	s13 =	sand.u32 @!p0 $0x1, s13  }
0x28: {  	s14 =	sshrl.u32 @!p0 s12, $0x3;
	s13 =	smul.u32 @!p0 $0x28, s13  }
0x29: {  	s16 =	sand.u32 @!p0 $0x7, s12;
	s15 =	sadd.s32 @!p0 s3, s14  }
0x2a: {  	[tilespmem:s13], [sflag:$0x2] =	stream.linear.gather @!p0 [hbm4b:s15+s16], $0x28, $0x38;
	[tilespmem:$0x140A0] =	vst v63  }
0x2b: {  	s31 =	sadd.s32 $0xFFFFFFFF, s10;
	s14 =	sadd.s32 @!p0 s8, s14;
	s13 =	sadd.s32 @!p0 $0x50, s13  }
0x2c: {  	[tilespmem:s13], [sflag:$0x2] =	stream.linear.gather @!p0 [hbm4b:s14+s16], $0x28, $0x38;
	[tilespmem:$0x140A0] =	vst v63  }
0x2d: {  	p0 =	sgt.u32 s31, $0x7C  }
.Ltmp2:
0x2e: {  	_ = 	snop;
	(pc) =	sbr.rel @p0 .LBB2_7-.Ltmp2, $1  }
0x2f: {  	_ =	sdelay $0x3  }
0x30: {  	p0 =	por $0x0, $0x0;
	s13 =	simm.s32 $0x1  }
0x31: {  	s13 =	simm.s32 @!p0 $0x2  }
0x32: {  	v1 =	vmov s13  }
0x33: {  	s14 =	simm.s32 @!p3 $0x0;
	s13 =	simm.s32 $0x1;
	vm0 =	vgt.u32 v1, v0  }
0x34: {  	s14 =	simm.s32 @p3 $0x1;
	s13 =	simm.s32 @!p3 $0x0  }
0x35: {  	[smem:$0x7FC] =	sst s14;
	s13 =	smul.u32 $0xA0, s13  }
0x36: {  	_ =	swait.ge [sflag:s6], $0x50  }
0x37: {  	[sflag:s6] =	ssyncset.done $0x0;
	s13 =	sshrl.u32 s13, $0x2  }
0x38: {  	[sflag:s6] =	ssyncadd.s32 $0xFFFFFFB0;
	s26 =	sadd.s32 $0x0, s13  }
0x39: {  	v2 =	vld.msk [tilespmem:s26+$0x0 ss:$0x1], vm0;
	_ =	sdelay $0x4  }
0x3a: {  	(v2sf) =	vpush v2, $0x1  }
0x3b: {  	p1 =	por $0x0, $0x0;
	s14 =	simm.s32 $0x1;
	(v2sf) =	vpush v2, $0x0  }
0x3c: {  	s14 =	simm.s32 @!p1 $0x2  }
0x3d: {  	v1 =	vmov s14  }
0x3e: {  	vm12 =	vgt.u32 v1, v0;
	_ =	sdelay $0x3  }
0x3f: {  	p2 =	por $0x0, $0x0;
	s15 =	simm.s32 $0x1  }
0x40: {  	s15 =	simm.s32 @!p2 $0x2;
	s28 =	sadd.s32 $0x1, s13  }
0x41: {  	v1 =	vmov s15;
	v3 =	vld.msk [tilespmem:s28+$0x0 ss:$0x1], vm12  }
0x42: {  	vm13 =	vgt.u32 v1, v0;
	_ =	sdelay $0x2  }
0x43: {  	p0 =	por p0, p0  }
0x44: {  	p0 =	por p0, p0;
	(v2sf) =	vpush v3, $0x1;
	s14 =	spop (v2sf)  }
0x45: {  	s29 =	sadd.s32 $0x2, s13;
	s14 =	simm.s32 @p0 $0xFFFFFFFF;
	s16 =	spop (v2sf)  }
0x46: {  	v1 =	vld.msk [tilespmem:s29+$0x0 ss:$0x1], vm13;
	(v2sf) =	vpush v3, $0x0;
	p0 =	seq.s32 s16, s14  }
0x47: {  	vm0 =	vgt.s32 @!p0 v2, $0x0  }
0x48: {  	v2 =	vnsel @!p0 vm0, $0x0, v2  }
0x49: {  	v2 =	vmin.u32 @!p0 v2, $0x27FF  }
0x4a: {  	(v2sf) =	vpush @!p0 v2, $0x0  }
0x4b: {  	(v2sf) =	vpush v1, $0x1  }
0x4c: {  	s30 =	sand.u32 $0x1, s10;
	(v2sf) =	vpush v1, $0x0  }
0x4d: {  	p4 =	por $0x0, $0x0;
	s17 =	simm.s32 $0x0;
	s21 =	simm.s32 $0x14  }
0x4e: {  	s19 =	simm.s32 $0x18;
	s22 =	simm.s32 $0x1;
	s16 =	simm.s32 $0x1  }
0x4f: {  	p2 =	por p2, p2;
	p1 =	por p1, p1;
	s16 =	simm.s32 @!p4 $0x2  }
0x50: {  	p2 =	por p2, p2;
	p1 =	por p1, p1;
	s15 =	sadd.s32 $0x50, s13;
	v2 =	vmov s16  }
0x51: {  	s24 =	sadd.s32 $0x3, s13;
	s31 =	sadd.s32 $0x4, s13;
	s14 =	smul.u32 $0x28000, s30;
	vm14 =	vgt.u32 v2, v0  }
0x52: {  	s20 =	simm.s32 @!p0 $0x1;
	p5 =	por p0, p0;
	p4 =	por p4, p4  }
0x53: {  	s14 =	sshrl.u32 s14, $0x2;
	s20 =	smov.u32 @p0 s17;
	s16 =	spop (v2sf)  }
0x54: {  	s17 =	simm.s32 @!p0 $0x80;
	s16 =	simm.s32 @p1 $0xFFFFFFFF;
	p1 =	por $0x0, $0x0  }
0x55: {  	s14 =	sor.u32 $0xA0, s14;
	s22 =	simm.s32 @!p1 $0x2;
	s23 =	spop (v2sf)  }
0x56: {  	p5 =	por p5, p5;
	s18 =	sadd.s32 @!p0 $0x0, s14;
	v4 =	vmov s22;
	p3 =	seq.s32 s23, s16  }
0x57: {  	vm15 =	vgt.u32 v4, v0;
	v2 =	vld.msk [tilespmem:s24+$0x0 ss:$0x1], vm14;
	s24 =	simm.s32 $0x1C;
	s16 =	sadd.s32 @!p3 $0x1, s20;
	s22 =	sshll.u32 @!p3 s20, $0xC  }
0x58: {  	vm1 =	vgt.s32 @!p3 v3, $0x0;
	s22 =	sshra.s32 @!p3 s22, $0x2;
	s16 =	smov.u32 @p3 s20;
	s20 =	simm.s32 @!p3 $0x80  }
0x59: {  	v3 =	vnsel @!p3 vm1, $0x0, v3;
	s23 =	sadd.s32 @!p3 s22, s14;
	s22 =	spop @!p0 (v2sf);
	p0 =	por p3, p3  }
0x5a: {  	v3 =	vmin.u32 @!p3 v3, $0x27FF;
	s25 =	simm.s32 @!p0 $0x0;
	s26 =	spop (v2sf);
	s28 =	sshll.u32 @!p5 s22, $0x4  }
0x5b: {  	(v2sf) =	vpush @!p3 v3, $0x0;
	s25 =	simm.s32 @p0 $0x1;
	s26 =	simm.s32 @p2 $0xFFFFFFFF;
	s29 =	spop (v2sf)  }
0x5c: {  	(v2sf) =	vpush v2, $0x1;
	s28 =	sand.u32 @!p5 $0x70, s28;
	[smem:$0x7FD] =	sst s25;
	p6 =	seq.s32 s29, s26  }
0x5d: {  	(v2sf) =	vpush v2, $0x0;
	s26 =	sshll.u32 @!p5 s22, $0x7;
	s25 =	sadd.s32 @!p5 s2, s28;
	s22 =	smov.u32 s16;
	v3 =	vld.msk [tilespmem:s31+$0x0 ss:$0x1], vm15  }
.LBB2_3:
0x5e: {  	s28 =	simm.s32 @!p3 $0x0;
	s29 =	smov.u32 s19;
	s19 =	smov.u32 s24  }
0x5f: {  	s24 =	sadd.s32 $0x4, s24;
	s30 =	smov.u32 s23;
	p0 =	por p5, p5  }
0x60: {  	s31 =	sld [smem:$0x7FD];
	s28 =	simm.s32 @p3 $0x1;
	p3 =	por p6, p6  }
0x61: {  	p2 =	sne.s32 s24, $0xA0;
	[smem:$0x7FA] =	sst s28;
	s28 =	smov.u32 s16  }
0x62: {  	vm0 =	vgt.s32 @!p6 v1, $0x0;
	s16 =	sadd.s32 @!p6 $0x1, s16;
	p6 =	por p4, p4;
	s23 =	simm.s32 @!p2 $0x0  }
0x63: {  	p4 =	por p1, p1;
	p1 =	seq.s32 s21, $0x9C;
	s23 =	simm.s32 @p2 $0x1  }
0x64: {  	s22 =	sshll.u32 @!p3 s22, $0xC;
	[smem:$0x7FB] =	sst s23;
	s23 =	simm.s32 $0x1  }
0x65: {  	s16 =	smov.u32 @p3 s28;
	s28 =	simm.s32 @!p3 $0x80;
	s23 =	simm.s32 @!p1 $0x2  }
0x66: {  	p2 =	seq.s32 s31, $0x1;
	s31 =	sshra.s32 s21, $0x2;
	v5 =	vmov s23;
	s23 =	sand.u32 @!p0 $0x1FFC00, s26  }
0x67: {  	p5 =	por p2, p2;
	p2 =	por p3, p3;
	s25 =	sadd.s32 @!p0 s23, s25  }
0x68: {  	[tilespmem:s18], [sflag:$0x1] =	stream.strided.gather @!p0 [hbm:s25], $0x400, s17, s17, $0x38;
	[tilespmem:$0x140A0] =	vst v63  }
0x69: {  	s17 =	smov.u32 s20;
	s20 =	smov.u32 s28;
	s28 =	sld [smem:$0x7FA]  }
0x6a: {  	s26 =	sshra.s32 @!p3 s22, $0x2;
	s25 =	sadd.s32 s31, s13;
	s31 =	sld [smem:$0x7FB]  }
0x6b: {  	s23 =	sadd.s32 @!p3 s26, s14;
	s26 =	simm.s32 @!p2 $0x0  }
0x6c: {  	vm15 =	vgt.u32 v5, v0;
	s26 =	simm.s32 @p2 $0x1;
	p0 =	seq.s32 s28, $0x1  }
0x6d: {  	[smem:$0x7FD] =	sst s26;
	s26 =	spop @!p0 (v2sf);
	p0 =	seq.s32 s31, $0x1  }
.Ltmp3:
0x6e: {  	v4 =	vnsel @!p3 vm0, $0x0, v1;
	(pc) =	sbr.rel @p0 .LBB2_3-.Ltmp3, $4  }
0x6f: {  	v4 =	vmin.u32 @!p3 v4, $0x27FF;
	s21 =	smov.u32 s29;
	s22 =	smov.u32 s16  }
0x70: {  	(v2sf) =	vpush @!p3 v4, $0x0;
	s18 =	smov.u32 s30;
	s28 =	spop (v2sf);
	s29 =	sshll.u32 @!p5 s26, $0x4  }
0x71: {  	v1 =	vmov v2;
	v2 =	vmov v3;
	(v2sf) =	vpush v3, $0x1;
	s28 =	simm.s32 @p6 $0xFFFFFFFF;
	s30 =	spop (v2sf);
	s29 =	sand.u32 @!p5 $0x70, s29  }
0x72: {  	(v2sf) =	vpush v2, $0x0;
	v3 =	vld.msk [tilespmem:s25+$0x0 ss:$0x1], vm15;
	s26 =	sshll.u32 @!p5 s26, $0x7;
	p6 =	seq.s32 s30, s28;
	s25 =	sadd.s32 @!p5 s2, s29  }
0x73: {  	_ = 	snop  }
0x74: {  	vm0 =	vgt.s32 @!p6 v1, $0x0  }
0x75: {  	v1 =	vnsel @!p6 vm0, $0x0, v1  }
0x76: {  	v1 =	vmin.u32 @!p6 v1, $0x27FF  }
0x77: {  	(v2sf) =	vpush @!p6 v1, $0x0  }
0x78: {  	(v2sf) =	vpush v3, $0x1  }
0x79: {  	p0 =	seq.s32 s21, $0x9C;
	s24 =	simm.s32 $0x1;
	(v2sf) =	vpush v3, $0x0  }
0x7a: {  	s24 =	simm.s32 @!p0 $0x2  }
0x7b: {  	v1 =	vmov s24  }
0x7c: {  	vm14 =	vgt.u32 v1, v0;
	_ =	sdelay $0x1  }
0x7d: {  	p2 =	por p4, p4  }
0x7e: {  	s31 =	sshra.s32 s21, $0x2;
	p4 =	seq.s32 s19, $0x9C;
	s24 =	spop @!p3 (v2sf)  }
0x7f: {  	s29 =	simm.s32 $0x1;
	s21 =	sadd.s32 s31, s13;
	s28 =	spop (v2sf)  }
0x80: {  	s29 =	simm.s32 @!p4 $0x2;
	s28 =	simm.s32 @p2 $0xFFFFFFFF;
	s30 =	spop (v2sf)  }
0x81: {  	v4 =	vmov s29;
	v1 =	vld.msk [tilespmem:s21+$0x0 ss:$0x1], vm14;
	p3 =	seq.s32 s30, s28  }
0x82: {  	vm1 =	vgt.u32 v4, v0;
	vm0 =	vgt.s32 @!p3 v2, $0x0  }
0x83: {  	v2 =	vnsel @!p3 vm0, $0x0, v2  }
0x84: {  	v2 =	vmin.u32 @!p3 v2, $0x27FF  }
0x85: {  	p1 =	por p1, p1;
	s21 =	spop @!p6 (v2sf);
	(v2sf) =	vpush @!p3 v2, $0x0  }
0x86: {  	p1 =	por p1, p1;
	s30 =	sshra.s32 s19, $0x2;
	s28 =	spop (v2sf);
	(v2sf) =	vpush v1, $0x1  }
0x87: {  	s19 =	sadd.s32 s30, s13;
	s28 =	simm.s32 @p1 $0xFFFFFFFF;
	s31 =	spop (v2sf);
	(v2sf) =	vpush v1, $0x0  }
0x88: {  	v2 =	vld.msk [tilespmem:s19+$0x0 ss:$0x1], vm1;
	p1 =	seq.s32 s31, s28  }
0x89: {  	s30 =	sld [smem:$0x7FD];
	vm0 =	vgt.s32 @!p1 v3, $0x0  }
0x8a: {  	v3 =	vnsel @!p1 vm0, $0x0, v3  }
0x8b: {  	p2 =	por p5, p5;
	v3 =	vmin.u32 @!p1 v3, $0x27FF  }
0x8c: {  	s19 =	sand.u32 @!p2 $0x1FFC00, s26;
	p5 =	seq.s32 s30, $0x1;
	(v2sf) =	vpush @!p1 v3, $0x0  }
0x8d: {  	s19 =	sadd.s32 @!p2 s19, s25;
	p5 =	por p5, p5;
	(v2sf) =	vpush v2, $0x1  }
0x8e: {  	[tilespmem:s18], [sflag:$0x1] =	stream.strided.gather @!p2 [hbm:s19], $0x400, s17, s17, $0x38;
	(v2sf) =	vpush v2, $0x0;
	[tilespmem:$0x140A0] =	vst v63  }
0x8f: {  	p0 =	por p0, p0;
	s17 =	sshll.u32 @!p5 s24, $0x4  }
0x90: {  	s18 =	sshll.u32 @!p5 s24, $0x7;
	p2 =	por p5, p5;
	s17 =	sand.u32 @!p5 $0x70, s17  }
0x91: {  	p0 =	por p0, p0;
	s18 =	sand.u32 @!p2 $0x1FFC00, s18;
	s17 =	sadd.s32 @!p5 s2, s17  }
0x92: {  	p5 =	por p6, p6;
	s17 =	sadd.s32 @!p2 s18, s17;
	s18 =	sshll.u32 @!p6 s22, $0xC  }
0x93: {  	[tilespmem:s23], [sflag:$0x1] =	stream.strided.gather @!p2 [hbm:s17], $0x400, s20, s20, $0x38;
	[tilespmem:$0x140A0] =	vst v63  }
0x94: {  	s17 =	sadd.s32 @!p6 $0x1, s16;
	p2 =	por p5, p5;
	s20 =	spop @!p3 (v2sf)  }
0x95: {  	s19 =	sshll.u32 @!p2 s21, $0x4;
	s21 =	sshll.u32 @!p2 s21, $0x7;
	s22 =	spop (v2sf)  }
0x96: {  	s19 =	sand.u32 @!p2 $0x70, s19;
	s22 =	simm.s32 @p0 $0xFFFFFFFF;
	s31 =	spop (v2sf)  }
0x97: {  	s19 =	sadd.s32 @!p2 s2, s19;
	p0 =	por p2, p2;
	p2 =	seq.s32 s31, s22  }
0x98: {  	s17 =	smov.u32 @p6 s16;
	s16 =	sshra.s32 @!p6 s18, $0x2;
	s18 =	sand.u32 @!p0 $0x1FFC00, s21;
	vm0 =	vgt.s32 @!p2 v1, $0x0  }
0x99: {  	s16 =	sadd.s32 @!p6 s16, s14;
	s21 =	simm.s32 @!p6 $0x80;
	s18 =	sadd.s32 @!p0 s18, s19;
	v1 =	vnsel @!p2 vm0, $0x0, v1  }
0x9a: {  	[tilespmem:s16], [sflag:$0x1] =	stream.strided.gather @!p0 [hbm:s18], $0x400, s21, s21, $0x38;
	v1 =	vmin.u32 @!p2 v1, $0x27FF;
	[tilespmem:$0x140A0] =	vst v63  }
0x9b: {  	p4 =	por p4, p4;
	p5 =	por p3, p3;
	s18 =	spop @!p1 (v2sf);
	(v2sf) =	vpush @!p2 v1, $0x0  }
0x9c: {  	s16 =	sadd.s32 @!p3 $0x1, s17;
	p0 =	por p4, p4;
	s19 =	spop (v2sf)  }
0x9d: {  	s16 =	smov.u32 @p3 s17;
	s19 =	simm.s32 @p0 $0xFFFFFFFF;
	s24 =	spop (v2sf)  }
0x9e: {  	s17 =	sshll.u32 @!p3 s17, $0xC;
	p0 =	por p5, p5;
	p4 =	seq.s32 s24, s19  }
0x9f: {  	p6 =	por p1, p1;
	s17 =	sshra.s32 @!p3 s17, $0x2;
	s21 =	sshll.u32 @!p0 s20, $0x4;
	vm0 =	vgt.s32 @!p4 v2, $0x0  }
0xa0: {  	s20 =	sshll.u32 @!p0 s20, $0x7;
	p5 =	por p0, p0;
	s21 =	sand.u32 @!p0 $0x70, s21;
	v1 =	vnsel @!p4 vm0, $0x0, v2  }
0xa1: {  	s17 =	sadd.s32 @!p3 s17, s14;
	s20 =	sand.u32 @!p5 $0x1FFC00, s20;
	s21 =	sadd.s32 @!p0 s2, s21;
	v1 =	vmin.u32 @!p4 v1, $0x27FF  }
0xa2: {  	s19 =	simm.s32 @!p3 $0x80;
	p0 =	por p6, p6;
	s20 =	sadd.s32 @!p5 s20, s21;
	(v2sf) =	vpush @!p4 v1, $0x0  }
0xa3: {  	[tilespmem:s17], [sflag:$0x1] =	stream.strided.gather @!p5 [hbm:s20], $0x400, s19, s19, $0x38;
	[tilespmem:$0x140A0] =	vst v63  }
0xa4: {  	p3 =	por p0, p0;
	s19 =	sshll.u32 @!p0 s18, $0x4  }
0xa5: {  	s17 =	sshll.u32 @!p1 s16, $0xC;
	s18 =	sshll.u32 @!p0 s18, $0x7;
	s19 =	sand.u32 @!p0 $0x70, s19  }
0xa6: {  	s17 =	sshra.s32 @!p1 s17, $0x2;
	s18 =	sand.u32 @!p3 $0x1FFC00, s18;
	s19 =	sadd.s32 @!p0 s2, s19  }
0xa7: {  	s20 =	simm.s32 @!p1 $0x80;
	s17 =	sadd.s32 @!p1 s17, s14;
	s18 =	sadd.s32 @!p3 s18, s19  }
0xa8: {  	[tilespmem:s17], [sflag:$0x1] =	stream.strided.gather @!p3 [hbm:s18], $0x400, s20, s20, $0x38;
	[tilespmem:$0x140A0] =	vst v63  }
0xa9: {  	p5 =	por p2, p2;
	s17 =	sadd.s32 @!p1 $0x1, s16  }
0xaa: {  	p0 =	por p5, p5;
	s17 =	smov.u32 @p1 s16;
	s16 =	spop @!p2 (v2sf)  }
0xab: {  	p1 =	por p0, p0;
	s19 =	sshll.u32 @!p0 s16, $0x4  }
0xac: {  	s18 =	sshll.u32 @!p2 s17, $0xC;
	s16 =	sshll.u32 @!p0 s16, $0x7;
	s19 =	sand.u32 @!p0 $0x70, s19  }
0xad: {  	s18 =	sshra.s32 @!p2 s18, $0x2;
	s16 =	sand.u32 @!p1 $0x1FFC00, s16;
	s19 =	sadd.s32 @!p0 s2, s19  }
0xae: {  	s20 =	simm.s32 @!p2 $0x80;
	s18 =	sadd.s32 @!p2 s18, s14;
	s16 =	sadd.s32 @!p1 s16, s19  }
0xaf: {  	[tilespmem:s18], [sflag:$0x1] =	stream.strided.gather @!p1 [hbm:s16], $0x400, s20, s20, $0x38;
	[tilespmem:$0x140A0] =	vst v63  }
0xb0: {  	p6 =	por p4, p4;
	s16 =	sadd.s32 @!p2 $0x1, s17  }
0xb1: {  	p0 =	por p6, p6;
	s18 =	spop @!p4 (v2sf);
	s16 =	smov.u32 @p2 s17  }
0xb2: {  	s17 =	sshll.u32 @!p0 s18, $0x4;
	s19 =	sadd.s32 @!p4 $0x1, s16  }
0xb3: {  	s20 =	sshll.u32 @!p4 s16, $0xC;
	s18 =	sshll.u32 @!p0 s18, $0x7;
	s17 =	sand.u32 @!p0 $0x70, s17  }
0xb4: {  	s19 =	smov.u32 @p4 s16;
	s17 =	sadd.s32 @!p0 s2, s17;
	p0 =	por p0, p0  }
0xb5: {  	s16 =	sshra.s32 @!p4 s20, $0x2;
	s20 =	simm.s32 @!p4 $0x80;
	s18 =	sand.u32 @!p0 $0x1FFC00, s18  }
0xb6: {  	s16 =	sadd.s32 @!p4 s16, s14;
	s25 =	sshll.u32 s19, $0xA;
	s17 =	sadd.s32 @!p0 s18, s17  }
0xb7: {  	[tilespmem:s16], [sflag:$0x1] =	stream.strided.gather @!p0 [hbm:s17], $0x400, s20, s20, $0x38;
	[tilespmem:$0x140A0] =	vst v63  }
0xb8: {  	s16 =	sand.u32 $0x3FFFFC00, s25  }
0xb9: {  	_ =	swait.ge [sflag:s4], s16  }
0xba: {  	s16 =	ssub.s32 $0x0, s16;
	[sflag:s4] =	ssyncset.done $0x0  }
0xbb: {  	s26 =	sadd.s32 $0x0, s15;
	[sflag:s4] =	ssyncadd.s32 s16  }
0xbc: {  	v1 =	vld.msk [tilespmem:s26+$0x0 ss:$0x1], $0x1;
	_ =	sdelay $0x4  }
0xbd: {  	(v2sf) =	vpush v1, $0x0;
	_ =	sdelay $0xc  }
0xbe: {  	p0 =	por $0x0, $0x0;
	s16 =	simm.s32 $0x1  }
0xbf: {  	s16 =	simm.s32 @!p0 $0x2  }
0xc0: {  	v1 =	vmov s16;
	s28 =	spop (v2sf)  }
0xc1: {  	vm15 =	vgt.u32 v1, v0;
	s29 =	sshll.u32 s28, $0xA;
	s17 =	sshll.u32 s28, $0x7  }
0xc2: {  	s16 =	sand.u32 $0xFFFFE000, s29;
	s17 =	sand.u32 $0x380, s17  }
0xc3: {  	s16 =	sor.u32 s17, s16  }
0xc4: {  	s30 =	sadd.s32 $0x0, s14;
	s31 =	sadd.s32 $0x0, s13;
	s16 =	sshrl.u32 s16, $0x3  }
0xc5: {  	s19 =	simm.s32 $0x8;
	s18 =	simm.s32 $0x4;
	s16 =	sadd.s32 s7, s16  }
0xc6: {  	[hbm:s16] =	stream.strided.scatter [tilespmem:s30], [sflag:$0x3], $0x400, s11, s11, $0x38;
	[tilespmem:$0x140A0] =	vst v63  }
0xc7: {  	p1 =	por p0, p0;
	s17 =	simm.s32 $0x1;
	s16 =	simm.s32 $0x0;
	v1 =	vld.msk [tilespmem:s31+$0x0 ss:$0x1], vm15  }
.LBB2_5:
0xc8: {  	p2 =	sne.s32 s19, $0x9C;
	s20 =	sadd.s32 s17, s15  }
0xc9: {  	v2 =	vld.msk [tilespmem:s20+$0x0 ss:$0x1], $0x1;
	_ =	sdelay $0x3  }
0xca: {  	(v2sf) =	vpush v1, $0x1  }
0xcb: {  	(v2sf) =	vpush v1, $0x0  }
0xcc: {  	(v2sf) =	vpush v2, $0x0;
	_ =	sdelay $0xb  }
0xcd: {  	p0 =	seq.s32 s18, $0x9C;
	s18 =	smov.u32 s19;
	s20 =	simm.s32 $0x1  }
0xce: {  	s20 =	simm.s32 @!p0 $0x2;
	s21 =	spop (v2sf)  }
0xcf: {  	s21 =	simm.s32 @p1 $0xFFFFFFFF;
	s22 =	spop (v2sf);
	p1 =	por p0, p0  }
0xd0: {  	v1 =	vmov s20;
	s20 =	spop (v2sf);
	p0 =	sne.s32 s22, s21;
	s22 =	simm.s32 $0x1  }
0xd1: {  	vm0 =	vgt.u32 v1, v0;
	s21 =	sshll.u32 s20, $0xA;
	s20 =	sshll.u32 s20, $0x7;
	s22 =	simm.s32 @!p0 $0x0  }
0xd2: {  	s21 =	sand.u32 $0xFFFFE000, s21;
	s20 =	sand.u32 $0x380, s20;
	s16 =	sadd.s32 s22, s16  }
.Ltmp4:
0xd3: {  	s20 =	sor.u32 s20, s21;
	s21 =	sshll.u32 s16, $0xC;
	(pc) =	sbr.rel @p2 .LBB2_5-.Ltmp4, $4  }
0xd4: {  	s20 =	sshrl.u32 s20, $0x3;
	s21 =	sshra.s32 s21, $0x2  }
0xd5: {  	s22 =	sadd.s32 s17, s13;
	s21 =	sadd.s32 s21, s14;
	s20 =	sadd.s32 s7, s20  }
0xd6: {  	[hbm:s20] =	stream.strided.scatter [tilespmem:s21], [sflag:$0x3], $0x400, s11, s11, $0x38;
	[tilespmem:$0x140A0] =	vst v63  }
0xd7: {  	s19 =	sadd.s32 $0x4, s19;
	s17 =	sshra.s32 s18, $0x2;
	v1 =	vld.msk [tilespmem:s22+$0x0 ss:$0x1], vm0  }
.Ltmp5:
0xd8: {  	_ = 	snop;
	(pc) =	sbr.rel .LBB2_6-.Ltmp5, $1  }
0xd9: {  	_ =	sdelay $0x3  }
.LBB2_8:
0xda: {  	_ =	sfence.sel $0x180000  }
0xdb: {  	s2 =	simm.s32 $0x2;
	[bflag:$0x0] =	sbarrier.arrive $0xFFFF  }
0xdc: {  	s30 =	simm.s32 $0x3;
	[sflag:s2] =	ssyncpa.u1 $0x1  }
0xdd: {  	s31 =	simm.s32 $0x1;
	[sflag:s30] =	ssyncpa.u1 $0x1  }
0xde: {  	[sflag:s31] =	ssyncpa.u1 $0x1  }
0xdf: {  	p0 =	sne.s32 s1, $0x0;
	_ =	strace $0x90000047  }
0xe0: {  	s0 =	sadd.s32 @!p0 $0x100000, s0;
	[bflag:$0x2] =	sbarrier.arrive $0xFFFF  }
0xe1: {  	[sflag:s0] =	ssyncadd.tile.s32 @!p0 $0x1;
	_ =	shalt  }
.Lfunc_end2:
_tile_overlayer_lowered:
.L_overlay_start_2:
0xe2: {  	(tag) =	ssettag $0x2  }
0xe3: {  	s0 =	rddreg [dreg:$0x0];
	s2 =	stileid.u32  }
0xe4: {  	s1 =	rddreg [dreg:$0x1];
	p0 =	sne.s32 s2, $0x0  }
0xe5: {  	s3 =	rddreg [dreg:$0x2];
	[bflag:$0x3] =	sbarrier.arrive $0xFFFF;
	s2 =	simm.s32 @!p0 $0x1C01  }
0xe6: {  	[timem:s3], [sflag:s2] =	dma.local @!p0 [hbm:s0], s1  }
0xe7: {  	s0 =	simm.s32 @!p0 $0x1  }
0xe8: {  	_ =	swait.ge @!p0 [sflag:s0], s1  }
0xe9: {  	s1 =	ssub.s32 @!p0 $0x0, s1;
	[sflag:s0] =	ssyncset.done @!p0 $0x0  }
0xea: {  	[sflag:s0] =	ssyncadd.s32 @!p0 s1  }
0xeb: {  	[bflag:$0x3] =	sbarrier.arrive $0xFFFF  }
0xec: {  	_ =	shalt  }

// kernel: kernel.12.cloned.1.call-start
scs
__scs_entry_jumppad:
0x0: {  	(pc) =	sbr.rel $0x88, $3  }
0x1: {  	(tag) =	ssettag $0x0;
	lr =	simm.s32 $0x1  }
0x2: {  	[smem:$0x3F75] =	sst lr;
	_ =	strace $0xD0000000  }
0x3: {  	_ = 	snop  }
0x4: {  	_ = 	snop  }
0x5: {  	_ = 	snop  }
0x6: {  	_ = 	snop  }
0x7: {  	_ = 	snop  }
__scs_overlays_trampoline_lowered:
0x8: {  	[smem:$0x3F84] =	sst s0  }
0x9: {  	[smem:$0x3F85] =	sst s1  }
0xa: {  	[smem:$0x3F86] =	sst s2  }
0xb: {  	[smem:$0x3F87] =	sst s3  }
0xc: {  	[smem:$0x3F88] =	sst s4  }
0xd: {  	[smem:$0x3F89] =	sst s5  }
0xe: {  	[smem:$0x3F8A] =	sst s6  }
0xf: {  	[smem:$0x3F8B] =	sst s7  }
0x10: {  	[smem:$0x3F8C] =	sst s8  }
0x11: {  	[smem:$0x3F8D] =	sst s9;
	s0 =	simm.s32 @!p0 $0x0  }
0x12: {  	s1 =	sld [smem:$0x3F73];
	s0 =	simm.s32 @p0 $0x1  }
0x13: {  	[smem:$0x3F8E] =	sst s0;
	s0 =	simm.s32 @!p1 $0x0  }
0x14: {  	s2 =	sld [smem:$0x3F72];
	s0 =	simm.s32 @p1 $0x1  }
0x15: {  	[smem:$0x3F8F] =	sst s0;
	s0 =	simm.s32 @!p2 $0x0  }
0x16: {  	s3 =	sld [smem:$0x3FDB];
	s0 =	simm.s32 @p2 $0x1  }
0x17: {  	s4 =	simm.s32 $0x1BF5;
	[smem:$0x3F91] =	sst s0  }
0x18: {  	s0 =	sld [smem:$0x3F74];
	_ =	swait.ge [sflag:s4], $0x0  }
0x19: {  	s7 =	sld [smem:$0x3F75]  }
0x1a: {  	s8 =	sadd.s32 $0xFFFFE003, lr  }
0x1b: {  	s9 =	sadd.s32 $0xFFFFFEF7, lr;
	s5 =	simm.s32 $0xFFFFFFFF;
	p2 =	slt.u32 s8, $0xFFFFF086  }
0x1c: {  	p1 =	slt.u32 s9, $0xF7A;
	s5 =	simm.s32 @!p2 $0x0  }
0x1d: {  	s5 =	simm.s32 @p1 $0x1;
	p0 =	seq.s32 s7, s2  }
0x1e: {  	s7 =	smul.u32 @!p0 $0xF7A, s2;
	p2 =	seq.s32 @!p0 s5, $0x0  }
0x1f: {  	s9 =	smul.u32 $0xF7A, s1;
	s8 =	simm.s32 @!p0 $0x1BF5;
	p2 =	por !p2, p0  }
0x20: {  	[sflag:s8] =	ssyncset.s32 @!p0 $0xFFFFF086;
	s6 =	sadd.s32 @!p0 s3, s7;
	s7 =	simm.s32 @!p0 $0x108  }
0x21: {  	s3 =	sadd.s32 s3, s9;
	s6 =	sadd.s32 @!p0 $0x88, s6;
	s7 =	simm.s32 @p2 $0x1082  }
0x22: {  	[simem:s7], [sflag:s8] =	dma.local @!p0 [hbm:s6], $0xF7A  }
0x23: {  	s9 =	sor.u32 $0xD0000000, s2;
	s6 =	simm.s32 $0x108;
	_ =	swait.ge @!p0 [sflag:s8], $0x0  }
0x24: {  	s3 =	sadd.s32 $0x88, s3;
	s6 =	simm.s32 @!p1 $0x1082;
	[sflag:s4] =	ssyncset.s32 $0xFFFFF086  }
0x25: {  	[simem:s6], [sflag:s4] =	dma.local [hbm:s3], $0xF7A  }
0x26: {  	[smem:$0x3F75] =	sst s1;
	(tag) =	ssettag s2;
	_ =	strace s9  }
0x27: {  	s1 =	sld [smem:$0x3F85]  }
0x28: {  	s2 =	sld [smem:$0x3F86]  }
0x29: {  	s4 =	sld [smem:$0x3F88]  }
0x2a: {  	p0 =	seq.s32 s5, $0x0;
	s5 =	sld [smem:$0x3F89]  }
0x2b: {  	s6 =	sld [smem:$0x3F8A]  }
0x2c: {  	s7 =	sld [smem:$0x3F8B]  }
0x2d: {  	s3 =	simm.s32 $0x108;
	s8 =	sld [smem:$0x3F8C]  }
0x2e: {  	s3 =	simm.s32 @!p0 $0x1082;
	s9 =	sld [smem:$0x3F8D]  }
0x2f: {  	lr =	sadd.s32 s0, s3;
	s0 =	sld [smem:$0x3F84]  }
0x30: {  	s3 =	sld [smem:$0x3F87]  }
0x31: {  	[smem:$0x3F90] =	sst s10  }
0x32: {  	s10 =	sld [smem:$0x3F8E];
	_ =	sdelay $0x3  }
0x33: {  	p0 =	seq.s32 s10, $0x1;
	s10 =	sld [smem:$0x3F90];
	_ =	sdelay $0x3  }
0x34: {  	[smem:$0x3F90] =	sst s10  }
0x35: {  	s10 =	sld [smem:$0x3F8F];
	_ =	sdelay $0x3  }
0x36: {  	p1 =	seq.s32 s10, $0x1;
	s10 =	sld [smem:$0x3F90];
	_ =	sdelay $0x3  }
0x37: {  	[smem:$0x3F90] =	sst s10  }
0x38: {  	s10 =	sld [smem:$0x3F91]  }
0x39: {  	_ = 	snop;
	(pc) =	sbr.ind lr, $3  }
0x3a: {  	_ = 	snop  }
0x3b: {  	_ = 	snop  }
0x3c: {  	p2 =	seq.s32 s10, $0x1;
	s10 =	sld [smem:$0x3F90]  }
0x3d: {  	_ =	shalt  }
0x3e: {  	_ =	shalt  }
0x3f: {  	_ =	shalt  }
0x40: {  	_ =	shalt  }
0x41: {  	_ =	shalt  }
0x42: {  	_ =	shalt  }
0x43: {  	_ =	shalt  }
0x44: {  	_ =	shalt  }
0x45: {  	_ =	shalt  }
0x46: {  	_ =	shalt  }
0x47: {  	_ =	shalt  }
0x48: {  	_ =	shalt  }
0x49: {  	_ =	shalt  }
0x4a: {  	_ =	shalt  }
0x4b: {  	_ =	shalt  }
0x4c: {  	_ =	shalt  }
0x4d: {  	_ =	shalt  }
0x4e: {  	_ =	shalt  }
0x4f: {  	_ =	shalt  }
0x50: {  	_ =	shalt  }
0x51: {  	_ =	shalt  }
0x52: {  	_ =	shalt  }
0x53: {  	_ =	shalt  }
0x54: {  	_ =	shalt  }
0x55: {  	_ =	shalt  }
0x56: {  	_ =	shalt  }
0x57: {  	_ =	shalt  }
0x58: {  	_ =	shalt  }
0x59: {  	_ =	shalt  }
0x5a: {  	_ =	shalt  }
0x5b: {  	_ =	shalt  }
0x5c: {  	_ =	shalt  }
0x5d: {  	_ =	shalt  }
0x5e: {  	_ =	shalt  }
0x5f: {  	_ =	shalt  }
0x60: {  	_ =	shalt  }
0x61: {  	_ =	shalt  }
0x62: {  	_ =	shalt  }
0x63: {  	_ =	shalt  }
0x64: {  	_ =	shalt  }
0x65: {  	_ =	shalt  }
0x66: {  	_ =	shalt  }
0x67: {  	_ =	shalt  }
0x68: {  	_ =	shalt  }
0x69: {  	_ =	shalt  }
0x6a: {  	_ =	shalt  }
0x6b: {  	_ =	shalt  }
0x6c: {  	_ =	shalt  }
0x6d: {  	_ =	shalt  }
0x6e: {  	_ =	shalt  }
0x6f: {  	_ =	shalt  }
0x70: {  	_ =	shalt  }
0x71: {  	_ =	shalt  }
0x72: {  	_ =	shalt  }
0x73: {  	_ =	shalt  }
0x74: {  	_ =	shalt  }
0x75: {  	_ =	shalt  }
0x76: {  	_ =	shalt  }
0x77: {  	_ =	shalt  }
0x78: {  	_ =	shalt  }
0x79: {  	_ =	shalt  }
0x7a: {  	_ =	shalt  }
0x7b: {  	_ =	shalt  }
0x7c: {  	_ =	shalt  }
0x7d: {  	_ =	shalt  }
0x7e: {  	_ =	shalt  }
0x7f: {  	_ =	shalt  }
0x80: {  	_ =	shalt  }
0x81: {  	_ =	shalt  }
0x82: {  	_ =	shalt  }
0x83: {  	_ =	shalt  }
0x84: {  	_ =	shalt  }
0x85: {  	_ =	shalt  }
0x86: {  	_ =	shalt  }
0x87: {  	_ =	shalt  }
.Lfunc_end0:
.L_simem_size_0:
called_computation.5_lowered:
.L_overlay_start_0:
0x88: {  	s2 =	sld [smem:$0x3FD9]  }
0x89: {  	s3 =	sld [smem:$0x3FFE];
	_ =	sdelay $0x1  }
0x8a: {  	s1 =	srdreg.scid  }
0x8b: {  	s0 =	sand.u32 $0x1, s1  }
0x8c: {  	s17 =	sshll.u32 s0, $0xA;
	s2 =	sadd.s32 s3, s2  }
0x8d: {  	s2 =	sadd.s32 s2, s17  }
0x8e: {  	[smem:$0x3F9C] =	sst s2  }
0x8f: {  	_ = 	snop  }
0x90: {  	(tm) =	ssettm $0x1  }
0x91: {  	s18 =	sld [smem:$0x3FFB];
	_ =	sdelay $0x3  }
0x92: {  	_ =	strace s18  }
0x93: {  	s2 =	sld [smem:$0x3FFC];
	_ =	sdelay $0x3  }
0x94: {  	_ =	strace s2  }
0x95: {  	s2 =	sld [smem:$0x3FFD];
	_ =	sdelay $0x3  }
0x96: {  	_ =	strace s2  }
0x97: {  	_ =	strace $0x8FFFFFFF  }
0x98: {  	s19 =	sld [smem:$0x3FDB];
	_ =	sdelay $0x1  }
0x99: {  	s20 =	simm.s32 $_scs_section_size  }
0x9a: {  	s4 =	simm.s32 $_size__tile_overlayer_lowered;
	s5 =	simm.s32 $_tile_overlayer_lowered  }
0x9b: {  	s6 =	simm.s32 $0x1BFF;
	s21 =	sshll.u32 s5, $0x1;
	s3 =	sadd.s32 s20, s19  }
0x9c: {  	s22 =	simm.s32 $0x0;
	s4 =	sshll.u32 s4, $0x1;
	s5 =	sadd.s32 s21, s3  }
0x9d: {  	[timem:s22], [sflag:s6] =	dma.local [hbm:s5], s4  }
0x9e: {  	_ =	swait.ge [sflag:s6], s4  }
0x9f: {  	s4 =	ssub.s32 $0x0, s4;
	[sflag:s6] =	ssyncset.done $0x0  }
0xa0: {  	[sflag:s6] =	ssyncadd.s32 s4;
	_ =	sdelay $0x1  }
0xa1: {  	s23 =	simm.s32 $0x1B8B  }
0xa2: {  	_ =	swait.ge [sflag:s23], $0x1  }
0xa3: {  	[sflag:s23] =	ssyncset.done $0x0  }
0xa4: {  	[sflag:s23] =	ssyncadd.s32 $0xFFFFFFFF  }
0xa5: {  	s4 =	sld [smem:$0x0]  }
0xa6: {  	s5 =	sand.u32 $0xFFFFFFFE, s1  }
0xa7: {  	p0 =	sne.s32 s1, s5  }
0xa8: {  	s5 =	sshll.u32 @p0 s5, $0xE  }
0xa9: {  	s5 =	sadd.s32 @p0 $0x11B8D, s5;
	s6 =	sshll.u32 @p0 s4, $0x11  }
0xaa: {  	s5 =	sor.u32 @p0 s6, s5  }
0xab: {  	[sflag:s5] =	ssyncadd.remote.s32 @p0 $0x1;
	_ =	sdelay $0x1  }
0xac: {  	s5 =	simm.s32 @p0 $0x1B8D  }
0xad: {  	_ =	swait.eq @p0 [sflag:s5], $0x1  }
0xae: {  	[sflag:s5] =	ssyncadd.s32 @p0 $0xFFFFFFFF  }
0xaf: {  	s6 =	sshll.u32 @!p0 s1, $0xE  }
0xb0: {  	s6 =	sor.u32 @!p0 $0x4000, s6;
	s5 =	simm.s32 @!p0 $0x1B8D  }
0xb1: {  	s4 =	sshll.u32 @!p0 s4, $0x11;
	s6 =	sadd.s32 @!p0 $0x11B8D, s6;
	_ =	swait.eq @!p0 [sflag:s5], $0x1  }
0xb2: {  	s4 =	sor.u32 @!p0 s4, s6;
	[sflag:s5] =	ssyncadd.s32 @!p0 $0xFFFFFFFF  }
0xb3: {  	s25 =	simm.s32 $0x1B8E;
	s24 =	sld [smem:$0x3FFE];
	[sflag:s4] =	ssyncadd.remote.s32 @!p0 $0x1  }
0xb4: {  	s26 =	simm.s32 $execute0_lowered;
	[smem:$0x3FD2] =	sst s25  }
0xb5: {  	s5 =	sshll.u32 s26, $0x1;
	_ =	strace $0x8000004C;
	[dreg:$0x1] =	wrdreg $0xFFFFFFFF  }
0xb6: {  	s28 =	simm.s32 $_size_execute0_lowered;
	s3 =	sadd.s32 s3, s5;
	[dreg:$0x0] =	wrdreg $0x0  }
0xb7: {  	s5 =	sshll.u32 s28, $0x1;
	[dreg:$0x2] =	wrdreg s3  }
0xb8: {  	[dreg:$0x3] =	wrdreg s5  }
0xb9: {  	[dreg:$0x4] =	wrdreg $0xC0  }
0xba: {  	_ =	task [dreg:s22], $0x5FFFF  }
0xbb: {  	[dreg:$0x1] =	wrdreg $0xFFFFFFFF  }
0xbc: {  	[dreg:$0x0] =	wrdreg $0x60  }
0xbd: {  	[dreg:$0x2] =	wrdreg s24  }
0xbe: {  	[dreg:$0x3] =	wrdreg $0xB  }
0xbf: {  	_ =	task.clear_ibuf [dreg:s22], $0x4FFFF;
	_ =	strace $0x9000004C  }
0xc0: {  	s29 =	simm.s32 $0xB;
	_ =	strace $0x8000004E  }
0xc1: {  	_ =	swait.ge [sflag:s29], $0x1  }
0xc2: {  	[sflag:s29] =	ssyncadd.s32 $0xFFFFFFFF  }
0xc3: {  	_ =	strace $0x9000004E  }
0xc4: {  	_ =	sfence  }
0xc5: {  	s30 =	sld [smem:$0x0];
	_ =	sdelay $0x2  }
0xc6: {  	s31 =	sshll.u32 s1, $0xD;
	s1 =	sshrl.u32 s1, $0x2  }
0xc7: {  	s4 =	sand.u32 $0x4000, s31;
	s1 =	sadd.s32 s1, s30  }
0xc8: {  	s0 =	sor.u32 s4, s0;
	s1 =	sshll.u32 s1, $0x11  }
0xc9: {  	s0 =	sor.u32 s1, s0  }
0xca: {  	s0 =	sadd.s32 $0x8F2B, s0  }
0xcb: {  	[sflag:s0] =	ssyncadd.remote.s32 $0x1  }
0xcc: {  	_ =	sfence.sel $0xFFFF  }
0xcd: {  	[dreg:$0x0] =	wrdreg $0xFFFFFFFF;
	(pc) =	sbr.abs _section_cstart, $3  }
0xce: {  	[dreg:$0x1] =	wrdreg $0xFFFFFFFF  }
0xcf: {  	_ =	task.clear_ibuf [dreg:s22], $0x2FFFF;
	_ =	strace $0x9FFFFFFF  }
0xd0: {  	(tm) =	ssettm $0x7FFFFFFF  }
0xd1: {  	_ =	shalt  }
tec
execute0_lowered:
.L_overlay_start_1:
0x0: {  	(tag) =	ssettag $0x1  }
0x1: {  	s1 =	srdreg.scid;
	s0 =	stileid.u32  }
0x2: {  	s4 =	rddreg [dreg:$0x0];
	s2 =	simm.s32 $0x0;
	s10 =	simm.s32 $0xC00  }
0x3: {  	s11 =	simm.s32 $0x80;
	s12 =	simm.s32 $0x1800;
	s13 =	simm.s32 $0x1  }
0x4: {  	s14 =	simm.s32 $0x5800;
	s15 =	simm.s32 $0x9800;
	s16 =	simm.s32 $0x0  }
0x5: {  	s3 =	sand.u32 $0x1, s1;
	s5 =	sshll.u32 s0, $0x1;
	s1 =	rddreg [dreg:$0x1]  }
0x6: {  	[smem:$0x7FF] =	sst s2;
	s5 =	sor.u32 s3, s5;
	s7 =	ssub.s32 $0x2, s3  }
0x7: {  	_ =	strace $0x8000004D;
	s6 =	smul.u32 $0x180, s5;
	s8 =	sshrl.u32 s7, $0x1  }
0x8: {  	s3 =	sadd.s32 $0x5C00, s4;
	s5 =	smul.u32 $0x18, s5;
	s8 =	ssub.s32 s7, s8  }
0x9: {  	v0 =	vimm.f32 $0.0e+00;
	vm0 =	vcmask $0xF00;
	s9 =	sadd.s32 s6, s4;
	s4 =	sadd.s32 $0x1B3BC00, s4;
	s8 =	smax.u32 s8, $0x1  }
0xa: {  	v0 =	vsel vm0, $0x3F800000, v0;
	s6 =	sadd.s32 $0x12FC00, s9;
	s7 =	sadd.s32 $0x1DC00, s9;
	s9 =	simm.s32 $0x2  }
.LBB2_1:
0xb: {  	[tilespmem:s2], [sflag:$0x2] =	stream.linear.gather [hbm4b:s6+s2], $0xC00, $0x38;
	[tilespmem:$0xD800] =	vst v63  }
0xc: {  	_ =	swait.ge [sflag:s9], $0xC00  }
0xd: {  	[sflag:s9] =	ssyncset.done $0x0  }
0xe: {  	[sflag:s9] =	ssyncadd.s32 $0xFFFFF400  }
0xf: {  	[tilespmem:s10], [sflag:$0x2] =	stream.linear.gather [hbm4b:s7+s2], $0xC00, $0x38;
	[tilespmem:$0xD800] =	vst v63  }
0x10: {  	_ =	swait.ge [sflag:s9], $0xC00  }
0x11: {  	[sflag:s9] =	ssyncset.done $0x0  }
0x12: {  	s17 =	simm.s32 $0x0;
	[sflag:s9] =	ssyncadd.s32 $0xFFFFF400  }
.LBB2_2:
0x13: {  	s18 =	sshll.u32 s17, $0x7  }
0x14: {  	[tilespmem:s12], [sflag:$0x1] =	stream.indirect.gather [hbm4b:s3+s11], $0x80, s18, s11, $0xb8;
	[tilespmem:$0xD800] =	vst v63  }
0x15: {  	_ =	swait.ge [sflag:s13], $0x4000  }
0x16: {  	[sflag:s13] =	ssyncset.done $0x0  }
0x17: {  	s18 =	sadd.s32 $0xC00, s18;
	[sflag:s13] =	ssyncadd.s32 $0xFFFFC000  }
0x18: {  	[tilespmem:s14], [sflag:$0x1] =	stream.indirect.gather [hbm4b:s3+s11], $0x80, s18, s11, $0xb8;
	[tilespmem:$0xD800] =	vst v63  }
0x19: {  	_ =	swait.ge [sflag:s13], $0x4000  }
0x1a: {  	[sflag:s13] =	ssyncset.done $0x0  }
0x1b: {  	s18 =	simm.s32 $0x0;
	[sflag:s13] =	ssyncadd.s32 $0xFFFFC000  }
0x1c: {  	v1 =	vld [tilespmem:s18+$0x1800]  }
0x1d: {  	v2 =	vld [tilespmem:s18+$0x5810];
	_ =	sdelay $0x4  }
0x1e: {  	v1 =	vadd.f32 v2, v1  }
0x1f: {  	s19 =	simm.s32 $0x80  }
0x20: {  	v3 =	vld [tilespmem:s19+$0x1800];
	v2 =	vmul.f32 $2.000000030e-01, v1  }
0x21: {  	v4 =	vld [tilespmem:s19+$0x5810];
	vm0 =	vgt.f32 v1, $0.0e+00  }
0x22: {  	v1 =	vsel vm0, v1, v2  }
0x23: {  	s20 =	simm.s32 $0x100;
	v1 =	vmul.f32 $1.442695020e+00, v1  }
0x24: {  	v2 =	vld [tilespmem:s20+$0x1800]  }
0x25: {  	(erf) = vpow2.f32 v1;
	v1 =	vld [tilespmem:s20+$0x5810]  }
0x26: {  	v3 =	vadd.f32 v4, v3;
	_ =	sdelay $0x1  }
0x27: {  	v4 =	vmul.f32 $2.000000030e-01, v3  }
0x28: {  	vm14 =	vgt.f32 v3, $0.0e+00  }
0x29: {  	v5 =	vadd.f32 v1, v2;
	v1 =	vsel vm14, v3, v4  }
0x2a: {  	s21 =	simm.s32 $0x180;
	v2 =	vmul.f32 $1.442695020e+00, v1  }
0x2b: {  	v1 =	vld [tilespmem:s21+$0x1800];
	v3 =	vmul.f32 $2.000000030e-01, v5  }
0x2c: {  	(erf) = vpow2.f32 v2;
	v2 =	vld [tilespmem:s21+$0x5810];
	_ =	sdelay $0x1  }
0x2d: {  	vm15 =	vgt.f32 v5, $0.0e+00  }
0x2e: {  	s22 =	simm.s32 $0x800;
	v4 =	vsel vm15, v5, v3;
	v3 =	vpop (erf)  }
.LBB2_3:
0x2f: {  	s23 =	sshra.s32 s22, $0x2;
	v4 =	vmul.f32 $1.442695020e+00, v4;
	v3 =	vmul.f32 v0, v3;
	p0 =	sne.s32 s22, $0xFE00  }
.Ltmp0:
0x30: {  	s22 =	sadd.s32 $0x200, s22;
	v5 =	vadd.f32 v2, v1;
	v1 =	vld [tilespmem:s23+$0x1800];
	(pc) =	sbr.rel @p0 .LBB2_3-.Ltmp0, $4  }
0x31: {  	v2 =	vld [tilespmem:s23+$0x5810];
	(erf) = vpow2.f32 v4;
	[tilespmem:s18+$0x9800] =	vst v3;
	s18 =	smov.u32 s19;
	s19 =	smov.u32 s20;
	s20 =	smov.u32 s21  }
0x32: {  	s21 =	smov.u32 s23;
	v6 =	vmul.f32 $2.000000030e-01, v5  }
0x33: {  	vm0 =	vgt.f32 v5, $0.0e+00  }
0x34: {  	v4 =	vsel vm0, v5, v6;
	v3 =	vpop (erf)  }
0x35: {  	_ = 	snop  }
0x36: {  	v1 =	vadd.f32 v2, v1;
	_ =	sdelay $0x1  }
0x37: {  	v2 =	vmul.f32 $2.000000030e-01, v1  }
0x38: {  	vm0 =	vgt.f32 v1, $0.0e+00  }
0x39: {  	v1 =	vsel vm0, v1, v2;
	v2 =	vmul.f32 $1.442695020e+00, v4  }
0x3a: {  	v1 =	vmul.f32 $1.442695020e+00, v1  }
0x3b: {  	(erf) = vpow2.f32 v2  }
0x3c: {  	(erf) = vpow2.f32 v1;
	_ =	sdelay $0x6  }
0x3d: {  	v2 =	vmul.f32 v0, v3;
	v1 =	vpop (erf)  }
0x3e: {  	v1 =	vmul.f32 v0, v1;
	v3 =	vpop (erf)  }
0x3f: {  	[tilespmem:s18+$0x9800] =	vst v2;
	v2 =	vmul.f32 v0, v3;
	v3 =	vpop (erf)  }
0x40: {  	s31 =	sadd.s32 s5, s17;
	s17 =	sadd.s32 $0x1, s17;
	[tilespmem:s19+$0x9800] =	vst v1;
	v1 =	vmul.f32 v0, v3  }
0x41: {  	p0 =	sne.s32 s17, $0x18;
	s18 =	sshll.u32 s31, $0xB;
	[tilespmem:s20+$0x9800] =	vst v2  }
.Ltmp1:
0x42: {  	s18 =	sadd.s32 s4, s18;
	[tilespmem:s21+$0x9800] =	vst v1;
	(pc) =	sbr.rel @p0 .LBB2_2-.Ltmp1, $4  }
0x43: {  	[hbm4b:s18+s2] =	stream.linear.scatter [tilespmem:s15], [sflag:$0x2], $0x4000, $0x38;
	[tilespmem:$0xD800] =	vst v63  }
0x44: {  	_ =	swait.ge [sflag:s9], $0x4000  }
0x45: {  	[sflag:s9] =	ssyncset.done $0x0  }
0x46: {  	[sflag:s9] =	ssyncadd.s32 $0xFFFFC000  }
0x47: {  	s16 =	sadd.s32 $0x1, s16  }
0x48: {  	p0 =	sne.s32 s16, s8  }
.Ltmp2:
0x49: {  	_ = 	snop;
	(pc) =	sbr.rel @p0 .LBB2_1-.Ltmp2, $1  }
0x4a: {  	_ =	sdelay $0x3  }
0x4b: {  	_ =	sfence.sel $0x180000  }
0x4c: {  	[bflag:$0x0] =	sbarrier.arrive $0xFFFF  }
0x4d: {  	p0 =	sne.s32 s0, $0x0;
	_ =	strace $0x9000004D  }
0x4e: {  	s0 =	sadd.s32 @!p0 $0x100000, s1;
	[bflag:$0x2] =	sbarrier.arrive $0xFFFF  }
0x4f: {  	[sflag:s0] =	ssyncadd.tile.s32 @!p0 $0x1;
	_ =	shalt  }
.Lfunc_end2:
_tile_overlayer_lowered:
.L_overlay_start_2:
0x50: {  	(tag) =	ssettag $0x2  }
0x51: {  	s0 =	rddreg [dreg:$0x0];
	s2 =	stileid.u32  }
0x52: {  	s1 =	rddreg [dreg:$0x1];
	p0 =	sne.s32 s2, $0x0  }
0x53: {  	s3 =	rddreg [dreg:$0x2];
	[bflag:$0x3] =	sbarrier.arrive $0xFFFF;
	s2 =	simm.s32 @!p0 $0x1C02  }
0x54: {  	[timem:s3], [sflag:s2] =	dma.local @!p0 [hbm:s0], s1  }
0x55: {  	s0 =	simm.s32 @!p0 $0x2  }
0x56: {  	_ =	swait.ge @!p0 [sflag:s0], s1  }
0x57: {  	s1 =	ssub.s32 @!p0 $0x0, s1;
	[sflag:s0] =	ssyncset.done @!p0 $0x0  }
0x58: {  	[sflag:s0] =	ssyncadd.s32 @!p0 s1  }
0x59: {  	[bflag:$0x3] =	sbarrier.arrive $0xFFFF  }
0x5a: {  	_ =	shalt  }

// kernel: kernel.9.cloned.1.call-start
scs
__scs_entry_jumppad:
0x0: {  	(pc) =	sbr.rel $0x88, $3  }
0x1: {  	(tag) =	ssettag $0x0;
	lr =	simm.s32 $0x1  }
0x2: {  	[smem:$0x3F75] =	sst lr;
	_ =	strace $0xD0000000  }
0x3: {  	_ = 	snop  }
0x4: {  	_ = 	snop  }
0x5: {  	_ = 	snop  }
0x6: {  	_ = 	snop  }
0x7: {  	_ = 	snop  }
__scs_overlays_trampoline_lowered:
0x8: {  	[smem:$0x3F84] =	sst s0  }
0x9: {  	[smem:$0x3F85] =	sst s1  }
0xa: {  	[smem:$0x3F86] =	sst s2  }
0xb: {  	[smem:$0x3F87] =	sst s3  }
0xc: {  	[smem:$0x3F88] =	sst s4  }
0xd: {  	[smem:$0x3F89] =	sst s5  }
0xe: {  	[smem:$0x3F8A] =	sst s6  }
0xf: {  	[smem:$0x3F8B] =	sst s7  }
0x10: {  	[smem:$0x3F8C] =	sst s8  }
0x11: {  	[smem:$0x3F8D] =	sst s9;
	s0 =	simm.s32 @!p0 $0x0  }
0x12: {  	s1 =	sld [smem:$0x3F73];
	s0 =	simm.s32 @p0 $0x1  }
0x13: {  	[smem:$0x3F8E] =	sst s0;
	s0 =	simm.s32 @!p1 $0x0  }
0x14: {  	s2 =	sld [smem:$0x3F72];
	s0 =	simm.s32 @p1 $0x1  }
0x15: {  	[smem:$0x3F8F] =	sst s0;
	s0 =	simm.s32 @!p2 $0x0  }
0x16: {  	s3 =	sld [smem:$0x3FDB];
	s0 =	simm.s32 @p2 $0x1  }
0x17: {  	s4 =	simm.s32 $0x1BF5;
	[smem:$0x3F91] =	sst s0  }
0x18: {  	s0 =	sld [smem:$0x3F74];
	_ =	swait.ge [sflag:s4], $0x0  }
0x19: {  	s7 =	sld [smem:$0x3F75]  }
0x1a: {  	s8 =	sadd.s32 $0xFFFFE003, lr  }
0x1b: {  	s9 =	sadd.s32 $0xFFFFFEF7, lr;
	s5 =	simm.s32 $0xFFFFFFFF;
	p2 =	slt.u32 s8, $0xFFFFF086  }
0x1c: {  	p1 =	slt.u32 s9, $0xF7A;
	s5 =	simm.s32 @!p2 $0x0  }
0x1d: {  	s5 =	simm.s32 @p1 $0x1;
	p0 =	seq.s32 s7, s2  }
0x1e: {  	s7 =	smul.u32 @!p0 $0xF7A, s2;
	p2 =	seq.s32 @!p0 s5, $0x0  }
0x1f: {  	s9 =	smul.u32 $0xF7A, s1;
	s8 =	simm.s32 @!p0 $0x1BF5;
	p2 =	por !p2, p0  }
0x20: {  	[sflag:s8] =	ssyncset.s32 @!p0 $0xFFFFF086;
	s6 =	sadd.s32 @!p0 s3, s7;
	s7 =	simm.s32 @!p0 $0x108  }
0x21: {  	s3 =	sadd.s32 s3, s9;
	s6 =	sadd.s32 @!p0 $0x88, s6;
	s7 =	simm.s32 @p2 $0x1082  }
0x22: {  	[simem:s7], [sflag:s8] =	dma.local @!p0 [hbm:s6], $0xF7A  }
0x23: {  	s9 =	sor.u32 $0xD0000000, s2;
	s6 =	simm.s32 $0x108;
	_ =	swait.ge @!p0 [sflag:s8], $0x0  }
0x24: {  	s3 =	sadd.s32 $0x88, s3;
	s6 =	simm.s32 @!p1 $0x1082;
	[sflag:s4] =	ssyncset.s32 $0xFFFFF086  }
0x25: {  	[simem:s6], [sflag:s4] =	dma.local [hbm:s3], $0xF7A  }
0x26: {  	[smem:$0x3F75] =	sst s1;
	(tag) =	ssettag s2;
	_ =	strace s9  }
0x27: {  	s1 =	sld [smem:$0x3F85]  }
0x28: {  	s2 =	sld [smem:$0x3F86]  }
0x29: {  	s4 =	sld [smem:$0x3F88]  }
0x2a: {  	p0 =	seq.s32 s5, $0x0;
	s5 =	sld [smem:$0x3F89]  }
0x2b: {  	s6 =	sld [smem:$0x3F8A]  }
0x2c: {  	s7 =	sld [smem:$0x3F8B]  }
0x2d: {  	s3 =	simm.s32 $0x108;
	s8 =	sld [smem:$0x3F8C]  }
0x2e: {  	s3 =	simm.s32 @!p0 $0x1082;
	s9 =	sld [smem:$0x3F8D]  }
0x2f: {  	lr =	sadd.s32 s0, s3;
	s0 =	sld [smem:$0x3F84]  }
0x30: {  	s3 =	sld [smem:$0x3F87]  }
0x31: {  	[smem:$0x3F90] =	sst s10  }
0x32: {  	s10 =	sld [smem:$0x3F8E];
	_ =	sdelay $0x3  }
0x33: {  	p0 =	seq.s32 s10, $0x1;
	s10 =	sld [smem:$0x3F90];
	_ =	sdelay $0x3  }
0x34: {  	[smem:$0x3F90] =	sst s10  }
0x35: {  	s10 =	sld [smem:$0x3F8F];
	_ =	sdelay $0x3  }
0x36: {  	p1 =	seq.s32 s10, $0x1;
	s10 =	sld [smem:$0x3F90];
	_ =	sdelay $0x3  }
0x37: {  	[smem:$0x3F90] =	sst s10  }
0x38: {  	s10 =	sld [smem:$0x3F91]  }
0x39: {  	_ = 	snop;
	(pc) =	sbr.ind lr, $3  }
0x3a: {  	_ = 	snop  }
0x3b: {  	_ = 	snop  }
0x3c: {  	p2 =	seq.s32 s10, $0x1;
	s10 =	sld [smem:$0x3F90]  }
0x3d: {  	_ =	shalt  }
0x3e: {  	_ =	shalt  }
0x3f: {  	_ =	shalt  }
0x40: {  	_ =	shalt  }
0x41: {  	_ =	shalt  }
0x42: {  	_ =	shalt  }
0x43: {  	_ =	shalt  }
0x44: {  	_ =	shalt  }
0x45: {  	_ =	shalt  }
0x46: {  	_ =	shalt  }
0x47: {  	_ =	shalt  }
0x48: {  	_ =	shalt  }
0x49: {  	_ =	shalt  }
0x4a: {  	_ =	shalt  }
0x4b: {  	_ =	shalt  }
0x4c: {  	_ =	shalt  }
0x4d: {  	_ =	shalt  }
0x4e: {  	_ =	shalt  }
0x4f: {  	_ =	shalt  }
0x50: {  	_ =	shalt  }
0x51: {  	_ =	shalt  }
0x52: {  	_ =	shalt  }
0x53: {  	_ =	shalt  }
0x54: {  	_ =	shalt  }
0x55: {  	_ =	shalt  }
0x56: {  	_ =	shalt  }
0x57: {  	_ =	shalt  }
0x58: {  	_ =	shalt  }
0x59: {  	_ =	shalt  }
0x5a: {  	_ =	shalt  }
0x5b: {  	_ =	shalt  }
0x5c: {  	_ =	shalt  }
0x5d: {  	_ =	shalt  }
0x5e: {  	_ =	shalt  }
0x5f: {  	_ =	shalt  }
0x60: {  	_ =	shalt  }
0x61: {  	_ =	shalt  }
0x62: {  	_ =	shalt  }
0x63: {  	_ =	shalt  }
0x64: {  	_ =	shalt  }
0x65: {  	_ =	shalt  }
0x66: {  	_ =	shalt  }
0x67: {  	_ =	shalt  }
0x68: {  	_ =	shalt  }
0x69: {  	_ =	shalt  }
0x6a: {  	_ =	shalt  }
0x6b: {  	_ =	shalt  }
0x6c: {  	_ =	shalt  }
0x6d: {  	_ =	shalt  }
0x6e: {  	_ =	shalt  }
0x6f: {  	_ =	shalt  }
0x70: {  	_ =	shalt  }
0x71: {  	_ =	shalt  }
0x72: {  	_ =	shalt  }
0x73: {  	_ =	shalt  }
0x74: {  	_ =	shalt  }
0x75: {  	_ =	shalt  }
0x76: {  	_ =	shalt  }
0x77: {  	_ =	shalt  }
0x78: {  	_ =	shalt  }
0x79: {  	_ =	shalt  }
0x7a: {  	_ =	shalt  }
0x7b: {  	_ =	shalt  }
0x7c: {  	_ =	shalt  }
0x7d: {  	_ =	shalt  }
0x7e: {  	_ =	shalt  }
0x7f: {  	_ =	shalt  }
0x80: {  	_ =	shalt  }
0x81: {  	_ =	shalt  }
0x82: {  	_ =	shalt  }
0x83: {  	_ =	shalt  }
0x84: {  	_ =	shalt  }
0x85: {  	_ =	shalt  }
0x86: {  	_ =	shalt  }
0x87: {  	_ =	shalt  }
.Lfunc_end0:
.L_simem_size_0:
called_computation.4_lowered:
.L_overlay_start_0:
0x88: {  	s2 =	sld [smem:$0x3FD9]  }
0x89: {  	s3 =	sld [smem:$0x3FFE];
	_ =	sdelay $0x1  }
0x8a: {  	s1 =	srdreg.scid  }
0x8b: {  	s0 =	sand.u32 $0x1, s1  }
0x8c: {  	s17 =	sshll.u32 s0, $0xA;
	s2 =	sadd.s32 s3, s2  }
0x8d: {  	s2 =	sadd.s32 s2, s17  }
0x8e: {  	[smem:$0x3F9C] =	sst s2  }
0x8f: {  	_ = 	snop  }
0x90: {  	(tm) =	ssettm $0x1  }
0x91: {  	s18 =	sld [smem:$0x3FFB];
	_ =	sdelay $0x3  }
0x92: {  	_ =	strace s18  }
0x93: {  	s2 =	sld [smem:$0x3FFC];
	_ =	sdelay $0x3  }
0x94: {  	_ =	strace s2  }
0x95: {  	s2 =	sld [smem:$0x3FFD];
	_ =	sdelay $0x3  }
0x96: {  	_ =	strace s2  }
0x97: {  	_ =	strace $0x8FFFFFFF  }
0x98: {  	s19 =	sld [smem:$0x3FDB];
	_ =	sdelay $0x1  }
0x99: {  	s20 =	simm.s32 $_scs_section_size  }
0x9a: {  	s4 =	simm.s32 $_size__tile_overlayer_lowered;
	s5 =	simm.s32 $_tile_overlayer_lowered  }
0x9b: {  	s6 =	simm.s32 $0x1BFF;
	s21 =	sshll.u32 s5, $0x1;
	s3 =	sadd.s32 s20, s19  }
0x9c: {  	s22 =	simm.s32 $0x0;
	s4 =	sshll.u32 s4, $0x1;
	s5 =	sadd.s32 s21, s3  }
0x9d: {  	[timem:s22], [sflag:s6] =	dma.local [hbm:s5], s4  }
0x9e: {  	_ =	swait.ge [sflag:s6], s4  }
0x9f: {  	s4 =	ssub.s32 $0x0, s4;
	[sflag:s6] =	ssyncset.done $0x0  }
0xa0: {  	[sflag:s6] =	ssyncadd.s32 s4;
	_ =	sdelay $0x1  }
0xa1: {  	s23 =	simm.s32 $0x1B8B  }
0xa2: {  	_ =	swait.ge [sflag:s23], $0x1  }
0xa3: {  	[sflag:s23] =	ssyncset.done $0x0  }
0xa4: {  	[sflag:s23] =	ssyncadd.s32 $0xFFFFFFFF  }
0xa5: {  	s4 =	sld [smem:$0x0]  }
0xa6: {  	s5 =	sand.u32 $0xFFFFFFFE, s1  }
0xa7: {  	p0 =	sne.s32 s1, s5  }
0xa8: {  	s5 =	sshll.u32 @p0 s5, $0xE  }
0xa9: {  	s5 =	sadd.s32 @p0 $0x11B8D, s5;
	s6 =	sshll.u32 @p0 s4, $0x11  }
0xaa: {  	s5 =	sor.u32 @p0 s6, s5  }
0xab: {  	[sflag:s5] =	ssyncadd.remote.s32 @p0 $0x1;
	_ =	sdelay $0x1  }
0xac: {  	s5 =	simm.s32 @p0 $0x1B8D  }
0xad: {  	_ =	swait.eq @p0 [sflag:s5], $0x1  }
0xae: {  	[sflag:s5] =	ssyncadd.s32 @p0 $0xFFFFFFFF  }
0xaf: {  	s6 =	sshll.u32 @!p0 s1, $0xE  }
0xb0: {  	s6 =	sor.u32 @!p0 $0x4000, s6;
	s5 =	simm.s32 @!p0 $0x1B8D  }
0xb1: {  	s4 =	sshll.u32 @!p0 s4, $0x11;
	s6 =	sadd.s32 @!p0 $0x11B8D, s6;
	_ =	swait.eq @!p0 [sflag:s5], $0x1  }
0xb2: {  	s4 =	sor.u32 @!p0 s4, s6;
	[sflag:s5] =	ssyncadd.s32 @!p0 $0xFFFFFFFF  }
0xb3: {  	s25 =	simm.s32 $0x1B8E;
	s24 =	sld [smem:$0x3FFE];
	[sflag:s4] =	ssyncadd.remote.s32 @!p0 $0x1  }
0xb4: {  	s26 =	simm.s32 $execute0_lowered;
	[smem:$0x3FD2] =	sst s25  }
0xb5: {  	s5 =	sshll.u32 s26, $0x1;
	_ =	strace $0x80000049;
	[dreg:$0x1] =	wrdreg $0xFFFFFFFF  }
0xb6: {  	s28 =	simm.s32 $_size_execute0_lowered;
	s3 =	sadd.s32 s3, s5;
	[dreg:$0x0] =	wrdreg $0x0  }
0xb7: {  	s5 =	sshll.u32 s28, $0x1;
	[dreg:$0x2] =	wrdreg s3  }
0xb8: {  	[dreg:$0x3] =	wrdreg s5  }
0xb9: {  	[dreg:$0x4] =	wrdreg $0xC0  }
0xba: {  	_ =	task [dreg:s22], $0x5FFFF  }
0xbb: {  	[dreg:$0x1] =	wrdreg $0xFFFFFFFF  }
0xbc: {  	[dreg:$0x0] =	wrdreg $0x60  }
0xbd: {  	[dreg:$0x2] =	wrdreg s24  }
0xbe: {  	[dreg:$0x3] =	wrdreg $0xA  }
0xbf: {  	_ =	task.clear_ibuf [dreg:s22], $0x4FFFF;
	_ =	strace $0x90000049  }
0xc0: {  	s29 =	simm.s32 $0xA;
	_ =	strace $0x8000004B  }
0xc1: {  	_ =	swait.ge [sflag:s29], $0x1  }
0xc2: {  	[sflag:s29] =	ssyncadd.s32 $0xFFFFFFFF  }
0xc3: {  	_ =	strace $0x9000004B  }
0xc4: {  	_ =	sfence  }
0xc5: {  	s30 =	sld [smem:$0x0];
	_ =	sdelay $0x2  }
0xc6: {  	s31 =	sshll.u32 s1, $0xD;
	s1 =	sshrl.u32 s1, $0x2  }
0xc7: {  	s4 =	sand.u32 $0x4000, s31;
	s1 =	sadd.s32 s1, s30  }
0xc8: {  	s0 =	sor.u32 s4, s0;
	s1 =	sshll.u32 s1, $0x11  }
0xc9: {  	s0 =	sor.u32 s1, s0  }
0xca: {  	s0 =	sadd.s32 $0x8F2B, s0  }
0xcb: {  	[sflag:s0] =	ssyncadd.remote.s32 $0x1  }
0xcc: {  	_ =	sfence.sel $0xFFFF  }
0xcd: {  	[dreg:$0x0] =	wrdreg $0xFFFFFFFF;
	(pc) =	sbr.abs _section_cstart, $3  }
0xce: {  	[dreg:$0x1] =	wrdreg $0xFFFFFFFF  }
0xcf: {  	_ =	task.clear_ibuf [dreg:s22], $0x2FFFF;
	_ =	strace $0x9FFFFFFF  }
0xd0: {  	(tm) =	ssettm $0x7FFFFFFF  }
0xd1: {  	_ =	shalt  }
tec
execute0_lowered:
.L_overlay_start_1:
0x0: {  	(tag) =	ssettag $0x1  }
0x1: {  	s1 =	srdreg.scid;
	s0 =	stileid.u32  }
0x2: {  	s4 =	rddreg [dreg:$0x0];
	s2 =	simm.s32 $0x0;
	s10 =	simm.s32 $0x1400  }
0x3: {  	s11 =	simm.s32 $0x80;
	s12 =	simm.s32 $0x2800;
	s13 =	simm.s32 $0x1  }
0x4: {  	s14 =	simm.s32 $0x6800;
	s15 =	simm.s32 $0xA800;
	s16 =	simm.s32 $0x0  }
0x5: {  	s3 =	sand.u32 $0x1, s1;
	s5 =	sshll.u32 s0, $0x1;
	s1 =	rddreg [dreg:$0x1]  }
0x6: {  	[smem:$0x7FF] =	sst s2;
	s5 =	sor.u32 s3, s5;
	s7 =	ssub.s32 $0x2, s3  }
0x7: {  	_ =	strace $0x8000004A;
	s6 =	smul.u32 $0x280, s5;
	s8 =	sshrl.u32 s7, $0x1  }
0x8: {  	s3 =	sadd.s32 $0x35C00, s4;
	s5 =	smul.u32 $0x28, s5;
	s8 =	ssub.s32 s7, s8  }
0x9: {  	v0 =	vimm.f32 $0.0e+00;
	vm0 =	vcmask $0xF00;
	s9 =	sadd.s32 s6, s4;
	s4 =	sadd.s32 $0x173BC00, s4;
	s8 =	smax.u32 s8, $0x1  }
0xa: {  	v0 =	vsel vm0, $0x3F800000, v0;
	s6 =	sadd.s32 $0x67C00, s9;
	s7 =	sadd.s32 $0x62C00, s9;
	s9 =	simm.s32 $0x2  }
.LBB2_1:
0xb: {  	[tilespmem:s2], [sflag:$0x2] =	stream.linear.gather [hbm4b:s6+s2], $0x1400, $0x38;
	[tilespmem:$0xE800] =	vst v63  }
0xc: {  	_ =	swait.ge [sflag:s9], $0x1400  }
0xd: {  	[sflag:s9] =	ssyncset.done $0x0  }
0xe: {  	[sflag:s9] =	ssyncadd.s32 $0xFFFFEC00  }
0xf: {  	[tilespmem:s10], [sflag:$0x2] =	stream.linear.gather [hbm4b:s7+s2], $0x1400, $0x38;
	[tilespmem:$0xE800] =	vst v63  }
0x10: {  	_ =	swait.ge [sflag:s9], $0x1400  }
0x11: {  	[sflag:s9] =	ssyncset.done $0x0  }
0x12: {  	s17 =	simm.s32 $0x0;
	[sflag:s9] =	ssyncadd.s32 $0xFFFFEC00  }
.LBB2_2:
0x13: {  	s18 =	sshll.u32 s17, $0x7  }
0x14: {  	[tilespmem:s12], [sflag:$0x1] =	stream.indirect.gather [hbm4b:s3+s11], $0x80, s18, s11, $0xb8;
	[tilespmem:$0xE800] =	vst v63  }
0x15: {  	_ =	swait.ge [sflag:s13], $0x4000  }
0x16: {  	[sflag:s13] =	ssyncset.done $0x0  }
0x17: {  	s18 =	sadd.s32 $0x1400, s18;
	[sflag:s13] =	ssyncadd.s32 $0xFFFFC000  }
0x18: {  	[tilespmem:s14], [sflag:$0x1] =	stream.indirect.gather [hbm4b:s3+s11], $0x80, s18, s11, $0xb8;
	[tilespmem:$0xE800] =	vst v63  }
0x19: {  	_ =	swait.ge [sflag:s13], $0x4000  }
0x1a: {  	[sflag:s13] =	ssyncset.done $0x0  }
0x1b: {  	s18 =	simm.s32 $0x0;
	[sflag:s13] =	ssyncadd.s32 $0xFFFFC000  }
0x1c: {  	v1 =	vld [tilespmem:s18+$0x2800]  }
0x1d: {  	v2 =	vld [tilespmem:s18+$0x6810];
	_ =	sdelay $0x4  }
0x1e: {  	v1 =	vadd.f32 v2, v1  }
0x1f: {  	s19 =	simm.s32 $0x80  }
0x20: {  	v3 =	vld [tilespmem:s19+$0x2800];
	v2 =	vmul.f32 $2.000000030e-01, v1  }
0x21: {  	v4 =	vld [tilespmem:s19+$0x6810];
	vm0 =	vgt.f32 v1, $0.0e+00  }
0x22: {  	v1 =	vsel vm0, v1, v2  }
0x23: {  	s20 =	simm.s32 $0x100;
	v1 =	vmul.f32 $1.442695020e+00, v1  }
0x24: {  	v2 =	vld [tilespmem:s20+$0x2800]  }
0x25: {  	(erf) = vpow2.f32 v1;
	v1 =	vld [tilespmem:s20+$0x6810]  }
0x26: {  	v3 =	vadd.f32 v4, v3;
	_ =	sdelay $0x1  }
0x27: {  	v4 =	vmul.f32 $2.000000030e-01, v3  }
0x28: {  	vm14 =	vgt.f32 v3, $0.0e+00  }
0x29: {  	v5 =	vadd.f32 v1, v2;
	v1 =	vsel vm14, v3, v4  }
0x2a: {  	s21 =	simm.s32 $0x180;
	v2 =	vmul.f32 $1.442695020e+00, v1  }
0x2b: {  	v1 =	vld [tilespmem:s21+$0x2800];
	v3 =	vmul.f32 $2.000000030e-01, v5  }
0x2c: {  	(erf) = vpow2.f32 v2;
	v2 =	vld [tilespmem:s21+$0x6810];
	_ =	sdelay $0x1  }
0x2d: {  	vm15 =	vgt.f32 v5, $0.0e+00  }
0x2e: {  	s22 =	simm.s32 $0x800;
	v4 =	vsel vm15, v5, v3;
	v3 =	vpop (erf)  }
.LBB2_3:
0x2f: {  	s23 =	sshra.s32 s22, $0x2;
	v4 =	vmul.f32 $1.442695020e+00, v4;
	v3 =	vmul.f32 v0, v3;
	p0 =	sne.s32 s22, $0xFE00  }
.Ltmp0:
0x30: {  	s22 =	sadd.s32 $0x200, s22;
	v5 =	vadd.f32 v2, v1;
	v1 =	vld [tilespmem:s23+$0x2800];
	(pc) =	sbr.rel @p0 .LBB2_3-.Ltmp0, $4  }
0x31: {  	v2 =	vld [tilespmem:s23+$0x6810];
	(erf) = vpow2.f32 v4;
	[tilespmem:s18+$0xA800] =	vst v3;
	s18 =	smov.u32 s19;
	s19 =	smov.u32 s20;
	s20 =	smov.u32 s21  }
0x32: {  	s21 =	smov.u32 s23;
	v6 =	vmul.f32 $2.000000030e-01, v5  }
0x33: {  	vm0 =	vgt.f32 v5, $0.0e+00  }
0x34: {  	v4 =	vsel vm0, v5, v6;
	v3 =	vpop (erf)  }
0x35: {  	_ = 	snop  }
0x36: {  	v1 =	vadd.f32 v2, v1;
	_ =	sdelay $0x1  }
0x37: {  	v2 =	vmul.f32 $2.000000030e-01, v1  }
0x38: {  	vm0 =	vgt.f32 v1, $0.0e+00  }
0x39: {  	v1 =	vsel vm0, v1, v2;
	v2 =	vmul.f32 $1.442695020e+00, v4  }
0x3a: {  	v1 =	vmul.f32 $1.442695020e+00, v1  }
0x3b: {  	(erf) = vpow2.f32 v2  }
0x3c: {  	(erf) = vpow2.f32 v1;
	_ =	sdelay $0x6  }
0x3d: {  	v2 =	vmul.f32 v0, v3;
	v1 =	vpop (erf)  }
0x3e: {  	v1 =	vmul.f32 v0, v1;
	v3 =	vpop (erf)  }
0x3f: {  	[tilespmem:s18+$0xA800] =	vst v2;
	v2 =	vmul.f32 v0, v3;
	v3 =	vpop (erf)  }
0x40: {  	s31 =	sadd.s32 s5, s17;
	s17 =	sadd.s32 $0x1, s17;
	[tilespmem:s19+$0xA800] =	vst v1;
	v1 =	vmul.f32 v0, v3  }
0x41: {  	p0 =	sne.s32 s17, $0x28;
	s18 =	sshll.u32 s31, $0xB;
	[tilespmem:s20+$0xA800] =	vst v2  }
.Ltmp1:
0x42: {  	s18 =	sadd.s32 s4, s18;
	[tilespmem:s21+$0xA800] =	vst v1;
	(pc) =	sbr.rel @p0 .LBB2_2-.Ltmp1, $4  }
0x43: {  	[hbm4b:s18+s2] =	stream.linear.scatter [tilespmem:s15], [sflag:$0x2], $0x4000, $0x38;
	[tilespmem:$0xE800] =	vst v63  }
0x44: {  	_ =	swait.ge [sflag:s9], $0x4000  }
0x45: {  	[sflag:s9] =	ssyncset.done $0x0  }
0x46: {  	[sflag:s9] =	ssyncadd.s32 $0xFFFFC000  }
0x47: {  	s16 =	sadd.s32 $0x1, s16  }
0x48: {  	p0 =	sne.s32 s16, s8  }
.Ltmp2:
0x49: {  	_ = 	snop;
	(pc) =	sbr.rel @p0 .LBB2_1-.Ltmp2, $1  }
0x4a: {  	_ =	sdelay $0x3  }
0x4b: {  	_ =	sfence.sel $0x180000  }
0x4c: {  	[bflag:$0x0] =	sbarrier.arrive $0xFFFF  }
0x4d: {  	p0 =	sne.s32 s0, $0x0;
	_ =	strace $0x9000004A  }
0x4e: {  	s0 =	sadd.s32 @!p0 $0x100000, s1;
	[bflag:$0x2] =	sbarrier.arrive $0xFFFF  }
0x4f: {  	[sflag:s0] =	ssyncadd.tile.s32 @!p0 $0x1;
	_ =	shalt  }
.Lfunc_end2:
_tile_overlayer_lowered:
.L_overlay_start_2:
0x50: {  	(tag) =	ssettag $0x2  }
0x51: {  	s0 =	rddreg [dreg:$0x0];
	s2 =	stileid.u32  }
0x52: {  	s1 =	rddreg [dreg:$0x1];
	p0 =	sne.s32 s2, $0x0  }
0x53: {  	s3 =	rddreg [dreg:$0x2];
	[bflag:$0x3] =	sbarrier.arrive $0xFFFF;
	s2 =	simm.s32 @!p0 $0x1C02  }
0x54: {  	[timem:s3], [sflag:s2] =	dma.local @!p0 [hbm:s0], s1  }
0x55: {  	s0 =	simm.s32 @!p0 $0x2  }
0x56: {  	_ =	swait.ge @!p0 [sflag:s0], s1  }
0x57: {  	s1 =	ssub.s32 @!p0 $0x0, s1;
	[sflag:s0] =	ssyncset.done @!p0 $0x0  }
0x58: {  	[sflag:s0] =	ssyncadd.s32 @!p0 s1  }
0x59: {  	[bflag:$0x3] =	sbarrier.arrive $0xFFFF  }
0x5a: {  	_ =	shalt  }

// kernel: scatter_offload_async_start.1
scs
__scs_entry_jumppad:
0x0: {  	(pc) =	sbr.rel $0x88, $3  }
0x1: {  	(tag) =	ssettag $0x0;
	lr =	simm.s32 $0x1  }
0x2: {  	[smem:$0x3F75] =	sst lr;
	_ =	strace $0xD0000000  }
0x3: {  	_ = 	snop  }
0x4: {  	_ = 	snop  }
0x5: {  	_ = 	snop  }
0x6: {  	_ = 	snop  }
0x7: {  	_ = 	snop  }
__scs_overlays_trampoline_lowered:
0x8: {  	[smem:$0x3F84] =	sst s0  }
0x9: {  	[smem:$0x3F85] =	sst s1  }
0xa: {  	[smem:$0x3F86] =	sst s2  }
0xb: {  	[smem:$0x3F87] =	sst s3  }
0xc: {  	[smem:$0x3F88] =	sst s4  }
0xd: {  	[smem:$0x3F89] =	sst s5  }
0xe: {  	[smem:$0x3F8A] =	sst s6  }
0xf: {  	[smem:$0x3F8B] =	sst s7  }
0x10: {  	[smem:$0x3F8C] =	sst s8  }
0x11: {  	[smem:$0x3F8D] =	sst s9;
	s0 =	simm.s32 @!p0 $0x0  }
0x12: {  	s1 =	sld [smem:$0x3F73];
	s0 =	simm.s32 @p0 $0x1  }
0x13: {  	[smem:$0x3F8E] =	sst s0;
	s0 =	simm.s32 @!p1 $0x0  }
0x14: {  	s2 =	sld [smem:$0x3F72];
	s0 =	simm.s32 @p1 $0x1  }
0x15: {  	[smem:$0x3F8F] =	sst s0;
	s0 =	simm.s32 @!p2 $0x0  }
0x16: {  	s3 =	sld [smem:$0x3FDB];
	s0 =	simm.s32 @p2 $0x1  }
0x17: {  	s4 =	simm.s32 $0x1BF5;
	[smem:$0x3F91] =	sst s0  }
0x18: {  	s0 =	sld [smem:$0x3F74];
	_ =	swait.ge [sflag:s4], $0x0  }
0x19: {  	s7 =	sld [smem:$0x3F75]  }
0x1a: {  	s8 =	sadd.s32 $0xFFFFE003, lr  }
0x1b: {  	s9 =	sadd.s32 $0xFFFFFEF7, lr;
	s5 =	simm.s32 $0xFFFFFFFF;
	p2 =	slt.u32 s8, $0xFFFFF086  }
0x1c: {  	p1 =	slt.u32 s9, $0xF7A;
	s5 =	simm.s32 @!p2 $0x0  }
0x1d: {  	s5 =	simm.s32 @p1 $0x1;
	p0 =	seq.s32 s7, s2  }
0x1e: {  	s7 =	smul.u32 @!p0 $0xF7A, s2;
	p2 =	seq.s32 @!p0 s5, $0x0  }
0x1f: {  	s9 =	smul.u32 $0xF7A, s1;
	s8 =	simm.s32 @!p0 $0x1BF5;
	p2 =	por !p2, p0  }
0x20: {  	[sflag:s8] =	ssyncset.s32 @!p0 $0xFFFFF086;
	s6 =	sadd.s32 @!p0 s3, s7;
	s7 =	simm.s32 @!p0 $0x108  }
0x21: {  	s3 =	sadd.s32 s3, s9;
	s6 =	sadd.s32 @!p0 $0x88, s6;
	s7 =	simm.s32 @p2 $0x1082  }
0x22: {  	[simem:s7], [sflag:s8] =	dma.local @!p0 [hbm:s6], $0xF7A  }
0x23: {  	s9 =	sor.u32 $0xD0000000, s2;
	s6 =	simm.s32 $0x108;
	_ =	swait.ge @!p0 [sflag:s8], $0x0  }
0x24: {  	s3 =	sadd.s32 $0x88, s3;
	s6 =	simm.s32 @!p1 $0x1082;
	[sflag:s4] =	ssyncset.s32 $0xFFFFF086  }
0x25: {  	[simem:s6], [sflag:s4] =	dma.local [hbm:s3], $0xF7A  }
0x26: {  	[smem:$0x3F75] =	sst s1;
	(tag) =	ssettag s2;
	_ =	strace s9  }
0x27: {  	s1 =	sld [smem:$0x3F85]  }
0x28: {  	s2 =	sld [smem:$0x3F86]  }
0x29: {  	s4 =	sld [smem:$0x3F88]  }
0x2a: {  	p0 =	seq.s32 s5, $0x0;
	s5 =	sld [smem:$0x3F89]  }
0x2b: {  	s6 =	sld [smem:$0x3F8A]  }
0x2c: {  	s7 =	sld [smem:$0x3F8B]  }
0x2d: {  	s3 =	simm.s32 $0x108;
	s8 =	sld [smem:$0x3F8C]  }
0x2e: {  	s3 =	simm.s32 @!p0 $0x1082;
	s9 =	sld [smem:$0x3F8D]  }
0x2f: {  	lr =	sadd.s32 s0, s3;
	s0 =	sld [smem:$0x3F84]  }
0x30: {  	s3 =	sld [smem:$0x3F87]  }
0x31: {  	[smem:$0x3F90] =	sst s10  }
0x32: {  	s10 =	sld [smem:$0x3F8E];
	_ =	sdelay $0x3  }
0x33: {  	p0 =	seq.s32 s10, $0x1;
	s10 =	sld [smem:$0x3F90];
	_ =	sdelay $0x3  }
0x34: {  	[smem:$0x3F90] =	sst s10  }
0x35: {  	s10 =	sld [smem:$0x3F8F];
	_ =	sdelay $0x3  }
0x36: {  	p1 =	seq.s32 s10, $0x1;
	s10 =	sld [smem:$0x3F90];
	_ =	sdelay $0x3  }
0x37: {  	[smem:$0x3F90] =	sst s10  }
0x38: {  	s10 =	sld [smem:$0x3F91]  }
0x39: {  	_ = 	snop;
	(pc) =	sbr.ind lr, $3  }
0x3a: {  	_ = 	snop  }
0x3b: {  	_ = 	snop  }
0x3c: {  	p2 =	seq.s32 s10, $0x1;
	s10 =	sld [smem:$0x3F90]  }
0x3d: {  	_ =	shalt  }
0x3e: {  	_ =	shalt  }
0x3f: {  	_ =	shalt  }
0x40: {  	_ =	shalt  }
0x41: {  	_ =	shalt  }
0x42: {  	_ =	shalt  }
0x43: {  	_ =	shalt  }
0x44: {  	_ =	shalt  }
0x45: {  	_ =	shalt  }
0x46: {  	_ =	shalt  }
0x47: {  	_ =	shalt  }
0x48: {  	_ =	shalt  }
0x49: {  	_ =	shalt  }
0x4a: {  	_ =	shalt  }
0x4b: {  	_ =	shalt  }
0x4c: {  	_ =	shalt  }
0x4d: {  	_ =	shalt  }
0x4e: {  	_ =	shalt  }
0x4f: {  	_ =	shalt  }
0x50: {  	_ =	shalt  }
0x51: {  	_ =	shalt  }
0x52: {  	_ =	shalt  }
0x53: {  	_ =	shalt  }
0x54: {  	_ =	shalt  }
0x55: {  	_ =	shalt  }
0x56: {  	_ =	shalt  }
0x57: {  	_ =	shalt  }
0x58: {  	_ =	shalt  }
0x59: {  	_ =	shalt  }
0x5a: {  	_ =	shalt  }
0x5b: {  	_ =	shalt  }
0x5c: {  	_ =	shalt  }
0x5d: {  	_ =	shalt  }
0x5e: {  	_ =	shalt  }
0x5f: {  	_ =	shalt  }
0x60: {  	_ =	shalt  }
0x61: {  	_ =	shalt  }
0x62: {  	_ =	shalt  }
0x63: {  	_ =	shalt  }
0x64: {  	_ =	shalt  }
0x65: {  	_ =	shalt  }
0x66: {  	_ =	shalt  }
0x67: {  	_ =	shalt  }
0x68: {  	_ =	shalt  }
0x69: {  	_ =	shalt  }
0x6a: {  	_ =	shalt  }
0x6b: {  	_ =	shalt  }
0x6c: {  	_ =	shalt  }
0x6d: {  	_ =	shalt  }
0x6e: {  	_ =	shalt  }
0x6f: {  	_ =	shalt  }
0x70: {  	_ =	shalt  }
0x71: {  	_ =	shalt  }
0x72: {  	_ =	shalt  }
0x73: {  	_ =	shalt  }
0x74: {  	_ =	shalt  }
0x75: {  	_ =	shalt  }
0x76: {  	_ =	shalt  }
0x77: {  	_ =	shalt  }
0x78: {  	_ =	shalt  }
0x79: {  	_ =	shalt  }
0x7a: {  	_ =	shalt  }
0x7b: {  	_ =	shalt  }
0x7c: {  	_ =	shalt  }
0x7d: {  	_ =	shalt  }
0x7e: {  	_ =	shalt  }
0x7f: {  	_ =	shalt  }
0x80: {  	_ =	shalt  }
0x81: {  	_ =	shalt  }
0x82: {  	_ =	shalt  }
0x83: {  	_ =	shalt  }
0x84: {  	_ =	shalt  }
0x85: {  	_ =	shalt  }
0x86: {  	_ =	shalt  }
0x87: {  	_ =	shalt  }
.Lfunc_end0:
.L_simem_size_0:
called_computation.1_lowered:
.L_overlay_start_0:
0x88: {  	s2 =	sld [smem:$0x3FD9]  }
0x89: {  	s3 =	sld [smem:$0x3FFE];
	_ =	sdelay $0x1  }
0x8a: {  	s1 =	srdreg.scid  }
0x8b: {  	s0 =	sand.u32 $0x1, s1  }
0x8c: {  	s15 =	sshll.u32 s0, $0xA;
	s2 =	sadd.s32 s3, s2  }
0x8d: {  	s2 =	sadd.s32 s2, s15  }
0x8e: {  	[smem:$0x3F9C] =	sst s2  }
0x8f: {  	_ = 	snop  }
0x90: {  	(tm) =	ssettm $0x1  }
0x91: {  	s16 =	sld [smem:$0x3FFB];
	_ =	sdelay $0x3  }
0x92: {  	_ =	strace s16  }
0x93: {  	s2 =	sld [smem:$0x3FFC];
	_ =	sdelay $0x3  }
0x94: {  	_ =	strace s2  }
0x95: {  	s2 =	sld [smem:$0x3FFD];
	_ =	sdelay $0x3  }
0x96: {  	_ =	strace s2  }
0x97: {  	_ =	strace $0x8FFFFFFF  }
0x98: {  	s17 =	sld [smem:$0x3FDB];
	_ =	sdelay $0x1  }
0x99: {  	s18 =	simm.s32 $_scs_section_size  }
0x9a: {  	s4 =	simm.s32 $_size__tile_overlayer_lowered;
	s5 =	simm.s32 $_tile_overlayer_lowered  }
0x9b: {  	s21 =	simm.s32 $0x1BFF;
	s20 =	sshll.u32 s5, $0x1;
	s2 =	sadd.s32 s18, s17  }
0x9c: {  	s6 =	simm.s32 $0x0;
	s19 =	sshll.u32 s4, $0x1;
	s4 =	sadd.s32 s20, s2  }
0x9d: {  	[timem:s6], [sflag:s21] =	dma.local [hbm:s4], s19  }
0x9e: {  	_ =	swait.ge [sflag:s21], s19  }
0x9f: {  	s3 =	ssub.s32 $0x0, s19;
	[sflag:s21] =	ssyncset.done $0x0  }
0xa0: {  	[sflag:s21] =	ssyncadd.s32 s3;
	_ =	sdelay $0x1  }
0xa1: {  	s22 =	simm.s32 $0x1B8B  }
0xa2: {  	_ =	swait.ge [sflag:s22], $0x1  }
0xa3: {  	[sflag:s22] =	ssyncset.done $0x0  }
0xa4: {  	s23 =	sld [smem:$0x3FFE];
	[sflag:s22] =	ssyncadd.s32 $0xFFFFFFFF  }
0xa5: {  	s25 =	simm.s32 $0x1B8E;
	s24 =	sld [smem:$0x0]  }
0xa6: {  	s26 =	simm.s32 $execute0_lowered;
	[smem:$0x3FD2] =	sst s25  }
0xa7: {  	s5 =	sshll.u32 s26, $0x1;
	_ =	strace $0x8000004F;
	[dreg:$0x1] =	wrdreg $0xFFFFFFFF  }
0xa8: {  	s28 =	simm.s32 $_size_execute0_lowered;
	s2 =	sadd.s32 s2, s5;
	[dreg:$0x0] =	wrdreg $0x0  }
0xa9: {  	s5 =	sshll.u32 s28, $0x1;
	[dreg:$0x2] =	wrdreg s2  }
0xaa: {  	[dreg:$0x3] =	wrdreg s5  }
0xab: {  	[dreg:$0x4] =	wrdreg $0xC0  }
0xac: {  	_ =	task [dreg:s6], $0x5FFFF  }
0xad: {  	[dreg:$0x1] =	wrdreg $0xFFFFFFFF  }
0xae: {  	[dreg:$0x0] =	wrdreg $0x60  }
0xaf: {  	[dreg:$0x2] =	wrdreg s23  }
0xb0: {  	[dreg:$0x3] =	wrdreg s1  }
0xb1: {  	[dreg:$0x4] =	wrdreg s24  }
0xb2: {  	[dreg:$0x5] =	wrdreg $0xA  }
0xb3: {  	_ =	task.clear_ibuf [dreg:s6], $0x6FFFF;
	_ =	strace $0x9000004F  }
0xb4: {  	s29 =	simm.s32 $0xA;
	_ =	strace $0x80000051  }
0xb5: {  	_ =	swait.ge [sflag:s29], $0x1  }
0xb6: {  	[sflag:s29] =	ssyncadd.s32 $0xFFFFFFFF  }
0xb7: {  	_ =	strace $0x90000051  }
0xb8: {  	_ =	sfence  }
0xb9: {  	s30 =	sld [smem:$0x0];
	_ =	sdelay $0x2  }
0xba: {  	s31 =	sshll.u32 s1, $0xD;
	s1 =	sshrl.u32 s1, $0x2  }
0xbb: {  	s3 =	sand.u32 $0x4000, s31;
	s1 =	sadd.s32 s1, s30  }
0xbc: {  	s0 =	sor.u32 s3, s0;
	s1 =	sshll.u32 s1, $0x11  }
0xbd: {  	s0 =	sor.u32 s1, s0  }
0xbe: {  	s0 =	sadd.s32 $0x8F2B, s0  }
0xbf: {  	[sflag:s0] =	ssyncadd.remote.s32 $0x1  }
0xc0: {  	_ =	sfence.sel $0xFFFF  }
0xc1: {  	[dreg:$0x0] =	wrdreg $0xFFFFFFFF;
	(pc) =	sbr.abs _section_cstart, $3  }
0xc2: {  	[dreg:$0x1] =	wrdreg $0xFFFFFFFF  }
0xc3: {  	_ =	task.clear_ibuf [dreg:s6], $0x2FFFF;
	_ =	strace $0x9FFFFFFF  }
0xc4: {  	(tm) =	ssettm $0x7FFFFFFF  }
0xc5: {  	_ =	shalt  }
tec
execute0_lowered:
.L_overlay_start_1:
0x0: {  	(tag) =	ssettag $0x1  }
0x1: {  	s11 =	rddreg [dreg:$0x0]  }
0x2: {  	s2 =	rddreg [dreg:$0x1];
	_ =	strace $0x80000050;
	s12 =	simm.s32 $0x1  }
0x3: {  	v0 =	vimm.s32 $0x0;
	[sflag:s12] =	ssyncpa.u1 $0x0  }
0x4: {  	[tilespmem:$0x28] =	vst v0  }
0x5: {  	[tilespmem:$0x38] =	vst v0  }
0x6: {  	[tilespmem:$0x48] =	vst v0  }
0x7: {  	[tilespmem:$0x58] =	vst v0  }
0x8: {  	[tilespmem:$0x68] =	vst v0  }
0x9: {  	[tilespmem:$0x78] =	vst v0  }
0xa: {  	[tilespmem:$0x88] =	vst v0  }
0xb: {  	[tilespmem:$0x98] =	vst v0  }
0xc: {  	[tilespmem:$0xA8] =	vst v0  }
0xd: {  	[tilespmem:$0xB8] =	vst v0  }
0xe: {  	[tilespmem:$0xC8] =	vst v0  }
0xf: {  	[tilespmem:$0xD8] =	vst v0  }
0x10: {  	[tilespmem:$0xE8] =	vst v0  }
0x11: {  	[tilespmem:$0xF8] =	vst v0  }
0x12: {  	[tilespmem:$0x108] =	vst v0  }
0x13: {  	[tilespmem:$0x118] =	vst v0  }
0x14: {  	[tilespmem:$0x128] =	vst v0  }
0x15: {  	[tilespmem:$0x138] =	vst v0  }
0x16: {  	[tilespmem:$0x148] =	vst v0  }
0x17: {  	[tilespmem:$0x158] =	vst v0  }
0x18: {  	[tilespmem:$0x168] =	vst v0  }
0x19: {  	[tilespmem:$0x178] =	vst v0  }
0x1a: {  	[tilespmem:$0x188] =	vst v0  }
0x1b: {  	[tilespmem:$0x198] =	vst v0  }
0x1c: {  	[tilespmem:$0x1A8] =	vst v0  }
0x1d: {  	[tilespmem:$0x1B8] =	vst v0  }
0x1e: {  	[tilespmem:$0x1C8] =	vst v0  }
0x1f: {  	[tilespmem:$0x1D8] =	vst v0  }
0x20: {  	[tilespmem:$0x1E8] =	vst v0  }
0x21: {  	[tilespmem:$0x1F8] =	vst v0  }
0x22: {  	[tilespmem:$0x208] =	vst v0  }
0x23: {  	[tilespmem:$0x218] =	vst v0  }
0x24: {  	[tilespmem:$0x228] =	vst v0  }
0x25: {  	[tilespmem:$0x238] =	vst v0  }
0x26: {  	[tilespmem:$0x248] =	vst v0  }
0x27: {  	[tilespmem:$0x258] =	vst v0  }
0x28: {  	[tilespmem:$0x268] =	vst v0  }
0x29: {  	[tilespmem:$0x278] =	vst v0  }
0x2a: {  	[tilespmem:$0x288] =	vst v0  }
0x2b: {  	[tilespmem:$0x298] =	vst v0  }
0x2c: {  	[tilespmem:$0x2A8] =	vst v0  }
0x2d: {  	[tilespmem:$0x2B8] =	vst v0  }
0x2e: {  	[tilespmem:$0x2C8] =	vst v0  }
0x2f: {  	[tilespmem:$0x2D8] =	vst v0  }
0x30: {  	[tilespmem:$0x2E8] =	vst v0  }
0x31: {  	[tilespmem:$0x2F8] =	vst v0  }
0x32: {  	[tilespmem:$0x308] =	vst v0  }
0x33: {  	[tilespmem:$0x318] =	vst v0  }
0x34: {  	[tilespmem:$0x328] =	vst v0  }
0x35: {  	[tilespmem:$0x338] =	vst v0  }
0x36: {  	[tilespmem:$0x348] =	vst v0  }
0x37: {  	[tilespmem:$0x358] =	vst v0  }
0x38: {  	[tilespmem:$0x368] =	vst v0  }
0x39: {  	[tilespmem:$0x378] =	vst v0  }
0x3a: {  	[tilespmem:$0x388] =	vst v0  }
0x3b: {  	[tilespmem:$0x398] =	vst v0  }
0x3c: {  	[tilespmem:$0x3A8] =	vst v0  }
0x3d: {  	[tilespmem:$0x3B8] =	vst v0  }
0x3e: {  	[tilespmem:$0x3C8] =	vst v0  }
0x3f: {  	[tilespmem:$0x3D8] =	vst v0  }
0x40: {  	[tilespmem:$0x3E8] =	vst v0  }
0x41: {  	[tilespmem:$0x3F8] =	vst v0  }
0x42: {  	[tilespmem:$0x408] =	vst v0  }
0x43: {  	[tilespmem:$0x418] =	vst v0  }
0x44: {  	[tilespmem:$0x428] =	vst v0  }
0x45: {  	[tilespmem:$0x438] =	vst v0  }
0x46: {  	[tilespmem:$0x448] =	vst v0  }
0x47: {  	[tilespmem:$0x458] =	vst v0  }
0x48: {  	[tilespmem:$0x468] =	vst v0  }
0x49: {  	[tilespmem:$0x478] =	vst v0  }
0x4a: {  	[tilespmem:$0x488] =	vst v0  }
0x4b: {  	[tilespmem:$0x498] =	vst v0  }
0x4c: {  	[tilespmem:$0x4A8] =	vst v0  }
0x4d: {  	[tilespmem:$0x4B8] =	vst v0  }
0x4e: {  	[tilespmem:$0x4C8] =	vst v0  }
0x4f: {  	[tilespmem:$0x4D8] =	vst v0  }
0x50: {  	[tilespmem:$0x4E8] =	vst v0  }
0x51: {  	[tilespmem:$0x4F8] =	vst v0  }
0x52: {  	[tilespmem:$0x508] =	vst v0  }
0x53: {  	[tilespmem:$0x518] =	vst v0  }
0x54: {  	[tilespmem:$0x528] =	vst v0  }
0x55: {  	[tilespmem:$0x538] =	vst v0  }
0x56: {  	[tilespmem:$0x548] =	vst v0  }
0x57: {  	[tilespmem:$0x558] =	vst v0  }
0x58: {  	[tilespmem:$0x568] =	vst v0  }
0x59: {  	[tilespmem:$0x578] =	vst v0  }
0x5a: {  	[tilespmem:$0x588] =	vst v0  }
0x5b: {  	[tilespmem:$0x598] =	vst v0  }
0x5c: {  	[tilespmem:$0x5A8] =	vst v0  }
0x5d: {  	[tilespmem:$0x5B8] =	vst v0  }
0x5e: {  	[tilespmem:$0x5C8] =	vst v0  }
0x5f: {  	[tilespmem:$0x5D8] =	vst v0  }
0x60: {  	[tilespmem:$0x5E8] =	vst v0  }
0x61: {  	[tilespmem:$0x5F8] =	vst v0  }
0x62: {  	[tilespmem:$0x608] =	vst v0  }
0x63: {  	[tilespmem:$0x618] =	vst v0  }
0x64: {  	[tilespmem:$0x628] =	vst v0  }
0x65: {  	[tilespmem:$0x638] =	vst v0  }
0x66: {  	[tilespmem:$0x648] =	vst v0  }
0x67: {  	[tilespmem:$0x658] =	vst v0  }
0x68: {  	[tilespmem:$0x668] =	vst v0  }
0x69: {  	[tilespmem:$0x678] =	vst v0  }
0x6a: {  	[tilespmem:$0x688] =	vst v0  }
0x6b: {  	[tilespmem:$0x698] =	vst v0  }
0x6c: {  	[tilespmem:$0x6A8] =	vst v0  }
0x6d: {  	[tilespmem:$0x6B8] =	vst v0  }
0x6e: {  	[tilespmem:$0x6C8] =	vst v0  }
0x6f: {  	[tilespmem:$0x6D8] =	vst v0  }
0x70: {  	[tilespmem:$0x6E8] =	vst v0  }
0x71: {  	[tilespmem:$0x6F8] =	vst v0  }
0x72: {  	[tilespmem:$0x708] =	vst v0  }
0x73: {  	[tilespmem:$0x718] =	vst v0  }
0x74: {  	[tilespmem:$0x728] =	vst v0  }
0x75: {  	[tilespmem:$0x738] =	vst v0  }
0x76: {  	[tilespmem:$0x748] =	vst v0  }
0x77: {  	[tilespmem:$0x758] =	vst v0  }
0x78: {  	[tilespmem:$0x768] =	vst v0  }
0x79: {  	[tilespmem:$0x778] =	vst v0  }
0x7a: {  	[tilespmem:$0x788] =	vst v0  }
0x7b: {  	[tilespmem:$0x798] =	vst v0  }
0x7c: {  	[tilespmem:$0x7A8] =	vst v0  }
0x7d: {  	[tilespmem:$0x7B8] =	vst v0  }
0x7e: {  	[tilespmem:$0x7C8] =	vst v0  }
0x7f: {  	[tilespmem:$0x7D8] =	vst v0  }
0x80: {  	[tilespmem:$0x7E8] =	vst v0  }
0x81: {  	[tilespmem:$0x7F8] =	vst v0  }
0x82: {  	[tilespmem:$0x808] =	vst v0  }
0x83: {  	[tilespmem:$0x818] =	vst v0  }
0x84: {  	[tilespmem:$0x828] =	vst v0  }
0x85: {  	[tilespmem:$0x838] =	vst v0  }
0x86: {  	[tilespmem:$0x848] =	vst v0  }
0x87: {  	[tilespmem:$0x858] =	vst v0  }
0x88: {  	[tilespmem:$0x868] =	vst v0  }
0x89: {  	[tilespmem:$0x878] =	vst v0  }
0x8a: {  	[tilespmem:$0x888] =	vst v0  }
0x8b: {  	[tilespmem:$0x898] =	vst v0  }
0x8c: {  	[tilespmem:$0x8A8] =	vst v0  }
0x8d: {  	[tilespmem:$0x8B8] =	vst v0  }
0x8e: {  	[tilespmem:$0x8C8] =	vst v0  }
0x8f: {  	[tilespmem:$0x8D8] =	vst v0  }
0x90: {  	[tilespmem:$0x8E8] =	vst v0  }
0x91: {  	[tilespmem:$0x8F8] =	vst v0  }
0x92: {  	[tilespmem:$0x908] =	vst v0  }
0x93: {  	[tilespmem:$0x918] =	vst v0  }
0x94: {  	[tilespmem:$0x928] =	vst v0  }
0x95: {  	[tilespmem:$0x938] =	vst v0  }
0x96: {  	[tilespmem:$0x948] =	vst v0  }
0x97: {  	[tilespmem:$0x958] =	vst v0  }
0x98: {  	[tilespmem:$0x968] =	vst v0  }
0x99: {  	[tilespmem:$0x978] =	vst v0  }
0x9a: {  	[tilespmem:$0x988] =	vst v0  }
0x9b: {  	[tilespmem:$0x998] =	vst v0  }
0x9c: {  	[tilespmem:$0x9A8] =	vst v0  }
0x9d: {  	[tilespmem:$0x9B8] =	vst v0  }
0x9e: {  	[tilespmem:$0x9C8] =	vst v0  }
0x9f: {  	[tilespmem:$0x9D8] =	vst v0  }
0xa0: {  	[tilespmem:$0x9E8] =	vst v0  }
0xa1: {  	[tilespmem:$0x9F8] =	vst v0  }
0xa2: {  	[tilespmem:$0xA08] =	vst v0  }
0xa3: {  	[tilespmem:$0xA18] =	vst v0  }
0xa4: {  	[tilespmem:$0xA28] =	vst v0  }
0xa5: {  	[tilespmem:$0xA38] =	vst v0  }
0xa6: {  	[tilespmem:$0xA48] =	vst v0  }
0xa7: {  	[tilespmem:$0xA58] =	vst v0  }
0xa8: {  	[tilespmem:$0xA68] =	vst v0  }
0xa9: {  	[tilespmem:$0xA78] =	vst v0  }
0xaa: {  	[tilespmem:$0xA88] =	vst v0  }
0xab: {  	[tilespmem:$0xA98] =	vst v0  }
0xac: {  	[tilespmem:$0xAA8] =	vst v0  }
0xad: {  	[tilespmem:$0xAB8] =	vst v0  }
0xae: {  	[tilespmem:$0xAC8] =	vst v0  }
0xaf: {  	[tilespmem:$0xAD8] =	vst v0  }
0xb0: {  	[tilespmem:$0xAE8] =	vst v0  }
0xb1: {  	[tilespmem:$0xAF8] =	vst v0  }
0xb2: {  	[tilespmem:$0xB08] =	vst v0  }
0xb3: {  	[tilespmem:$0xB18] =	vst v0  }
0xb4: {  	[tilespmem:$0xB28] =	vst v0  }
0xb5: {  	[tilespmem:$0xB38] =	vst v0  }
0xb6: {  	[tilespmem:$0xB48] =	vst v0  }
0xb7: {  	[tilespmem:$0xB58] =	vst v0  }
0xb8: {  	[tilespmem:$0xB68] =	vst v0  }
0xb9: {  	[tilespmem:$0xB78] =	vst v0  }
0xba: {  	[tilespmem:$0xB88] =	vst v0  }
0xbb: {  	[tilespmem:$0xB98] =	vst v0  }
0xbc: {  	[tilespmem:$0xBA8] =	vst v0  }
0xbd: {  	[tilespmem:$0xBB8] =	vst v0  }
0xbe: {  	[tilespmem:$0xBC8] =	vst v0  }
0xbf: {  	[tilespmem:$0xBD8] =	vst v0  }
0xc0: {  	[tilespmem:$0xBE8] =	vst v0  }
0xc1: {  	[tilespmem:$0xBF8] =	vst v0  }
0xc2: {  	[tilespmem:$0xC08] =	vst v0  }
0xc3: {  	[tilespmem:$0xC18] =	vst v0  }
0xc4: {  	[tilespmem:$0xC28] =	vst v0  }
0xc5: {  	[tilespmem:$0xC38] =	vst v0  }
0xc6: {  	[tilespmem:$0xC48] =	vst v0  }
0xc7: {  	[tilespmem:$0xC58] =	vst v0  }
0xc8: {  	[tilespmem:$0xC68] =	vst v0  }
0xc9: {  	[tilespmem:$0xC78] =	vst v0  }
0xca: {  	[tilespmem:$0xC88] =	vst v0  }
0xcb: {  	[tilespmem:$0xC98] =	vst v0  }
0xcc: {  	[tilespmem:$0xCA8] =	vst v0  }
0xcd: {  	[tilespmem:$0xCB8] =	vst v0  }
0xce: {  	[tilespmem:$0xCC8] =	vst v0  }
0xcf: {  	[tilespmem:$0xCD8] =	vst v0  }
0xd0: {  	[tilespmem:$0xCE8] =	vst v0  }
0xd1: {  	[tilespmem:$0xCF8] =	vst v0  }
0xd2: {  	[tilespmem:$0xD08] =	vst v0  }
0xd3: {  	[tilespmem:$0xD18] =	vst v0  }
0xd4: {  	[tilespmem:$0xD28] =	vst v0  }
0xd5: {  	[tilespmem:$0xD38] =	vst v0  }
0xd6: {  	[tilespmem:$0xD48] =	vst v0  }
0xd7: {  	[tilespmem:$0xD58] =	vst v0  }
0xd8: {  	[tilespmem:$0xD68] =	vst v0  }
0xd9: {  	[tilespmem:$0xD78] =	vst v0  }
0xda: {  	[tilespmem:$0xD88] =	vst v0  }
0xdb: {  	[tilespmem:$0xD98] =	vst v0  }
0xdc: {  	[tilespmem:$0xDA8] =	vst v0  }
0xdd: {  	[tilespmem:$0xDB8] =	vst v0  }
0xde: {  	[tilespmem:$0xDC8] =	vst v0  }
0xdf: {  	[tilespmem:$0xDD8] =	vst v0  }
0xe0: {  	[tilespmem:$0xDE8] =	vst v0  }
0xe1: {  	[tilespmem:$0xDF8] =	vst v0  }
0xe2: {  	[tilespmem:$0xE08] =	vst v0  }
0xe3: {  	[tilespmem:$0xE18] =	vst v0  }
0xe4: {  	[tilespmem:$0xE28] =	vst v0  }
0xe5: {  	[tilespmem:$0xE38] =	vst v0  }
0xe6: {  	[tilespmem:$0xE48] =	vst v0  }
0xe7: {  	[tilespmem:$0xE58] =	vst v0  }
0xe8: {  	[tilespmem:$0xE68] =	vst v0  }
0xe9: {  	[tilespmem:$0xE78] =	vst v0  }
0xea: {  	[tilespmem:$0xE88] =	vst v0  }
0xeb: {  	[tilespmem:$0xE98] =	vst v0  }
0xec: {  	[tilespmem:$0xEA8] =	vst v0  }
0xed: {  	[tilespmem:$0xEB8] =	vst v0  }
0xee: {  	[tilespmem:$0xEC8] =	vst v0  }
0xef: {  	[tilespmem:$0xED8] =	vst v0  }
0xf0: {  	[tilespmem:$0xEE8] =	vst v0  }
0xf1: {  	[tilespmem:$0xEF8] =	vst v0  }
0xf2: {  	[tilespmem:$0xF08] =	vst v0  }
0xf3: {  	[tilespmem:$0xF18] =	vst v0  }
0xf4: {  	[tilespmem:$0xF28] =	vst v0  }
0xf5: {  	[tilespmem:$0xF38] =	vst v0  }
0xf6: {  	[tilespmem:$0xF48] =	vst v0  }
0xf7: {  	[tilespmem:$0xF58] =	vst v0  }
0xf8: {  	[tilespmem:$0xF68] =	vst v0  }
0xf9: {  	[tilespmem:$0xF78] =	vst v0  }
0xfa: {  	[tilespmem:$0xF88] =	vst v0  }
0xfb: {  	[tilespmem:$0xF98] =	vst v0  }
0xfc: {  	[tilespmem:$0xFA8] =	vst v0  }
0xfd: {  	[tilespmem:$0xFB8] =	vst v0  }
0xfe: {  	[tilespmem:$0xFC8] =	vst v0  }
0xff: {  	[tilespmem:$0xFD8] =	vst v0  }
0x100: {  	[tilespmem:$0xFE8] =	vst v0  }
0x101: {  	[tilespmem:$0xFF8] =	vst v0  }
0x102: {  	[tilespmem:$0x1028] =	vst v0  }
0x103: {  	[tilespmem:$0x1108] =	vst v0  }
0x104: {  	[tilespmem:$0x1068] =	vst v0  }
0x105: {  	[tilespmem:$0x1B28] =	vst v0  }
0x106: {  	[tilespmem:$0x1B18] =	vst v0  }
0x107: {  	[tilespmem:$0x1B08] =	vst v0  }
0x108: {  	[tilespmem:$0x1AF8] =	vst v0  }
0x109: {  	[tilespmem:$0x1AE8] =	vst v0  }
0x10a: {  	[tilespmem:$0x1AD8] =	vst v0  }
0x10b: {  	[tilespmem:$0x1AC8] =	vst v0  }
0x10c: {  	[tilespmem:$0x1AB8] =	vst v0  }
0x10d: {  	[tilespmem:$0x1AA8] =	vst v0  }
0x10e: {  	[tilespmem:$0x1A98] =	vst v0  }
0x10f: {  	[tilespmem:$0x1A88] =	vst v0  }
0x110: {  	[tilespmem:$0x1A78] =	vst v0  }
0x111: {  	[tilespmem:$0x1A68] =	vst v0  }
0x112: {  	[tilespmem:$0x1A58] =	vst v0  }
0x113: {  	[tilespmem:$0x1A48] =	vst v0  }
0x114: {  	[tilespmem:$0x1A38] =	vst v0  }
0x115: {  	[tilespmem:$0x1A28] =	vst v0  }
0x116: {  	[tilespmem:$0x1A18] =	vst v0  }
0x117: {  	[tilespmem:$0x1A08] =	vst v0  }
0x118: {  	[tilespmem:$0x19F8] =	vst v0  }
0x119: {  	[tilespmem:$0x19E8] =	vst v0  }
0x11a: {  	[tilespmem:$0x19D8] =	vst v0  }
0x11b: {  	[tilespmem:$0x19C8] =	vst v0  }
0x11c: {  	[tilespmem:$0x19B8] =	vst v0  }
0x11d: {  	[tilespmem:$0x19A8] =	vst v0  }
0x11e: {  	[tilespmem:$0x1998] =	vst v0  }
0x11f: {  	[tilespmem:$0x1988] =	vst v0  }
0x120: {  	[tilespmem:$0x1978] =	vst v0  }
0x121: {  	[tilespmem:$0x1968] =	vst v0  }
0x122: {  	[tilespmem:$0x1958] =	vst v0  }
0x123: {  	[tilespmem:$0x1948] =	vst v0  }
0x124: {  	[tilespmem:$0x1938] =	vst v0  }
0x125: {  	[tilespmem:$0x1928] =	vst v0  }
0x126: {  	[tilespmem:$0x1918] =	vst v0  }
0x127: {  	[tilespmem:$0x1908] =	vst v0  }
0x128: {  	[tilespmem:$0x18F8] =	vst v0  }
0x129: {  	[tilespmem:$0x18E8] =	vst v0  }
0x12a: {  	[tilespmem:$0x18D8] =	vst v0  }
0x12b: {  	[tilespmem:$0x18C8] =	vst v0  }
0x12c: {  	[tilespmem:$0x18B8] =	vst v0  }
0x12d: {  	[tilespmem:$0x18A8] =	vst v0  }
0x12e: {  	[tilespmem:$0x1898] =	vst v0  }
0x12f: {  	[tilespmem:$0x1888] =	vst v0  }
0x130: {  	[tilespmem:$0x1878] =	vst v0  }
0x131: {  	[tilespmem:$0x1868] =	vst v0  }
0x132: {  	[tilespmem:$0x1858] =	vst v0  }
0x133: {  	[tilespmem:$0x1848] =	vst v0  }
0x134: {  	[tilespmem:$0x1838] =	vst v0  }
0x135: {  	[tilespmem:$0x1828] =	vst v0  }
0x136: {  	[tilespmem:$0x1818] =	vst v0  }
0x137: {  	[tilespmem:$0x1808] =	vst v0  }
0x138: {  	[tilespmem:$0x17F8] =	vst v0  }
0x139: {  	[tilespmem:$0x17E8] =	vst v0  }
0x13a: {  	[tilespmem:$0x17D8] =	vst v0  }
0x13b: {  	[tilespmem:$0x17C8] =	vst v0  }
0x13c: {  	[tilespmem:$0x17B8] =	vst v0  }
0x13d: {  	[tilespmem:$0x17A8] =	vst v0  }
0x13e: {  	[tilespmem:$0x1798] =	vst v0  }
0x13f: {  	[tilespmem:$0x1788] =	vst v0  }
0x140: {  	[tilespmem:$0x1778] =	vst v0  }
0x141: {  	[tilespmem:$0x1768] =	vst v0  }
0x142: {  	[tilespmem:$0x1758] =	vst v0  }
0x143: {  	[tilespmem:$0x1748] =	vst v0  }
0x144: {  	[tilespmem:$0x1738] =	vst v0  }
0x145: {  	[tilespmem:$0x1728] =	vst v0  }
0x146: {  	[tilespmem:$0x1718] =	vst v0  }
0x147: {  	[tilespmem:$0x1708] =	vst v0  }
0x148: {  	[tilespmem:$0x16F8] =	vst v0  }
0x149: {  	[tilespmem:$0x16E8] =	vst v0  }
0x14a: {  	[tilespmem:$0x16D8] =	vst v0  }
0x14b: {  	[tilespmem:$0x16C8] =	vst v0  }
0x14c: {  	[tilespmem:$0x16B8] =	vst v0  }
0x14d: {  	[tilespmem:$0x16A8] =	vst v0  }
0x14e: {  	[tilespmem:$0x1698] =	vst v0  }
0x14f: {  	[tilespmem:$0x1688] =	vst v0  }
0x150: {  	[tilespmem:$0x1678] =	vst v0  }
0x151: {  	[tilespmem:$0x1668] =	vst v0  }
0x152: {  	[tilespmem:$0x1658] =	vst v0  }
0x153: {  	[tilespmem:$0x1648] =	vst v0  }
0x154: {  	[tilespmem:$0x1638] =	vst v0  }
0x155: {  	[tilespmem:$0x1628] =	vst v0  }
0x156: {  	[tilespmem:$0x1618] =	vst v0  }
0x157: {  	[tilespmem:$0x1608] =	vst v0  }
0x158: {  	[tilespmem:$0x15F8] =	vst v0  }
0x159: {  	[tilespmem:$0x15E8] =	vst v0  }
0x15a: {  	[tilespmem:$0x15D8] =	vst v0  }
0x15b: {  	[tilespmem:$0x15C8] =	vst v0  }
0x15c: {  	[tilespmem:$0x15B8] =	vst v0  }
0x15d: {  	[tilespmem:$0x15A8] =	vst v0  }
0x15e: {  	[tilespmem:$0x1598] =	vst v0  }
0x15f: {  	[tilespmem:$0x1588] =	vst v0  }
0x160: {  	[tilespmem:$0x1578] =	vst v0  }
0x161: {  	[tilespmem:$0x1568] =	vst v0  }
0x162: {  	[tilespmem:$0x1558] =	vst v0  }
0x163: {  	[tilespmem:$0x1548] =	vst v0  }
0x164: {  	[tilespmem:$0x1538] =	vst v0  }
0x165: {  	[tilespmem:$0x1528] =	vst v0  }
0x166: {  	[tilespmem:$0x1518] =	vst v0  }
0x167: {  	[tilespmem:$0x1508] =	vst v0  }
0x168: {  	[tilespmem:$0x14F8] =	vst v0  }
0x169: {  	[tilespmem:$0x14E8] =	vst v0  }
0x16a: {  	[tilespmem:$0x14D8] =	vst v0  }
0x16b: {  	[tilespmem:$0x14C8] =	vst v0  }
0x16c: {  	[tilespmem:$0x14B8] =	vst v0  }
0x16d: {  	[tilespmem:$0x14A8] =	vst v0  }
0x16e: {  	[tilespmem:$0x1498] =	vst v0  }
0x16f: {  	[tilespmem:$0x1488] =	vst v0  }
0x170: {  	[tilespmem:$0x1478] =	vst v0  }
0x171: {  	[tilespmem:$0x1468] =	vst v0  }
0x172: {  	[tilespmem:$0x1458] =	vst v0  }
0x173: {  	[tilespmem:$0x1448] =	vst v0  }
0x174: {  	[tilespmem:$0x1438] =	vst v0  }
0x175: {  	[tilespmem:$0x1428] =	vst v0  }
0x176: {  	[tilespmem:$0x1418] =	vst v0  }
0x177: {  	[tilespmem:$0x1408] =	vst v0  }
0x178: {  	[tilespmem:$0x13F8] =	vst v0  }
0x179: {  	[tilespmem:$0x13E8] =	vst v0  }
0x17a: {  	[tilespmem:$0x13D8] =	vst v0  }
0x17b: {  	[tilespmem:$0x13C8] =	vst v0  }
0x17c: {  	[tilespmem:$0x13B8] =	vst v0  }
0x17d: {  	[tilespmem:$0x13A8] =	vst v0  }
0x17e: {  	[tilespmem:$0x1398] =	vst v0  }
0x17f: {  	[tilespmem:$0x1388] =	vst v0  }
0x180: {  	[tilespmem:$0x1378] =	vst v0  }
0x181: {  	[tilespmem:$0x1368] =	vst v0  }
0x182: {  	[tilespmem:$0x1358] =	vst v0  }
0x183: {  	[tilespmem:$0x1348] =	vst v0  }
0x184: {  	[tilespmem:$0x1338] =	vst v0  }
0x185: {  	[tilespmem:$0x1328] =	vst v0  }
0x186: {  	[tilespmem:$0x1318] =	vst v0  }
0x187: {  	[tilespmem:$0x1308] =	vst v0  }
0x188: {  	[tilespmem:$0x12F8] =	vst v0  }
0x189: {  	[tilespmem:$0x12E8] =	vst v0  }
0x18a: {  	[tilespmem:$0x12D8] =	vst v0  }
0x18b: {  	[tilespmem:$0x12C8] =	vst v0  }
0x18c: {  	[tilespmem:$0x12B8] =	vst v0  }
0x18d: {  	[tilespmem:$0x12A8] =	vst v0  }
0x18e: {  	[tilespmem:$0x1298] =	vst v0  }
0x18f: {  	[tilespmem:$0x1288] =	vst v0  }
0x190: {  	[tilespmem:$0x1278] =	vst v0  }
0x191: {  	[tilespmem:$0x1268] =	vst v0  }
0x192: {  	[tilespmem:$0x1258] =	vst v0  }
0x193: {  	[tilespmem:$0x1248] =	vst v0  }
0x194: {  	[tilespmem:$0x1238] =	vst v0  }
0x195: {  	[tilespmem:$0x1228] =	vst v0  }
0x196: {  	[tilespmem:$0x1218] =	vst v0  }
0x197: {  	[tilespmem:$0x1208] =	vst v0  }
0x198: {  	[tilespmem:$0x11F8] =	vst v0  }
0x199: {  	[tilespmem:$0x11E8] =	vst v0  }
0x19a: {  	[tilespmem:$0x11D8] =	vst v0  }
0x19b: {  	[tilespmem:$0x11C8] =	vst v0  }
0x19c: {  	[tilespmem:$0x11B8] =	vst v0  }
0x19d: {  	[tilespmem:$0x11A8] =	vst v0  }
0x19e: {  	[tilespmem:$0x1198] =	vst v0  }
0x19f: {  	[tilespmem:$0x1188] =	vst v0  }
0x1a0: {  	[tilespmem:$0x1178] =	vst v0  }
0x1a1: {  	[tilespmem:$0x1168] =	vst v0  }
0x1a2: {  	[tilespmem:$0x1158] =	vst v0  }
0x1a3: {  	[tilespmem:$0x1148] =	vst v0  }
0x1a4: {  	[tilespmem:$0x1138] =	vst v0  }
0x1a5: {  	s4 =	stileid.u32;
	[tilespmem:$0x1128] =	vst v0  }
0x1a6: {  	s0 =	smul.u32 $0x7, s4;
	[tilespmem:$0x1118] =	vst v0  }
0x1a7: {  	s1 =	smin.u32 s4, $0x2;
	[tilespmem:$0x10E8] =	vst v0  }
0x1a8: {  	[tilespmem:$0x10F8] =	vst v0;
	s0 =	sadd.s32 s1, s0  }
0x1a9: {  	p0 =	slt.u32 s4, $0x2;
	[tilespmem:$0x10D8] =	vst v0;
	s1 =	simm.s32 $0xD80;
	s6 =	smul.u32 $0x1B0, s0  }
0x1aa: {  	s1 =	simm.s32 @!p0 $0xBD0;
	[tilespmem:$0x1038] =	vst v0  }
0x1ab: {  	[tilespmem:$0x10C8] =	vst v0;
	s0 =	sadd.s32 s1, s6  }
0x1ac: {  	[tilespmem:$0x10B8] =	vst v0;
	s7 =	smin.u32 s0, $0xC000  }
0x1ad: {  	[tilespmem:$0x10A8] =	vst v0;
	s0 =	ssub.s32 s7, s6  }
0x1ae: {  	s3 =	simm.s32 $0x2;
	s8 =	simm.s32 $0x9;
	[tilespmem:$0x1098] =	vst v0;
	p0 =	sgt.s32 s0, $0x0  }
0x1af: {  	s10 =	simm.s32 $0xA;
	s30 =	simm.s32 $0xB;
	[tilespmem:$0x1088] =	vst v0;
	s0 =	simm.s32 @!p0 $0x0  }
0x1b0: {  	s16 =	simm.s32 $0x0;
	p4 =	por $0x0, $0x0;
	[tilespmem:$0x1078] =	vst v0;
	s29 =	sand.u32 $0xFFF0, s0  }
0x1b1: {  	s17 =	simm.s32 $0xC;
	s21 =	simm.s32 $0x0;
	[tilespmem:$0x1058] =	vst v0;
	s1 =	sshrl.u32 s29, $0x4  }
0x1b2: {  	s18 =	simm.s32 $0x0;
	s2 =	sand.u32 $0x1, s2;
	[tilespmem:$0x1048] =	vst v0;
	s1 =	smul.u32 $0x12F7, s1  }
0x1b3: {  	s20 =	simm.s32 $0x0;
	s31 =	sshll.u32 s4, $0x5;
	[tilespmem:$0x1018] =	vst v0;
	[dreg:$0x5] =	wrdreg s2  }
0x1b4: {  	s2 =	smul.u32 $0x1800, s2;
	[tilespmem:$0x1008] =	vst v0;
	[sflag:s3] =	ssyncpa.u1 $0x0;
	s1 =	sshrl.u32 s1, $0x11  }
0x1b5: {  	v0 =	vimm.s32 $0xFFFFFFFF;
	s3 =	sadd.s32 $0x5C00, s11;
	[dreg:$0x4] =	wrdreg s31;
	s5 =	smul.u32 $0x1B0, s1  }
.Ltmp0:
0x1b6: {  	[tilespmem:$0x3648] =	vst v0;
	[sflag:s8] =	ssyncpa.u1 $0x0;
	s2 =	sadd.s32 s2, s11;
	(pc) =	sbr.rel .LBB2_1-.Ltmp0, $4  }
0x1b7: {  	[sflag:s10] =	ssyncpa.u1 $0x0;
	s11 =	sadd.s32 $0x1B3BC00, s11;
	p0 =	sne.s32 s0, s5  }
0x1b8: {  	[sflag:s30] =	ssyncpa.u1 $0x0;
	s14 =	sadd.s32 $0x30C00, s2;
	s12 =	simm.s32 @!p0 $0x0  }
0x1b9: {  	s15 =	sadd.s32 $0x2DC00, s2;
	s19 =	smov.u32 s6;
	s12 =	sadd.s32 s1, s12  }
0x1ba: {  	v0 =	vlaneseq.u32;
	[dreg:$0x6] =	wrdreg s6;
	p0 =	por $0x1, $0x1;
	s4 =	sadd.s32 $0x1, s12  }
.LBB2_18:
0x1bb: {  	s0 =	simm.s32 $0x2  }
0x1bc: {  	_ =	swait.ge [sflag:s0], $0x0  }
0x1bd: {  	[sflag:s0] =	ssyncset.done $0x0;
	s0 =	simm.s32 $0x0  }
.LBB2_19:
0x1be: {  	_ =	swait.ge [sflag:s17], s0  }
0x1bf: {  	s31 =	ssub.s32 $0x0, s0;
	v1 =	vmov s23;
	vm0 =	veq.s32 v0, $0x0;
	[sflag:s17] =	ssyncset.done $0x0  }
0x1c0: {  	vm15 =	veq.s32 v0, $0x2;
	v1 =	vsel vm0, s28, v1;
	[sflag:s17] =	ssyncadd.s32 s31  }
0x1c1: {  	v1 =	vsel vm15, s21, v1;
	[sflag:s17] =	ssyncpa.u1 $0x1  }
0x1c2: {  	[tilespmem:$0x3648] =	vst v1  }
.LBB2_20:
0x1c3: {  	s0 =	sadd.s32 $0x1B0, s19  }
0x1c4: {  	s1 =	smov.u32 s6;
	p1 =	slt.s32 s0, s7  }
0x1c5: {  	s1 =	smov.u32 @p1 s0;
	p1 =	sne.s32 s20, s4  }
.Ltmp1:
0x1c6: {  	_ = 	snop;
	(pc) =	sbr.rel @!p1 .LBB2_21-.Ltmp1, $4  }
0x1c7: {  	_ = 	snop  }
0x1c8: {  	s21 =	smov.u32 s18  }
0x1c9: {  	s31 =	sadd.s32 $0x1, s20;
	s18 =	smov.u32 s19;
	p0 =	por !p0, !p0  }
0x1ca: {  	p4 =	por !p4, !p4;
	s20 =	smov.u32 s31;
	s19 =	smov.u32 s1  }
.LBB2_1:
0x1cb: {  	p2 =	sge.u32 s20, s12  }
0x1cc: {  	s0 =	smulhi.u32 @!p2 $0xAAAAAAAB, s20  }
0x1cd: {  	s1 =	smov.u32 s19;
	p3 =	sgt.s32 @!p2 s19, $0xBE50  }
0x1ce: {  	s2 =	sshra.s32 @!p2 s19, $0x1F;
	p3 =	por !p3, p2;
	s0 =	sshrl.u32 @!p2 s0, $0x1  }
0x1cf: {  	s2 =	sand.u32 @!p2 s2, s19;
	s1 =	simm.s32 @p3 $0xBE50;
	s0 =	smul.u32 @!p2 $0x3, s0  }
0x1d0: {  	s1 =	ssub.s32 @!p2 s1, s2  }
0x1d1: {  	s23 =	sadd.s32 $0xFFFFFFFF, s20;
	s1 =	sadd.s32 @!p2 $0xFFFF41B0, s1;
	s0 =	ssub.s32 @!p2 s20, s0  }
0x1d2: {  	s2 =	sshll.u32 @!p2 s1, $0x2;
	p3 =	sgt.s32 @!p2 s1, $0x1AF;
	s0 =	smul.u32 @!p2 $0x6C0, s0  }
0x1d3: {  	s5 =	sand.u32 @!p2 $0x7, s19;
	s1 =	ssub.s32 @!p2 $0x6C0, s2;
	p3 =	por !p3, p2  }
0x1d4: {  	s2 =	sshrl.u32 @!p2 s19, $0x3;
	s1 =	sshrl.u32 @!p2 s1, $0x2;
	s0 =	sshrl.u32 @!p2 s0, $0x2  }
0x1d5: {  	s2 =	sadd.s32 @!p2 s2, s14;
	s1 =	simm.s32 @!p3 $0x0;
	s0 =	sadd.s32 @!p2 $0x3888, s0  }
0x1d6: {  	[tilespmem:s0], [sflag:$0xA] =	stream.linear.gather @!p2 [hbm4b:s2+s5], s1, $0x38;
	[tilespmem:$0x1F0F8] =	vst v63  }
0x1d7: {  	p2 =	sge.u32 s23, s12  }
0x1d8: {  	p3 =	sgt.s32 @!p2 s18, $0xBE50  }
0x1d9: {  	s0 =	smov.u32 s18;
	s1 =	sshra.s32 @!p2 s18, $0x1F;
	p3 =	por !p3, p2  }
0x1da: {  	s1 =	sand.u32 @!p2 s1, s18;
	s0 =	simm.s32 @p3 $0xBE50  }
0x1db: {  	s0 =	ssub.s32 @!p2 s0, s1  }
0x1dc: {  	s0 =	sadd.s32 @!p2 $0xFFFF41B0, s0  }
0x1dd: {  	s1 =	sshll.u32 @!p2 s0, $0x2  }
0x1de: {  	p3 =	sgt.s32 @!p2 s0, $0x1AF;
	s0 =	ssub.s32 @!p2 $0x6C0, s1  }
0x1df: {  	s22 =	ssub.s32 @!p2 $0xC000, s18;
	p3 =	por !p3, p2;
	s0 =	sshrl.u32 @!p2 s0, $0x2  }
0x1e0: {  	s1 =	sand.u32 @!p2 $0x1, s23;
	s0 =	simm.s32 @!p3 $0x0;
	p3 =	slt.s32 @!p2 s22, $0x1  }
0x1e1: {  	s2 =	simm.s32 @!p2 $0xA;
	s1 =	smul.u32 @!p2 $0x6C0, s1;
	p3 =	por p2, p3  }
.Ltmp2:
0x1e2: {  	_ =	swait.ge @!p2 [sflag:s2], s0;
	(pc) =	sbr.rel @p3 .LBB2_7-.Ltmp2, $4  }
0x1e3: {  	s5 =	ssub.s32 @!p2 $0x0, s0;
	[sflag:s2] =	ssyncset.done @!p2 $0x0  }
0x1e4: {  	s1 =	sshrl.u32 @!p2 s1, $0x2;
	[sflag:s2] =	ssyncadd.s32 @!p2 s5;
	s2 =	sshrl.u32 @!p2 s18, $0x3  }
0x1e5: {  	s1 =	sadd.s32 @!p2 $0x3D98, s1;
	s5 =	sand.u32 @!p2 $0x7, s18;
	s2 =	sadd.s32 @!p2 s2, s15  }
0x1e6: {  	[tilespmem:s1], [sflag:$0xB] =	stream.linear.gather @!p2 [hbm4b:s2+s5], s0, $0x38;
	[tilespmem:$0x1F0F8] =	vst v63  }
0x1e7: {  	s0 =	smulhi.u32 $0xAAAAAAAB, s23;
	_ =	sdelay $0x1  }
0x1e8: {  	s0 =	sshrl.u32 s0, $0x1  }
0x1e9: {  	s0 =	smul.u32 $0x3, s0;
	_ =	sdelay $0x1  }
0x1ea: {  	s0 =	ssub.s32 s23, s0  }
0x1eb: {  	s1 =	simm.s32 $0x1;
	s0 =	smul.u32 $0x6C0, s0  }
.Ltmp3:
0x1ec: {  	s1 =	simm.s32 @!p0 $0x0;
	(pc) =	sbr.rel .LBB2_4-.Ltmp3, $4  }
0x1ed: {  	s1 =	smul.u32 $0x36000, s1  }
0x1ee: {  	p3 =	slt.s32 @!p2 s22, $0x1B0;
	s0 =	sshrl.u32 s0, $0x2  }
0x1ef: {  	p2 =	por !p3, p2;
	s1 =	sshrl.u32 s1, $0x2;
	s0 =	sadd.s32 $0x3888, s0  }
0x1f0: {  	s24 =	simm.s32 $0x0;
	s22 =	simm.s32 @p2 $0x1B0;
	s23 =	sadd.s32 $0x40F8, s1;
	v1 =	vmov s0  }
.LBB2_3:
0x1f1: {  	p2 =	sge.s32 s24, s22  }
.Ltmp4:
0x1f2: {  	_ = 	snop;
	(pc) =	sbr.rel @p2 .LBB2_7-.Ltmp4, $2  }
0x1f3: {  	_ =	sdelay $0x2  }
0x1f4: {  	s23 =	sadd.s32 $0x800, s23  }
.LBB2_4:
0x1f5: {  	p2 =	sle.s32 s22, s24  }
.Ltmp5:
0x1f6: {  	_ = 	snop;
	(pc) =	sbr.rel @p2 .LBB2_3-.Ltmp5, $2  }
0x1f7: {  	_ =	sdelay $0x2  }
0x1f8: {  	s0 =	smov.u32 s24;
	s24 =	sadd.s32 $0x10, s24  }
0x1f9: {  	s1 =	ssub.s32 s22, s0  }
0x1fa: {  	p2 =	slt.s32 s1, $0x10  }
0x1fb: {  	s1 =	simm.s32 @!p2 $0x10  }
0x1fc: {  	v2 =	vmov s1  }
0x1fd: {  	vm0 =	vgt.s32 v2, v0;
	_ =	sdelay $0x5  }
0x1fe: {  	v2 =	vld.idx.msk [tilespmem:v1+s0+$0x0 ss:$0x1], vm0;
	_ =	sdelay $0x2  }
0x1ff: {  	p2 =	slt.s32 s24, s22;
	s1 =	smov.u32 s22  }
0x200: {  	s2 =	smov.u32 s23;
	s25 =	simm.s32 $0x0;
	s1 =	smov.u32 @p2 s24  }
.LBB2_6:
0x201: {  	(v2sf) =	vpush v2, s25;
	_ =	sdelay $0xc  }
0x202: {  	s25 =	sadd.s32 $0x1, s25  }
0x203: {  	s31 =	sadd.s32 s25, s0  }
0x204: {  	p2 =	slt.s32 s31, s1;
	s5 =	spop (v2sf)  }
.Ltmp6:
0x205: {  	s5 =	sshll.u32 s5, $0x4;
	(pc) =	sbr.rel @p2 .LBB2_6-.Ltmp6, $4  }
0x206: {  	s5 =	sand.u32 $0x1FFFFFF0, s5  }
0x207: {  	s5 =	sadd.s32 s11, s5  }
0x208: {  	[tilespmem:s2], [sflag:$0x9] =	stream.linear.gather [hbm4b:s5+s16], $0x4, $0x38;
	[tilespmem:$0x1F0F8] =	vst v63  }
0x209: {  	s2 =	sadd.s32 $0x80, s2  }
.Ltmp7:
0x20a: {  	_ = 	snop;
	(pc) =	sbr.rel .LBB2_3-.Ltmp7, $1  }
0x20b: {  	_ =	sdelay $0x3  }
.LBB2_7:
0x20c: {  	p2 =	slt.u32 s20, $0x2  }
.Ltmp8:
0x20d: {  	_ = 	snop;
	(pc) =	sbr.rel @p2 .LBB2_20-.Ltmp8, $1  }
0x20e: {  	_ =	sdelay $0x3  }
0x20f: {  	p2 =	sgt.s32 s21, $0xBE50  }
0x210: {  	s0 =	smov.u32 s21;
	s1 =	sshra.s32 s21, $0x1F;
	s2 =	ssub.s32 $0xC000, s21  }
0x211: {  	s0 =	simm.s32 @!p2 $0xBE50;
	s1 =	sand.u32 s1, s21;
	p2 =	slt.s32 s2, $0x1B0  }
0x212: {  	s0 =	ssub.s32 s0, s1;
	s2 =	simm.s32 @!p2 $0x1B0  }
0x213: {  	s0 =	sadd.s32 $0xFFFF41B0, s0;
	s24 =	sshll.u32 s2, $0x2  }
0x214: {  	s28 =	simm.s32 $0x9;
	s25 =	sshll.u32 s0, $0x2;
	s1 =	sand.u32 $0x3FFFFFFC, s24  }
0x215: {  	p2 =	sgt.s32 s0, $0x1AF;
	s26 =	ssub.s32 $0x6C0, s25;
	_ =	swait.ge [sflag:s28], s1  }
0x216: {  	s1 =	ssub.s32 $0x0, s1;
	[sflag:s28] =	ssyncset.done $0x0;
	s0 =	sshrl.u32 s26, $0x2  }
0x217: {  	s30 =	simm.s32 $0xB;
	[sflag:s28] =	ssyncadd.s32 s1;
	s0 =	simm.s32 @p2 $0x0  }
0x218: {  	_ =	swait.ge [sflag:s30], s0  }
0x219: {  	s0 =	ssub.s32 $0x0, s0;
	[sflag:s30] =	ssyncset.done $0x0  }
0x21a: {  	[sflag:s30] =	ssyncadd.s32 s0  }
0x21b: {  	v1 =	vld [tilespmem:$0x3648];
	_ =	sdelay $0x4  }
0x21c: {  	(v2sf) =	vpush v1, $0x0  }
0x21d: {  	(v2sf) =	vpush v1, $0x1  }
0x21e: {  	(v2sf) =	vpush v1, $0x2;
	_ =	sdelay $0x3  }
0x21f: {  	s0 =	sadd.s32 $0x1B0, s21  }
0x220: {  	s1 =	ssub.s32 $0x18000, s21;
	p2 =	slt.s32 s7, s0  }
0x221: {  	s0 =	smov.u32 @p2 s7;
	p2 =	sgt.s32 s1, $0x0  }
0x222: {  	s25 =	ssub.s32 s0, s21;
	s1 =	simm.s32 @!p2 $0x0  }
0x223: {  	p2 =	slt.s32 s1, s25  }
0x224: {  	s25 =	smov.u32 @p2 s1  }
0x225: {  	s24 =	simm.s32 $0x1;
	p2 =	slt.s32 s25, $0x1  }
.Ltmp9:
0x226: {  	s24 =	simm.s32 @!p4 $0x0;
	(pc) =	sbr.rel @p2 .LBB2_12-.Ltmp9, $4  }
0x227: {  	s31 =	smul.u32 $0x6C0, s24  }
0x228: {  	s26 =	spop (v2sf)  }
0x229: {  	s0 =	sshrl.u32 s31, $0x2;
	s29 =	spop (v2sf)  }
0x22a: {  	s22 =	sadd.s32 $0x3D98, s0;
	s21 =	spop (v2sf)  }
0x22b: {  	s0 =	smin.u32 s25, $0x10  }
0x22c: {  	v1 =	vmov s0  }
0x22d: {  	p3 =	sgt.s32 s25, $0x10;
	vm1 =	vgt.u32 v1, v0  }
.Ltmp10:
0x22e: {  	_ = 	snop;
	(pc) =	sbr.rel @!p3 .LBB2_11-.Ltmp10, $2  }
0x22f: {  	_ =	sdelay $0x2  }
0x230: {  	s23 =	simm.s32 $0x10;
	s28 =	sadd.s32 $0xFFFFFFF0, s25;
	s0 =	smov.u32 s22;
	vm0 =	vmmov vm1  }
.LBB2_10:
0x231: {  	s1 =	smin.u32 s28, $0x10;
	s23 =	sadd.s32 $0x10, s23;
	v1 =	vld.msk [tilespmem:s0+$0x0 ss:$0x1], vm1  }
0x232: {  	v2 =	vmov s1;
	p3 =	slt.s32 s23, s25  }
0x233: {  	vm1 =	vgt.u32 v2, v0  }
.Ltmp11:
0x234: {  	(pc) =	sbr.rel @p3 .LBB2_10-.Ltmp11, $3  }
0x235: {  	_ =	sdelay $0x1  }
0x236: {  	v1 =	vshll.u32 v1, $0x4  }
0x237: {  	s28 =	sadd.s32 $0xFFFFFFF0, s28;
	[tilespmem:s0+$0x0] =	vst.msk vm0, v1;
	s0 =	sadd.s32 $0x10, s0;
	vm0 =	vmmov vm1  }
.LBB2_11:
0x238: {  	_ =	sdelay $0x4  }
0x239: {  	v1 =	vld.msk [tilespmem:s0+$0x0 ss:$0x1], vm1;
	_ =	sdelay $0x4  }
0x23a: {  	v1 =	vshll.u32 v1, $0x4  }
0x23b: {  	[tilespmem:s0+$0x0] =	vst.msk vm0, v1  }
.LBB2_12:
0x23c: {  	s0 =	sand.u32 $0x1, s20  }
0x23d: {  	s0 =	smul.u32 $0x1B0, s0  }
0x23e: {  	p3 =	sne.s32 s29, $0xFFFFFFFF  }
0x23f: {  	v1 =	vld.msk @!p3 [tilespmem:s0+$0x3D98], $0x1;
	_ =	sdelay $0x4  }
0x240: {  	(v2sf) =	vpush @!p3 v1, $0x0;
	_ =	sdelay $0xc  }
.Ltmp12:
0x241: {  	_ = 	snop;
	(pc) =	sbr.rel @p2 .LBB2_18-.Ltmp12, $4  }
0x242: {  	_ = 	snop  }
0x243: {  	s28 =	spop @!p3 (v2sf)  }
0x244: {  	s21 =	simm.s32 @!p3 $0x0;
	s23 =	smov.u32 s28  }
0x245: {  	[sflag:s17] =	ssyncpa.u1 $0x0;
	s28 =	smov.u32 @p3 s26;
	s23 =	smov.u32 @p3 s29  }
0x246: {  	v1 =	vld.msk [tilespmem:s22+$0x0], $0x1;
	_ =	sdelay $0x4  }
0x247: {  	(v2sf) =	vpush v1, $0x0;
	_ =	sdelay $0xe  }
0x248: {  	s0 =	simm.s32 @!p4 $0x0;
	s26 =	smul.u32 $0x36000, s24;
	s31 =	spop (v2sf)  }
0x249: {  	s29 =	ssub.s32 $0x0, s25;
	s0 =	simm.s32 @p4 $0x1;
	p2 =	seq.s32 s28, s31  }
0x24a: {  	s1 =	smov.u32 s28;
	[smem:$0x7FD] =	sst s0;
	p3 =	sgt.s32 @!p2 s28, $0x0  }
0x24b: {  	s0 =	sshrl.u32 s26, $0x2;
	s26 =	sadd.s32 $0x1, s29;
	p3 =	por !p3, p2  }
0x24c: {  	s1 =	simm.s32 @p3 $0x0;
	p3 =	seq.s32 s26, $0x0  }
.Ltmp13:
0x24d: {  	_ = 	snop;
	(pc) =	sbr.rel @p3 .LBB2_15-.Ltmp13, $4  }
0x24e: {  	s6 =	smov.u32 s4;
	s25 =	simm.s32 $0x0  }
0x24f: {  	s24 =	sadd.s32 $0x40F8, s0;
	s0 =	simm.s32 @!p2 $0x1;
	s2 =	smin.u32 @!p2 s1, $0x17FFF  }
0x250: {  	s30 =	sadd.s32 $0x1, s22;
	s0 =	smov.u32 @p2 s25;
	s5 =	sand.u32 @!p2 $0x1FFF8, s2  }
0x251: {  	s1 =	simm.s32 @!p2 $0x1B38;
	s2 =	sand.u32 @!p2 $0x7, s2;
	s5 =	sadd.s32 @!p2 s3, s5  }
.LBB2_14:
0x252: {  	s4 =	smov.u32 s0  }
0x253: {  	[tilespmem:s1], [sflag:$0x2] =	stream.linear.gather @!p2 [hbm4b:s5+s2], $0x4, $0x38;
	[tilespmem:$0x1F0F8] =	vst v63  }
0x254: {  	s26 =	sadd.s32 $0x1, s26;
	s2 =	smov.u32 s31;
	v1 =	vld.msk [tilespmem:s30+$0x0], $0x1  }
0x255: {  	p3 =	seq.s32 s26, $0x0;
	_ =	sdelay $0x3  }
0x256: {  	(v2sf) =	vpush v1, $0x0;
	_ =	sdelay $0xe  }
0x257: {  	s31 =	spop (v2sf)  }
0x258: {  	p2 =	seq.s32 s2, s31  }
0x259: {  	p4 =	sgt.s32 @!p2 s2, $0x0;
	s1 =	sshll.u32 @!p2 s0, $0x6;
	s0 =	sadd.s32 @!p2 $0x1, s0  }
.Ltmp14:
0x25a: {  	p4 =	por !p4, p2;
	s1 =	sshra.s32 @!p2 s1, $0x2;
	(pc) =	sbr.rel @!p3 .LBB2_14-.Ltmp14, $4  }
0x25b: {  	s0 =	smov.u32 @p2 s4;
	s2 =	simm.s32 @p4 $0x0;
	s1 =	sadd.s32 @!p2 $0x1B38, s1  }
0x25c: {  	s2 =	smin.u32 @!p2 s2, $0x17FFF  }
0x25d: {  	s4 =	sand.u32 @!p2 $0x1FFF8, s2;
	s2 =	sand.u32 @!p2 $0x7, s2  }
0x25e: {  	s30 =	sadd.s32 $0x1, s30;
	s5 =	sadd.s32 @!p2 s3, s4  }
.LBB2_15:
0x25f: {  	[tilespmem:s1], [sflag:$0x2] =	stream.linear.gather @!p2 [hbm4b:s5+s2], $0x4, $0x38;
	[tilespmem:$0x1F0F8] =	vst v63  }
0x260: {  	s0 =	sshll.u32 s0, $0x2  }
0x261: {  	s31 =	simm.s32 $0x2;
	s0 =	sand.u32 $0x3FFFFFFC, s0  }
0x262: {  	_ =	swait.ge [sflag:s31], s0  }
0x263: {  	s0 =	ssub.s32 $0x0, s0;
	[sflag:s31] =	ssyncset.done $0x0  }
0x264: {  	[sflag:s31] =	ssyncadd.s32 s0  }
0x265: {  	v1 =	vld.msk [tilespmem:s22+$0x0], $0x1;
	_ =	sdelay $0x4  }
0x266: {  	(v2sf) =	vpush v1, $0x0;
	_ =	sdelay $0xe  }
0x267: {  	s26 =	spop (v2sf)  }
0x268: {  	p2 =	sne.s32 s28, s26  }
0x269: {  	p4 =	sne.s32 @p2 s28, s23  }
0x26a: {  	p3 =	por !p4, !p2  }
0x26b: {  	s0 =	simm.s32 @!p3 $0x0  }
0x26c: {  	v1 =	vld.msk @!p3 [tilespmem:s0+$0x1B38], $0xf  }
0x26d: {  	p5 =	sgt.u32 @!p3 s28, $0x17FFF  }
0x26e: {  	s1 =	sshll.u32 @!p3 s21, $0x6;
	p6 =	por @p2 p5, !p4  }
0x26f: {  	s1 =	sshra.s32 @!p3 s1, $0x2;
	p1 =	por p6, !p2;
	p6 =	por p4, !p2  }
0x270: {  	s2 =	sadd.s32 @!p3 $0x28, s1;
	s4 =	sand.u32 @!p1 $0x1FFF8, s28;
	s5 =	sshll.u32 @!p6 s21, $0x6  }
0x271: {  	s28 =	sand.u32 @!p1 $0x7, s28;
	[tilespmem:s1+$0x28] =	vst.add.f32.msk @!p3 $0xf, v1;
	s1 =	sadd.s32 @!p1 s3, s4;
	s4 =	sshra.s32 @!p6 s5, $0x2  }
0x272: {  	[hbm4b:s1+s28] =	stream.linear.scatter @!p1 [tilespmem:s2], [sflag:$0xC], $0x4, $0x38;
	[tilespmem:$0x1F0F8] =	vst v63  }
0x273: {  	s0 =	rddreg [dreg:$0x4];
	s1 =	sadd.s32 @!p6 $0x28, s4;
	s2 =	simm.s32 @!p6 $0x1  }
0x274: {  	[spmem:s0] =	stream.linear.scatter @!p6 [tilespmem:s1], [sflag:$0x1], $0x4, $0x38;
	[tilespmem:$0x1F0F8] =	vst v63  }
0x275: {  	s0 =	sadd.s32 @p2 $0x1, s21;
	_ =	swait.ge @!p6 [sflag:s2], $0x4  }
0x276: {  	s1 =	sshrl.u32 @p2 s0, $0x4;
	[sflag:s2] =	ssyncset.done @!p6 $0x0  }
0x277: {  	s1 =	smulhi.u32 @p2 $0x97B425F, s1;
	[sflag:s2] =	ssyncadd.s32 @!p6 $0xFFFFFFFC  }
0x278: {  	s28 =	sadd.s32 $0x1, s29;
	v1 =	vld.msk @p2 [tilespmem:s24+$0x0], $0xf  }
0x279: {  	p1 =	por @p2 !p5, !p4;
	p4 =	seq.s32 s28, $0x0;
	s1 =	smul.u32 @p2 $0x1B0, s1  }
.Ltmp15:
0x27a: {  	p1 =	por !p1, !p2;
	s2 =	simm.s32 @!p3 $0x0;
	(pc) =	sbr.rel @p4 .LBB2_17-.Ltmp15, $4  }
0x27b: {  	s4 =	sshll.u32 @!p2 s21, $0x6;
	s2 =	simm.s32 @!p1 $0x10;
	s0 =	ssub.s32 @p2 s0, s1  }
0x27c: {  	s29 =	simm.s32 $0x0;
	s2 =	sadd.s32 @!p3 $0x0, s2;
	s5 =	sshll.u32 @p2 s0, $0x4  }
0x27d: {  	s30 =	sshra.s32 @!p2 s4, $0x2;
	s1 =	simm.s32 @p2 $0x1;
	s2 =	smov.u32 @p3 s25;
	[tilespmem:s5+$0x28] =	vst.msk @p2 $0xf, v1  }
0x27e: {  	s21 =	smov.u32 @p2 s0;
	s29 =	smov.u32 @p2 s2;
	s25 =	smov.u32 @p2 s1;
	v1 =	vld.msk @!p2 [tilespmem:s24+$0x0], $0xf  }
.LBB2_16:
0x27f: {  	_ =	sdelay $0x3  }
0x280: {  	s22 =	sadd.s32 $0x1, s22;
	[tilespmem:s30+$0x28] =	vst.add.f32.msk @!p2 $0xf, v1  }
0x281: {  	v1 =	vld.msk [tilespmem:s22+$0x0], $0x1;
	_ =	sdelay $0x4  }
0x282: {  	(v2sf) =	vpush v1, $0x0;
	_ =	sdelay $0xe  }
0x283: {  	s0 =	smov.u32 s26;
	s26 =	spop (v2sf)  }
0x284: {  	p2 =	sne.s32 s0, s26  }
0x285: {  	p5 =	sne.s32 @p2 s0, s23  }
0x286: {  	s4 =	sshll.u32 @!p2 s21, $0x6;
	p4 =	por !p5, !p2  }
0x287: {  	s30 =	sshra.s32 @!p2 s4, $0x2;
	s4 =	sshll.u32 @!p4 s25, $0x6  }
0x288: {  	s4 =	sshra.s32 @!p4 s4, $0x2  }
0x289: {  	p1 =	sgt.u32 @!p4 s0, $0x17FFF;
	v1 =	vld.msk @!p4 [tilespmem:s4+$0x1B38], $0xf  }
0x28a: {  	s31 =	sshll.u32 @!p4 s21, $0x6;
	p6 =	por @p2 p1, !p5;
	p1 =	por @p2 !p1, !p5  }
0x28b: {  	s8 =	simm.s32 @!p4 $0x0;
	s31 =	sshra.s32 @!p4 s31, $0x2;
	p1 =	por !p1, !p2  }
0x28c: {  	p5 =	por p5, !p2;
	s8 =	simm.s32 @!p1 $0x10;
	p1 =	por p6, !p2  }
0x28d: {  	s4 =	sadd.s32 @!p4 $0x28, s31;
	s13 =	sshll.u32 @!p5 s21, $0x6;
	s10 =	sand.u32 @!p1 $0x1FFF8, s0  }
0x28e: {  	s13 =	sshra.s32 @!p5 s13, $0x2;
	s0 =	sand.u32 @!p1 $0x7, s0;
	s10 =	sadd.s32 @!p1 s3, s10;
	[tilespmem:s31+$0x28] =	vst.add.f32.msk @!p4 $0xf, v1  }
0x28f: {  	[hbm4b:s10+s0] =	stream.linear.scatter @!p1 [tilespmem:s4], [sflag:$0xC], $0x4, $0x38;
	[tilespmem:$0x1F0F8] =	vst v63  }
0x290: {  	s1 =	rddreg [dreg:$0x4];
	s0 =	sadd.s32 @!p5 $0x28, s13;
	s4 =	simm.s32 @!p5 $0x1  }
0x291: {  	[spmem:s1] =	stream.linear.scatter @!p5 [tilespmem:s0], [sflag:$0x1], $0x4, $0x38;
	[tilespmem:$0x1F0F8] =	vst v63  }
0x292: {  	s2 =	sadd.s32 @p2 $0x1, s21;
	_ =	swait.ge @!p5 [sflag:s4], $0x4  }
0x293: {  	s5 =	sshrl.u32 @p2 s2, $0x4;
	[sflag:s4] =	ssyncset.done @!p5 $0x0  }
0x294: {  	s24 =	sadd.s32 $0x80, s24;
	s5 =	smulhi.u32 @p2 $0x97B425F, s5;
	[sflag:s4] =	ssyncadd.s32 @!p5 $0xFFFFFFFC  }
0x295: {  	s28 =	sadd.s32 $0x1, s28;
	v1 =	vld.msk @p2 [tilespmem:s24+$0x0], $0xf  }
0x296: {  	p3 =	seq.s32 s28, $0x0;
	s5 =	smul.u32 @p2 $0x1B0, s5  }
.Ltmp16:
0x297: {  	_ = 	snop;
	(pc) =	sbr.rel @!p3 .LBB2_16-.Ltmp16, $4  }
0x298: {  	s2 =	ssub.s32 @p2 s2, s5  }
0x299: {  	s8 =	sadd.s32 @!p4 s8, s29;
	s5 =	sshll.u32 @p2 s2, $0x4  }
0x29a: {  	s9 =	sadd.s32 @p2 $0x1, s25;
	s8 =	smov.u32 @p4 s29;
	[tilespmem:s5+$0x28] =	vst.msk @p2 $0xf, v1  }
0x29b: {  	s25 =	smov.u32 @p2 s9;
	s21 =	smov.u32 @p2 s2;
	s29 =	smov.u32 @p2 s8;
	v1 =	vld.msk @!p2 [tilespmem:s24+$0x0], $0xf  }
.LBB2_17:
.Ltmp17:
0x29c: {  	_ = 	snop;
	(pc) =	sbr.rel .LBB2_19-.Ltmp17, $3  }
0x29d: {  	s1 =	sld [smem:$0x7FD];
	_ =	sdelay $0x1  }
0x29e: {  	s0 =	sshrl.u32 s29, $0x2;
	s28 =	smov.u32 s26  }
0x29f: {  	s4 =	smov.u32 s6;
	s6 =	rddreg [dreg:$0x6];
	p4 =	seq.s32 s1, $0x1;
	[tilespmem:s30+$0x28] =	vst.add.f32.msk @!p2 $0xf, v1  }
.LBB2_21:
0x2a0: {  	_ =	sfence.sel $0x180000  }
0x2a1: {  	s0 =	simm.s32 $0x9;
	[bflag:$0x0] =	sbarrier.arrive $0xFFFF  }
0x2a2: {  	s24 =	simm.s32 $0xA;
	[sflag:s0] =	ssyncpa.u1 $0x1  }
0x2a3: {  	s25 =	simm.s32 $0xB;
	[sflag:s24] =	ssyncpa.u1 $0x1  }
0x2a4: {  	s26 =	simm.s32 $0x2;
	[sflag:s25] =	ssyncpa.u1 $0x1  }
0x2a5: {  	[sflag:s26] =	ssyncpa.u1 $0x1  }
0x2a6: {  	v0 =	vld [tilespmem:$0x3648];
	_ =	sdelay $0x4  }
0x2a7: {  	(v2sf) =	vpush v0, $0x0  }
0x2a8: {  	(v2sf) =	vpush v0, $0x1;
	_ =	sdelay $0x1  }
0x2a9: {  	(v2sf) =	vpush v0, $0x2;
	_ =	sdelay $0xb  }
0x2aa: {  	s0 =	spop (v2sf)  }
0x2ab: {  	s1 =	spop (v2sf)  }
0x2ac: {  	s2 =	smov.u32 s0;
	p0 =	sne.s32 s0, s1  }
0x2ad: {  	s4 =	spop (v2sf);
	s2 =	simm.s32 @!p0 $0xFFFFFFFF  }
0x2ae: {  	v2 =	vimm.s32 $0x1;
	v3 =	vlaneseq.u32;
	p0 =	seq.s32 s4, $0xFFFFFFFF;
	v1 =	vmov s2  }
0x2af: {  	s16 =	stileid.u32;
	v0 =	vperm.xlane v0, v2;
	p1 =	sne.s32 @!p0 s0, s1;
	v1 =	vperm.xlane v1, v3  }
0x2b0: {  	vm0 =	vcmask $0x3F04;
	s6 =	simm.s32 $0x3648;
	s0 =	simm.s32 @!p0 $0x1;
	p1 =	por !p1, p0  }
0x2b1: {  	s2 =	sshll.u32 s16, $0x1;
	s1 =	sshll.u32 @!p0 s4, $0x6;
	s0 =	simm.s32 @p1 $0x0;
	v0 =	vsel vm0, v1, v0  }
0x2b2: {  	s5 =	sor.u32 $0x200, s2;
	s1 =	sshra.s32 @!p0 s1, $0x2;
	s0 =	sor.u32 @!p0 s0, s2;
	[tilespmem:$0x3648] =	vst v0  }
0x2b3: {  	[spmem:s5] =	stream.linear.scatter [tilespmem:s6], [sflag:$0x1], $0x2, $0x38;
	[tilespmem:$0x1F0F8] =	vst v63  }
0x2b4: {  	s1 =	sadd.s32 @!p0 $0x28, s1;
	s0 =	sshll.u32 @!p0 s0, $0x4  }
0x2b5: {  	[spmem:s0] =	stream.linear.scatter @!p0 [tilespmem:s1], [sflag:$0x1], $0x10, $0x38;
	[tilespmem:$0x1F0F8] =	vst v63  }
0x2b6: {  	s0 =	simm.s32 @!p0 $0x12  }
0x2b7: {  	s28 =	simm.s32 $0x1;
	s0 =	simm.s32 @p0 $0x2  }
0x2b8: {  	_ =	swait.ge [sflag:s28], s0  }
0x2b9: {  	s0 =	ssub.s32 $0x0, s0;
	[sflag:s28] =	ssyncset.done $0x0  }
0x2ba: {  	p0 =	sne.s32 s16, $0x0;
	[sflag:s28] =	ssyncadd.s32 s0  }
.Ltmp18:
0x2bb: {  	_ =	sfence.stream.spmem;
	(pc) =	sbr.rel @p0 .LBB2_38-.Ltmp18, $4  }
0x2bc: {  	s29 =	simm.s32 $0x3;
	[bflag:$0x0] =	sbarrier.arrive $0xFFFF  }
0x2bd: {  	s30 =	simm.s32 $0x4;
	[sflag:s29] =	ssyncpa.u1 $0x1  }
0x2be: {  	s31 =	simm.s32 $0x3C;
	[sflag:s30] =	ssyncpa.u1 $0x1  }
0x2bf: {  	s17 =	rddreg [dreg:$0x5];
	[sflag:s31] =	ssyncpa.u1 $0x1  }
0x2c0: {  	_ =	sfence.stream.spmem;
	s0 =	simm.s32 $0x5  }
0x2c1: {  	s1 =	simm.s32 $0x200;
	s2 =	simm.s32 $0x3658;
	[sflag:s0] =	ssyncpa.u1 $0x0  }
0x2c2: {  	[tilespmem:s2], [sflag:$0x5] =	stream.linear.gather [spmem:s1], $0x20, $0x38;
	[tilespmem:$0x1F0F8] =	vst v63  }
0x2c3: {  	s26 =	simm.s32 $0x0;
	s28 =	simm.s32 $0x3678  }
0x2c4: {  	[tilespmem:s28], [sflag:$0x5] =	stream.linear.gather [spmem:s26], $0x200, $0x38;
	[tilespmem:$0x1F0F8] =	vst v63  }
0x2c5: {  	_ =	swait.ge [sflag:s0], $0x220  }
0x2c6: {  	[sflag:s0] =	ssyncset.done $0x0  }
0x2c7: {  	s29 =	simm.s32 $0x0;
	[sflag:s0] =	ssyncadd.s32 $0xFFFFFDE0  }
0x2c8: {  	v0 =	vld.msk [tilespmem:s29+$0x3658], $0x1;
	_ =	sdelay $0x1  }
0x2c9: {  	s30 =	simm.s32 $0x1  }
0x2ca: {  	v1 =	vld.msk [tilespmem:s30+$0x3658], $0x1;
	_ =	sdelay $0x1  }
0x2cb: {  	(v2sf) =	vpush v0, $0x0;
	_ =	sdelay $0x2  }
0x2cc: {  	(v2sf) =	vpush v1, $0x0;
	_ =	sdelay $0x2  }
0x2cd: {  	s31 =	simm.s32 $0x2  }
0x2ce: {  	v0 =	vld.msk [tilespmem:s31+$0x3658], $0x1;
	_ =	sdelay $0x2  }
0x2cf: {  	s6 =	simm.s32 $0xFFFFFFFF;
	s1 =	simm.s32 $0xFFFFFFFF;
	s0 =	simm.s32 $0xC  }
.LBB2_23:
0x2d0: {  	s2 =	smov.u32 s6;
	s4 =	smov.u32 s1  }
0x2d1: {  	s1 =	sshra.s32 s0, $0x2;
	p1 =	sne.s32 s0, $0x7C;
	s0 =	sadd.s32 $0x4, s0;
	(v2sf) =	vpush v0, $0x0  }
0x2d2: {  	v0 =	vld.msk [tilespmem:s1+$0x3658], $0x1  }
.Ltmp19:
0x2d3: {  	(pc) =	sbr.rel @p1 .LBB2_23-.Ltmp19, $4  }
0x2d4: {  	s6 =	spop (v2sf)  }
0x2d5: {  	p2 =	sne.s32 s4, $0xFFFFFFFF;
	s1 =	smov.u32 s6  }
0x2d6: {  	p3 =	seq.s32 s6, $0xFFFFFFFF;
	s1 =	smov.u32 @p2 s4  }
0x2d7: {  	s6 =	smov.u32 @p3 s2;
	s1 =	smov.u32 @p3 s4  }
0x2d8: {  	(v2sf) =	vpush v0, $0x0;
	_ =	sdelay $0x8  }
0x2d9: {  	s0 =	spop (v2sf)  }
0x2da: {  	p1 =	sne.s32 s1, $0xFFFFFFFF;
	s2 =	smov.u32 s0  }
0x2db: {  	s9 =	simm.s32 $0x6;
	p2 =	seq.s32 s0, $0xFFFFFFFF;
	s2 =	smov.u32 @p1 s1  }
0x2dc: {  	s10 =	simm.s32 $0x3638;
	s2 =	smov.u32 @p2 s1;
	s1 =	spop (v2sf)  }
0x2dd: {  	s0 =	smov.u32 @p2 s6;
	p1 =	sne.s32 s2, $0xFFFFFFFF;
	s4 =	smov.u32 s1  }
.Ltmp20:
0x2de: {  	p2 =	seq.s32 s1, $0xFFFFFFFF;
	s4 =	smov.u32 @p1 s2;
	(pc) =	sbr.rel .LBB2_25-.Ltmp20, $4  }
0x2df: {  	s11 =	simm.s32 $0x0;
	s4 =	smov.u32 @p2 s2;
	s7 =	spop (v2sf)  }
0x2e0: {  	[sflag:s9] =	ssyncpa.u1 $0x0;
	p1 =	sne.s32 s4, $0xFFFFFFFF;
	s8 =	smov.u32 s7  }
0x2e1: {  	s1 =	smov.u32 @p2 s0;
	p2 =	seq.s32 s7, $0xFFFFFFFF;
	s8 =	smov.u32 @p1 s4  }
0x2e2: {  	s6 =	simm.s32 $0x0;
	s7 =	smov.u32 @p2 s1;
	s8 =	smov.u32 @p2 s4  }
.LBB2_30:
0x2e3: {  	p1 =	sgt.u32 s12, $0x17FFF  }
0x2e4: {  	p2 =	seq.s32 @!p1 s12, s8  }
0x2e5: {  	p1 =	por p1, p2  }
0x2e6: {  	p2 =	sne.s32 @!p1 s12, s7  }
0x2e7: {  	p1 =	por p1, !p2  }
0x2e8: {  	s0 =	sshll.u32 @p1 s11, $0x6  }
0x2e9: {  	s0 =	sand.u32 @!p1 $0x1FFF8, s12  }
0x2ea: {  	s1 =	sand.u32 @!p1 $0x7, s12;
	s0 =	sadd.s32 @!p1 s3, s0  }
0x2eb: {  	[tilespmem:s10], [sflag:$0x6] =	stream.linear.gather @!p1 [hbm4b:s0+s1], $0x4, $0x38;
	[tilespmem:$0x1F0F8] =	vst v63  }
0x2ec: {  	_ =	swait.ge @!p1 [sflag:s9], $0x4  }
0x2ed: {  	[sflag:s9] =	ssyncset.done @!p1 $0x0  }
0x2ee: {  	[sflag:s9] =	ssyncadd.s32 @!p1 $0xFFFFFFFC  }
0x2ef: {  	v1 =	vld @!p1 [tilespmem:$0x3638];
	_ =	sdelay $0x2  }
0x2f0: {  	s0 =	sshll.u32 @!p1 s11, $0x6  }
0x2f1: {  	s1 =	sshrl.u32 @!p1 s0, $0x2  }
0x2f2: {  	[tilespmem:s1+$0x3678] =	vst.add.f32.msk @!p1 $0xffff, v1  }
0x2f3: {  	s0 =	sshrl.u32 s0, $0x2;
	[tilespmem:s6+$0x3658] =	vst.msk $0x1, v0  }
0x2f4: {  	v0 =	vld [tilespmem:s0+$0x3678];
	_ =	sdelay $0x2  }
0x2f5: {  	s31 =	sshll.u32 s6, $0x6  }
0x2f6: {  	s0 =	sshra.s32 s31, $0x2  }
0x2f7: {  	s6 =	sadd.s32 $0x1, s6;
	[tilespmem:s0+$0x3678] =	vst v0  }
.LBB2_32:
0x2f8: {  	s11 =	sadd.s32 $0x1, s11  }
0x2f9: {  	p1 =	sne.s32 s11, $0x20  }
.Ltmp21:
0x2fa: {  	_ = 	snop;
	(pc) =	sbr.rel @!p1 .LBB2_33-.Ltmp21, $1  }
0x2fb: {  	_ =	sdelay $0x3  }
.LBB2_25:
0x2fc: {  	v0 =	vld.msk [tilespmem:s11+$0x3658], $0x1;
	_ =	sdelay $0x4  }
0x2fd: {  	(v2sf) =	vpush v0, $0x0;
	_ =	sdelay $0xe  }
0x2fe: {  	s12 =	spop (v2sf)  }
0x2ff: {  	p1 =	seq.s32 s12, $0xFFFFFFFF  }
.Ltmp22:
0x300: {  	_ = 	snop;
	(pc) =	sbr.rel @p1 .LBB2_32-.Ltmp22, $1  }
0x301: {  	_ =	sdelay $0x3  }
0x302: {  	p1 =	slt.s32 s6, $0x1  }
.Ltmp23:
0x303: {  	_ = 	snop;
	(pc) =	sbr.rel @p1 .LBB2_30-.Ltmp23, $1  }
0x304: {  	_ =	sdelay $0x3  }
0x305: {  	s13 =	simm.s32 $0x3658;
	p1 =	por $0x0, $0x0  }
0x306: {  	v1 =	vld.msk @!p1 [tilespmem:s13+$0x0], $0x1;
	_ =	sdelay $0x4  }
0x307: {  	(v2sf) =	vpush @!p1 v1, $0x0;
	_ =	sdelay $0xd  }
0x308: {  	p3 =	sne.s32 s6, $0x1  }
.Ltmp24:
0x309: {  	s0 =	spop @!p1 (v2sf);
	(pc) =	sbr.rel @!p3 .LBB2_29-.Ltmp24, $4  }
0x30a: {  	p2 =	seq.s32 @!p1 s12, s0  }
0x30b: {  	s14 =	simm.s32 $0x0;
	p2 =	por !p2, p1  }
0x30c: {  	s0 =	simm.s32 $0xFFFFFFFF;
	s14 =	simm.s32 @p2 $0xFFFFFFFF  }
0x30d: {  	s15 =	simm.s32 $0x1;
	s14 =	smov.u32 @p1 s0  }
.LBB2_28:
0x30e: {  	s0 =	smov.u32 s14;
	p1 =	sne.s32 s14, $0xFFFFFFFF  }
0x30f: {  	s13 =	sadd.s32 $0x1, s13;
	s14 =	smov.u32 s15;
	s15 =	sadd.s32 $0x1, s15  }
0x310: {  	p2 =	sne.s32 s6, s15;
	v1 =	vld.msk @!p1 [tilespmem:s13+$0x0], $0x1;
	_ =	sdelay $0x4  }
0x311: {  	(v2sf) =	vpush @!p1 v1, $0x0;
	_ =	sdelay $0xe  }
.Ltmp25:
0x312: {  	s1 =	spop @!p1 (v2sf);
	(pc) =	sbr.rel @p2 .LBB2_28-.Ltmp25, $4  }
0x313: {  	p3 =	seq.s32 @!p1 s12, s1  }
0x314: {  	p3 =	por !p3, p1  }
0x315: {  	s14 =	simm.s32 @p3 $0xFFFFFFFF  }
0x316: {  	s14 =	smov.u32 @p1 s0  }
.LBB2_29:
0x317: {  	p1 =	sne.s32 s14, $0xFFFFFFFF  }
.Ltmp26:
0x318: {  	_ = 	snop;
	(pc) =	sbr.rel @!p1 .LBB2_30-.Ltmp26, $1  }
0x319: {  	_ =	sdelay $0x3  }
0x31a: {  	s0 =	sshll.u32 s11, $0x4  }
0x31b: {  	s0 =	sand.u32 $0x3FFFFFF0, s0  }
0x31c: {  	v0 =	vld [tilespmem:s0+$0x3678]  }
.Ltmp27:
0x31d: {  	_ = 	snop;
	(pc) =	sbr.rel .LBB2_32-.Ltmp27, $4  }
0x31e: {  	_ = 	snop  }
0x31f: {  	s31 =	sshll.u32 s14, $0x6  }
0x320: {  	s0 =	sshra.s32 s31, $0x2  }
0x321: {  	[tilespmem:s0+$0x3678] =	vst.add.f32.msk $0xffff, v0  }
.LBB2_33:
0x322: {  	s0 =	simm.s32 $0x6;
	p1 =	seq.s32 s6, $0x0  }
0x323: {  	[sflag:s0] =	ssyncpa.u1 $0x1;
	v0 =	vimm.s32 @p1 $0xFFFFFFFF  }
0x324: {  	s9 =	sadd.s32 $0xFFFFFFFF, s6;
	[tilespmem:$0x3878] =	vst @p1 v0  }
0x325: {  	v0 =	vld.msk @!p1 [tilespmem:s9+$0x3658], $0x1;
	_ =	sdelay $0x1  }
0x326: {  	v1 =	vld.msk @!p1 [tilespmem:$0x3658], $0x1;
	_ =	sdelay $0x2  }
0x327: {  	p2 =	seq.s32 @!p1 s9, $0x0;
	v0 =	vbroadcast @!p1 v0, $0x0  }
0x328: {  	vm0 =	vmmov @!p1 $0x1;
	p2 =	por !p2, p1  }
0x329: {  	v1 =	vnsel @!p1 vm0, $0xFFFFFFFF, v1;
	vm0 =	vcmask @!p1 $0x308;
	v0 =	vpsel !p2, $0xFFFFFFFF, v0  }
0x32a: {  	p2 =	sne.s32 @!p1 s8, s7;
	v0 =	vsel @!p1 vm0, v1, v0  }
0x32b: {  	s0 =	simm.s32 @!p1 $0x3678;
	s1 =	simm.s32 @!p1 $0x0;
	p3 =	por !p2, p1;
	[tilespmem:$0x3878] =	vst @!p1 v0  }
0x32c: {  	[spmem:s1] =	stream.linear.scatter @!p1 [tilespmem:s0], [sflag:$0x1], $0x10, $0x38;
	[tilespmem:$0x1F0F8] =	vst v63  }
0x32d: {  	s0 =	sshll.u32 @!p3 s9, $0x6  }
0x32e: {  	s0 =	sshra.s32 @!p3 s0, $0x2  }
0x32f: {  	s1 =	simm.s32 @!p3 $0x10;
	s0 =	sadd.s32 @!p3 $0x3678, s0  }
0x330: {  	[spmem:s1] =	stream.linear.scatter @!p3 [tilespmem:s0], [sflag:$0x1], $0x10, $0x38;
	[tilespmem:$0x1F0F8] =	vst v63  }
0x331: {  	s0 =	simm.s32 @!p3 $0x1  }
0x332: {  	_ =	swait.ge @!p3 [sflag:s0], $0x20  }
0x333: {  	p1 =	por p2, p1;
	[sflag:s0] =	ssyncset.done @!p3 $0x0  }
0x334: {  	[sflag:s0] =	ssyncadd.s32 @!p3 $0xFFFFFFE0;
	s0 =	simm.s32 @!p1 $0x1  }
0x335: {  	_ =	swait.ge @!p1 [sflag:s0], $0x10  }
0x336: {  	s29 =	simm.s32 $0x3878;
	[sflag:s0] =	ssyncset.done @!p1 $0x0  }
0x337: {  	s30 =	simm.s32 $0x200;
	s31 =	simm.s32 $0x1;
	[sflag:s0] =	ssyncadd.s32 @!p1 $0xFFFFFFF0  }
0x338: {  	[spmem:s30] =	stream.linear.scatter [tilespmem:s29], [sflag:$0x1], $0x10, $0x38;
	[tilespmem:$0x1F0F8] =	vst v63  }
0x339: {  	_ =	swait.ge [sflag:s31], $0x10  }
0x33a: {  	[sflag:s31] =	ssyncset.done $0x0  }
0x33b: {  	p1 =	seq.s32 s17, $0x0;
	s8 =	rddreg [dreg:$0x1];
	[sflag:s31] =	ssyncadd.s32 $0xFFFFFFF0  }
0x33c: {  	s1 =	sshll.u32 @p1 s8, $0xE;
	s7 =	rddreg [dreg:$0x2]  }
0x33d: {  	s0 =	sadd.s32 @p1 $0x15C3C, s1;
	s1 =	sshll.u32 @p1 s7, $0x11  }
0x33e: {  	_ =	sfence.stream.spmem;
	s0 =	sor.u32 @p1 s1, s0  }
0x33f: {  	[sflag:s0] =	ssyncadd.remote.s32 @p1 $0x1;
	s0 =	simm.s32 @p1 $0x4  }
0x340: {  	s2 =	simm.s32 @!p1 $0x3C;
	s1 =	sand.u32 $0xFFFFFFFE, s8;
	_ =	swait.ge @p1 [sflag:s0], $0x6  }
0x341: {  	s4 =	simm.s32 @!p1 $0x0;
	s1 =	sadd.s32 @!p1 $0x4, s1;
	[sflag:s0] =	ssyncset.done @p1 $0x0  }
0x342: {  	s5 =	simm.s32 @!p1 $0x20;
	[sflag:s0] =	ssyncadd.s32 @p1 $0xFFFFFFFA;
	s0 =	sshll.u32 @!p1 s1, $0x1A  }
0x343: {  	s1 =	sshll.u32 @!p1 s1, $0xD;
	s0 =	sor.u32 @!p1 s0, s7;
	_ =	swait.eq @!p1 [sflag:s2], $0x1  }
0x344: {  	s1 =	sor.u32 @!p1 $0x1C04, s1;
	s2 =	simm.s32 @!p1 $0x1C03;
	s0 =	sor.u32 @!p1 $0x80004000, s0  }
0x345: {  	[spmem:s5], [sflag:s1] =	dma.general @!p1 [spmem:s4], [sflag:s2], length:$0x4, [dreg:$0x0], stride_count:$0x0, ici_dest:s0, dma_misc:DstOpCode:WRITE  }
0x346: {  	p2 =	slt.s32 s9, $0x2;
	s4 =	simm.s32 @!p1 $0x40;
	s5 =	simm.s32 @!p1 $0x42  }
0x347: {  	[spmem:s5], [sflag:s1] =	dma.general @!p1 [spmem:s4], [sflag:s2], length:$0x2, [dreg:$0x0], stride_count:$0x0, ici_dest:s0, dma_misc:DstOpCode:WRITE  }
.Ltmp28:
0x348: {  	s0 =	simm.s32 @!p1 $0x3;
	(pc) =	sbr.rel @p2 .LBB2_37-.Ltmp28, $4  }
0x349: {  	s1 =	sshll.u32 @!p1 s8, $0xE;
	_ =	swait.ge @!p1 [sflag:s0], $0x6  }
0x34a: {  	s2 =	sshll.u32 @!p1 s7, $0x11;
	s1 =	sadd.s32 @!p1 $0x11C3C, s1;
	[sflag:s0] =	ssyncset.done @!p1 $0x0  }
0x34b: {  	[sflag:s0] =	ssyncadd.s32 @!p1 $0xFFFFFFFA;
	s0 =	sor.u32 @!p1 s2, s1  }
0x34c: {  	[sflag:s0] =	ssyncadd.remote.s32 @!p1 $0xFFFFFFFF;
	s0 =	simm.s32 $0x0  }
0x34d: {  	s0 =	simm.s32 $0x3659  }
0x34e: {  	v0 =	vld.msk [tilespmem:s0+$0x0], $0x1;
	_ =	sdelay $0x4  }
0x34f: {  	(v2sf) =	vpush v0, $0x0;
	_ =	sdelay $0xd  }
0x350: {  	s2 =	sadd.s32 $0xFFFFFFFE, s6  }
0x351: {  	s2 =	sadd.s32 $0xFFFFFFFF, s2;
	s0 =	spop (v2sf)  }
0x352: {  	p2 =	sne.s32 s2, $0x0;
	p1 =	sgt.u32 s0, $0x17FFF  }
.Ltmp29:
0x353: {  	s4 =	sand.u32 @!p1 $0x1FFF8, s0;
	(pc) =	sbr.rel @!p2 .LBB2_36-.Ltmp29, $4  }
0x354: {  	s1 =	simm.s32 $0x3688;
	s0 =	sand.u32 @!p1 $0x7, s0;
	s4 =	sadd.s32 @!p1 s3, s4  }
0x355: {  	[hbm4b:s4+s0] =	stream.linear.scatter @!p1 [tilespmem:s1], [sflag:$0x5], $0x4, $0x38;
	[tilespmem:$0x1F0F8] =	vst v63  }
0x356: {  	s0 =	simm.s32 $0x0  }
0x357: {  	s6 =	simm.s32 $0x0;
	s7 =	simm.s32 $0x365A;
	s0 =	simm.s32 @!p1 $0x10  }
.LBB2_35:
0x358: {  	v0 =	vld.msk [tilespmem:s7+$0x0], $0x1;
	s2 =	sadd.s32 $0xFFFFFFFF, s2;
	s6 =	sadd.s32 s6, s0  }
0x359: {  	p1 =	sne.s32 s2, $0x0;
	_ =	sdelay $0x3  }
0x35a: {  	(v2sf) =	vpush v0, $0x0;
	_ =	sdelay $0xe  }
.Ltmp30:
0x35b: {  	s4 =	spop (v2sf);
	(pc) =	sbr.rel @p1 .LBB2_35-.Ltmp30, $4  }
0x35c: {  	s0 =	simm.s32 $0x0;
	p2 =	sgt.u32 s4, $0x17FFF  }
0x35d: {  	s1 =	sadd.s32 $0x10, s1;
	s0 =	simm.s32 @!p2 $0x10;
	s5 =	sand.u32 @!p2 $0x1FFF8, s4  }
0x35e: {  	s7 =	sadd.s32 $0x1, s7;
	s4 =	sand.u32 @!p2 $0x7, s4;
	s5 =	sadd.s32 @!p2 s3, s5  }
0x35f: {  	[hbm4b:s5+s4] =	stream.linear.scatter @!p2 [tilespmem:s1], [sflag:$0x5], $0x4, $0x38;
	[tilespmem:$0x1F0F8] =	vst v63  }
.LBB2_36:
0x360: {  	s0 =	sadd.s32 s6, s0  }
0x361: {  	s0 =	sshrl.u32 s0, $0x2  }
.LBB2_37:
0x362: {  	s1 =	simm.s32 $0x5  }
0x363: {  	_ =	swait.ge [sflag:s1], s0  }
0x364: {  	s31 =	ssub.s32 $0x0, s0;
	[sflag:s1] =	ssyncset.done $0x0  }
0x365: {  	[sflag:s1] =	ssyncadd.s32 s31  }
0x366: {  	[sflag:s1] =	ssyncpa.u1 $0x1  }
.LBB2_38:
0x367: {  	s0 =	sor.u32 s17, s16  }
0x368: {  	p1 =	sne.s32 s0, $0x0  }
.Ltmp31:
0x369: {  	_ = 	snop;
	(pc) =	sbr.rel @p1 .LBB2_53-.Ltmp31, $3  }
0x36a: {  	_ =	sdelay $0x1  }
0x36b: {  	[bflag:$0x0] =	sbarrier.arrive $0xFFFF  }
0x36c: {  	_ =	sfence  }
0x36d: {  	s0 =	simm.s32 $0x7  }
0x36e: {  	s1 =	simm.s32 $0x200;
	s2 =	simm.s32 $0x3658;
	[sflag:s0] =	ssyncpa.u1 $0x0  }
0x36f: {  	[tilespmem:s2], [sflag:$0x7] =	stream.linear.gather [spmem:s1], $0x20, $0x38;
	[tilespmem:$0x1F0F8] =	vst v63  }
0x370: {  	s30 =	simm.s32 $0x3678;
	s1 =	simm.s32 $0x0  }
0x371: {  	[tilespmem:s30], [sflag:$0x7] =	stream.linear.gather [spmem:s1], $0x200, $0x38;
	[tilespmem:$0x1F0F8] =	vst v63  }
.Ltmp32:
0x372: {  	_ = 	snop;
	(pc) =	sbr.rel .LBB2_40-.Ltmp32, $4  }
0x373: {  	_ =	swait.ge [sflag:s0], $0x220  }
0x374: {  	[sflag:s0] =	ssyncset.done $0x0  }
0x375: {  	s31 =	simm.s32 $0x8;
	[sflag:s0] =	ssyncadd.s32 $0xFFFFFDE0  }
0x376: {  	s2 =	simm.s32 $0x0;
	[sflag:s31] =	ssyncpa.u1 $0x0  }
.LBB2_45:
0x377: {  	p1 =	slt.u32 s4, $0x18000  }
0x378: {  	s0 =	sand.u32 @p1 $0x1FFF8, s4  }
0x379: {  	s4 =	sand.u32 @p1 $0x7, s4;
	s5 =	simm.s32 @p1 $0x3638;
	s0 =	sadd.s32 @p1 s3, s0  }
0x37a: {  	[tilespmem:s5], [sflag:$0x8] =	stream.linear.gather @p1 [hbm4b:s0+s4], $0x4, $0x38;
	[tilespmem:$0x1F0F8] =	vst v63  }
0x37b: {  	s0 =	simm.s32 @p1 $0x8  }
0x37c: {  	_ =	swait.ge @p1 [sflag:s0], $0x4  }
0x37d: {  	[sflag:s0] =	ssyncset.done @p1 $0x0  }
0x37e: {  	[sflag:s0] =	ssyncadd.s32 @p1 $0xFFFFFFFC  }
0x37f: {  	v1 =	vld @p1 [tilespmem:$0x3638];
	_ =	sdelay $0x2  }
0x380: {  	s0 =	sshll.u32 @p1 s2, $0x6  }
0x381: {  	s5 =	sshll.u32 @!p1 s2, $0x6;
	s4 =	sshrl.u32 @p1 s0, $0x2  }
0x382: {  	s5 =	smov.u32 @p1 s0;
	[tilespmem:s4+$0x3678] =	vst.add.f32.msk @p1 $0xffff, v1  }
0x383: {  	s0 =	sshrl.u32 s5, $0x2;
	[tilespmem:s1+$0x3658] =	vst.msk $0x1, v0  }
0x384: {  	v0 =	vld [tilespmem:s0+$0x3678];
	_ =	sdelay $0x2  }
0x385: {  	s31 =	sshll.u32 s1, $0x6  }
0x386: {  	s0 =	sshra.s32 s31, $0x2  }
0x387: {  	s1 =	sadd.s32 $0x1, s1;
	[tilespmem:s0+$0x3678] =	vst v0  }
.LBB2_47:
0x388: {  	s2 =	sadd.s32 $0x1, s2  }
0x389: {  	p1 =	sne.s32 s2, $0x20  }
.Ltmp33:
0x38a: {  	_ = 	snop;
	(pc) =	sbr.rel @!p1 .LBB2_48-.Ltmp33, $1  }
0x38b: {  	_ =	sdelay $0x3  }
.LBB2_40:
0x38c: {  	v0 =	vld.msk [tilespmem:s2+$0x3658], $0x1;
	_ =	sdelay $0x4  }
0x38d: {  	(v2sf) =	vpush v0, $0x0;
	_ =	sdelay $0xe  }
0x38e: {  	s4 =	spop (v2sf)  }
0x38f: {  	p1 =	seq.s32 s4, $0xFFFFFFFF  }
.Ltmp34:
0x390: {  	_ = 	snop;
	(pc) =	sbr.rel @p1 .LBB2_47-.Ltmp34, $1  }
0x391: {  	_ =	sdelay $0x3  }
0x392: {  	p1 =	slt.s32 s1, $0x1  }
.Ltmp35:
0x393: {  	_ = 	snop;
	(pc) =	sbr.rel @p1 .LBB2_45-.Ltmp35, $1  }
0x394: {  	_ =	sdelay $0x3  }
0x395: {  	s5 =	simm.s32 $0x3658;
	p1 =	por $0x0, $0x0  }
0x396: {  	v1 =	vld.msk @!p1 [tilespmem:s5+$0x0], $0x1;
	_ =	sdelay $0x4  }
0x397: {  	(v2sf) =	vpush @!p1 v1, $0x0;
	_ =	sdelay $0xd  }
0x398: {  	p3 =	sne.s32 s1, $0x1  }
.Ltmp36:
0x399: {  	s0 =	spop @!p1 (v2sf);
	(pc) =	sbr.rel @!p3 .LBB2_44-.Ltmp36, $4  }
0x39a: {  	p2 =	seq.s32 @!p1 s4, s0  }
0x39b: {  	s6 =	simm.s32 $0x0;
	p2 =	por !p2, p1  }
0x39c: {  	s0 =	simm.s32 $0xFFFFFFFF;
	s6 =	simm.s32 @p2 $0xFFFFFFFF  }
0x39d: {  	s7 =	simm.s32 $0x1;
	s6 =	smov.u32 @p1 s0  }
.LBB2_43:
0x39e: {  	s0 =	smov.u32 s6;
	p1 =	sne.s32 s6, $0xFFFFFFFF  }
0x39f: {  	s5 =	sadd.s32 $0x1, s5;
	s6 =	smov.u32 s7;
	s7 =	sadd.s32 $0x1, s7  }
0x3a0: {  	p2 =	sne.s32 s1, s7;
	v1 =	vld.msk @!p1 [tilespmem:s5+$0x0], $0x1;
	_ =	sdelay $0x4  }
0x3a1: {  	(v2sf) =	vpush @!p1 v1, $0x0;
	_ =	sdelay $0xe  }
.Ltmp37:
0x3a2: {  	s8 =	spop @!p1 (v2sf);
	(pc) =	sbr.rel @p2 .LBB2_43-.Ltmp37, $4  }
0x3a3: {  	p3 =	seq.s32 @!p1 s4, s8  }
0x3a4: {  	p3 =	por !p3, p1  }
0x3a5: {  	s6 =	simm.s32 @p3 $0xFFFFFFFF  }
0x3a6: {  	s6 =	smov.u32 @p1 s0  }
.LBB2_44:
0x3a7: {  	p1 =	sne.s32 s6, $0xFFFFFFFF  }
.Ltmp38:
0x3a8: {  	_ = 	snop;
	(pc) =	sbr.rel @!p1 .LBB2_45-.Ltmp38, $1  }
0x3a9: {  	_ =	sdelay $0x3  }
0x3aa: {  	s0 =	sshll.u32 s2, $0x4  }
0x3ab: {  	s0 =	sand.u32 $0x3FFFFFF0, s0  }
0x3ac: {  	v0 =	vld [tilespmem:s0+$0x3678]  }
.Ltmp39:
0x3ad: {  	_ = 	snop;
	(pc) =	sbr.rel .LBB2_47-.Ltmp39, $4  }
0x3ae: {  	_ = 	snop  }
0x3af: {  	s31 =	sshll.u32 s6, $0x6  }
0x3b0: {  	s0 =	sshra.s32 s31, $0x2  }
0x3b1: {  	[tilespmem:s0+$0x3678] =	vst.add.f32.msk $0xffff, v0  }
.LBB2_48:
0x3b2: {  	p1 =	slt.s32 s1, $0x1  }
.Ltmp40:
0x3b3: {  	_ = 	snop;
	(pc) =	sbr.rel @p1 .LBB2_52-.Ltmp40, $3  }
0x3b4: {  	_ =	sdelay $0x1  }
0x3b5: {  	s0 =	simm.s32 $0x8  }
0x3b6: {  	s2 =	simm.s32 $0x0;
	[sflag:s0] =	ssyncpa.u1 $0x1  }
0x3b7: {  	s0 =	simm.s32 $0x3658  }
0x3b8: {  	v0 =	vld.msk [tilespmem:s0+$0x0], $0x1;
	_ =	sdelay $0x4  }
0x3b9: {  	(v2sf) =	vpush v0, $0x0;
	_ =	sdelay $0xe  }
0x3ba: {  	s1 =	sadd.s32 $0xFFFFFFFF, s1;
	s0 =	spop (v2sf)  }
0x3bb: {  	p2 =	sne.s32 s1, $0x0;
	p1 =	sgt.u32 s0, $0x17FFF  }
.Ltmp41:
0x3bc: {  	s5 =	sand.u32 @!p1 $0x1FFF8, s0;
	(pc) =	sbr.rel @!p2 .LBB2_51-.Ltmp41, $4  }
0x3bd: {  	s4 =	simm.s32 $0x3678;
	s0 =	sand.u32 @!p1 $0x7, s0;
	s5 =	sadd.s32 @!p1 s3, s5  }
0x3be: {  	[hbm4b:s5+s0] =	stream.linear.scatter @!p1 [tilespmem:s4], [sflag:$0x7], $0x4, $0x38;
	[tilespmem:$0x1F0F8] =	vst v63  }
0x3bf: {  	s0 =	simm.s32 $0x0  }
0x3c0: {  	s5 =	simm.s32 $0x3659;
	s0 =	simm.s32 @!p1 $0x10  }
.LBB2_50:
0x3c1: {  	v0 =	vld.msk [tilespmem:s5+$0x0], $0x1;
	s1 =	sadd.s32 $0xFFFFFFFF, s1;
	s2 =	sadd.s32 s2, s0  }
0x3c2: {  	p1 =	sne.s32 s1, $0x0;
	_ =	sdelay $0x3  }
0x3c3: {  	(v2sf) =	vpush v0, $0x0;
	_ =	sdelay $0xe  }
.Ltmp42:
0x3c4: {  	s6 =	spop (v2sf);
	(pc) =	sbr.rel @p1 .LBB2_50-.Ltmp42, $4  }
0x3c5: {  	s0 =	simm.s32 $0x0;
	p2 =	sgt.u32 s6, $0x17FFF  }
0x3c6: {  	s4 =	sadd.s32 $0x10, s4;
	s0 =	simm.s32 @!p2 $0x10;
	s7 =	sand.u32 @!p2 $0x1FFF8, s6  }
0x3c7: {  	s5 =	sadd.s32 $0x1, s5;
	s6 =	sand.u32 @!p2 $0x7, s6;
	s7 =	sadd.s32 @!p2 s3, s7  }
0x3c8: {  	[hbm4b:s7+s6] =	stream.linear.scatter @!p2 [tilespmem:s4], [sflag:$0x7], $0x4, $0x38;
	[tilespmem:$0x1F0F8] =	vst v63  }
.LBB2_51:
0x3c9: {  	s0 =	sadd.s32 s2, s0  }
0x3ca: {  	s2 =	sshrl.u32 s0, $0x2  }
.LBB2_52:
0x3cb: {  	s0 =	simm.s32 $0x7  }
0x3cc: {  	_ =	swait.ge [sflag:s0], s2  }
0x3cd: {  	s1 =	ssub.s32 $0x0, s2;
	[sflag:s0] =	ssyncset.done $0x0  }
0x3ce: {  	[sflag:s0] =	ssyncadd.s32 s1  }
0x3cf: {  	[sflag:s0] =	ssyncpa.u1 $0x1  }
.LBB2_53:
0x3d0: {  	_ =	sfence;
	s0 =	simm.s32 $0x1  }
0x3d1: {  	[sflag:s0] =	ssyncpa.u1 $0x1  }
0x3d2: {  	_ =	strace $0x90000050  }
0x3d3: {  	[bflag:$0x2] =	sbarrier.arrive $0xFFFF  }
0x3d4: {  	s0 =	rddreg [dreg:$0x3]  }
0x3d5: {  	s0 =	sadd.s32 @!p0 $0x100000, s0  }
0x3d6: {  	[sflag:s0] =	ssyncadd.tile.s32 @!p0 $0x1;
	_ =	shalt  }
.Lfunc_end2:
_tile_overlayer_lowered:
.L_overlay_start_2:
0x3d7: {  	(tag) =	ssettag $0x2  }
0x3d8: {  	s0 =	rddreg [dreg:$0x0];
	s2 =	stileid.u32  }
0x3d9: {  	s1 =	rddreg [dreg:$0x1];
	p0 =	sne.s32 s2, $0x0  }
0x3da: {  	s3 =	rddreg [dreg:$0x2];
	[bflag:$0x3] =	sbarrier.arrive $0xFFFF;
	s2 =	simm.s32 @!p0 $0x1C01  }
0x3db: {  	[timem:s3], [sflag:s2] =	dma.local @!p0 [hbm:s0], s1  }
0x3dc: {  	s0 =	simm.s32 @!p0 $0x1  }
0x3dd: {  	_ =	swait.ge @!p0 [sflag:s0], s1  }
0x3de: {  	s1 =	ssub.s32 @!p0 $0x0, s1;
	[sflag:s0] =	ssyncset.done @!p0 $0x0  }
0x3df: {  	[sflag:s0] =	ssyncadd.s32 @!p0 s1  }
0x3e0: {  	[bflag:$0x3] =	sbarrier.arrive $0xFFFF  }
0x3e1: {  	_ =	shalt  }

// kernel: scatter_offload_async_start
scs
__scs_entry_jumppad:
0x0: {  	(pc) =	sbr.rel $0x88, $3  }
0x1: {  	(tag) =	ssettag $0x0;
	lr =	simm.s32 $0x1  }
0x2: {  	[smem:$0x3F75] =	sst lr;
	_ =	strace $0xD0000000  }
0x3: {  	_ = 	snop  }
0x4: {  	_ = 	snop  }
0x5: {  	_ = 	snop  }
0x6: {  	_ = 	snop  }
0x7: {  	_ = 	snop  }
__scs_overlays_trampoline_lowered:
0x8: {  	[smem:$0x3F84] =	sst s0  }
0x9: {  	[smem:$0x3F85] =	sst s1  }
0xa: {  	[smem:$0x3F86] =	sst s2  }
0xb: {  	[smem:$0x3F87] =	sst s3  }
0xc: {  	[smem:$0x3F88] =	sst s4  }
0xd: {  	[smem:$0x3F89] =	sst s5  }
0xe: {  	[smem:$0x3F8A] =	sst s6  }
0xf: {  	[smem:$0x3F8B] =	sst s7  }
0x10: {  	[smem:$0x3F8C] =	sst s8  }
0x11: {  	[smem:$0x3F8D] =	sst s9;
	s0 =	simm.s32 @!p0 $0x0  }
0x12: {  	s1 =	sld [smem:$0x3F73];
	s0 =	simm.s32 @p0 $0x1  }
0x13: {  	[smem:$0x3F8E] =	sst s0;
	s0 =	simm.s32 @!p1 $0x0  }
0x14: {  	s2 =	sld [smem:$0x3F72];
	s0 =	simm.s32 @p1 $0x1  }
0x15: {  	[smem:$0x3F8F] =	sst s0;
	s0 =	simm.s32 @!p2 $0x0  }
0x16: {  	s3 =	sld [smem:$0x3FDB];
	s0 =	simm.s32 @p2 $0x1  }
0x17: {  	s4 =	simm.s32 $0x1BF5;
	[smem:$0x3F91] =	sst s0  }
0x18: {  	s0 =	sld [smem:$0x3F74];
	_ =	swait.ge [sflag:s4], $0x0  }
0x19: {  	s7 =	sld [smem:$0x3F75]  }
0x1a: {  	s8 =	sadd.s32 $0xFFFFE003, lr  }
0x1b: {  	s9 =	sadd.s32 $0xFFFFFEF7, lr;
	s5 =	simm.s32 $0xFFFFFFFF;
	p2 =	slt.u32 s8, $0xFFFFF086  }
0x1c: {  	p1 =	slt.u32 s9, $0xF7A;
	s5 =	simm.s32 @!p2 $0x0  }
0x1d: {  	s5 =	simm.s32 @p1 $0x1;
	p0 =	seq.s32 s7, s2  }
0x1e: {  	s7 =	smul.u32 @!p0 $0xF7A, s2;
	p2 =	seq.s32 @!p0 s5, $0x0  }
0x1f: {  	s9 =	smul.u32 $0xF7A, s1;
	s8 =	simm.s32 @!p0 $0x1BF5;
	p2 =	por !p2, p0  }
0x20: {  	[sflag:s8] =	ssyncset.s32 @!p0 $0xFFFFF086;
	s6 =	sadd.s32 @!p0 s3, s7;
	s7 =	simm.s32 @!p0 $0x108  }
0x21: {  	s3 =	sadd.s32 s3, s9;
	s6 =	sadd.s32 @!p0 $0x88, s6;
	s7 =	simm.s32 @p2 $0x1082  }
0x22: {  	[simem:s7], [sflag:s8] =	dma.local @!p0 [hbm:s6], $0xF7A  }
0x23: {  	s9 =	sor.u32 $0xD0000000, s2;
	s6 =	simm.s32 $0x108;
	_ =	swait.ge @!p0 [sflag:s8], $0x0  }
0x24: {  	s3 =	sadd.s32 $0x88, s3;
	s6 =	simm.s32 @!p1 $0x1082;
	[sflag:s4] =	ssyncset.s32 $0xFFFFF086  }
0x25: {  	[simem:s6], [sflag:s4] =	dma.local [hbm:s3], $0xF7A  }
0x26: {  	[smem:$0x3F75] =	sst s1;
	(tag) =	ssettag s2;
	_ =	strace s9  }
0x27: {  	s1 =	sld [smem:$0x3F85]  }
0x28: {  	s2 =	sld [smem:$0x3F86]  }
0x29: {  	s4 =	sld [smem:$0x3F88]  }
0x2a: {  	p0 =	seq.s32 s5, $0x0;
	s5 =	sld [smem:$0x3F89]  }
0x2b: {  	s6 =	sld [smem:$0x3F8A]  }
0x2c: {  	s7 =	sld [smem:$0x3F8B]  }
0x2d: {  	s3 =	simm.s32 $0x108;
	s8 =	sld [smem:$0x3F8C]  }
0x2e: {  	s3 =	simm.s32 @!p0 $0x1082;
	s9 =	sld [smem:$0x3F8D]  }
0x2f: {  	lr =	sadd.s32 s0, s3;
	s0 =	sld [smem:$0x3F84]  }
0x30: {  	s3 =	sld [smem:$0x3F87]  }
0x31: {  	[smem:$0x3F90] =	sst s10  }
0x32: {  	s10 =	sld [smem:$0x3F8E];
	_ =	sdelay $0x3  }
0x33: {  	p0 =	seq.s32 s10, $0x1;
	s10 =	sld [smem:$0x3F90];
	_ =	sdelay $0x3  }
0x34: {  	[smem:$0x3F90] =	sst s10  }
0x35: {  	s10 =	sld [smem:$0x3F8F];
	_ =	sdelay $0x3  }
0x36: {  	p1 =	seq.s32 s10, $0x1;
	s10 =	sld [smem:$0x3F90];
	_ =	sdelay $0x3  }
0x37: {  	[smem:$0x3F90] =	sst s10  }
0x38: {  	s10 =	sld [smem:$0x3F91]  }
0x39: {  	_ = 	snop;
	(pc) =	sbr.ind lr, $3  }
0x3a: {  	_ = 	snop  }
0x3b: {  	_ = 	snop  }
0x3c: {  	p2 =	seq.s32 s10, $0x1;
	s10 =	sld [smem:$0x3F90]  }
0x3d: {  	_ =	shalt  }
0x3e: {  	_ =	shalt  }
0x3f: {  	_ =	shalt  }
0x40: {  	_ =	shalt  }
0x41: {  	_ =	shalt  }
0x42: {  	_ =	shalt  }
0x43: {  	_ =	shalt  }
0x44: {  	_ =	shalt  }
0x45: {  	_ =	shalt  }
0x46: {  	_ =	shalt  }
0x47: {  	_ =	shalt  }
0x48: {  	_ =	shalt  }
0x49: {  	_ =	shalt  }
0x4a: {  	_ =	shalt  }
0x4b: {  	_ =	shalt  }
0x4c: {  	_ =	shalt  }
0x4d: {  	_ =	shalt  }
0x4e: {  	_ =	shalt  }
0x4f: {  	_ =	shalt  }
0x50: {  	_ =	shalt  }
0x51: {  	_ =	shalt  }
0x52: {  	_ =	shalt  }
0x53: {  	_ =	shalt  }
0x54: {  	_ =	shalt  }
0x55: {  	_ =	shalt  }
0x56: {  	_ =	shalt  }
0x57: {  	_ =	shalt  }
0x58: {  	_ =	shalt  }
0x59: {  	_ =	shalt  }
0x5a: {  	_ =	shalt  }
0x5b: {  	_ =	shalt  }
0x5c: {  	_ =	shalt  }
0x5d: {  	_ =	shalt  }
0x5e: {  	_ =	shalt  }
0x5f: {  	_ =	shalt  }
0x60: {  	_ =	shalt  }
0x61: {  	_ =	shalt  }
0x62: {  	_ =	shalt  }
0x63: {  	_ =	shalt  }
0x64: {  	_ =	shalt  }
0x65: {  	_ =	shalt  }
0x66: {  	_ =	shalt  }
0x67: {  	_ =	shalt  }
0x68: {  	_ =	shalt  }
0x69: {  	_ =	shalt  }
0x6a: {  	_ =	shalt  }
0x6b: {  	_ =	shalt  }
0x6c: {  	_ =	shalt  }
0x6d: {  	_ =	shalt  }
0x6e: {  	_ =	shalt  }
0x6f: {  	_ =	shalt  }
0x70: {  	_ =	shalt  }
0x71: {  	_ =	shalt  }
0x72: {  	_ =	shalt  }
0x73: {  	_ =	shalt  }
0x74: {  	_ =	shalt  }
0x75: {  	_ =	shalt  }
0x76: {  	_ =	shalt  }
0x77: {  	_ =	shalt  }
0x78: {  	_ =	shalt  }
0x79: {  	_ =	shalt  }
0x7a: {  	_ =	shalt  }
0x7b: {  	_ =	shalt  }
0x7c: {  	_ =	shalt  }
0x7d: {  	_ =	shalt  }
0x7e: {  	_ =	shalt  }
0x7f: {  	_ =	shalt  }
0x80: {  	_ =	shalt  }
0x81: {  	_ =	shalt  }
0x82: {  	_ =	shalt  }
0x83: {  	_ =	shalt  }
0x84: {  	_ =	shalt  }
0x85: {  	_ =	shalt  }
0x86: {  	_ =	shalt  }
0x87: {  	_ =	shalt  }
.Lfunc_end0:
.L_simem_size_0:
called_computation_lowered:
.L_overlay_start_0:
0x88: {  	s2 =	sld [smem:$0x3FD9]  }
0x89: {  	s3 =	sld [smem:$0x3FFE];
	_ =	sdelay $0x1  }
0x8a: {  	s1 =	srdreg.scid  }
0x8b: {  	s0 =	sand.u32 $0x1, s1  }
0x8c: {  	s17 =	sshll.u32 s0, $0xA;
	s2 =	sadd.s32 s3, s2  }
0x8d: {  	s2 =	sadd.s32 s2, s17  }
0x8e: {  	[smem:$0x3F9C] =	sst s2  }
0x8f: {  	_ = 	snop  }
0x90: {  	(tm) =	ssettm $0x1  }
0x91: {  	s18 =	sld [smem:$0x3FFB];
	_ =	sdelay $0x3  }
0x92: {  	_ =	strace s18  }
0x93: {  	s2 =	sld [smem:$0x3FFC];
	_ =	sdelay $0x3  }
0x94: {  	_ =	strace s2  }
0x95: {  	s2 =	sld [smem:$0x3FFD];
	_ =	sdelay $0x3  }
0x96: {  	_ =	strace s2  }
0x97: {  	_ =	strace $0x8FFFFFFF  }
0x98: {  	s19 =	sld [smem:$0x3FDB];
	_ =	sdelay $0x1  }
0x99: {  	s20 =	simm.s32 $_scs_section_size  }
0x9a: {  	s4 =	simm.s32 $_size__tile_overlayer_lowered;
	s5 =	simm.s32 $_tile_overlayer_lowered  }
0x9b: {  	s6 =	simm.s32 $0x1BFF;
	s21 =	sshll.u32 s5, $0x1;
	s3 =	sadd.s32 s20, s19  }
0x9c: {  	s22 =	simm.s32 $0x0;
	s4 =	sshll.u32 s4, $0x1;
	s5 =	sadd.s32 s21, s3  }
0x9d: {  	[timem:s22], [sflag:s6] =	dma.local [hbm:s5], s4  }
0x9e: {  	_ =	swait.ge [sflag:s6], s4  }
0x9f: {  	s4 =	ssub.s32 $0x0, s4;
	[sflag:s6] =	ssyncset.done $0x0  }
0xa0: {  	[sflag:s6] =	ssyncadd.s32 s4;
	_ =	sdelay $0x1  }
0xa1: {  	s23 =	simm.s32 $0x1B8B  }
0xa2: {  	_ =	swait.ge [sflag:s23], $0x1  }
0xa3: {  	[sflag:s23] =	ssyncset.done $0x0  }
0xa4: {  	[sflag:s23] =	ssyncadd.s32 $0xFFFFFFFF  }
0xa5: {  	s4 =	sld [smem:$0x0]  }
0xa6: {  	s5 =	sand.u32 $0xFFFFFFFE, s1  }
0xa7: {  	p0 =	sne.s32 s1, s5  }
0xa8: {  	s5 =	sshll.u32 @p0 s5, $0xE  }
0xa9: {  	s5 =	sadd.s32 @p0 $0x11B8D, s5;
	s6 =	sshll.u32 @p0 s4, $0x11  }
0xaa: {  	s5 =	sor.u32 @p0 s6, s5  }
0xab: {  	[sflag:s5] =	ssyncadd.remote.s32 @p0 $0x1;
	_ =	sdelay $0x1  }
0xac: {  	s5 =	simm.s32 @p0 $0x1B8D  }
0xad: {  	_ =	swait.eq @p0 [sflag:s5], $0x1  }
0xae: {  	[sflag:s5] =	ssyncadd.s32 @p0 $0xFFFFFFFF  }
0xaf: {  	s6 =	sshll.u32 @!p0 s1, $0xE  }
0xb0: {  	s6 =	sor.u32 @!p0 $0x4000, s6;
	s5 =	simm.s32 @!p0 $0x1B8D  }
0xb1: {  	s7 =	sshll.u32 @!p0 s4, $0x11;
	s6 =	sadd.s32 @!p0 $0x11B8D, s6;
	_ =	swait.eq @!p0 [sflag:s5], $0x1  }
0xb2: {  	[sflag:s5] =	ssyncadd.s32 @!p0 $0xFFFFFFFF;
	s5 =	sor.u32 @!p0 s7, s6  }
0xb3: {  	s25 =	simm.s32 $0x1B8E;
	s24 =	sld [smem:$0x3FFE];
	[sflag:s5] =	ssyncadd.remote.s32 @!p0 $0x1  }
0xb4: {  	s26 =	simm.s32 $execute0_lowered;
	[smem:$0x3FD2] =	sst s25  }
0xb5: {  	s6 =	sshll.u32 s26, $0x1;
	_ =	strace $0x80000055;
	[dreg:$0x1] =	wrdreg $0xFFFFFFFF  }
0xb6: {  	s28 =	simm.s32 $_size_execute0_lowered;
	s3 =	sadd.s32 s3, s6;
	[dreg:$0x0] =	wrdreg $0x0  }
0xb7: {  	s6 =	sshll.u32 s28, $0x1;
	[dreg:$0x2] =	wrdreg s3  }
0xb8: {  	[dreg:$0x3] =	wrdreg s6  }
0xb9: {  	[dreg:$0x4] =	wrdreg $0xC0  }
0xba: {  	_ =	task [dreg:s22], $0x5FFFF  }
0xbb: {  	[dreg:$0x1] =	wrdreg $0xFFFFFFFF  }
0xbc: {  	[dreg:$0x0] =	wrdreg $0x60  }
0xbd: {  	[dreg:$0x2] =	wrdreg s24  }
0xbe: {  	[dreg:$0x3] =	wrdreg s1  }
0xbf: {  	[dreg:$0x4] =	wrdreg s4  }
0xc0: {  	[dreg:$0x5] =	wrdreg $0x9  }
0xc1: {  	_ =	task.clear_ibuf [dreg:s22], $0x6FFFF;
	_ =	strace $0x90000055  }
0xc2: {  	s29 =	simm.s32 $0x9;
	_ =	strace $0x80000057  }
0xc3: {  	_ =	swait.ge [sflag:s29], $0x1  }
0xc4: {  	[sflag:s29] =	ssyncadd.s32 $0xFFFFFFFF  }
0xc5: {  	_ =	strace $0x90000057  }
0xc6: {  	_ =	sfence  }
0xc7: {  	s30 =	sld [smem:$0x0];
	_ =	sdelay $0x2  }
0xc8: {  	s31 =	sshll.u32 s1, $0xD;
	s1 =	sshrl.u32 s1, $0x2  }
0xc9: {  	s4 =	sand.u32 $0x4000, s31;
	s1 =	sadd.s32 s1, s30  }
0xca: {  	s0 =	sor.u32 s4, s0;
	s1 =	sshll.u32 s1, $0x11  }
0xcb: {  	s0 =	sor.u32 s1, s0  }
0xcc: {  	s0 =	sadd.s32 $0x8F2B, s0  }
0xcd: {  	[sflag:s0] =	ssyncadd.remote.s32 $0x1  }
0xce: {  	_ =	sfence.sel $0xFFFF  }
0xcf: {  	[dreg:$0x0] =	wrdreg $0xFFFFFFFF;
	(pc) =	sbr.abs _section_cstart, $3  }
0xd0: {  	[dreg:$0x1] =	wrdreg $0xFFFFFFFF  }
0xd1: {  	_ =	task.clear_ibuf [dreg:s22], $0x2FFFF;
	_ =	strace $0x9FFFFFFF  }
0xd2: {  	(tm) =	ssettm $0x7FFFFFFF  }
0xd3: {  	_ =	shalt  }
tec
execute0_lowered:
.L_overlay_start_1:
0x0: {  	(tag) =	ssettag $0x1  }
0x1: {  	s11 =	rddreg [dreg:$0x0]  }
0x2: {  	s2 =	rddreg [dreg:$0x1];
	_ =	strace $0x80000056;
	s12 =	simm.s32 $0x1  }
0x3: {  	v0 =	vimm.s32 $0x0;
	[sflag:s12] =	ssyncpa.u1 $0x0  }
0x4: {  	[tilespmem:$0x28] =	vst v0  }
0x5: {  	[tilespmem:$0x38] =	vst v0  }
0x6: {  	[tilespmem:$0x48] =	vst v0  }
0x7: {  	[tilespmem:$0x58] =	vst v0  }
0x8: {  	[tilespmem:$0x68] =	vst v0  }
0x9: {  	[tilespmem:$0x78] =	vst v0  }
0xa: {  	[tilespmem:$0x88] =	vst v0  }
0xb: {  	[tilespmem:$0x98] =	vst v0  }
0xc: {  	[tilespmem:$0xA8] =	vst v0  }
0xd: {  	[tilespmem:$0xB8] =	vst v0  }
0xe: {  	[tilespmem:$0xC8] =	vst v0  }
0xf: {  	[tilespmem:$0xD8] =	vst v0  }
0x10: {  	[tilespmem:$0xE8] =	vst v0  }
0x11: {  	[tilespmem:$0xF8] =	vst v0  }
0x12: {  	[tilespmem:$0x108] =	vst v0  }
0x13: {  	[tilespmem:$0x118] =	vst v0  }
0x14: {  	[tilespmem:$0x128] =	vst v0  }
0x15: {  	[tilespmem:$0x138] =	vst v0  }
0x16: {  	[tilespmem:$0x148] =	vst v0  }
0x17: {  	[tilespmem:$0x158] =	vst v0  }
0x18: {  	[tilespmem:$0x168] =	vst v0  }
0x19: {  	[tilespmem:$0x178] =	vst v0  }
0x1a: {  	[tilespmem:$0x188] =	vst v0  }
0x1b: {  	[tilespmem:$0x198] =	vst v0  }
0x1c: {  	[tilespmem:$0x1A8] =	vst v0  }
0x1d: {  	[tilespmem:$0x1B8] =	vst v0  }
0x1e: {  	[tilespmem:$0x1C8] =	vst v0  }
0x1f: {  	[tilespmem:$0x1D8] =	vst v0  }
0x20: {  	[tilespmem:$0x1E8] =	vst v0  }
0x21: {  	[tilespmem:$0x1F8] =	vst v0  }
0x22: {  	[tilespmem:$0x208] =	vst v0  }
0x23: {  	[tilespmem:$0x218] =	vst v0  }
0x24: {  	[tilespmem:$0x228] =	vst v0  }
0x25: {  	[tilespmem:$0x238] =	vst v0  }
0x26: {  	[tilespmem:$0x248] =	vst v0  }
0x27: {  	[tilespmem:$0x258] =	vst v0  }
0x28: {  	[tilespmem:$0x268] =	vst v0  }
0x29: {  	[tilespmem:$0x278] =	vst v0  }
0x2a: {  	[tilespmem:$0x288] =	vst v0  }
0x2b: {  	[tilespmem:$0x298] =	vst v0  }
0x2c: {  	[tilespmem:$0x2A8] =	vst v0  }
0x2d: {  	[tilespmem:$0x2B8] =	vst v0  }
0x2e: {  	[tilespmem:$0x2C8] =	vst v0  }
0x2f: {  	[tilespmem:$0x2D8] =	vst v0  }
0x30: {  	[tilespmem:$0x2E8] =	vst v0  }
0x31: {  	[tilespmem:$0x2F8] =	vst v0  }
0x32: {  	[tilespmem:$0x308] =	vst v0  }
0x33: {  	[tilespmem:$0x318] =	vst v0  }
0x34: {  	[tilespmem:$0x328] =	vst v0  }
0x35: {  	[tilespmem:$0x338] =	vst v0  }
0x36: {  	[tilespmem:$0x348] =	vst v0  }
0x37: {  	[tilespmem:$0x358] =	vst v0  }
0x38: {  	[tilespmem:$0x368] =	vst v0  }
0x39: {  	[tilespmem:$0x378] =	vst v0  }
0x3a: {  	[tilespmem:$0x388] =	vst v0  }
0x3b: {  	[tilespmem:$0x398] =	vst v0  }
0x3c: {  	[tilespmem:$0x3A8] =	vst v0  }
0x3d: {  	[tilespmem:$0x3B8] =	vst v0  }
0x3e: {  	[tilespmem:$0x3C8] =	vst v0  }
0x3f: {  	[tilespmem:$0x3D8] =	vst v0  }
0x40: {  	[tilespmem:$0x3E8] =	vst v0  }
0x41: {  	[tilespmem:$0x3F8] =	vst v0  }
0x42: {  	[tilespmem:$0x408] =	vst v0  }
0x43: {  	[tilespmem:$0x418] =	vst v0  }
0x44: {  	[tilespmem:$0x428] =	vst v0  }
0x45: {  	[tilespmem:$0x438] =	vst v0  }
0x46: {  	[tilespmem:$0x448] =	vst v0  }
0x47: {  	[tilespmem:$0x458] =	vst v0  }
0x48: {  	[tilespmem:$0x468] =	vst v0  }
0x49: {  	[tilespmem:$0x478] =	vst v0  }
0x4a: {  	[tilespmem:$0x488] =	vst v0  }
0x4b: {  	[tilespmem:$0x498] =	vst v0  }
0x4c: {  	[tilespmem:$0x4A8] =	vst v0  }
0x4d: {  	[tilespmem:$0x4B8] =	vst v0  }
0x4e: {  	[tilespmem:$0x4C8] =	vst v0  }
0x4f: {  	[tilespmem:$0x4D8] =	vst v0  }
0x50: {  	[tilespmem:$0x4E8] =	vst v0  }
0x51: {  	[tilespmem:$0x4F8] =	vst v0  }
0x52: {  	[tilespmem:$0x508] =	vst v0  }
0x53: {  	[tilespmem:$0x518] =	vst v0  }
0x54: {  	[tilespmem:$0x528] =	vst v0  }
0x55: {  	[tilespmem:$0x538] =	vst v0  }
0x56: {  	[tilespmem:$0x548] =	vst v0  }
0x57: {  	[tilespmem:$0x558] =	vst v0  }
0x58: {  	[tilespmem:$0x568] =	vst v0  }
0x59: {  	[tilespmem:$0x578] =	vst v0  }
0x5a: {  	[tilespmem:$0x588] =	vst v0  }
0x5b: {  	[tilespmem:$0x598] =	vst v0  }
0x5c: {  	[tilespmem:$0x5A8] =	vst v0  }
0x5d: {  	[tilespmem:$0x5B8] =	vst v0  }
0x5e: {  	[tilespmem:$0x5C8] =	vst v0  }
0x5f: {  	[tilespmem:$0x5D8] =	vst v0  }
0x60: {  	[tilespmem:$0x5E8] =	vst v0  }
0x61: {  	[tilespmem:$0x5F8] =	vst v0  }
0x62: {  	[tilespmem:$0x608] =	vst v0  }
0x63: {  	[tilespmem:$0x618] =	vst v0  }
0x64: {  	[tilespmem:$0x628] =	vst v0  }
0x65: {  	[tilespmem:$0x638] =	vst v0  }
0x66: {  	[tilespmem:$0x648] =	vst v0  }
0x67: {  	[tilespmem:$0x658] =	vst v0  }
0x68: {  	[tilespmem:$0x668] =	vst v0  }
0x69: {  	[tilespmem:$0x678] =	vst v0  }
0x6a: {  	[tilespmem:$0x688] =	vst v0  }
0x6b: {  	[tilespmem:$0x698] =	vst v0  }
0x6c: {  	[tilespmem:$0x6A8] =	vst v0  }
0x6d: {  	[tilespmem:$0x6B8] =	vst v0  }
0x6e: {  	[tilespmem:$0x6C8] =	vst v0  }
0x6f: {  	[tilespmem:$0x6D8] =	vst v0  }
0x70: {  	[tilespmem:$0x6E8] =	vst v0  }
0x71: {  	[tilespmem:$0x6F8] =	vst v0  }
0x72: {  	[tilespmem:$0x708] =	vst v0  }
0x73: {  	[tilespmem:$0x718] =	vst v0  }
0x74: {  	[tilespmem:$0x728] =	vst v0  }
0x75: {  	[tilespmem:$0x738] =	vst v0  }
0x76: {  	[tilespmem:$0x748] =	vst v0  }
0x77: {  	[tilespmem:$0x758] =	vst v0  }
0x78: {  	[tilespmem:$0x768] =	vst v0  }
0x79: {  	[tilespmem:$0x778] =	vst v0  }
0x7a: {  	[tilespmem:$0x788] =	vst v0  }
0x7b: {  	[tilespmem:$0x798] =	vst v0  }
0x7c: {  	[tilespmem:$0x7A8] =	vst v0  }
0x7d: {  	[tilespmem:$0x7B8] =	vst v0  }
0x7e: {  	[tilespmem:$0x7C8] =	vst v0  }
0x7f: {  	[tilespmem:$0x7D8] =	vst v0  }
0x80: {  	[tilespmem:$0x7E8] =	vst v0  }
0x81: {  	[tilespmem:$0x7F8] =	vst v0  }
0x82: {  	[tilespmem:$0x808] =	vst v0  }
0x83: {  	[tilespmem:$0x818] =	vst v0  }
0x84: {  	[tilespmem:$0x828] =	vst v0  }
0x85: {  	[tilespmem:$0x838] =	vst v0  }
0x86: {  	[tilespmem:$0x848] =	vst v0  }
0x87: {  	[tilespmem:$0x858] =	vst v0  }
0x88: {  	[tilespmem:$0x868] =	vst v0  }
0x89: {  	[tilespmem:$0x878] =	vst v0  }
0x8a: {  	[tilespmem:$0x888] =	vst v0  }
0x8b: {  	[tilespmem:$0x898] =	vst v0  }
0x8c: {  	[tilespmem:$0x8A8] =	vst v0  }
0x8d: {  	[tilespmem:$0x8B8] =	vst v0  }
0x8e: {  	[tilespmem:$0x8C8] =	vst v0  }
0x8f: {  	[tilespmem:$0x8D8] =	vst v0  }
0x90: {  	[tilespmem:$0x8E8] =	vst v0  }
0x91: {  	[tilespmem:$0x8F8] =	vst v0  }
0x92: {  	[tilespmem:$0x908] =	vst v0  }
0x93: {  	[tilespmem:$0x918] =	vst v0  }
0x94: {  	[tilespmem:$0x928] =	vst v0  }
0x95: {  	[tilespmem:$0x938] =	vst v0  }
0x96: {  	[tilespmem:$0x948] =	vst v0  }
0x97: {  	[tilespmem:$0x958] =	vst v0  }
0x98: {  	[tilespmem:$0x968] =	vst v0  }
0x99: {  	[tilespmem:$0x978] =	vst v0  }
0x9a: {  	[tilespmem:$0x988] =	vst v0  }
0x9b: {  	[tilespmem:$0x998] =	vst v0  }
0x9c: {  	[tilespmem:$0x9A8] =	vst v0  }
0x9d: {  	[tilespmem:$0x9B8] =	vst v0  }
0x9e: {  	[tilespmem:$0x9C8] =	vst v0  }
0x9f: {  	[tilespmem:$0x9D8] =	vst v0  }
0xa0: {  	[tilespmem:$0x9E8] =	vst v0  }
0xa1: {  	[tilespmem:$0x9F8] =	vst v0  }
0xa2: {  	[tilespmem:$0xA08] =	vst v0  }
0xa3: {  	[tilespmem:$0xA18] =	vst v0  }
0xa4: {  	[tilespmem:$0xA28] =	vst v0  }
0xa5: {  	[tilespmem:$0xA38] =	vst v0  }
0xa6: {  	[tilespmem:$0xA48] =	vst v0  }
0xa7: {  	[tilespmem:$0xA58] =	vst v0  }
0xa8: {  	[tilespmem:$0xA68] =	vst v0  }
0xa9: {  	[tilespmem:$0xA78] =	vst v0  }
0xaa: {  	[tilespmem:$0xA88] =	vst v0  }
0xab: {  	[tilespmem:$0xA98] =	vst v0  }
0xac: {  	[tilespmem:$0xAA8] =	vst v0  }
0xad: {  	[tilespmem:$0xAB8] =	vst v0  }
0xae: {  	[tilespmem:$0xAC8] =	vst v0  }
0xaf: {  	[tilespmem:$0xAD8] =	vst v0  }
0xb0: {  	[tilespmem:$0xAE8] =	vst v0  }
0xb1: {  	[tilespmem:$0xAF8] =	vst v0  }
0xb2: {  	[tilespmem:$0xB08] =	vst v0  }
0xb3: {  	[tilespmem:$0xB18] =	vst v0  }
0xb4: {  	[tilespmem:$0xB28] =	vst v0  }
0xb5: {  	[tilespmem:$0xB38] =	vst v0  }
0xb6: {  	[tilespmem:$0xB48] =	vst v0  }
0xb7: {  	[tilespmem:$0xB58] =	vst v0  }
0xb8: {  	[tilespmem:$0xB68] =	vst v0  }
0xb9: {  	[tilespmem:$0xB78] =	vst v0  }
0xba: {  	[tilespmem:$0xB88] =	vst v0  }
0xbb: {  	[tilespmem:$0xB98] =	vst v0  }
0xbc: {  	[tilespmem:$0xBA8] =	vst v0  }
0xbd: {  	[tilespmem:$0xBB8] =	vst v0  }
0xbe: {  	[tilespmem:$0xBC8] =	vst v0  }
0xbf: {  	[tilespmem:$0xBD8] =	vst v0  }
0xc0: {  	[tilespmem:$0xBE8] =	vst v0  }
0xc1: {  	[tilespmem:$0xBF8] =	vst v0  }
0xc2: {  	[tilespmem:$0xC08] =	vst v0  }
0xc3: {  	[tilespmem:$0xC18] =	vst v0  }
0xc4: {  	[tilespmem:$0xC28] =	vst v0  }
0xc5: {  	[tilespmem:$0xC38] =	vst v0  }
0xc6: {  	[tilespmem:$0xC48] =	vst v0  }
0xc7: {  	[tilespmem:$0xC58] =	vst v0  }
0xc8: {  	[tilespmem:$0xC68] =	vst v0  }
0xc9: {  	[tilespmem:$0xC78] =	vst v0  }
0xca: {  	[tilespmem:$0xC88] =	vst v0  }
0xcb: {  	[tilespmem:$0xC98] =	vst v0  }
0xcc: {  	[tilespmem:$0xCA8] =	vst v0  }
0xcd: {  	[tilespmem:$0xCB8] =	vst v0  }
0xce: {  	[tilespmem:$0xCC8] =	vst v0  }
0xcf: {  	[tilespmem:$0xCD8] =	vst v0  }
0xd0: {  	[tilespmem:$0xCE8] =	vst v0  }
0xd1: {  	[tilespmem:$0xCF8] =	vst v0  }
0xd2: {  	[tilespmem:$0xD08] =	vst v0  }
0xd3: {  	[tilespmem:$0xD18] =	vst v0  }
0xd4: {  	[tilespmem:$0xD28] =	vst v0  }
0xd5: {  	[tilespmem:$0xD38] =	vst v0  }
0xd6: {  	[tilespmem:$0xD48] =	vst v0  }
0xd7: {  	[tilespmem:$0xD58] =	vst v0  }
0xd8: {  	[tilespmem:$0xD68] =	vst v0  }
0xd9: {  	[tilespmem:$0xD78] =	vst v0  }
0xda: {  	[tilespmem:$0xD88] =	vst v0  }
0xdb: {  	[tilespmem:$0xD98] =	vst v0  }
0xdc: {  	[tilespmem:$0xDA8] =	vst v0  }
0xdd: {  	[tilespmem:$0xDB8] =	vst v0  }
0xde: {  	[tilespmem:$0xDC8] =	vst v0  }
0xdf: {  	[tilespmem:$0xDD8] =	vst v0  }
0xe0: {  	[tilespmem:$0xDE8] =	vst v0  }
0xe1: {  	[tilespmem:$0xDF8] =	vst v0  }
0xe2: {  	[tilespmem:$0xE08] =	vst v0  }
0xe3: {  	[tilespmem:$0xE18] =	vst v0  }
0xe4: {  	[tilespmem:$0xE28] =	vst v0  }
0xe5: {  	[tilespmem:$0xE38] =	vst v0  }
0xe6: {  	[tilespmem:$0xE48] =	vst v0  }
0xe7: {  	[tilespmem:$0xE58] =	vst v0  }
0xe8: {  	[tilespmem:$0xE68] =	vst v0  }
0xe9: {  	[tilespmem:$0xE78] =	vst v0  }
0xea: {  	[tilespmem:$0xE88] =	vst v0  }
0xeb: {  	[tilespmem:$0xE98] =	vst v0  }
0xec: {  	[tilespmem:$0xEA8] =	vst v0  }
0xed: {  	[tilespmem:$0xEB8] =	vst v0  }
0xee: {  	[tilespmem:$0xEC8] =	vst v0  }
0xef: {  	[tilespmem:$0xED8] =	vst v0  }
0xf0: {  	[tilespmem:$0xEE8] =	vst v0  }
0xf1: {  	[tilespmem:$0xEF8] =	vst v0  }
0xf2: {  	[tilespmem:$0xF08] =	vst v0  }
0xf3: {  	[tilespmem:$0xF18] =	vst v0  }
0xf4: {  	[tilespmem:$0xF28] =	vst v0  }
0xf5: {  	[tilespmem:$0xF38] =	vst v0  }
0xf6: {  	[tilespmem:$0xF48] =	vst v0  }
0xf7: {  	[tilespmem:$0xF58] =	vst v0  }
0xf8: {  	[tilespmem:$0xF68] =	vst v0  }
0xf9: {  	[tilespmem:$0xF78] =	vst v0  }
0xfa: {  	[tilespmem:$0xF88] =	vst v0  }
0xfb: {  	[tilespmem:$0xF98] =	vst v0  }
0xfc: {  	[tilespmem:$0xFA8] =	vst v0  }
0xfd: {  	[tilespmem:$0xFB8] =	vst v0  }
0xfe: {  	[tilespmem:$0xFC8] =	vst v0  }
0xff: {  	[tilespmem:$0xFD8] =	vst v0  }
0x100: {  	[tilespmem:$0xFE8] =	vst v0  }
0x101: {  	[tilespmem:$0xFF8] =	vst v0  }
0x102: {  	[tilespmem:$0x1028] =	vst v0  }
0x103: {  	[tilespmem:$0x10E8] =	vst v0  }
0x104: {  	[tilespmem:$0x1068] =	vst v0  }
0x105: {  	[tilespmem:$0x1B28] =	vst v0  }
0x106: {  	[tilespmem:$0x1B18] =	vst v0  }
0x107: {  	[tilespmem:$0x1B08] =	vst v0  }
0x108: {  	[tilespmem:$0x1AF8] =	vst v0  }
0x109: {  	[tilespmem:$0x1AE8] =	vst v0  }
0x10a: {  	[tilespmem:$0x1AD8] =	vst v0  }
0x10b: {  	[tilespmem:$0x1AC8] =	vst v0  }
0x10c: {  	[tilespmem:$0x1AB8] =	vst v0  }
0x10d: {  	[tilespmem:$0x1AA8] =	vst v0  }
0x10e: {  	[tilespmem:$0x1A98] =	vst v0  }
0x10f: {  	[tilespmem:$0x1A88] =	vst v0  }
0x110: {  	[tilespmem:$0x1A78] =	vst v0  }
0x111: {  	[tilespmem:$0x1A68] =	vst v0  }
0x112: {  	[tilespmem:$0x1A58] =	vst v0  }
0x113: {  	[tilespmem:$0x1A48] =	vst v0  }
0x114: {  	[tilespmem:$0x1A38] =	vst v0  }
0x115: {  	[tilespmem:$0x1A28] =	vst v0  }
0x116: {  	[tilespmem:$0x1A18] =	vst v0  }
0x117: {  	[tilespmem:$0x1A08] =	vst v0  }
0x118: {  	[tilespmem:$0x19F8] =	vst v0  }
0x119: {  	[tilespmem:$0x19E8] =	vst v0  }
0x11a: {  	[tilespmem:$0x19D8] =	vst v0  }
0x11b: {  	[tilespmem:$0x19C8] =	vst v0  }
0x11c: {  	[tilespmem:$0x19B8] =	vst v0  }
0x11d: {  	[tilespmem:$0x19A8] =	vst v0  }
0x11e: {  	[tilespmem:$0x1998] =	vst v0  }
0x11f: {  	[tilespmem:$0x1988] =	vst v0  }
0x120: {  	[tilespmem:$0x1978] =	vst v0  }
0x121: {  	[tilespmem:$0x1968] =	vst v0  }
0x122: {  	[tilespmem:$0x1958] =	vst v0  }
0x123: {  	[tilespmem:$0x1948] =	vst v0  }
0x124: {  	[tilespmem:$0x1938] =	vst v0  }
0x125: {  	[tilespmem:$0x1928] =	vst v0  }
0x126: {  	[tilespmem:$0x1918] =	vst v0  }
0x127: {  	[tilespmem:$0x1908] =	vst v0  }
0x128: {  	[tilespmem:$0x18F8] =	vst v0  }
0x129: {  	[tilespmem:$0x18E8] =	vst v0  }
0x12a: {  	[tilespmem:$0x18D8] =	vst v0  }
0x12b: {  	[tilespmem:$0x18C8] =	vst v0  }
0x12c: {  	[tilespmem:$0x18B8] =	vst v0  }
0x12d: {  	[tilespmem:$0x18A8] =	vst v0  }
0x12e: {  	[tilespmem:$0x1898] =	vst v0  }
0x12f: {  	[tilespmem:$0x1888] =	vst v0  }
0x130: {  	[tilespmem:$0x1878] =	vst v0  }
0x131: {  	[tilespmem:$0x1868] =	vst v0  }
0x132: {  	[tilespmem:$0x1858] =	vst v0  }
0x133: {  	[tilespmem:$0x1848] =	vst v0  }
0x134: {  	[tilespmem:$0x1838] =	vst v0  }
0x135: {  	[tilespmem:$0x1828] =	vst v0  }
0x136: {  	[tilespmem:$0x1818] =	vst v0  }
0x137: {  	[tilespmem:$0x1808] =	vst v0  }
0x138: {  	[tilespmem:$0x17F8] =	vst v0  }
0x139: {  	[tilespmem:$0x17E8] =	vst v0  }
0x13a: {  	[tilespmem:$0x17D8] =	vst v0  }
0x13b: {  	[tilespmem:$0x17C8] =	vst v0  }
0x13c: {  	[tilespmem:$0x17B8] =	vst v0  }
0x13d: {  	[tilespmem:$0x17A8] =	vst v0  }
0x13e: {  	[tilespmem:$0x1798] =	vst v0  }
0x13f: {  	[tilespmem:$0x1788] =	vst v0  }
0x140: {  	[tilespmem:$0x1778] =	vst v0  }
0x141: {  	[tilespmem:$0x1768] =	vst v0  }
0x142: {  	[tilespmem:$0x1758] =	vst v0  }
0x143: {  	[tilespmem:$0x1748] =	vst v0  }
0x144: {  	[tilespmem:$0x1738] =	vst v0  }
0x145: {  	[tilespmem:$0x1728] =	vst v0  }
0x146: {  	[tilespmem:$0x1718] =	vst v0  }
0x147: {  	[tilespmem:$0x1708] =	vst v0  }
0x148: {  	[tilespmem:$0x16F8] =	vst v0  }
0x149: {  	[tilespmem:$0x16E8] =	vst v0  }
0x14a: {  	[tilespmem:$0x16D8] =	vst v0  }
0x14b: {  	[tilespmem:$0x16C8] =	vst v0  }
0x14c: {  	[tilespmem:$0x16B8] =	vst v0  }
0x14d: {  	[tilespmem:$0x16A8] =	vst v0  }
0x14e: {  	[tilespmem:$0x1698] =	vst v0  }
0x14f: {  	[tilespmem:$0x1688] =	vst v0  }
0x150: {  	[tilespmem:$0x1678] =	vst v0  }
0x151: {  	[tilespmem:$0x1668] =	vst v0  }
0x152: {  	[tilespmem:$0x1658] =	vst v0  }
0x153: {  	[tilespmem:$0x1648] =	vst v0  }
0x154: {  	[tilespmem:$0x1638] =	vst v0  }
0x155: {  	[tilespmem:$0x1628] =	vst v0  }
0x156: {  	[tilespmem:$0x1618] =	vst v0  }
0x157: {  	[tilespmem:$0x1608] =	vst v0  }
0x158: {  	[tilespmem:$0x15F8] =	vst v0  }
0x159: {  	[tilespmem:$0x15E8] =	vst v0  }
0x15a: {  	[tilespmem:$0x15D8] =	vst v0  }
0x15b: {  	[tilespmem:$0x15C8] =	vst v0  }
0x15c: {  	[tilespmem:$0x15B8] =	vst v0  }
0x15d: {  	[tilespmem:$0x15A8] =	vst v0  }
0x15e: {  	[tilespmem:$0x1598] =	vst v0  }
0x15f: {  	[tilespmem:$0x1588] =	vst v0  }
0x160: {  	[tilespmem:$0x1578] =	vst v0  }
0x161: {  	[tilespmem:$0x1568] =	vst v0  }
0x162: {  	[tilespmem:$0x1558] =	vst v0  }
0x163: {  	[tilespmem:$0x1548] =	vst v0  }
0x164: {  	[tilespmem:$0x1538] =	vst v0  }
0x165: {  	[tilespmem:$0x1528] =	vst v0  }
0x166: {  	[tilespmem:$0x1518] =	vst v0  }
0x167: {  	[tilespmem:$0x1508] =	vst v0  }
0x168: {  	[tilespmem:$0x14F8] =	vst v0  }
0x169: {  	[tilespmem:$0x14E8] =	vst v0  }
0x16a: {  	[tilespmem:$0x14D8] =	vst v0  }
0x16b: {  	[tilespmem:$0x14C8] =	vst v0  }
0x16c: {  	[tilespmem:$0x14B8] =	vst v0  }
0x16d: {  	[tilespmem:$0x14A8] =	vst v0  }
0x16e: {  	[tilespmem:$0x1498] =	vst v0  }
0x16f: {  	[tilespmem:$0x1488] =	vst v0  }
0x170: {  	[tilespmem:$0x1478] =	vst v0  }
0x171: {  	[tilespmem:$0x1468] =	vst v0  }
0x172: {  	[tilespmem:$0x1458] =	vst v0  }
0x173: {  	[tilespmem:$0x1448] =	vst v0  }
0x174: {  	[tilespmem:$0x1438] =	vst v0  }
0x175: {  	[tilespmem:$0x1428] =	vst v0  }
0x176: {  	[tilespmem:$0x1418] =	vst v0  }
0x177: {  	[tilespmem:$0x1408] =	vst v0  }
0x178: {  	[tilespmem:$0x13F8] =	vst v0  }
0x179: {  	[tilespmem:$0x13E8] =	vst v0  }
0x17a: {  	[tilespmem:$0x13D8] =	vst v0  }
0x17b: {  	[tilespmem:$0x13C8] =	vst v0  }
0x17c: {  	[tilespmem:$0x13B8] =	vst v0  }
0x17d: {  	[tilespmem:$0x13A8] =	vst v0  }
0x17e: {  	[tilespmem:$0x1398] =	vst v0  }
0x17f: {  	[tilespmem:$0x1388] =	vst v0  }
0x180: {  	[tilespmem:$0x1378] =	vst v0  }
0x181: {  	[tilespmem:$0x1368] =	vst v0  }
0x182: {  	[tilespmem:$0x1358] =	vst v0  }
0x183: {  	[tilespmem:$0x1348] =	vst v0  }
0x184: {  	[tilespmem:$0x1338] =	vst v0  }
0x185: {  	[tilespmem:$0x1328] =	vst v0  }
0x186: {  	[tilespmem:$0x1318] =	vst v0  }
0x187: {  	[tilespmem:$0x1308] =	vst v0  }
0x188: {  	[tilespmem:$0x12F8] =	vst v0  }
0x189: {  	[tilespmem:$0x12E8] =	vst v0  }
0x18a: {  	[tilespmem:$0x12D8] =	vst v0  }
0x18b: {  	[tilespmem:$0x12C8] =	vst v0  }
0x18c: {  	[tilespmem:$0x12B8] =	vst v0  }
0x18d: {  	[tilespmem:$0x12A8] =	vst v0  }
0x18e: {  	[tilespmem:$0x1298] =	vst v0  }
0x18f: {  	[tilespmem:$0x1288] =	vst v0  }
0x190: {  	[tilespmem:$0x1278] =	vst v0  }
0x191: {  	[tilespmem:$0x1268] =	vst v0  }
0x192: {  	[tilespmem:$0x1258] =	vst v0  }
0x193: {  	[tilespmem:$0x1248] =	vst v0  }
0x194: {  	[tilespmem:$0x1238] =	vst v0  }
0x195: {  	[tilespmem:$0x1228] =	vst v0  }
0x196: {  	[tilespmem:$0x1218] =	vst v0  }
0x197: {  	[tilespmem:$0x1208] =	vst v0  }
0x198: {  	[tilespmem:$0x11F8] =	vst v0  }
0x199: {  	[tilespmem:$0x11E8] =	vst v0  }
0x19a: {  	[tilespmem:$0x11D8] =	vst v0  }
0x19b: {  	[tilespmem:$0x11C8] =	vst v0  }
0x19c: {  	[tilespmem:$0x11B8] =	vst v0  }
0x19d: {  	[tilespmem:$0x11A8] =	vst v0  }
0x19e: {  	[tilespmem:$0x1198] =	vst v0  }
0x19f: {  	[tilespmem:$0x1188] =	vst v0  }
0x1a0: {  	[tilespmem:$0x1178] =	vst v0  }
0x1a1: {  	[tilespmem:$0x1168] =	vst v0  }
0x1a2: {  	[tilespmem:$0x1158] =	vst v0  }
0x1a3: {  	[tilespmem:$0x1148] =	vst v0  }
0x1a4: {  	[tilespmem:$0x1138] =	vst v0  }
0x1a5: {  	[tilespmem:$0x1128] =	vst v0  }
0x1a6: {  	[tilespmem:$0x1118] =	vst v0  }
0x1a7: {  	s4 =	stileid.u32;
	[tilespmem:$0x1108] =	vst v0  }
0x1a8: {  	s0 =	smul.u32 $0xB, s4;
	[tilespmem:$0x10F8] =	vst v0  }
0x1a9: {  	s1 =	smin.u32 s4, $0xA;
	[tilespmem:$0x10C8] =	vst v0  }
0x1aa: {  	[tilespmem:$0x10D8] =	vst v0;
	s0 =	sadd.s32 s1, s0  }
0x1ab: {  	p0 =	slt.u32 s4, $0xA;
	[tilespmem:$0x10B8] =	vst v0;
	s1 =	simm.s32 $0x1440;
	s6 =	smul.u32 $0x1B0, s0  }
0x1ac: {  	s1 =	simm.s32 @!p0 $0x1290;
	[tilespmem:$0x1038] =	vst v0  }
0x1ad: {  	[tilespmem:$0x10A8] =	vst v0;
	s0 =	sadd.s32 s1, s6  }
0x1ae: {  	s3 =	simm.s32 $0x2;
	s8 =	simm.s32 $0x9;
	[tilespmem:$0x1098] =	vst v0;
	s7 =	smin.u32 s0, $0x13880  }
0x1af: {  	s10 =	simm.s32 $0xA;
	s30 =	simm.s32 $0xB;
	[tilespmem:$0x1088] =	vst v0;
	s0 =	ssub.s32 s7, s6  }
0x1b0: {  	s16 =	simm.s32 $0x0;
	p4 =	por $0x0, $0x0;
	[tilespmem:$0x1078] =	vst v0;
	p0 =	sgt.s32 s0, $0x0  }
0x1b1: {  	s17 =	simm.s32 $0xC;
	s21 =	simm.s32 $0x0;
	[tilespmem:$0x1058] =	vst v0;
	s0 =	simm.s32 @!p0 $0x0  }
0x1b2: {  	s18 =	simm.s32 $0x0;
	s2 =	sand.u32 $0x1, s2;
	[tilespmem:$0x1048] =	vst v0;
	s29 =	smulhi.u32 $0x4BDA12F7, s0  }
0x1b3: {  	s20 =	simm.s32 $0x0;
	s31 =	sshll.u32 s4, $0x5;
	[tilespmem:$0x1018] =	vst v0;
	[dreg:$0x5] =	wrdreg s2  }
0x1b4: {  	s2 =	smul.u32 $0x2710, s2;
	[tilespmem:$0x1008] =	vst v0;
	[sflag:s3] =	ssyncpa.u1 $0x0;
	s1 =	sshrl.u32 s29, $0x7  }
0x1b5: {  	v0 =	vimm.s32 $0xFFFFFFFF;
	s3 =	sadd.s32 $0x5EE00, s11;
	[dreg:$0x4] =	wrdreg s31;
	s5 =	smul.u32 $0x1B0, s1  }
.Ltmp0:
0x1b6: {  	[tilespmem:$0x3648] =	vst v0;
	[sflag:s8] =	ssyncpa.u1 $0x0;
	s2 =	sadd.s32 s2, s11;
	(pc) =	sbr.rel .LBB2_1-.Ltmp0, $4  }
0x1b7: {  	[sflag:s10] =	ssyncpa.u1 $0x0;
	s11 =	sadd.s32 $0x3B3C00, s11;
	p0 =	sne.s32 s0, s5  }
0x1b8: {  	[sflag:s30] =	ssyncpa.u1 $0x0;
	s14 =	sadd.s32 $0x25C00, s2;
	s12 =	simm.s32 @!p0 $0x0  }
0x1b9: {  	s15 =	sadd.s32 $0x20C00, s2;
	s19 =	smov.u32 s6;
	s12 =	sadd.s32 s12, s1  }
0x1ba: {  	v0 =	vlaneseq.u32;
	[dreg:$0x6] =	wrdreg s6;
	p0 =	por $0x1, $0x1;
	s4 =	sadd.s32 $0x1, s12  }
.LBB2_18:
0x1bb: {  	s0 =	simm.s32 $0x2  }
0x1bc: {  	_ =	swait.ge [sflag:s0], $0x0  }
0x1bd: {  	[sflag:s0] =	ssyncset.done $0x0;
	s0 =	simm.s32 $0x0  }
.LBB2_19:
0x1be: {  	_ =	swait.ge [sflag:s17], s0  }
0x1bf: {  	s31 =	ssub.s32 $0x0, s0;
	v1 =	vmov s23;
	vm0 =	veq.s32 v0, $0x0;
	[sflag:s17] =	ssyncset.done $0x0  }
0x1c0: {  	vm15 =	veq.s32 v0, $0x2;
	v1 =	vsel vm0, s28, v1;
	[sflag:s17] =	ssyncadd.s32 s31  }
0x1c1: {  	v1 =	vsel vm15, s21, v1;
	[sflag:s17] =	ssyncpa.u1 $0x1  }
0x1c2: {  	[tilespmem:$0x3648] =	vst v1  }
.LBB2_20:
0x1c3: {  	s0 =	sadd.s32 $0x1B0, s19  }
0x1c4: {  	s1 =	smov.u32 s6;
	p1 =	slt.s32 s0, s7  }
0x1c5: {  	s1 =	smov.u32 @p1 s0;
	p1 =	sne.s32 s20, s4  }
.Ltmp1:
0x1c6: {  	_ = 	snop;
	(pc) =	sbr.rel @!p1 .LBB2_21-.Ltmp1, $4  }
0x1c7: {  	_ = 	snop  }
0x1c8: {  	s21 =	smov.u32 s18  }
0x1c9: {  	s31 =	sadd.s32 $0x1, s20;
	s18 =	smov.u32 s19;
	p0 =	por !p0, !p0  }
0x1ca: {  	p4 =	por !p4, !p4;
	s20 =	smov.u32 s31;
	s19 =	smov.u32 s1  }
.LBB2_1:
0x1cb: {  	p2 =	sge.u32 s20, s12  }
0x1cc: {  	s0 =	smulhi.u32 @!p2 $0xAAAAAAAB, s20  }
0x1cd: {  	s1 =	smov.u32 s19;
	p3 =	sgt.s32 @!p2 s19, $0x136D0  }
0x1ce: {  	s2 =	sshra.s32 @!p2 s19, $0x1F;
	p3 =	por !p3, p2;
	s0 =	sshrl.u32 @!p2 s0, $0x1  }
0x1cf: {  	s2 =	sand.u32 @!p2 s2, s19;
	s1 =	simm.s32 @p3 $0x136D0;
	s0 =	smul.u32 @!p2 $0x3, s0  }
0x1d0: {  	s1 =	ssub.s32 @!p2 s1, s2  }
0x1d1: {  	s23 =	sadd.s32 $0xFFFFFFFF, s20;
	s1 =	sadd.s32 @!p2 $0xFFFEC930, s1;
	s0 =	ssub.s32 @!p2 s20, s0  }
0x1d2: {  	s2 =	sshll.u32 @!p2 s1, $0x2;
	p3 =	sgt.s32 @!p2 s1, $0x1AF;
	s0 =	smul.u32 @!p2 $0x6C0, s0  }
0x1d3: {  	s5 =	sand.u32 @!p2 $0x7, s19;
	s1 =	ssub.s32 @!p2 $0x6C0, s2;
	p3 =	por !p3, p2  }
0x1d4: {  	s2 =	sshrl.u32 @!p2 s19, $0x3;
	s1 =	sshrl.u32 @!p2 s1, $0x2;
	s0 =	sshrl.u32 @!p2 s0, $0x2  }
0x1d5: {  	s2 =	sadd.s32 @!p2 s2, s14;
	s1 =	simm.s32 @!p3 $0x0;
	s0 =	sadd.s32 @!p2 $0x3888, s0  }
0x1d6: {  	[tilespmem:s0], [sflag:$0xA] =	stream.linear.gather @!p2 [hbm4b:s2+s5], s1, $0x38;
	[tilespmem:$0x1F0F8] =	vst v63  }
0x1d7: {  	p2 =	sge.u32 s23, s12  }
0x1d8: {  	p3 =	sgt.s32 @!p2 s18, $0x136D0  }
0x1d9: {  	s0 =	smov.u32 s18;
	s1 =	sshra.s32 @!p2 s18, $0x1F;
	p3 =	por !p3, p2  }
0x1da: {  	s1 =	sand.u32 @!p2 s1, s18;
	s0 =	simm.s32 @p3 $0x136D0  }
0x1db: {  	s0 =	ssub.s32 @!p2 s0, s1  }
0x1dc: {  	s0 =	sadd.s32 @!p2 $0xFFFEC930, s0  }
0x1dd: {  	s1 =	sshll.u32 @!p2 s0, $0x2  }
0x1de: {  	p3 =	sgt.s32 @!p2 s0, $0x1AF;
	s0 =	ssub.s32 @!p2 $0x6C0, s1  }
0x1df: {  	s22 =	ssub.s32 @!p2 $0x13880, s18;
	p3 =	por !p3, p2;
	s0 =	sshrl.u32 @!p2 s0, $0x2  }
0x1e0: {  	s1 =	sand.u32 @!p2 $0x1, s23;
	s0 =	simm.s32 @!p3 $0x0;
	p3 =	slt.s32 @!p2 s22, $0x1  }
0x1e1: {  	s2 =	simm.s32 @!p2 $0xA;
	s1 =	smul.u32 @!p2 $0x6C0, s1;
	p3 =	por p2, p3  }
.Ltmp2:
0x1e2: {  	_ =	swait.ge @!p2 [sflag:s2], s0;
	(pc) =	sbr.rel @p3 .LBB2_7-.Ltmp2, $4  }
0x1e3: {  	s5 =	ssub.s32 @!p2 $0x0, s0;
	[sflag:s2] =	ssyncset.done @!p2 $0x0  }
0x1e4: {  	s1 =	sshrl.u32 @!p2 s1, $0x2;
	[sflag:s2] =	ssyncadd.s32 @!p2 s5;
	s2 =	sshrl.u32 @!p2 s18, $0x3  }
0x1e5: {  	s1 =	sadd.s32 @!p2 $0x3D98, s1;
	s5 =	sand.u32 @!p2 $0x7, s18;
	s2 =	sadd.s32 @!p2 s2, s15  }
0x1e6: {  	[tilespmem:s1], [sflag:$0xB] =	stream.linear.gather @!p2 [hbm4b:s2+s5], s0, $0x38;
	[tilespmem:$0x1F0F8] =	vst v63  }
0x1e7: {  	s0 =	smulhi.u32 $0xAAAAAAAB, s23;
	_ =	sdelay $0x1  }
0x1e8: {  	s0 =	sshrl.u32 s0, $0x1  }
0x1e9: {  	s0 =	smul.u32 $0x3, s0;
	_ =	sdelay $0x1  }
0x1ea: {  	s0 =	ssub.s32 s23, s0  }
0x1eb: {  	s1 =	simm.s32 $0x1;
	s0 =	smul.u32 $0x6C0, s0  }
.Ltmp3:
0x1ec: {  	s1 =	simm.s32 @!p0 $0x0;
	(pc) =	sbr.rel .LBB2_4-.Ltmp3, $4  }
0x1ed: {  	s1 =	smul.u32 $0x36000, s1  }
0x1ee: {  	p3 =	slt.s32 @!p2 s22, $0x1B0;
	s0 =	sshrl.u32 s0, $0x2  }
0x1ef: {  	p2 =	por !p3, p2;
	s1 =	sshrl.u32 s1, $0x2;
	s0 =	sadd.s32 $0x3888, s0  }
0x1f0: {  	s24 =	simm.s32 $0x0;
	s22 =	simm.s32 @p2 $0x1B0;
	s23 =	sadd.s32 $0x40F8, s1;
	v1 =	vmov s0  }
.LBB2_3:
0x1f1: {  	p2 =	sge.s32 s24, s22  }
.Ltmp4:
0x1f2: {  	_ = 	snop;
	(pc) =	sbr.rel @p2 .LBB2_7-.Ltmp4, $2  }
0x1f3: {  	_ =	sdelay $0x2  }
0x1f4: {  	s23 =	sadd.s32 $0x800, s23  }
.LBB2_4:
0x1f5: {  	p2 =	sle.s32 s22, s24  }
.Ltmp5:
0x1f6: {  	_ = 	snop;
	(pc) =	sbr.rel @p2 .LBB2_3-.Ltmp5, $2  }
0x1f7: {  	_ =	sdelay $0x2  }
0x1f8: {  	s0 =	smov.u32 s24;
	s24 =	sadd.s32 $0x10, s24  }
0x1f9: {  	s1 =	ssub.s32 s22, s0  }
0x1fa: {  	p2 =	slt.s32 s1, $0x10  }
0x1fb: {  	s1 =	simm.s32 @!p2 $0x10  }
0x1fc: {  	v2 =	vmov s1  }
0x1fd: {  	vm0 =	vgt.s32 v2, v0;
	_ =	sdelay $0x5  }
0x1fe: {  	v2 =	vld.idx.msk [tilespmem:v1+s0+$0x0 ss:$0x1], vm0;
	_ =	sdelay $0x2  }
0x1ff: {  	p2 =	slt.s32 s24, s22;
	s1 =	smov.u32 s22  }
0x200: {  	s2 =	smov.u32 s23;
	s25 =	simm.s32 $0x0;
	s1 =	smov.u32 @p2 s24  }
.LBB2_6:
0x201: {  	(v2sf) =	vpush v2, s25;
	_ =	sdelay $0xc  }
0x202: {  	s25 =	sadd.s32 $0x1, s25  }
0x203: {  	s31 =	sadd.s32 s25, s0  }
0x204: {  	p2 =	slt.s32 s31, s1;
	s5 =	spop (v2sf)  }
.Ltmp6:
0x205: {  	s5 =	sshll.u32 s5, $0x4;
	(pc) =	sbr.rel @p2 .LBB2_6-.Ltmp6, $4  }
0x206: {  	s5 =	sand.u32 $0x1FFFFFF0, s5  }
0x207: {  	s5 =	sadd.s32 s11, s5  }
0x208: {  	[tilespmem:s2], [sflag:$0x9] =	stream.linear.gather [hbm4b:s5+s16], $0x4, $0x38;
	[tilespmem:$0x1F0F8] =	vst v63  }
0x209: {  	s2 =	sadd.s32 $0x80, s2  }
.Ltmp7:
0x20a: {  	_ = 	snop;
	(pc) =	sbr.rel .LBB2_3-.Ltmp7, $1  }
0x20b: {  	_ =	sdelay $0x3  }
.LBB2_7:
0x20c: {  	p2 =	slt.u32 s20, $0x2  }
.Ltmp8:
0x20d: {  	_ = 	snop;
	(pc) =	sbr.rel @p2 .LBB2_20-.Ltmp8, $1  }
0x20e: {  	_ =	sdelay $0x3  }
0x20f: {  	p2 =	sgt.s32 s21, $0x136D0  }
0x210: {  	s0 =	smov.u32 s21;
	s1 =	sshra.s32 s21, $0x1F;
	s2 =	ssub.s32 $0x13880, s21  }
0x211: {  	s0 =	simm.s32 @!p2 $0x136D0;
	s1 =	sand.u32 s1, s21;
	p2 =	slt.s32 s2, $0x1B0  }
0x212: {  	s0 =	ssub.s32 s0, s1;
	s2 =	simm.s32 @!p2 $0x1B0  }
0x213: {  	s0 =	sadd.s32 $0xFFFEC930, s0;
	s24 =	sshll.u32 s2, $0x2  }
0x214: {  	s28 =	simm.s32 $0x9;
	s25 =	sshll.u32 s0, $0x2;
	s1 =	sand.u32 $0x3FFFFFFC, s24  }
0x215: {  	p2 =	sgt.s32 s0, $0x1AF;
	s26 =	ssub.s32 $0x6C0, s25;
	_ =	swait.ge [sflag:s28], s1  }
0x216: {  	s1 =	ssub.s32 $0x0, s1;
	[sflag:s28] =	ssyncset.done $0x0;
	s0 =	sshrl.u32 s26, $0x2  }
0x217: {  	s30 =	simm.s32 $0xB;
	[sflag:s28] =	ssyncadd.s32 s1;
	s0 =	simm.s32 @p2 $0x0  }
0x218: {  	_ =	swait.ge [sflag:s30], s0  }
0x219: {  	s0 =	ssub.s32 $0x0, s0;
	[sflag:s30] =	ssyncset.done $0x0  }
0x21a: {  	[sflag:s30] =	ssyncadd.s32 s0  }
0x21b: {  	v1 =	vld [tilespmem:$0x3648];
	_ =	sdelay $0x4  }
0x21c: {  	(v2sf) =	vpush v1, $0x0  }
0x21d: {  	(v2sf) =	vpush v1, $0x1  }
0x21e: {  	(v2sf) =	vpush v1, $0x2;
	_ =	sdelay $0x3  }
0x21f: {  	s0 =	sadd.s32 $0x1B0, s21  }
0x220: {  	s1 =	ssub.s32 $0x27100, s21;
	p2 =	slt.s32 s7, s0  }
0x221: {  	s0 =	smov.u32 @p2 s7;
	p2 =	sgt.s32 s1, $0x0  }
0x222: {  	s25 =	ssub.s32 s0, s21;
	s1 =	simm.s32 @!p2 $0x0  }
0x223: {  	p2 =	slt.s32 s1, s25  }
0x224: {  	s25 =	smov.u32 @p2 s1  }
0x225: {  	s24 =	simm.s32 $0x1;
	p2 =	slt.s32 s25, $0x1  }
.Ltmp9:
0x226: {  	s24 =	simm.s32 @!p4 $0x0;
	(pc) =	sbr.rel @p2 .LBB2_12-.Ltmp9, $4  }
0x227: {  	s31 =	smul.u32 $0x6C0, s24  }
0x228: {  	s26 =	spop (v2sf)  }
0x229: {  	s0 =	sshrl.u32 s31, $0x2;
	s29 =	spop (v2sf)  }
0x22a: {  	s22 =	sadd.s32 $0x3D98, s0;
	s21 =	spop (v2sf)  }
0x22b: {  	s0 =	smin.u32 s25, $0x10  }
0x22c: {  	v1 =	vmov s0  }
0x22d: {  	p3 =	sgt.s32 s25, $0x10;
	vm1 =	vgt.u32 v1, v0  }
.Ltmp10:
0x22e: {  	_ = 	snop;
	(pc) =	sbr.rel @!p3 .LBB2_11-.Ltmp10, $2  }
0x22f: {  	_ =	sdelay $0x2  }
0x230: {  	s23 =	simm.s32 $0x10;
	s28 =	sadd.s32 $0xFFFFFFF0, s25;
	s0 =	smov.u32 s22;
	vm0 =	vmmov vm1  }
.LBB2_10:
0x231: {  	s1 =	smin.u32 s28, $0x10;
	s23 =	sadd.s32 $0x10, s23;
	v1 =	vld.msk [tilespmem:s0+$0x0 ss:$0x1], vm1  }
0x232: {  	v2 =	vmov s1;
	p3 =	slt.s32 s23, s25  }
0x233: {  	vm1 =	vgt.u32 v2, v0  }
.Ltmp11:
0x234: {  	(pc) =	sbr.rel @p3 .LBB2_10-.Ltmp11, $3  }
0x235: {  	_ =	sdelay $0x1  }
0x236: {  	v1 =	vshll.u32 v1, $0x4  }
0x237: {  	s28 =	sadd.s32 $0xFFFFFFF0, s28;
	[tilespmem:s0+$0x0] =	vst.msk vm0, v1;
	s0 =	sadd.s32 $0x10, s0;
	vm0 =	vmmov vm1  }
.LBB2_11:
0x238: {  	_ =	sdelay $0x4  }
0x239: {  	v1 =	vld.msk [tilespmem:s0+$0x0 ss:$0x1], vm1;
	_ =	sdelay $0x4  }
0x23a: {  	v1 =	vshll.u32 v1, $0x4  }
0x23b: {  	[tilespmem:s0+$0x0] =	vst.msk vm0, v1  }
.LBB2_12:
0x23c: {  	s0 =	sand.u32 $0x1, s20  }
0x23d: {  	s0 =	smul.u32 $0x1B0, s0  }
0x23e: {  	p3 =	sne.s32 s29, $0xFFFFFFFF  }
0x23f: {  	v1 =	vld.msk @!p3 [tilespmem:s0+$0x3D98], $0x1;
	_ =	sdelay $0x4  }
0x240: {  	(v2sf) =	vpush @!p3 v1, $0x0;
	_ =	sdelay $0xc  }
.Ltmp12:
0x241: {  	_ = 	snop;
	(pc) =	sbr.rel @p2 .LBB2_18-.Ltmp12, $4  }
0x242: {  	_ = 	snop  }
0x243: {  	s28 =	spop @!p3 (v2sf)  }
0x244: {  	s21 =	simm.s32 @!p3 $0x0;
	s23 =	smov.u32 s28  }
0x245: {  	[sflag:s17] =	ssyncpa.u1 $0x0;
	s28 =	smov.u32 @p3 s26;
	s23 =	smov.u32 @p3 s29  }
0x246: {  	v1 =	vld.msk [tilespmem:s22+$0x0], $0x1;
	_ =	sdelay $0x4  }
0x247: {  	(v2sf) =	vpush v1, $0x0;
	_ =	sdelay $0xe  }
0x248: {  	s0 =	simm.s32 @!p4 $0x0;
	s26 =	smul.u32 $0x36000, s24;
	s31 =	spop (v2sf)  }
0x249: {  	s29 =	ssub.s32 $0x0, s25;
	s0 =	simm.s32 @p4 $0x1;
	p2 =	seq.s32 s28, s31  }
0x24a: {  	s1 =	smov.u32 s28;
	[smem:$0x7FD] =	sst s0;
	p3 =	sgt.s32 @!p2 s28, $0x0  }
0x24b: {  	s0 =	sshrl.u32 s26, $0x2;
	s26 =	sadd.s32 $0x1, s29;
	p3 =	por !p3, p2  }
0x24c: {  	s1 =	simm.s32 @p3 $0x0;
	p3 =	seq.s32 s26, $0x0  }
.Ltmp13:
0x24d: {  	_ = 	snop;
	(pc) =	sbr.rel @p3 .LBB2_15-.Ltmp13, $4  }
0x24e: {  	s6 =	smov.u32 s4;
	s25 =	simm.s32 $0x0  }
0x24f: {  	s24 =	sadd.s32 $0x40F8, s0;
	s0 =	simm.s32 @!p2 $0x1;
	s2 =	smin.u32 @!p2 s1, $0x27FFF  }
0x250: {  	s30 =	sadd.s32 $0x1, s22;
	s0 =	smov.u32 @p2 s25;
	s5 =	sand.u32 @!p2 $0x3FFF8, s2  }
0x251: {  	s1 =	simm.s32 @!p2 $0x1B38;
	s2 =	sand.u32 @!p2 $0x7, s2;
	s5 =	sadd.s32 @!p2 s3, s5  }
.LBB2_14:
0x252: {  	s4 =	smov.u32 s0  }
0x253: {  	[tilespmem:s1], [sflag:$0x2] =	stream.linear.gather @!p2 [hbm4b:s5+s2], $0x4, $0x38;
	[tilespmem:$0x1F0F8] =	vst v63  }
0x254: {  	s26 =	sadd.s32 $0x1, s26;
	s2 =	smov.u32 s31;
	v1 =	vld.msk [tilespmem:s30+$0x0], $0x1  }
0x255: {  	p3 =	seq.s32 s26, $0x0;
	_ =	sdelay $0x3  }
0x256: {  	(v2sf) =	vpush v1, $0x0;
	_ =	sdelay $0xe  }
0x257: {  	s31 =	spop (v2sf)  }
0x258: {  	p2 =	seq.s32 s2, s31  }
0x259: {  	p4 =	sgt.s32 @!p2 s2, $0x0;
	s1 =	sshll.u32 @!p2 s0, $0x6;
	s0 =	sadd.s32 @!p2 $0x1, s0  }
.Ltmp14:
0x25a: {  	p4 =	por !p4, p2;
	s1 =	sshra.s32 @!p2 s1, $0x2;
	(pc) =	sbr.rel @!p3 .LBB2_14-.Ltmp14, $4  }
0x25b: {  	s0 =	smov.u32 @p2 s4;
	s2 =	simm.s32 @p4 $0x0;
	s1 =	sadd.s32 @!p2 $0x1B38, s1  }
0x25c: {  	s2 =	smin.u32 @!p2 s2, $0x27FFF  }
0x25d: {  	s4 =	sand.u32 @!p2 $0x3FFF8, s2;
	s2 =	sand.u32 @!p2 $0x7, s2  }
0x25e: {  	s30 =	sadd.s32 $0x1, s30;
	s5 =	sadd.s32 @!p2 s3, s4  }
.LBB2_15:
0x25f: {  	[tilespmem:s1], [sflag:$0x2] =	stream.linear.gather @!p2 [hbm4b:s5+s2], $0x4, $0x38;
	[tilespmem:$0x1F0F8] =	vst v63  }
0x260: {  	s0 =	sshll.u32 s0, $0x2  }
0x261: {  	s31 =	simm.s32 $0x2;
	s0 =	sand.u32 $0x3FFFFFFC, s0  }
0x262: {  	_ =	swait.ge [sflag:s31], s0  }
0x263: {  	s0 =	ssub.s32 $0x0, s0;
	[sflag:s31] =	ssyncset.done $0x0  }
0x264: {  	[sflag:s31] =	ssyncadd.s32 s0  }
0x265: {  	v1 =	vld.msk [tilespmem:s22+$0x0], $0x1;
	_ =	sdelay $0x4  }
0x266: {  	(v2sf) =	vpush v1, $0x0;
	_ =	sdelay $0xe  }
0x267: {  	s26 =	spop (v2sf)  }
0x268: {  	p2 =	sne.s32 s28, s26  }
0x269: {  	p4 =	sne.s32 @p2 s28, s23  }
0x26a: {  	p3 =	por !p4, !p2  }
0x26b: {  	s0 =	simm.s32 @!p3 $0x0  }
0x26c: {  	v1 =	vld.msk @!p3 [tilespmem:s0+$0x1B38], $0xf  }
0x26d: {  	p5 =	sgt.u32 @!p3 s28, $0x27FFF  }
0x26e: {  	s1 =	sshll.u32 @!p3 s21, $0x6;
	p6 =	por @p2 p5, !p4  }
0x26f: {  	s1 =	sshra.s32 @!p3 s1, $0x2;
	p1 =	por p6, !p2;
	p6 =	por p4, !p2  }
0x270: {  	s2 =	sadd.s32 @!p3 $0x28, s1;
	s4 =	sand.u32 @!p1 $0x3FFF8, s28;
	s5 =	sshll.u32 @!p6 s21, $0x6  }
0x271: {  	s28 =	sand.u32 @!p1 $0x7, s28;
	[tilespmem:s1+$0x28] =	vst.add.f32.msk @!p3 $0xf, v1;
	s1 =	sadd.s32 @!p1 s3, s4;
	s4 =	sshra.s32 @!p6 s5, $0x2  }
0x272: {  	[hbm4b:s1+s28] =	stream.linear.scatter @!p1 [tilespmem:s2], [sflag:$0xC], $0x4, $0x38;
	[tilespmem:$0x1F0F8] =	vst v63  }
0x273: {  	s0 =	rddreg [dreg:$0x4];
	s1 =	sadd.s32 @!p6 $0x28, s4;
	s2 =	simm.s32 @!p6 $0x1  }
0x274: {  	[spmem:s0] =	stream.linear.scatter @!p6 [tilespmem:s1], [sflag:$0x1], $0x4, $0x38;
	[tilespmem:$0x1F0F8] =	vst v63  }
0x275: {  	s0 =	sadd.s32 @p2 $0x1, s21;
	_ =	swait.ge @!p6 [sflag:s2], $0x4  }
0x276: {  	s1 =	sshrl.u32 @p2 s0, $0x4;
	[sflag:s2] =	ssyncset.done @!p6 $0x0  }
0x277: {  	s1 =	smulhi.u32 @p2 $0x97B425F, s1;
	[sflag:s2] =	ssyncadd.s32 @!p6 $0xFFFFFFFC  }
0x278: {  	s28 =	sadd.s32 $0x1, s29;
	v1 =	vld.msk @p2 [tilespmem:s24+$0x0], $0xf  }
0x279: {  	p1 =	por @p2 !p5, !p4;
	p4 =	seq.s32 s28, $0x0;
	s1 =	smul.u32 @p2 $0x1B0, s1  }
.Ltmp15:
0x27a: {  	p1 =	por !p1, !p2;
	s2 =	simm.s32 @!p3 $0x0;
	(pc) =	sbr.rel @p4 .LBB2_17-.Ltmp15, $4  }
0x27b: {  	s4 =	sshll.u32 @!p2 s21, $0x6;
	s2 =	simm.s32 @!p1 $0x10;
	s0 =	ssub.s32 @p2 s0, s1  }
0x27c: {  	s29 =	simm.s32 $0x0;
	s2 =	sadd.s32 @!p3 $0x0, s2;
	s5 =	sshll.u32 @p2 s0, $0x4  }
0x27d: {  	s30 =	sshra.s32 @!p2 s4, $0x2;
	s1 =	simm.s32 @p2 $0x1;
	s2 =	smov.u32 @p3 s25;
	[tilespmem:s5+$0x28] =	vst.msk @p2 $0xf, v1  }
0x27e: {  	s21 =	smov.u32 @p2 s0;
	s29 =	smov.u32 @p2 s2;
	s25 =	smov.u32 @p2 s1;
	v1 =	vld.msk @!p2 [tilespmem:s24+$0x0], $0xf  }
.LBB2_16:
0x27f: {  	_ =	sdelay $0x3  }
0x280: {  	s22 =	sadd.s32 $0x1, s22;
	[tilespmem:s30+$0x28] =	vst.add.f32.msk @!p2 $0xf, v1  }
0x281: {  	v1 =	vld.msk [tilespmem:s22+$0x0], $0x1;
	_ =	sdelay $0x4  }
0x282: {  	(v2sf) =	vpush v1, $0x0;
	_ =	sdelay $0xe  }
0x283: {  	s0 =	smov.u32 s26;
	s26 =	spop (v2sf)  }
0x284: {  	p2 =	sne.s32 s0, s26  }
0x285: {  	p5 =	sne.s32 @p2 s0, s23  }
0x286: {  	s4 =	sshll.u32 @!p2 s21, $0x6;
	p4 =	por !p5, !p2  }
0x287: {  	s30 =	sshra.s32 @!p2 s4, $0x2;
	s4 =	sshll.u32 @!p4 s25, $0x6  }
0x288: {  	s4 =	sshra.s32 @!p4 s4, $0x2  }
0x289: {  	p1 =	sgt.u32 @!p4 s0, $0x27FFF;
	v1 =	vld.msk @!p4 [tilespmem:s4+$0x1B38], $0xf  }
0x28a: {  	s31 =	sshll.u32 @!p4 s21, $0x6;
	p6 =	por @p2 p1, !p5;
	p1 =	por @p2 !p1, !p5  }
0x28b: {  	s8 =	simm.s32 @!p4 $0x0;
	s31 =	sshra.s32 @!p4 s31, $0x2;
	p1 =	por !p1, !p2  }
0x28c: {  	p5 =	por p5, !p2;
	s8 =	simm.s32 @!p1 $0x10;
	p1 =	por p6, !p2  }
0x28d: {  	s4 =	sadd.s32 @!p4 $0x28, s31;
	s13 =	sshll.u32 @!p5 s21, $0x6;
	s10 =	sand.u32 @!p1 $0x3FFF8, s0  }
0x28e: {  	s13 =	sshra.s32 @!p5 s13, $0x2;
	s0 =	sand.u32 @!p1 $0x7, s0;
	s10 =	sadd.s32 @!p1 s3, s10;
	[tilespmem:s31+$0x28] =	vst.add.f32.msk @!p4 $0xf, v1  }
0x28f: {  	[hbm4b:s10+s0] =	stream.linear.scatter @!p1 [tilespmem:s4], [sflag:$0xC], $0x4, $0x38;
	[tilespmem:$0x1F0F8] =	vst v63  }
0x290: {  	s1 =	rddreg [dreg:$0x4];
	s0 =	sadd.s32 @!p5 $0x28, s13;
	s4 =	simm.s32 @!p5 $0x1  }
0x291: {  	[spmem:s1] =	stream.linear.scatter @!p5 [tilespmem:s0], [sflag:$0x1], $0x4, $0x38;
	[tilespmem:$0x1F0F8] =	vst v63  }
0x292: {  	s2 =	sadd.s32 @p2 $0x1, s21;
	_ =	swait.ge @!p5 [sflag:s4], $0x4  }
0x293: {  	s5 =	sshrl.u32 @p2 s2, $0x4;
	[sflag:s4] =	ssyncset.done @!p5 $0x0  }
0x294: {  	s24 =	sadd.s32 $0x80, s24;
	s5 =	smulhi.u32 @p2 $0x97B425F, s5;
	[sflag:s4] =	ssyncadd.s32 @!p5 $0xFFFFFFFC  }
0x295: {  	s28 =	sadd.s32 $0x1, s28;
	v1 =	vld.msk @p2 [tilespmem:s24+$0x0], $0xf  }
0x296: {  	p3 =	seq.s32 s28, $0x0;
	s5 =	smul.u32 @p2 $0x1B0, s5  }
.Ltmp16:
0x297: {  	_ = 	snop;
	(pc) =	sbr.rel @!p3 .LBB2_16-.Ltmp16, $4  }
0x298: {  	s2 =	ssub.s32 @p2 s2, s5  }
0x299: {  	s8 =	sadd.s32 @!p4 s8, s29;
	s5 =	sshll.u32 @p2 s2, $0x4  }
0x29a: {  	s9 =	sadd.s32 @p2 $0x1, s25;
	s8 =	smov.u32 @p4 s29;
	[tilespmem:s5+$0x28] =	vst.msk @p2 $0xf, v1  }
0x29b: {  	s25 =	smov.u32 @p2 s9;
	s21 =	smov.u32 @p2 s2;
	s29 =	smov.u32 @p2 s8;
	v1 =	vld.msk @!p2 [tilespmem:s24+$0x0], $0xf  }
.LBB2_17:
.Ltmp17:
0x29c: {  	_ = 	snop;
	(pc) =	sbr.rel .LBB2_19-.Ltmp17, $3  }
0x29d: {  	s1 =	sld [smem:$0x7FD];
	_ =	sdelay $0x1  }
0x29e: {  	s0 =	sshrl.u32 s29, $0x2;
	s28 =	smov.u32 s26  }
0x29f: {  	s4 =	smov.u32 s6;
	s6 =	rddreg [dreg:$0x6];
	p4 =	seq.s32 s1, $0x1;
	[tilespmem:s30+$0x28] =	vst.add.f32.msk @!p2 $0xf, v1  }
.LBB2_21:
0x2a0: {  	_ =	sfence.sel $0x180000  }
0x2a1: {  	s0 =	simm.s32 $0x9;
	[bflag:$0x0] =	sbarrier.arrive $0xFFFF  }
0x2a2: {  	s24 =	simm.s32 $0xA;
	[sflag:s0] =	ssyncpa.u1 $0x1  }
0x2a3: {  	s25 =	simm.s32 $0xB;
	[sflag:s24] =	ssyncpa.u1 $0x1  }
0x2a4: {  	s26 =	simm.s32 $0x2;
	[sflag:s25] =	ssyncpa.u1 $0x1  }
0x2a5: {  	[sflag:s26] =	ssyncpa.u1 $0x1  }
0x2a6: {  	v0 =	vld [tilespmem:$0x3648];
	_ =	sdelay $0x4  }
0x2a7: {  	(v2sf) =	vpush v0, $0x0  }
0x2a8: {  	(v2sf) =	vpush v0, $0x1;
	_ =	sdelay $0x1  }
0x2a9: {  	(v2sf) =	vpush v0, $0x2;
	_ =	sdelay $0xb  }
0x2aa: {  	s0 =	spop (v2sf)  }
0x2ab: {  	s1 =	spop (v2sf)  }
0x2ac: {  	s2 =	smov.u32 s0;
	p0 =	sne.s32 s0, s1  }
0x2ad: {  	s4 =	spop (v2sf);
	s2 =	simm.s32 @!p0 $0xFFFFFFFF  }
0x2ae: {  	v2 =	vimm.s32 $0x1;
	v3 =	vlaneseq.u32;
	p0 =	seq.s32 s4, $0xFFFFFFFF;
	v1 =	vmov s2  }
0x2af: {  	s16 =	stileid.u32;
	v0 =	vperm.xlane v0, v2;
	p1 =	sne.s32 @!p0 s0, s1;
	v1 =	vperm.xlane v1, v3  }
0x2b0: {  	vm0 =	vcmask $0x3F04;
	s6 =	simm.s32 $0x3648;
	s0 =	simm.s32 @!p0 $0x1;
	p1 =	por !p1, p0  }
0x2b1: {  	s2 =	sshll.u32 s16, $0x1;
	s1 =	sshll.u32 @!p0 s4, $0x6;
	s0 =	simm.s32 @p1 $0x0;
	v0 =	vsel vm0, v1, v0  }
0x2b2: {  	s5 =	sor.u32 $0x200, s2;
	s1 =	sshra.s32 @!p0 s1, $0x2;
	s0 =	sor.u32 @!p0 s0, s2;
	[tilespmem:$0x3648] =	vst v0  }
0x2b3: {  	[spmem:s5] =	stream.linear.scatter [tilespmem:s6], [sflag:$0x1], $0x2, $0x38;
	[tilespmem:$0x1F0F8] =	vst v63  }
0x2b4: {  	s1 =	sadd.s32 @!p0 $0x28, s1;
	s0 =	sshll.u32 @!p0 s0, $0x4  }
0x2b5: {  	[spmem:s0] =	stream.linear.scatter @!p0 [tilespmem:s1], [sflag:$0x1], $0x10, $0x38;
	[tilespmem:$0x1F0F8] =	vst v63  }
0x2b6: {  	s0 =	simm.s32 @!p0 $0x12  }
0x2b7: {  	s28 =	simm.s32 $0x1;
	s0 =	simm.s32 @p0 $0x2  }
0x2b8: {  	_ =	swait.ge [sflag:s28], s0  }
0x2b9: {  	s0 =	ssub.s32 $0x0, s0;
	[sflag:s28] =	ssyncset.done $0x0  }
0x2ba: {  	p0 =	sne.s32 s16, $0x0;
	[sflag:s28] =	ssyncadd.s32 s0  }
.Ltmp18:
0x2bb: {  	_ =	sfence.stream.spmem;
	(pc) =	sbr.rel @p0 .LBB2_38-.Ltmp18, $4  }
0x2bc: {  	s29 =	simm.s32 $0x3;
	[bflag:$0x0] =	sbarrier.arrive $0xFFFF  }
0x2bd: {  	s30 =	simm.s32 $0x4;
	[sflag:s29] =	ssyncpa.u1 $0x1  }
0x2be: {  	s31 =	simm.s32 $0x3C;
	[sflag:s30] =	ssyncpa.u1 $0x1  }
0x2bf: {  	s17 =	rddreg [dreg:$0x5];
	[sflag:s31] =	ssyncpa.u1 $0x1  }
0x2c0: {  	_ =	sfence.stream.spmem;
	s0 =	simm.s32 $0x5  }
0x2c1: {  	s1 =	simm.s32 $0x200;
	s2 =	simm.s32 $0x3658;
	[sflag:s0] =	ssyncpa.u1 $0x0  }
0x2c2: {  	[tilespmem:s2], [sflag:$0x5] =	stream.linear.gather [spmem:s1], $0x20, $0x38;
	[tilespmem:$0x1F0F8] =	vst v63  }
0x2c3: {  	s26 =	simm.s32 $0x0;
	s28 =	simm.s32 $0x3678  }
0x2c4: {  	[tilespmem:s28], [sflag:$0x5] =	stream.linear.gather [spmem:s26], $0x200, $0x38;
	[tilespmem:$0x1F0F8] =	vst v63  }
0x2c5: {  	_ =	swait.ge [sflag:s0], $0x220  }
0x2c6: {  	[sflag:s0] =	ssyncset.done $0x0  }
0x2c7: {  	s29 =	simm.s32 $0x0;
	[sflag:s0] =	ssyncadd.s32 $0xFFFFFDE0  }
0x2c8: {  	v0 =	vld.msk [tilespmem:s29+$0x3658], $0x1;
	_ =	sdelay $0x1  }
0x2c9: {  	s30 =	simm.s32 $0x1  }
0x2ca: {  	v1 =	vld.msk [tilespmem:s30+$0x3658], $0x1;
	_ =	sdelay $0x1  }
0x2cb: {  	(v2sf) =	vpush v0, $0x0;
	_ =	sdelay $0x2  }
0x2cc: {  	(v2sf) =	vpush v1, $0x0;
	_ =	sdelay $0x2  }
0x2cd: {  	s31 =	simm.s32 $0x2  }
0x2ce: {  	v0 =	vld.msk [tilespmem:s31+$0x3658], $0x1;
	_ =	sdelay $0x2  }
0x2cf: {  	s6 =	simm.s32 $0xFFFFFFFF;
	s1 =	simm.s32 $0xFFFFFFFF;
	s0 =	simm.s32 $0xC  }
.LBB2_23:
0x2d0: {  	s2 =	smov.u32 s6;
	s4 =	smov.u32 s1  }
0x2d1: {  	s1 =	sshra.s32 s0, $0x2;
	p1 =	sne.s32 s0, $0x7C;
	s0 =	sadd.s32 $0x4, s0;
	(v2sf) =	vpush v0, $0x0  }
0x2d2: {  	v0 =	vld.msk [tilespmem:s1+$0x3658], $0x1  }
.Ltmp19:
0x2d3: {  	(pc) =	sbr.rel @p1 .LBB2_23-.Ltmp19, $4  }
0x2d4: {  	s6 =	spop (v2sf)  }
0x2d5: {  	p2 =	sne.s32 s4, $0xFFFFFFFF;
	s1 =	smov.u32 s6  }
0x2d6: {  	p3 =	seq.s32 s6, $0xFFFFFFFF;
	s1 =	smov.u32 @p2 s4  }
0x2d7: {  	s6 =	smov.u32 @p3 s2;
	s1 =	smov.u32 @p3 s4  }
0x2d8: {  	(v2sf) =	vpush v0, $0x0;
	_ =	sdelay $0x8  }
0x2d9: {  	s0 =	spop (v2sf)  }
0x2da: {  	p1 =	sne.s32 s1, $0xFFFFFFFF;
	s2 =	smov.u32 s0  }
0x2db: {  	s9 =	simm.s32 $0x6;
	p2 =	seq.s32 s0, $0xFFFFFFFF;
	s2 =	smov.u32 @p1 s1  }
0x2dc: {  	s10 =	simm.s32 $0x3638;
	s2 =	smov.u32 @p2 s1;
	s1 =	spop (v2sf)  }
0x2dd: {  	s0 =	smov.u32 @p2 s6;
	p1 =	sne.s32 s2, $0xFFFFFFFF;
	s4 =	smov.u32 s1  }
.Ltmp20:
0x2de: {  	p2 =	seq.s32 s1, $0xFFFFFFFF;
	s4 =	smov.u32 @p1 s2;
	(pc) =	sbr.rel .LBB2_25-.Ltmp20, $4  }
0x2df: {  	s11 =	simm.s32 $0x0;
	s4 =	smov.u32 @p2 s2;
	s7 =	spop (v2sf)  }
0x2e0: {  	[sflag:s9] =	ssyncpa.u1 $0x0;
	p1 =	sne.s32 s4, $0xFFFFFFFF;
	s8 =	smov.u32 s7  }
0x2e1: {  	s1 =	smov.u32 @p2 s0;
	p2 =	seq.s32 s7, $0xFFFFFFFF;
	s8 =	smov.u32 @p1 s4  }
0x2e2: {  	s6 =	simm.s32 $0x0;
	s7 =	smov.u32 @p2 s1;
	s8 =	smov.u32 @p2 s4  }
.LBB2_30:
0x2e3: {  	p1 =	sgt.u32 s12, $0x27FFF  }
0x2e4: {  	p2 =	seq.s32 @!p1 s12, s8  }
0x2e5: {  	p1 =	por p1, p2  }
0x2e6: {  	p2 =	sne.s32 @!p1 s12, s7  }
0x2e7: {  	p1 =	por p1, !p2  }
0x2e8: {  	s0 =	sshll.u32 @p1 s11, $0x6  }
0x2e9: {  	s0 =	sand.u32 @!p1 $0x3FFF8, s12  }
0x2ea: {  	s1 =	sand.u32 @!p1 $0x7, s12;
	s0 =	sadd.s32 @!p1 s3, s0  }
0x2eb: {  	[tilespmem:s10], [sflag:$0x6] =	stream.linear.gather @!p1 [hbm4b:s0+s1], $0x4, $0x38;
	[tilespmem:$0x1F0F8] =	vst v63  }
0x2ec: {  	_ =	swait.ge @!p1 [sflag:s9], $0x4  }
0x2ed: {  	[sflag:s9] =	ssyncset.done @!p1 $0x0  }
0x2ee: {  	[sflag:s9] =	ssyncadd.s32 @!p1 $0xFFFFFFFC  }
0x2ef: {  	v1 =	vld @!p1 [tilespmem:$0x3638];
	_ =	sdelay $0x2  }
0x2f0: {  	s0 =	sshll.u32 @!p1 s11, $0x6  }
0x2f1: {  	s1 =	sshrl.u32 @!p1 s0, $0x2  }
0x2f2: {  	[tilespmem:s1+$0x3678] =	vst.add.f32.msk @!p1 $0xffff, v1  }
0x2f3: {  	s0 =	sshrl.u32 s0, $0x2;
	[tilespmem:s6+$0x3658] =	vst.msk $0x1, v0  }
0x2f4: {  	v0 =	vld [tilespmem:s0+$0x3678];
	_ =	sdelay $0x2  }
0x2f5: {  	s31 =	sshll.u32 s6, $0x6  }
0x2f6: {  	s0 =	sshra.s32 s31, $0x2  }
0x2f7: {  	s6 =	sadd.s32 $0x1, s6;
	[tilespmem:s0+$0x3678] =	vst v0  }
.LBB2_32:
0x2f8: {  	s11 =	sadd.s32 $0x1, s11  }
0x2f9: {  	p1 =	sne.s32 s11, $0x20  }
.Ltmp21:
0x2fa: {  	_ = 	snop;
	(pc) =	sbr.rel @!p1 .LBB2_33-.Ltmp21, $1  }
0x2fb: {  	_ =	sdelay $0x3  }
.LBB2_25:
0x2fc: {  	v0 =	vld.msk [tilespmem:s11+$0x3658], $0x1;
	_ =	sdelay $0x4  }
0x2fd: {  	(v2sf) =	vpush v0, $0x0;
	_ =	sdelay $0xe  }
0x2fe: {  	s12 =	spop (v2sf)  }
0x2ff: {  	p1 =	seq.s32 s12, $0xFFFFFFFF  }
.Ltmp22:
0x300: {  	_ = 	snop;
	(pc) =	sbr.rel @p1 .LBB2_32-.Ltmp22, $1  }
0x301: {  	_ =	sdelay $0x3  }
0x302: {  	p1 =	slt.s32 s6, $0x1  }
.Ltmp23:
0x303: {  	_ = 	snop;
	(pc) =	sbr.rel @p1 .LBB2_30-.Ltmp23, $1  }
0x304: {  	_ =	sdelay $0x3  }
0x305: {  	s13 =	simm.s32 $0x3658;
	p1 =	por $0x0, $0x0  }
0x306: {  	v1 =	vld.msk @!p1 [tilespmem:s13+$0x0], $0x1;
	_ =	sdelay $0x4  }
0x307: {  	(v2sf) =	vpush @!p1 v1, $0x0;
	_ =	sdelay $0xd  }
0x308: {  	p3 =	sne.s32 s6, $0x1  }
.Ltmp24:
0x309: {  	s0 =	spop @!p1 (v2sf);
	(pc) =	sbr.rel @!p3 .LBB2_29-.Ltmp24, $4  }
0x30a: {  	p2 =	seq.s32 @!p1 s12, s0  }
0x30b: {  	s14 =	simm.s32 $0x0;
	p2 =	por !p2, p1  }
0x30c: {  	s0 =	simm.s32 $0xFFFFFFFF;
	s14 =	simm.s32 @p2 $0xFFFFFFFF  }
0x30d: {  	s15 =	simm.s32 $0x1;
	s14 =	smov.u32 @p1 s0  }
.LBB2_28:
0x30e: {  	s0 =	smov.u32 s14;
	p1 =	sne.s32 s14, $0xFFFFFFFF  }
0x30f: {  	s13 =	sadd.s32 $0x1, s13;
	s14 =	smov.u32 s15;
	s15 =	sadd.s32 $0x1, s15  }
0x310: {  	p2 =	sne.s32 s6, s15;
	v1 =	vld.msk @!p1 [tilespmem:s13+$0x0], $0x1;
	_ =	sdelay $0x4  }
0x311: {  	(v2sf) =	vpush @!p1 v1, $0x0;
	_ =	sdelay $0xe  }
.Ltmp25:
0x312: {  	s1 =	spop @!p1 (v2sf);
	(pc) =	sbr.rel @p2 .LBB2_28-.Ltmp25, $4  }
0x313: {  	p3 =	seq.s32 @!p1 s12, s1  }
0x314: {  	p3 =	por !p3, p1  }
0x315: {  	s14 =	simm.s32 @p3 $0xFFFFFFFF  }
0x316: {  	s14 =	smov.u32 @p1 s0  }
.LBB2_29:
0x317: {  	p1 =	sne.s32 s14, $0xFFFFFFFF  }
.Ltmp26:
0x318: {  	_ = 	snop;
	(pc) =	sbr.rel @!p1 .LBB2_30-.Ltmp26, $1  }
0x319: {  	_ =	sdelay $0x3  }
0x31a: {  	s0 =	sshll.u32 s11, $0x4  }
0x31b: {  	s0 =	sand.u32 $0x3FFFFFF0, s0  }
0x31c: {  	v0 =	vld [tilespmem:s0+$0x3678]  }
.Ltmp27:
0x31d: {  	_ = 	snop;
	(pc) =	sbr.rel .LBB2_32-.Ltmp27, $4  }
0x31e: {  	_ = 	snop  }
0x31f: {  	s31 =	sshll.u32 s14, $0x6  }
0x320: {  	s0 =	sshra.s32 s31, $0x2  }
0x321: {  	[tilespmem:s0+$0x3678] =	vst.add.f32.msk $0xffff, v0  }
.LBB2_33:
0x322: {  	s0 =	simm.s32 $0x6;
	p1 =	seq.s32 s6, $0x0  }
0x323: {  	[sflag:s0] =	ssyncpa.u1 $0x1;
	v0 =	vimm.s32 @p1 $0xFFFFFFFF  }
0x324: {  	s9 =	sadd.s32 $0xFFFFFFFF, s6;
	[tilespmem:$0x3878] =	vst @p1 v0  }
0x325: {  	v0 =	vld.msk @!p1 [tilespmem:s9+$0x3658], $0x1;
	_ =	sdelay $0x1  }
0x326: {  	v1 =	vld.msk @!p1 [tilespmem:$0x3658], $0x1;
	_ =	sdelay $0x2  }
0x327: {  	p2 =	seq.s32 @!p1 s9, $0x0;
	v0 =	vbroadcast @!p1 v0, $0x0  }
0x328: {  	vm0 =	vmmov @!p1 $0x1;
	p2 =	por !p2, p1  }
0x329: {  	v1 =	vnsel @!p1 vm0, $0xFFFFFFFF, v1;
	vm0 =	vcmask @!p1 $0x308;
	v0 =	vpsel !p2, $0xFFFFFFFF, v0  }
0x32a: {  	p2 =	sne.s32 @!p1 s8, s7;
	v0 =	vsel @!p1 vm0, v1, v0  }
0x32b: {  	s0 =	simm.s32 @!p1 $0x3678;
	s1 =	simm.s32 @!p1 $0x0;
	p3 =	por !p2, p1;
	[tilespmem:$0x3878] =	vst @!p1 v0  }
0x32c: {  	[spmem:s1] =	stream.linear.scatter @!p1 [tilespmem:s0], [sflag:$0x1], $0x10, $0x38;
	[tilespmem:$0x1F0F8] =	vst v63  }
0x32d: {  	s0 =	sshll.u32 @!p3 s9, $0x6  }
0x32e: {  	s0 =	sshra.s32 @!p3 s0, $0x2  }
0x32f: {  	s1 =	simm.s32 @!p3 $0x10;
	s0 =	sadd.s32 @!p3 $0x3678, s0  }
0x330: {  	[spmem:s1] =	stream.linear.scatter @!p3 [tilespmem:s0], [sflag:$0x1], $0x10, $0x38;
	[tilespmem:$0x1F0F8] =	vst v63  }
0x331: {  	s0 =	simm.s32 @!p3 $0x1  }
0x332: {  	_ =	swait.ge @!p3 [sflag:s0], $0x20  }
0x333: {  	p1 =	por p2, p1;
	[sflag:s0] =	ssyncset.done @!p3 $0x0  }
0x334: {  	[sflag:s0] =	ssyncadd.s32 @!p3 $0xFFFFFFE0;
	s0 =	simm.s32 @!p1 $0x1  }
0x335: {  	_ =	swait.ge @!p1 [sflag:s0], $0x10  }
0x336: {  	s29 =	simm.s32 $0x3878;
	[sflag:s0] =	ssyncset.done @!p1 $0x0  }
0x337: {  	s30 =	simm.s32 $0x200;
	s31 =	simm.s32 $0x1;
	[sflag:s0] =	ssyncadd.s32 @!p1 $0xFFFFFFF0  }
0x338: {  	[spmem:s30] =	stream.linear.scatter [tilespmem:s29], [sflag:$0x1], $0x10, $0x38;
	[tilespmem:$0x1F0F8] =	vst v63  }
0x339: {  	_ =	swait.ge [sflag:s31], $0x10  }
0x33a: {  	[sflag:s31] =	ssyncset.done $0x0  }
0x33b: {  	p1 =	seq.s32 s17, $0x0;
	s8 =	rddreg [dreg:$0x1];
	[sflag:s31] =	ssyncadd.s32 $0xFFFFFFF0  }
0x33c: {  	s1 =	sshll.u32 @p1 s8, $0xE;
	s7 =	rddreg [dreg:$0x2]  }
0x33d: {  	s0 =	sadd.s32 @p1 $0x15C3C, s1;
	s1 =	sshll.u32 @p1 s7, $0x11  }
0x33e: {  	_ =	sfence.stream.spmem;
	s0 =	sor.u32 @p1 s1, s0  }
0x33f: {  	[sflag:s0] =	ssyncadd.remote.s32 @p1 $0x1;
	s0 =	simm.s32 @p1 $0x4  }
0x340: {  	s2 =	simm.s32 @!p1 $0x3C;
	s1 =	sand.u32 $0xFFFFFFFE, s8;
	_ =	swait.ge @p1 [sflag:s0], $0x6  }
0x341: {  	s4 =	simm.s32 @!p1 $0x0;
	s1 =	sadd.s32 @!p1 $0x4, s1;
	[sflag:s0] =	ssyncset.done @p1 $0x0  }
0x342: {  	s5 =	simm.s32 @!p1 $0x20;
	[sflag:s0] =	ssyncadd.s32 @p1 $0xFFFFFFFA;
	s0 =	sshll.u32 @!p1 s1, $0x1A  }
0x343: {  	s1 =	sshll.u32 @!p1 s1, $0xD;
	s0 =	sor.u32 @!p1 s0, s7;
	_ =	swait.eq @!p1 [sflag:s2], $0x1  }
0x344: {  	s1 =	sor.u32 @!p1 $0x1C04, s1;
	s2 =	simm.s32 @!p1 $0x1C03;
	s0 =	sor.u32 @!p1 $0x80004000, s0  }
0x345: {  	[spmem:s5], [sflag:s1] =	dma.general @!p1 [spmem:s4], [sflag:s2], length:$0x4, [dreg:$0x0], stride_count:$0x0, ici_dest:s0, dma_misc:DstOpCode:WRITE  }
0x346: {  	p2 =	slt.s32 s9, $0x2;
	s4 =	simm.s32 @!p1 $0x40;
	s5 =	simm.s32 @!p1 $0x42  }
0x347: {  	[spmem:s5], [sflag:s1] =	dma.general @!p1 [spmem:s4], [sflag:s2], length:$0x2, [dreg:$0x0], stride_count:$0x0, ici_dest:s0, dma_misc:DstOpCode:WRITE  }
.Ltmp28:
0x348: {  	s0 =	simm.s32 @!p1 $0x3;
	(pc) =	sbr.rel @p2 .LBB2_37-.Ltmp28, $4  }
0x349: {  	s1 =	sshll.u32 @!p1 s8, $0xE;
	_ =	swait.ge @!p1 [sflag:s0], $0x6  }
0x34a: {  	s2 =	sshll.u32 @!p1 s7, $0x11;
	s1 =	sadd.s32 @!p1 $0x11C3C, s1;
	[sflag:s0] =	ssyncset.done @!p1 $0x0  }
0x34b: {  	[sflag:s0] =	ssyncadd.s32 @!p1 $0xFFFFFFFA;
	s0 =	sor.u32 @!p1 s2, s1  }
0x34c: {  	[sflag:s0] =	ssyncadd.remote.s32 @!p1 $0xFFFFFFFF;
	s0 =	simm.s32 $0x0  }
0x34d: {  	s0 =	simm.s32 $0x3659  }
0x34e: {  	v0 =	vld.msk [tilespmem:s0+$0x0], $0x1;
	_ =	sdelay $0x4  }
0x34f: {  	(v2sf) =	vpush v0, $0x0;
	_ =	sdelay $0xd  }
0x350: {  	s2 =	sadd.s32 $0xFFFFFFFE, s6  }
0x351: {  	s2 =	sadd.s32 $0xFFFFFFFF, s2;
	s0 =	spop (v2sf)  }
0x352: {  	p2 =	sne.s32 s2, $0x0;
	p1 =	sgt.u32 s0, $0x27FFF  }
.Ltmp29:
0x353: {  	s4 =	sand.u32 @!p1 $0x3FFF8, s0;
	(pc) =	sbr.rel @!p2 .LBB2_36-.Ltmp29, $4  }
0x354: {  	s1 =	simm.s32 $0x3688;
	s0 =	sand.u32 @!p1 $0x7, s0;
	s4 =	sadd.s32 @!p1 s3, s4  }
0x355: {  	[hbm4b:s4+s0] =	stream.linear.scatter @!p1 [tilespmem:s1], [sflag:$0x5], $0x4, $0x38;
	[tilespmem:$0x1F0F8] =	vst v63  }
0x356: {  	s0 =	simm.s32 $0x0  }
0x357: {  	s6 =	simm.s32 $0x0;
	s7 =	simm.s32 $0x365A;
	s0 =	simm.s32 @!p1 $0x10  }
.LBB2_35:
0x358: {  	v0 =	vld.msk [tilespmem:s7+$0x0], $0x1;
	s2 =	sadd.s32 $0xFFFFFFFF, s2;
	s6 =	sadd.s32 s6, s0  }
0x359: {  	p1 =	sne.s32 s2, $0x0;
	_ =	sdelay $0x3  }
0x35a: {  	(v2sf) =	vpush v0, $0x0;
	_ =	sdelay $0xe  }
.Ltmp30:
0x35b: {  	s4 =	spop (v2sf);
	(pc) =	sbr.rel @p1 .LBB2_35-.Ltmp30, $4  }
0x35c: {  	s0 =	simm.s32 $0x0;
	p2 =	sgt.u32 s4, $0x27FFF  }
0x35d: {  	s1 =	sadd.s32 $0x10, s1;
	s0 =	simm.s32 @!p2 $0x10;
	s5 =	sand.u32 @!p2 $0x3FFF8, s4  }
0x35e: {  	s7 =	sadd.s32 $0x1, s7;
	s4 =	sand.u32 @!p2 $0x7, s4;
	s5 =	sadd.s32 @!p2 s3, s5  }
0x35f: {  	[hbm4b:s5+s4] =	stream.linear.scatter @!p2 [tilespmem:s1], [sflag:$0x5], $0x4, $0x38;
	[tilespmem:$0x1F0F8] =	vst v63  }
.LBB2_36:
0x360: {  	s0 =	sadd.s32 s6, s0  }
0x361: {  	s0 =	sshrl.u32 s0, $0x2  }
.LBB2_37:
0x362: {  	s1 =	simm.s32 $0x5  }
0x363: {  	_ =	swait.ge [sflag:s1], s0  }
0x364: {  	s31 =	ssub.s32 $0x0, s0;
	[sflag:s1] =	ssyncset.done $0x0  }
0x365: {  	[sflag:s1] =	ssyncadd.s32 s31  }
0x366: {  	[sflag:s1] =	ssyncpa.u1 $0x1  }
.LBB2_38:
0x367: {  	s0 =	sor.u32 s17, s16  }
0x368: {  	p1 =	sne.s32 s0, $0x0  }
.Ltmp31:
0x369: {  	_ = 	snop;
	(pc) =	sbr.rel @p1 .LBB2_53-.Ltmp31, $3  }
0x36a: {  	_ =	sdelay $0x1  }
0x36b: {  	[bflag:$0x0] =	sbarrier.arrive $0xFFFF  }
0x36c: {  	_ =	sfence  }
0x36d: {  	s0 =	simm.s32 $0x7  }
0x36e: {  	s1 =	simm.s32 $0x200;
	s2 =	simm.s32 $0x3658;
	[sflag:s0] =	ssyncpa.u1 $0x0  }
0x36f: {  	[tilespmem:s2], [sflag:$0x7] =	stream.linear.gather [spmem:s1], $0x20, $0x38;
	[tilespmem:$0x1F0F8] =	vst v63  }
0x370: {  	s30 =	simm.s32 $0x3678;
	s1 =	simm.s32 $0x0  }
0x371: {  	[tilespmem:s30], [sflag:$0x7] =	stream.linear.gather [spmem:s1], $0x200, $0x38;
	[tilespmem:$0x1F0F8] =	vst v63  }
.Ltmp32:
0x372: {  	_ = 	snop;
	(pc) =	sbr.rel .LBB2_40-.Ltmp32, $4  }
0x373: {  	_ =	swait.ge [sflag:s0], $0x220  }
0x374: {  	[sflag:s0] =	ssyncset.done $0x0  }
0x375: {  	s31 =	simm.s32 $0x8;
	[sflag:s0] =	ssyncadd.s32 $0xFFFFFDE0  }
0x376: {  	s2 =	simm.s32 $0x0;
	[sflag:s31] =	ssyncpa.u1 $0x0  }
.LBB2_45:
0x377: {  	p1 =	slt.u32 s4, $0x28000  }
0x378: {  	s0 =	sand.u32 @p1 $0x3FFF8, s4  }
0x379: {  	s4 =	sand.u32 @p1 $0x7, s4;
	s5 =	simm.s32 @p1 $0x3638;
	s0 =	sadd.s32 @p1 s3, s0  }
0x37a: {  	[tilespmem:s5], [sflag:$0x8] =	stream.linear.gather @p1 [hbm4b:s0+s4], $0x4, $0x38;
	[tilespmem:$0x1F0F8] =	vst v63  }
0x37b: {  	s0 =	simm.s32 @p1 $0x8  }
0x37c: {  	_ =	swait.ge @p1 [sflag:s0], $0x4  }
0x37d: {  	[sflag:s0] =	ssyncset.done @p1 $0x0  }
0x37e: {  	[sflag:s0] =	ssyncadd.s32 @p1 $0xFFFFFFFC  }
0x37f: {  	v1 =	vld @p1 [tilespmem:$0x3638];
	_ =	sdelay $0x2  }
0x380: {  	s0 =	sshll.u32 @p1 s2, $0x6  }
0x381: {  	s5 =	sshll.u32 @!p1 s2, $0x6;
	s4 =	sshrl.u32 @p1 s0, $0x2  }
0x382: {  	s5 =	smov.u32 @p1 s0;
	[tilespmem:s4+$0x3678] =	vst.add.f32.msk @p1 $0xffff, v1  }
0x383: {  	s0 =	sshrl.u32 s5, $0x2;
	[tilespmem:s1+$0x3658] =	vst.msk $0x1, v0  }
0x384: {  	v0 =	vld [tilespmem:s0+$0x3678];
	_ =	sdelay $0x2  }
0x385: {  	s31 =	sshll.u32 s1, $0x6  }
0x386: {  	s0 =	sshra.s32 s31, $0x2  }
0x387: {  	s1 =	sadd.s32 $0x1, s1;
	[tilespmem:s0+$0x3678] =	vst v0  }
.LBB2_47:
0x388: {  	s2 =	sadd.s32 $0x1, s2  }
0x389: {  	p1 =	sne.s32 s2, $0x20  }
.Ltmp33:
0x38a: {  	_ = 	snop;
	(pc) =	sbr.rel @!p1 .LBB2_48-.Ltmp33, $1  }
0x38b: {  	_ =	sdelay $0x3  }
.LBB2_40:
0x38c: {  	v0 =	vld.msk [tilespmem:s2+$0x3658], $0x1;
	_ =	sdelay $0x4  }
0x38d: {  	(v2sf) =	vpush v0, $0x0;
	_ =	sdelay $0xe  }
0x38e: {  	s4 =	spop (v2sf)  }
0x38f: {  	p1 =	seq.s32 s4, $0xFFFFFFFF  }
.Ltmp34:
0x390: {  	_ = 	snop;
	(pc) =	sbr.rel @p1 .LBB2_47-.Ltmp34, $1  }
0x391: {  	_ =	sdelay $0x3  }
0x392: {  	p1 =	slt.s32 s1, $0x1  }
.Ltmp35:
0x393: {  	_ = 	snop;
	(pc) =	sbr.rel @p1 .LBB2_45-.Ltmp35, $1  }
0x394: {  	_ =	sdelay $0x3  }
0x395: {  	s5 =	simm.s32 $0x3658;
	p1 =	por $0x0, $0x0  }
0x396: {  	v1 =	vld.msk @!p1 [tilespmem:s5+$0x0], $0x1;
	_ =	sdelay $0x4  }
0x397: {  	(v2sf) =	vpush @!p1 v1, $0x0;
	_ =	sdelay $0xd  }
0x398: {  	p3 =	sne.s32 s1, $0x1  }
.Ltmp36:
0x399: {  	s0 =	spop @!p1 (v2sf);
	(pc) =	sbr.rel @!p3 .LBB2_44-.Ltmp36, $4  }
0x39a: {  	p2 =	seq.s32 @!p1 s4, s0  }
0x39b: {  	s6 =	simm.s32 $0x0;
	p2 =	por !p2, p1  }
0x39c: {  	s0 =	simm.s32 $0xFFFFFFFF;
	s6 =	simm.s32 @p2 $0xFFFFFFFF  }
0x39d: {  	s7 =	simm.s32 $0x1;
	s6 =	smov.u32 @p1 s0  }
.LBB2_43:
0x39e: {  	s0 =	smov.u32 s6;
	p1 =	sne.s32 s6, $0xFFFFFFFF  }
0x39f: {  	s5 =	sadd.s32 $0x1, s5;
	s6 =	smov.u32 s7;
	s7 =	sadd.s32 $0x1, s7  }
0x3a0: {  	p2 =	sne.s32 s1, s7;
	v1 =	vld.msk @!p1 [tilespmem:s5+$0x0], $0x1;
	_ =	sdelay $0x4  }
0x3a1: {  	(v2sf) =	vpush @!p1 v1, $0x0;
	_ =	sdelay $0xe  }
.Ltmp37:
0x3a2: {  	s8 =	spop @!p1 (v2sf);
	(pc) =	sbr.rel @p2 .LBB2_43-.Ltmp37, $4  }
0x3a3: {  	p3 =	seq.s32 @!p1 s4, s8  }
0x3a4: {  	p3 =	por !p3, p1  }
0x3a5: {  	s6 =	simm.s32 @p3 $0xFFFFFFFF  }
0x3a6: {  	s6 =	smov.u32 @p1 s0  }
.LBB2_44:
0x3a7: {  	p1 =	sne.s32 s6, $0xFFFFFFFF  }
.Ltmp38:
0x3a8: {  	_ = 	snop;
	(pc) =	sbr.rel @!p1 .LBB2_45-.Ltmp38, $1  }
0x3a9: {  	_ =	sdelay $0x3  }
0x3aa: {  	s0 =	sshll.u32 s2, $0x4  }
0x3ab: {  	s0 =	sand.u32 $0x3FFFFFF0, s0  }
0x3ac: {  	v0 =	vld [tilespmem:s0+$0x3678]  }
.Ltmp39:
0x3ad: {  	_ = 	snop;
	(pc) =	sbr.rel .LBB2_47-.Ltmp39, $4  }
0x3ae: {  	_ = 	snop  }
0x3af: {  	s31 =	sshll.u32 s6, $0x6  }
0x3b0: {  	s0 =	sshra.s32 s31, $0x2  }
0x3b1: {  	[tilespmem:s0+$0x3678] =	vst.add.f32.msk $0xffff, v0  }
.LBB2_48:
0x3b2: {  	p1 =	slt.s32 s1, $0x1  }
.Ltmp40:
0x3b3: {  	_ = 	snop;
	(pc) =	sbr.rel @p1 .LBB2_52-.Ltmp40, $3  }
0x3b4: {  	_ =	sdelay $0x1  }
0x3b5: {  	s0 =	simm.s32 $0x8  }
0x3b6: {  	s2 =	simm.s32 $0x0;
	[sflag:s0] =	ssyncpa.u1 $0x1  }
0x3b7: {  	s0 =	simm.s32 $0x3658  }
0x3b8: {  	v0 =	vld.msk [tilespmem:s0+$0x0], $0x1;
	_ =	sdelay $0x4  }
0x3b9: {  	(v2sf) =	vpush v0, $0x0;
	_ =	sdelay $0xe  }
0x3ba: {  	s1 =	sadd.s32 $0xFFFFFFFF, s1;
	s0 =	spop (v2sf)  }
0x3bb: {  	p2 =	sne.s32 s1, $0x0;
	p1 =	sgt.u32 s0, $0x27FFF  }
.Ltmp41:
0x3bc: {  	s5 =	sand.u32 @!p1 $0x3FFF8, s0;
	(pc) =	sbr.rel @!p2 .LBB2_51-.Ltmp41, $4  }
0x3bd: {  	s4 =	simm.s32 $0x3678;
	s0 =	sand.u32 @!p1 $0x7, s0;
	s5 =	sadd.s32 @!p1 s3, s5  }
0x3be: {  	[hbm4b:s5+s0] =	stream.linear.scatter @!p1 [tilespmem:s4], [sflag:$0x7], $0x4, $0x38;
	[tilespmem:$0x1F0F8] =	vst v63  }
0x3bf: {  	s0 =	simm.s32 $0x0  }
0x3c0: {  	s5 =	simm.s32 $0x3659;
	s0 =	simm.s32 @!p1 $0x10  }
.LBB2_50:
0x3c1: {  	v0 =	vld.msk [tilespmem:s5+$0x0], $0x1;
	s1 =	sadd.s32 $0xFFFFFFFF, s1;
	s2 =	sadd.s32 s2, s0  }
0x3c2: {  	p1 =	sne.s32 s1, $0x0;
	_ =	sdelay $0x3  }
0x3c3: {  	(v2sf) =	vpush v0, $0x0;
	_ =	sdelay $0xe  }
.Ltmp42:
0x3c4: {  	s6 =	spop (v2sf);
	(pc) =	sbr.rel @p1 .LBB2_50-.Ltmp42, $4  }
0x3c5: {  	s0 =	simm.s32 $0x0;
	p2 =	sgt.u32 s6, $0x27FFF  }
0x3c6: {  	s4 =	sadd.s32 $0x10, s4;
	s0 =	simm.s32 @!p2 $0x10;
	s7 =	sand.u32 @!p2 $0x3FFF8, s6  }
0x3c7: {  	s5 =	sadd.s32 $0x1, s5;
	s6 =	sand.u32 @!p2 $0x7, s6;
	s7 =	sadd.s32 @!p2 s3, s7  }
0x3c8: {  	[hbm4b:s7+s6] =	stream.linear.scatter @!p2 [tilespmem:s4], [sflag:$0x7], $0x4, $0x38;
	[tilespmem:$0x1F0F8] =	vst v63  }
.LBB2_51:
0x3c9: {  	s0 =	sadd.s32 s2, s0  }
0x3ca: {  	s2 =	sshrl.u32 s0, $0x2  }
.LBB2_52:
0x3cb: {  	s0 =	simm.s32 $0x7  }
0x3cc: {  	_ =	swait.ge [sflag:s0], s2  }
0x3cd: {  	s1 =	ssub.s32 $0x0, s2;
	[sflag:s0] =	ssyncset.done $0x0  }
0x3ce: {  	[sflag:s0] =	ssyncadd.s32 s1  }
0x3cf: {  	[sflag:s0] =	ssyncpa.u1 $0x1  }
.LBB2_53:
0x3d0: {  	_ =	sfence;
	s0 =	simm.s32 $0x1  }
0x3d1: {  	[sflag:s0] =	ssyncpa.u1 $0x1  }
0x3d2: {  	_ =	strace $0x90000056  }
0x3d3: {  	[bflag:$0x2] =	sbarrier.arrive $0xFFFF  }
0x3d4: {  	s0 =	rddreg [dreg:$0x3]  }
0x3d5: {  	s0 =	sadd.s32 @!p0 $0x100000, s0  }
0x3d6: {  	[sflag:s0] =	ssyncadd.tile.s32 @!p0 $0x1;
	_ =	shalt  }
.Lfunc_end2:
_tile_overlayer_lowered:
.L_overlay_start_2:
0x3d7: {  	(tag) =	ssettag $0x2  }
0x3d8: {  	s0 =	rddreg [dreg:$0x0];
	s2 =	stileid.u32  }
0x3d9: {  	s1 =	rddreg [dreg:$0x1];
	p0 =	sne.s32 s2, $0x0  }
0x3da: {  	s3 =	rddreg [dreg:$0x2];
	[bflag:$0x3] =	sbarrier.arrive $0xFFFF;
	s2 =	simm.s32 @!p0 $0x1C01  }
0x3db: {  	[timem:s3], [sflag:s2] =	dma.local @!p0 [hbm:s0], s1  }
0x3dc: {  	s0 =	simm.s32 @!p0 $0x1  }
0x3dd: {  	_ =	swait.ge @!p0 [sflag:s0], s1  }
0x3de: {  	s1 =	ssub.s32 @!p0 $0x0, s1;
	[sflag:s0] =	ssyncset.done @!p0 $0x0  }
0x3df: {  	[sflag:s0] =	ssyncadd.s32 @!p0 s1  }
0x3e0: {  	[bflag:$0x3] =	sbarrier.arrive $0xFFFF  }
0x3e1: {  	_ =	shalt  }

// kernel: sparse-core-data-format-call.cloned.1.call-start
scs
called_computation.2_lowered:
.L_overlay_start_0:
0x0: {  	s2 =	sld [smem:$0x3FD9]  }
0x1: {  	s3 =	sld [smem:$0x3FFE];
	_ =	sdelay $0x1  }
0x2: {  	s1 =	srdreg.scid  }
0x3: {  	s0 =	sand.u32 $0x1, s1  }
0x4: {  	s18 =	sshll.u32 s0, $0xA;
	s2 =	sadd.s32 s3, s2  }
0x5: {  	s2 =	sadd.s32 s2, s18  }
0x6: {  	[smem:$0x3F9C] =	sst s2  }
0x7: {  	_ = 	snop  }
0x8: {  	(tm) =	ssettm $0x1  }
0x9: {  	s19 =	sld [smem:$0x3FFB];
	_ =	sdelay $0x3  }
0xa: {  	_ =	strace s19  }
0xb: {  	s2 =	sld [smem:$0x3FFC];
	_ =	sdelay $0x3  }
0xc: {  	_ =	strace s2  }
0xd: {  	s2 =	sld [smem:$0x3FFD];
	_ =	sdelay $0x3  }
0xe: {  	_ =	strace s2  }
0xf: {  	_ =	strace $0x8FFFFFFF  }
0x10: {  	s20 =	sld [smem:$0x3FDB];
	_ =	sdelay $0x1  }
0x11: {  	s21 =	simm.s32 $_scs_section_size  }
0x12: {  	s4 =	simm.s32 $_size__tile_overlayer_lowered;
	s5 =	simm.s32 $_tile_overlayer_lowered  }
0x13: {  	s6 =	simm.s32 $0x1BFF;
	s22 =	sshll.u32 s5, $0x1;
	s3 =	sadd.s32 s21, s20  }
0x14: {  	s23 =	simm.s32 $0x0;
	s4 =	sshll.u32 s4, $0x1;
	s5 =	sadd.s32 s22, s3  }
0x15: {  	[timem:s23], [sflag:s6] =	dma.local [hbm:s5], s4  }
0x16: {  	_ =	swait.ge [sflag:s6], s4  }
0x17: {  	s4 =	ssub.s32 $0x0, s4;
	[sflag:s6] =	ssyncset.done $0x0  }
0x18: {  	[sflag:s6] =	ssyncadd.s32 s4;
	_ =	sdelay $0x1  }
0x19: {  	s24 =	simm.s32 $0x1B8B  }
0x1a: {  	_ =	swait.ge [sflag:s24], $0x1  }
0x1b: {  	[sflag:s24] =	ssyncset.done $0x0  }
0x1c: {  	[sflag:s24] =	ssyncadd.s32 $0xFFFFFFFF  }
0x1d: {  	s4 =	sld [smem:$0x0]  }
0x1e: {  	s5 =	sand.u32 $0xFFFFFFFE, s1  }
0x1f: {  	p0 =	sne.s32 s1, s5  }
0x20: {  	s5 =	sshll.u32 @p0 s5, $0xE  }
0x21: {  	s5 =	sadd.s32 @p0 $0x11B8D, s5;
	s6 =	sshll.u32 @p0 s4, $0x11  }
0x22: {  	s5 =	sor.u32 @p0 s6, s5  }
0x23: {  	[sflag:s5] =	ssyncadd.remote.s32 @p0 $0x1;
	_ =	sdelay $0x1  }
0x24: {  	s5 =	simm.s32 @p0 $0x1B8D  }
0x25: {  	_ =	swait.eq @p0 [sflag:s5], $0x1  }
0x26: {  	[sflag:s5] =	ssyncadd.s32 @p0 $0xFFFFFFFF  }
0x27: {  	s6 =	sshll.u32 @!p0 s1, $0xE  }
0x28: {  	s6 =	sor.u32 @!p0 $0x4000, s6;
	s5 =	simm.s32 @!p0 $0x1B8D  }
0x29: {  	s4 =	sshll.u32 @!p0 s4, $0x11;
	s6 =	sadd.s32 @!p0 $0x11B8D, s6;
	_ =	swait.eq @!p0 [sflag:s5], $0x1  }
0x2a: {  	s4 =	sor.u32 @!p0 s4, s6;
	[sflag:s5] =	ssyncadd.s32 @!p0 $0xFFFFFFFF  }
0x2b: {  	s26 =	simm.s32 $0x1B8E;
	s25 =	sld [smem:$0x3FFE];
	[sflag:s4] =	ssyncadd.remote.s32 @!p0 $0x1  }
0x2c: {  	s27 =	simm.s32 $execute0_lowered;
	[smem:$0x3FD2] =	sst s26  }
0x2d: {  	s5 =	sshll.u32 s27, $0x1;
	_ =	strace $0x80000052;
	[dreg:$0x1] =	wrdreg $0xFFFFFFFF  }
0x2e: {  	s28 =	simm.s32 $_size_execute0_lowered;
	s3 =	sadd.s32 s3, s5;
	[dreg:$0x0] =	wrdreg $0x0  }
0x2f: {  	s5 =	sshll.u32 s28, $0x1;
	[dreg:$0x2] =	wrdreg s3  }
0x30: {  	[dreg:$0x3] =	wrdreg s5  }
0x31: {  	[dreg:$0x4] =	wrdreg $0xC0  }
0x32: {  	_ =	task [dreg:s23], $0x5FFFF  }
0x33: {  	[dreg:$0x1] =	wrdreg $0xFFFFFFFF  }
0x34: {  	[dreg:$0x0] =	wrdreg $0x60  }
0x35: {  	[dreg:$0x2] =	wrdreg s25  }
0x36: {  	[dreg:$0x3] =	wrdreg $0xB  }
0x37: {  	_ =	task.clear_ibuf [dreg:s23], $0x4FFFF;
	_ =	strace $0x90000052  }
0x38: {  	s29 =	simm.s32 $0xB;
	_ =	strace $0x80000054  }
0x39: {  	_ =	swait.ge [sflag:s29], $0x1  }
0x3a: {  	[sflag:s29] =	ssyncadd.s32 $0xFFFFFFFF  }
0x3b: {  	_ =	strace $0x90000054  }
0x3c: {  	_ =	sfence  }
0x3d: {  	s30 =	sld [smem:$0x0];
	_ =	sdelay $0x2  }
0x3e: {  	s31 =	sshll.u32 s1, $0xD;
	s1 =	sshrl.u32 s1, $0x2  }
0x3f: {  	s4 =	sand.u32 $0x4000, s31;
	s1 =	sadd.s32 s1, s30  }
0x40: {  	s0 =	sor.u32 s4, s0;
	s1 =	sshll.u32 s1, $0x11  }
0x41: {  	s0 =	sor.u32 s1, s0  }
0x42: {  	s0 =	sadd.s32 $0x8F2B, s0  }
0x43: {  	[sflag:s0] =	ssyncadd.remote.s32 $0x1  }
0x44: {  	_ =	sfence.sel $0xFFFF  }
0x45: {  	[dreg:$0x0] =	wrdreg $0xFFFFFFFF;
	(pc) =	sbr.abs _section_cstart, $3  }
0x46: {  	[dreg:$0x1] =	wrdreg $0xFFFFFFFF  }
0x47: {  	_ =	task.clear_ibuf [dreg:s23], $0x2FFFF;
	_ =	strace $0x9FFFFFFF  }
0x48: {  	(tm) =	ssettm $0x7FFFFFFF  }
0x49: {  	_ =	shalt  }
tec
execute0_lowered:
.L_overlay_start_1:
0x0: {  	(tag) =	ssettag $0x1  }
0x1: {  	s0 =	srdreg.scid  }
0x2: {  	s1 =	sshll.u32 s0, $0x4  }
0x3: {  	s4 =	rddreg [dreg:$0x0];
	s0 =	stileid.u32;
	s1 =	sand.u32 $0x10, s1  }
0x4: {  	s7 =	simm.s32 $0x1;
	s8 =	simm.s32 $0x2;
	s2 =	sor.u32 s0, s1  }
0x5: {  	s9 =	simm.s32 $0x0;
	s12 =	simm.s32 $0x0;
	s2 =	sshll.u32 s2, $0x1  }
0x6: {  	s11 =	simm.s32 $0x0;
	s3 =	sadd.s32 $0x132E00, s4;
	s6 =	ssub.s32 $0x500, s2  }
.Ltmp0:
0x7: {  	s4 =	sadd.s32 $0x624C00, s4;
	s5 =	sand.u32 $0x3E, s6;
	(pc) =	sbr.rel .LBB1_1-.Ltmp0, $4  }
0x8: {  	s1 =	rddreg [dreg:$0x1];
	_ =	strace $0x80000053;
	p0 =	sne.s32 s5, $0x0  }
0x9: {  	s6 =	sshrl.u32 s6, $0x6;
	s5 =	simm.s32 $0x1;
	s7 =	simm.s32 @!p0 $0x0  }
0xa: {  	s10 =	smov.u32 s2;
	[sflag:s5] =	ssyncpa.u1 $0x0;
	s6 =	sadd.s32 s7, s6  }
0xb: {  	[sflag:s8] =	ssyncpa.u1 $0x0;
	s8 =	simm.s32 $0x0;
	s7 =	sadd.s32 $0x1, s6  }
.LBB1_9:
0xc: {  	s14 =	sadd.s32 $0x40, s10  }
0xd: {  	p1 =	sgt.s32 s14, $0x4FF  }
0xe: {  	s14 =	smov.u32 @p1 s2;
	p1 =	sne.s32 s11, s7  }
.Ltmp1:
0xf: {  	p0 =	slt.u32 s11, $0x2;
	(pc) =	sbr.rel @!p1 .LBB1_10-.Ltmp1, $4  }
0x10: {  	s13 =	simm.s32 @!p0 $0x2  }
0x11: {  	s15 =	sadd.s32 $0x1, s11;
	_ =	swait.ge @!p0 [sflag:s13], $0x4000  }
0x12: {  	s12 =	smov.u32 s10;
	s9 =	sadd.s32 $0x4000, s9;
	[sflag:s13] =	ssyncset.done @!p0 $0x0  }
0x13: {  	s11 =	smov.u32 s15;
	s10 =	smov.u32 s14;
	[sflag:s13] =	ssyncadd.s32 @!p0 $0xFFFFC000  }
.LBB1_1:
0x14: {  	p0 =	sge.u32 s11, s6  }
0x15: {  	s13 =	sxor.u32 @!p0 $0xFFFFFFFF, s11  }
0x16: {  	s31 =	sadd.s32 $0xFFFFFFFF, s11;
	s14 =	sshll.u32 @!p0 s10, $0xA;
	s13 =	sshll.u32 @!p0 s13, $0xE  }
0x17: {  	s15 =	simm.s32 @!p0 $0x0;
	s14 =	sadd.s32 @!p0 s3, s14;
	s13 =	sand.u32 @!p0 $0x4000, s13  }
0x18: {  	[tilespmem:s13], [sflag:$0x1] =	stream.linear.gather @!p0 [hbm4b:s14+s15], $0x4000, $0x38;
	[tilespmem:$0x10000] =	vst v63  }
0x19: {  	p0 =	sge.u32 s31, s6  }
.Ltmp2:
0x1a: {  	_ = 	snop;
	(pc) =	sbr.rel @p0 .LBB1_9-.Ltmp2, $1  }
0x1b: {  	_ =	sdelay $0x3  }
0x1c: {  	s13 =	sshll.u32 s9, $0x2  }
0x1d: {  	_ =	swait.ge [sflag:s5], $0x4000;
	s14 =	sshll.u32 s11, $0xE;
	s18 =	simm.s32 $0x0  }
0x1e: {  	p1 =	por $0x1, $0x1;
	s13 =	sand.u32 $0x10000, s13;
	[sflag:s5] =	ssyncset.done $0x0  }
0x1f: {  	s15 =	sand.u32 $0x4000, s14;
	s13 =	sshrl.u32 s13, $0x2;
	[sflag:s5] =	ssyncadd.s32 $0xFFFFC000  }
0x20: {  	s14 =	sor.u32 $0x8000, s15;
	s16 =	sor.u32 $0x8000, s13;
	s17 =	sadd.s32 $0x8400, s13  }
.LBB1_3:
0x21: {  	s19 =	sshll.u32 s18, $0x2  }
0x22: {  	s19 =	sshrl.u32 s19, $0x2  }
0x23: {  	v0 =	vmov s19;
	_ =	sdelay $0x2  }
0x24: {  	p0 =	por p1, p1;
	p1 =	por $0x0, $0x0;
	s20 =	simm.s32 $0x0  }
0x25: {  	s21 =	smov.u32 s13;
	s22 =	simm.s32 $0x0;
	s19 =	smov.u32 s16  }
.LBB1_4:
0x26: {  	_ =	sdelay $0x3  }
0x27: {  	v2 =	vld.idx.msk [tilespmem:v0+s21+$0x10 ss:$0x1], $0xffff  }
0x28: {  	v3 =	vld.idx.msk [tilespmem:v0+s21+$0x270 ss:$0x1], $0xffff  }
0x29: {  	s23 =	sshll.u32 s22, $0xA;
	v5 =	vld.idx.msk [tilespmem:v0+s21+$0x20 ss:$0x1], $0xffff  }
0x2a: {  	v8 =	vld.idx.msk [tilespmem:v0+s21+$0x30 ss:$0x1], $0xffff;
	s23 =	sadd.s32 s18, s23  }
0x2b: {  	v9 =	vld.idx.msk [tilespmem:v0+s21+$0x40 ss:$0x1], $0xffff;
	v1 =	vmov s23  }
0x2c: {  	s30 =	simm.s32 $0x0;
	v10 =	vld.idx.msk [tilespmem:v0+s21+$0x50 ss:$0x1], $0xffff  }
0x2d: {  	v11 =	vld.idx.msk [tilespmem:v0+s21+$0x60 ss:$0x1], $0xffff;
	s24 =	sand.u32 $0x100, s30  }
0x2e: {  	v12 =	vld.idx.msk [tilespmem:v0+s21+$0x70 ss:$0x1], $0xffff;
	s23 =	sand.u32 $0x80, s30;
	s24 =	sadd.s32 s24, s15;
	[tilespmem:v0+s19+$0x470 ss:$0x1] =	vst.idx.msk $0xffff, v3  }
0x2f: {  	v7 =	vld.idx.msk [tilespmem:v0+s21+$0x210 ss:$0x1], $0xffff;
	s23 =	sadd.s32 s23, s24;
	s24 =	simm.s32 $0x1;
	[tilespmem:v0+s19+$0x10 ss:$0x1] =	vst.idx.msk $0xffff, v2  }
0x30: {  	s31 =	sshll.u32 s20, $0x2;
	s24 =	simm.s32 @!p1 $0x0;
	[tilespmem:v0+s19+$0x20 ss:$0x1] =	vst.idx.msk $0xffff, v5;
	v4 =	vld.idx.msk [tilespmem:v1+s23+$0x200 ss:$0x1], $0xffff  }
0x31: {  	v6 =	vld.idx.msk [tilespmem:v0+s21+$0x220 ss:$0x1], $0xffff;
	s24 =	sshll.u32 s24, $0x9;
	[tilespmem:v0+s19+$0x30 ss:$0x1] =	vst.idx.msk $0xffff, v8;
	s23 =	sand.u32 $0xFFFFFC00, s31  }
0x32: {  	v3 =	vld.idx.msk [tilespmem:v0+s21+$0x230 ss:$0x1], $0xffff;
	[tilespmem:v0+s19+$0x40 ss:$0x1] =	vst.idx.msk $0xffff, v9;
	s23 =	sor.u32 s24, s23  }
0x33: {  	[tilespmem:v0+s19+$0x50 ss:$0x1] =	vst.idx.msk $0xffff, v10;
	v5 =	vld.idx.msk [tilespmem:v0+s21+$0x250 ss:$0x1], $0xffff;
	s23 =	sshrl.u32 s23, $0x2  }
0x34: {  	[tilespmem:v0+s19+$0x60 ss:$0x1] =	vst.idx.msk $0xffff, v11;
	v2 =	vld.idx.msk [tilespmem:v0+s21+$0x260 ss:$0x1], $0xffff;
	s23 =	sadd.s32 s23, s17  }
0x35: {  	s27 =	simm.s32 $0x80;
	s26 =	simm.s32 $0x100;
	[tilespmem:v0+s23+$0x0 ss:$0x1] =	vst.idx.msk $0xffff, v4;
	v4 =	vld.idx.msk [tilespmem:v0+s21+$0x240 ss:$0x1], $0xffff  }
0x36: {  	s25 =	smov.u32 s19;
	s28 =	sand.u32 $0x100, s27;
	v8 =	vld.idx.msk [tilespmem:v0+s21+$0x0 ss:$0x1], $0xffff;
	[tilespmem:v0+s19+$0x70 ss:$0x1] =	vst.idx.msk $0xffff, v12;
	s24 =	sadd.s32 $0x80, s21  }
.LBB1_5:
0x37: {  	p2 =	sne.s32 s26, $0x180;
	v9 =	vld.idx.msk [tilespmem:v0+s24+$0x10 ss:$0x1], $0xffff;
	s27 =	sand.u32 $0x80, s27;
	s28 =	sadd.s32 s28, s15;
	[tilespmem:v0+s25+$0x410 ss:$0x1] =	vst.idx.msk $0xffff, v7  }
0x38: {  	s28 =	sadd.s32 s27, s28;
	v7 =	vld.idx.msk [tilespmem:v0+s24+$0x270 ss:$0x1], $0xffff;
	[tilespmem:v0+s25+$0x420 ss:$0x1] =	vst.idx.msk $0xffff, v6;
	s27 =	smov.u32 s26  }
0x39: {  	v6 =	vld.idx.msk [tilespmem:v1+s28+$0x200 ss:$0x1], $0xffff;
	[tilespmem:v0+s25+$0x430 ss:$0x1] =	vst.idx.msk $0xffff, v3  }
0x3a: {  	v3 =	vld.idx.msk [tilespmem:v0+s24+$0x20 ss:$0x1], $0xffff;
	[tilespmem:v0+s25+$0x440 ss:$0x1] =	vst.idx.msk $0xffff, v4  }
0x3b: {  	v4 =	vld.idx.msk [tilespmem:v0+s24+$0x30 ss:$0x1], $0xffff;
	[tilespmem:v0+s25+$0x450 ss:$0x1] =	vst.idx.msk $0xffff, v5  }
0x3c: {  	v5 =	vld.idx.msk [tilespmem:v0+s24+$0x40 ss:$0x1], $0xffff;
	[tilespmem:v0+s25+$0x0 ss:$0x1] =	vst.idx.msk $0xffff, v8  }
0x3d: {  	v8 =	vld.idx.msk [tilespmem:v0+s24+$0x50 ss:$0x1], $0xffff;
	[tilespmem:v0+s25+$0x460 ss:$0x1] =	vst.idx.msk $0xffff, v2;
	s25 =	sadd.s32 $0x800, s25  }
0x3e: {  	s23 =	sadd.s32 $0x800, s23;
	v2 =	vld.idx.msk [tilespmem:v0+s24+$0x60 ss:$0x1], $0xffff;
	[tilespmem:v0+s25+$0x470 ss:$0x1] =	vst.idx.msk $0xffff, v7  }
0x3f: {  	v10 =	vld.idx.msk [tilespmem:v0+s24+$0x70 ss:$0x1], $0xffff;
	[tilespmem:v0+s23+$0x0 ss:$0x1] =	vst.idx.msk $0xffff, v6  }
0x40: {  	[tilespmem:v0+s25+$0x10 ss:$0x1] =	vst.idx.msk $0xffff, v9;
	v7 =	vld.idx.msk [tilespmem:v0+s24+$0x210 ss:$0x1], $0xffff  }
0x41: {  	[tilespmem:v0+s25+$0x20 ss:$0x1] =	vst.idx.msk $0xffff, v3;
	v6 =	vld.idx.msk [tilespmem:v0+s24+$0x220 ss:$0x1], $0xffff  }
.Ltmp3:
0x42: {  	[tilespmem:v0+s25+$0x30 ss:$0x1] =	vst.idx.msk $0xffff, v4;
	v3 =	vld.idx.msk [tilespmem:v0+s24+$0x230 ss:$0x1], $0xffff;
	(pc) =	sbr.rel @p2 .LBB1_5-.Ltmp3, $4  }
0x43: {  	[tilespmem:v0+s25+$0x40 ss:$0x1] =	vst.idx.msk $0xffff, v5;
	v4 =	vld.idx.msk [tilespmem:v0+s24+$0x240 ss:$0x1], $0xffff  }
0x44: {  	[tilespmem:v0+s25+$0x50 ss:$0x1] =	vst.idx.msk $0xffff, v8;
	v5 =	vld.idx.msk [tilespmem:v0+s24+$0x250 ss:$0x1], $0xffff  }
0x45: {  	[tilespmem:v0+s25+$0x60 ss:$0x1] =	vst.idx.msk $0xffff, v2;
	v2 =	vld.idx.msk [tilespmem:v0+s24+$0x260 ss:$0x1], $0xffff  }
0x46: {  	s26 =	sadd.s32 $0x80, s26;
	s28 =	sand.u32 $0x100, s27;
	v8 =	vld.idx.msk [tilespmem:v0+s24+$0x0 ss:$0x1], $0xffff;
	[tilespmem:v0+s25+$0x70 ss:$0x1] =	vst.idx.msk $0xffff, v10;
	s24 =	sadd.s32 $0x80, s24  }
0x47: {  	_ =	sdelay $0x3  }
0x48: {  	[tilespmem:v0+s25+$0x410 ss:$0x1] =	vst.idx.msk $0xffff, v7  }
0x49: {  	[tilespmem:v0+s25+$0x420 ss:$0x1] =	vst.idx.msk $0xffff, v6  }
0x4a: {  	v56 =	vld.idx.msk [tilespmem:v0+s24+$0x270 ss:$0x1], $0xffff;
	[tilespmem:v0+s25+$0x430 ss:$0x1] =	vst.idx.msk $0xffff, v3  }
0x4b: {  	v3 =	vld.idx.msk [tilespmem:v0+s24+$0x10 ss:$0x1], $0xffff;
	[tilespmem:v0+s25+$0x440 ss:$0x1] =	vst.idx.msk $0xffff, v4  }
0x4c: {  	v57 =	vld.idx.msk [tilespmem:v0+s24+$0x20 ss:$0x1], $0xffff;
	[tilespmem:v0+s25+$0x450 ss:$0x1] =	vst.idx.msk $0xffff, v5  }
0x4d: {  	s26 =	sand.u32 $0x80, s27;
	s30 =	sadd.s32 s28, s15;
	v58 =	vld.idx.msk [tilespmem:v0+s24+$0x30 ss:$0x1], $0xffff;
	[tilespmem:v0+s25+$0x460 ss:$0x1] =	vst.idx.msk $0xffff, v2  }
0x4e: {  	s31 =	sadd.s32 $0x800, s25;
	v59 =	vld.idx.msk [tilespmem:v0+s24+$0x50 ss:$0x1], $0xffff;
	s26 =	sadd.s32 s26, s30;
	[tilespmem:v0+s25+$0x0 ss:$0x1] =	vst.idx.msk $0xffff, v8  }
0x4f: {  	v1 =	vld.idx.msk [tilespmem:v1+s26+$0x200 ss:$0x1], $0xffff;
	[tilespmem:v0+s31+$0x470 ss:$0x1] =	vst.idx.msk $0xffff, v56  }
0x50: {  	v60 =	vld.idx.msk [tilespmem:v0+s24+$0x210 ss:$0x1], $0xffff;
	[tilespmem:v0+s31+$0x10 ss:$0x1] =	vst.idx.msk $0xffff, v3  }
0x51: {  	v61 =	vld.idx.msk [tilespmem:v0+s24+$0x220 ss:$0x1], $0xffff;
	[tilespmem:v0+s31+$0x20 ss:$0x1] =	vst.idx.msk $0xffff, v57  }
0x52: {  	v2 =	vld.idx.msk [tilespmem:v0+s24+$0x40 ss:$0x1], $0xffff;
	[tilespmem:v0+s31+$0x30 ss:$0x1] =	vst.idx.msk $0xffff, v58  }
0x53: {  	s23 =	sadd.s32 $0x800, s23;
	v3 =	vld.idx.msk [tilespmem:v0+s24+$0x70 ss:$0x1], $0xffff;
	[tilespmem:v0+s31+$0x50 ss:$0x1] =	vst.idx.msk $0xffff, v59  }
0x54: {  	[tilespmem:v0+s23+$0x0 ss:$0x1] =	vst.idx.msk $0xffff, v1;
	v1 =	vld.idx.msk [tilespmem:v0+s24+$0x60 ss:$0x1], $0xffff  }
0x55: {  	v62 =	vld.idx.msk [tilespmem:v0+s24+$0x240 ss:$0x1], $0xffff;
	[tilespmem:v0+s31+$0x410 ss:$0x1] =	vst.idx.msk $0xffff, v60  }
0x56: {  	v63 =	vld.idx.msk [tilespmem:v0+s24+$0x260 ss:$0x1], $0xffff;
	[tilespmem:v0+s31+$0x420 ss:$0x1] =	vst.idx.msk $0xffff, v61  }
0x57: {  	[tilespmem:v0+s31+$0x40 ss:$0x1] =	vst.idx.msk $0xffff, v2;
	v2 =	vld.idx.msk [tilespmem:v0+s24+$0x230 ss:$0x1], $0xffff  }
0x58: {  	s22 =	sadd.s32 $0x1, s22;
	[tilespmem:v0+s31+$0x70 ss:$0x1] =	vst.idx.msk $0xffff, v3;
	v3 =	vld.idx.msk [tilespmem:v0+s24+$0x0 ss:$0x1], $0xffff  }
0x59: {  	p2 =	sne.s32 s22, $0x8;
	[tilespmem:v0+s31+$0x60 ss:$0x1] =	vst.idx.msk $0xffff, v1;
	v1 =	vld.idx.msk [tilespmem:v0+s24+$0x250 ss:$0x1], $0xffff  }
.Ltmp4:
0x5a: {  	[tilespmem:v0+s31+$0x440 ss:$0x1] =	vst.idx.msk $0xffff, v62;
	(pc) =	sbr.rel @p2 .LBB1_4-.Ltmp4, $4  }
0x5b: {  	[tilespmem:v0+s31+$0x460 ss:$0x1] =	vst.idx.msk $0xffff, v63  }
0x5c: {  	[tilespmem:v0+s31+$0x430 ss:$0x1] =	vst.idx.msk $0xffff, v2  }
0x5d: {  	s21 =	sadd.s32 $0x400, s21;
	[tilespmem:v0+s31+$0x0 ss:$0x1] =	vst.idx.msk $0xffff, v3  }
0x5e: {  	s20 =	sadd.s32 $0x80, s20;
	p1 =	por !p1, !p1;
	s19 =	sadd.s32 $0x80, s19;
	[tilespmem:v0+s31+$0x450 ss:$0x1] =	vst.idx.msk $0xffff, v1  }
.Ltmp5:
0x5f: {  	(pc) =	sbr.rel @p0 .LBB1_3-.Ltmp5, $2  }
0x60: {  	_ =	sdelay $0x2  }
0x61: {  	s18 =	simm.s32 $0x2000;
	p1 =	por $0x0, $0x0  }
.Ltmp6:
0x62: {  	(pc) =	sbr.rel .LBB1_9-.Ltmp6, $4  }
0x63: {  	_ = 	snop  }
0x64: {  	s12 =	sshll.u32 s12, $0xA  }
0x65: {  	s12 =	sadd.s32 s4, s12  }
0x66: {  	[hbm4b:s12+s8] =	stream.linear.scatter [tilespmem:s14], [sflag:$0x2], $0x4000, $0x38;
	[tilespmem:$0x10000] =	vst v63  }
.LBB1_10:
0x67: {  	_ =	sfence.sel $0x180000  }
0x68: {  	s2 =	simm.s32 $0x1;
	[bflag:$0x0] =	sbarrier.arrive $0xFFFF  }
0x69: {  	s31 =	simm.s32 $0x2;
	[sflag:s2] =	ssyncpa.u1 $0x1  }
0x6a: {  	[sflag:s31] =	ssyncpa.u1 $0x1  }
0x6b: {  	p0 =	sne.s32 s0, $0x0;
	_ =	strace $0x90000053  }
0x6c: {  	s0 =	sadd.s32 @!p0 $0x100000, s1;
	[bflag:$0x2] =	sbarrier.arrive $0xFFFF  }
0x6d: {  	[sflag:s0] =	ssyncadd.tile.s32 @!p0 $0x1;
	_ =	shalt  }
.Lfunc_end1:
_tile_overlayer_lowered:
.L_overlay_start_2:
0x6e: {  	(tag) =	ssettag $0x2  }
0x6f: {  	s0 =	rddreg [dreg:$0x0];
	s2 =	stileid.u32  }
0x70: {  	s1 =	rddreg [dreg:$0x1];
	p0 =	sne.s32 s2, $0x0  }
0x71: {  	s3 =	rddreg [dreg:$0x2];
	[bflag:$0x3] =	sbarrier.arrive $0xFFFF;
	s2 =	simm.s32 @!p0 $0x1C01  }
0x72: {  	[timem:s3], [sflag:s2] =	dma.local @!p0 [hbm:s0], s1  }
0x73: {  	s0 =	simm.s32 @!p0 $0x1  }
0x74: {  	_ =	swait.ge @!p0 [sflag:s0], s1  }
0x75: {  	s1 =	ssub.s32 @!p0 $0x0, s1;
	[sflag:s0] =	ssyncset.done @!p0 $0x0  }
0x76: {  	[sflag:s0] =	ssyncadd.s32 @!p0 s1  }
0x77: {  	[bflag:$0x3] =	sbarrier.arrive $0xFFFF  }
0x78: {  	_ =	shalt  }

</sc_bundles>
